<compile_context>
chip_gen: v7x
topology: tpu7x:2x2x1
jax: 0.10.2.dev20260603
libtpu: 0.0.44.dev20260713+nightly
codegen_flags: <defaults>
</compile_context>

<pallas_src>
import jax
import jax.numpy as jnp
from jax import lax
from jax.experimental import pallas as pl
from jax.experimental.pallas import tpu as pltpu
from jax.experimental.pallas import tpu_sc as plsc

B = 4096
L = 200
DIM = 32
LP = 256
NW = 32
RB = B // NW
C0 = 128
C1 = L - C0
SR = B * DIM // 128


NBUF = 2


def _sc_pool_body(ids_hbm, table_hbm, out_hbm, ids_v, *scr):
    bufs = scr[:2 * NBUF]
    sums_v = scr[2 * NBUF]
    sems = scr[2 * NBUF + 1:]
    sets = tuple((bufs[2 * b], bufs[2 * b + 1], sems[2 * b], sems[2 * b + 1])
                 for b in range(NBUF))

    wid = lax.axis_index("s") * 2 + lax.axis_index("c")
    base = wid * RB

    pltpu.sync_copy(ids_hbm.at[pl.ds(base * LP, RB * LP)], ids_v)

    def issue(r, bset):
        b0, b1, s0, s1 = bset
        rb = r // 8
        sl = r - rb * 8
        off0 = rb * 2048 + sl * 128
        pltpu.async_copy(table_hbm.at[ids_v.at[pl.ds(off0, C0)]], b0, s0)
        pltpu.async_copy(table_hbm.at[ids_v.at[pl.ds(off0 + 1024, C1)]],
                         b1, s1)

    def wait(bset):
        b0, b1, s0, s1 = bset
        pltpu.make_async_copy(table_hbm.at[ids_v.at[pl.ds(0, C0)]],
                              b0, s0).wait()
        pltpu.make_async_copy(table_hbm.at[ids_v.at[pl.ds(0, C1)]],
                              b1, s1).wait()

    def consume(lr, bset):
        b0, b1, _, _ = bset
        a0 = jnp.zeros((16,), jnp.float32)
        a1 = jnp.zeros((16,), jnp.float32)
        a2 = jnp.zeros((16,), jnp.float32)
        a3 = jnp.zeros((16,), jnp.float32)
        for r in range(0, C0, 2):
            a0 = a0 + b0[r, pl.ds(0, 16)]
            a1 = a1 + b0[r, pl.ds(16, 16)]
            a2 = a2 + b0[r + 1, pl.ds(0, 16)]
            a3 = a3 + b0[r + 1, pl.ds(16, 16)]
        for r in range(0, C1, 2):
            a0 = a0 + b1[r, pl.ds(0, 16)]
            a1 = a1 + b1[r, pl.ds(16, 16)]
            a2 = a2 + b1[r + 1, pl.ds(0, 16)]
            a3 = a3 + b1[r + 1, pl.ds(16, 16)]
        sums_v[lr, pl.ds(0, 16)] = a0 + a2
        sums_v[lr, pl.ds(16, 16)] = a1 + a3

    for b in range(NBUF):
        issue(b, sets[b])

    def ring_body(i, carry):
        r = i * NBUF
        for b in range(NBUF):
            wait(sets[b])
            consume(r + b, sets[b])
            issue(jnp.minimum(r + b + NBUF, RB - 1), sets[b])
        return carry

    lax.fori_loop(0, RB // NBUF, ring_body, 0)
    for b in range(NBUF):
        wait(sets[b])

    pltpu.sync_copy(sums_v, out_hbm.at[pl.ds(base, RB)])


@jax.jit
def _sc_pool(ids_tiled, table):
    mesh = plsc.VectorSubcoreMesh(core_axis_name="c", subcore_axis_name="s")
    return pl.kernel(
        _sc_pool_body,
        out_type=jax.ShapeDtypeStruct((B, DIM), jnp.float32),
        mesh=mesh,
        compiler_params=pltpu.CompilerParams(use_tc_tiling_on_sc=False),
        scratch_types=(
            [pltpu.VMEM((RB * LP,), jnp.int32)]
            + [pltpu.VMEM((C0, DIM), jnp.float32),
               pltpu.VMEM((C1, DIM), jnp.float32)] * NBUF
            + [pltpu.VMEM((RB, DIM), jnp.float32)]
            + [pltpu.SemaphoreType.DMA] * (2 * NBUF)
        ),
    )(ids_tiled, table)


def _tc_body(ids_ref, s_ref, w_ref, b_ref, o_ref):
    cnt = jnp.sum((ids_ref[...] != 0).astype(jnp.float32), axis=1,
                  keepdims=True)
    pooled = s_ref[...] * (1.0 / jnp.maximum(cnt, 1.0))
    o_ref[...] = (
        jnp.dot(pooled, w_ref[...].T, preferred_element_type=jnp.float32)
        + b_ref[...]
    )


@jax.jit
def _tc_head(ids, sums, W, b):
    return pl.pallas_call(
        _tc_body,
        out_shape=jax.ShapeDtypeStruct((B, W.shape[0]), jnp.float32),
    )(ids, sums, W, b.reshape(1, -1))


def kernel(ids, table, W, b):
    ids32 = ids.astype(jnp.int32)
    ids_tiled = (
        jnp.pad(ids32, ((0, 0), (0, LP - L)))
        .reshape(B // 8, 8, 2, 128)
        .transpose(0, 2, 1, 3)
        .reshape(-1)
    )
    sums = _sc_pool(ids_tiled, table)
    return _tc_head(ids32, sums, W, b)

# --- scband reference (transcript-rebuilt; emitter-appended) ---
"""Pipeline reference for scband-mean-pool-classifier-88648124989998 (READ-ONLY COPY).

The authoritative reference and input builder live on the scoring server;
editing this copy changes nothing except your own understanding.
"""

import jax, jax.numpy as jnp
import numpy as np

PAD_ID = 0
VOCAB = 1000000
DIM = 32
LABELS = 128
B = 4096
L = 200


def setup_inputs(seed: int = 0) -> dict:
    key = jax.random.key(seed)
    k1, k2, k3 = jax.random.split(key, 3)
    ids = jax.random.randint(k1, (B, L), 0, VOCAB, dtype=jnp.int64) if jax.config.jax_enable_x64 else jax.random.randint(k1, (B, L), 0, VOCAB, dtype=jnp.int32)
    table = jax.random.normal(k2, (VOCAB, DIM), dtype=jnp.float32) * 0.02
    # padding_idx row is initialized to zero in nn.Embedding
    table = table.at[PAD_ID].set(0.0)
    # nn.Linear weight: [out_features, in_features]
    W = jax.random.normal(k3, (LABELS, DIM), dtype=jnp.float32) * (1.0 / np.sqrt(DIM))
    b = jnp.zeros((LABELS,), dtype=jnp.float32)
    return {"ids": ids, "table": table, "W": W, "b": b}


def reference(ids, table, W, b):
    # embedding lookup (gather)
    emb = jnp.take(table, ids, axis=0)            # [B, L, DIM]
    mask = (ids != PAD_ID)[..., None].astype(emb.dtype)  # [B, L, 1]
    summed = (emb * mask).sum(axis=1)             # [B, DIM]
    length = jnp.clip(mask.sum(axis=1), 1.0, None)  # [B, 1]
    pooled = summed / length                      # [B, DIM]
    return pooled @ W.T + b                       # [B, LABELS]

if __name__ == "__main__":
    import jax
    _d = setup_inputs()
    print(jax.jit(kernel)(*tuple(_d.values())))

</pallas_src>

<mosaic_0001>
#map = affine_map<(d0, d1) -> (0)>
#map1 = affine_map<(d0, d1) -> (0, 0)>
module attributes {stable_mosaic.version = 14 : i64} {
  func.func @_sc_pool_body(%arg0: i32, %arg1: i32, %arg2: memref<1048576xi32, #tpu.memory_space<hbm>>, %arg3: memref<1000000x32xf32, #tpu.memory_space<hbm>>, %arg4: memref<4096x32xf32, #tpu.memory_space<hbm>>, %arg5: memref<32768xi32, #tpu.memory_space<vmem>>, %arg6: memref<128x32xf32, #tpu.memory_space<vmem>>, %arg7: memref<72x32xf32, #tpu.memory_space<vmem>>, %arg8: memref<128x32xf32, #tpu.memory_space<vmem>>, %arg9: memref<72x32xf32, #tpu.memory_space<vmem>>, %arg10: memref<128x32xf32, #tpu.memory_space<vmem>>, %arg11: memref<!tpu.dma_semaphore, #tpu.memory_space<semaphore_mem>>, %arg12: memref<!tpu.dma_semaphore, #tpu.memory_space<semaphore_mem>>, %arg13: memref<!tpu.dma_semaphore, #tpu.memory_space<semaphore_mem>>, %arg14: memref<!tpu.dma_semaphore, #tpu.memory_space<semaphore_mem>>) attributes {dimension_semantics = [#tpu.dimension_semantics<core_parallel>, #tpu.dimension_semantics<subcore_parallel>], iteration_bounds = array<i64: 2, 16>, scalar_prefetch = 0 : i64, scratch_operands = 10 : i64, tpu.core_type = #tpu.core_type<sc_vector_subcore>, window_params = [{transform_indices = #map}, {transform_indices = #map1}, {transform_indices = #map1}]} {
    %mul3A = arith.constant 2 : i32
    %mul3A_0 = arith.muli %arg1, %mul3A : i32
    %add3A = arith.addi %mul3A_0, %arg0 : i32
    %mul3A_1 = arith.constant 128 : i32
    %mul3A_2 = arith.muli %add3A, %mul3A_1 : i32
    %mul3A_3 = arith.constant 256 : i32
    %mul3A_4 = arith.muli %mul3A_2, %mul3A_3 : i32
    "tpu.region"() ({
      %run_scoped3A = tpu.sem_alloc : memref<!tpu.dma_semaphore, #tpu.memory_space<semaphore_mem>>
      %dma_start3A_48 = tpu.memref_slice %arg2[%mul3A_4] : memref<1048576xi32, #tpu.memory_space<hbm>> -> memref<32768xi32, #tpu.memory_space<hbm>>
      %dma_start3A_49 = tpu.memref_slice %arg2[%mul3A_4] : memref<1048576xi32, #tpu.memory_space<hbm>> -> memref<32768xi32, #tpu.memory_space<hbm>>
      tpu.enqueue_dma source(%dma_start3A_49 : memref<32768xi32, #tpu.memory_space<hbm>>) target(%arg5 : memref<32768xi32, #tpu.memory_space<vmem>>) target_semaphore(%run_scoped3A : memref<!tpu.dma_semaphore, #tpu.memory_space<semaphore_mem>>)
      %dma_wait3A_50 = tpu.memref_slice %arg2[%mul3A_4] : memref<1048576xi32, #tpu.memory_space<hbm>> -> memref<32768xi32, #tpu.memory_space<hbm>>
      %dma_wait3A_51 = tpu.memref_slice %arg2[%mul3A_4] : memref<1048576xi32, #tpu.memory_space<hbm>> -> memref<32768xi32, #tpu.memory_space<hbm>>
      tpu.wait_dma2 semaphore(%run_scoped3A : memref<!tpu.dma_semaphore, #tpu.memory_space<semaphore_mem>>) src(%dma_wait3A_51 : memref<32768xi32, #tpu.memory_space<hbm>>) dst(%arg5 : memref<32768xi32, #tpu.memory_space<vmem>>)
      tpu.yield
    }) : () -> ()
    %dma_start3A = arith.constant 0 : i32
    %dma_start3A_5 = tpu.memref_slice %arg5[%dma_start3A] : memref<32768xi32, #tpu.memory_space<vmem>> -> memref<128xi32, #tpu.memory_space<vmem>>
    %dma_start3A_6 = arith.constant 0 : i32
    %dma_start3A_7 = arith.constant 0 : i32
    %dma_start3A_8 = tpu.memref_slice %arg3[%dma_start3A_6, %dma_start3A_7] : memref<1000000x32xf32, #tpu.memory_space<hbm>> -> memref<1000000x32xf32, #tpu.memory_space<hbm>>
    tpu.enqueue_indirect_dma source(%dma_start3A_8 : memref<1000000x32xf32, #tpu.memory_space<hbm>>) target(%arg6 : memref<128x32xf32, #tpu.memory_space<vmem>>) offsets(%dma_start3A_5 : memref<128xi32, #tpu.memory_space<vmem>>) semaphore(%arg11 : memref<!tpu.dma_semaphore, #tpu.memory_space<semaphore_mem>>)
    %dma_start3A_9 = arith.constant 1024 : i32
    %dma_start3A_10 = tpu.memref_slice %arg5[%dma_start3A_9] : memref<32768xi32, #tpu.memory_space<vmem>> -> memref<72xi32, #tpu.memory_space<vmem>>
    %dma_start3A_11 = arith.constant 0 : i32
    %dma_start3A_12 = arith.constant 0 : i32
    %dma_start3A_13 = tpu.memref_slice %arg3[%dma_start3A_11, %dma_start3A_12] : memref<1000000x32xf32, #tpu.memory_space<hbm>> -> memref<1000000x32xf32, #tpu.memory_space<hbm>>
    tpu.enqueue_indirect_dma source(%dma_start3A_13 : memref<1000000x32xf32, #tpu.memory_space<hbm>>) target(%arg7 : memref<72x32xf32, #tpu.memory_space<vmem>>) offsets(%dma_start3A_10 : memref<72xi32, #tpu.memory_space<vmem>>) semaphore(%arg12 : memref<!tpu.dma_semaphore, #tpu.memory_space<semaphore_mem>>)
    %dma_start3A_14 = arith.constant 128 : i32
    %dma_start3A_15 = tpu.memref_slice %arg5[%dma_start3A_14] : memref<32768xi32, #tpu.memory_space<vmem>> -> memref<128xi32, #tpu.memory_space<vmem>>
    %dma_start3A_16 = arith.constant 0 : i32
    %dma_start3A_17 = arith.constant 0 : i32
    %dma_start3A_18 = tpu.memref_slice %arg3[%dma_start3A_16, %dma_start3A_17] : memref<1000000x32xf32, #tpu.memory_space<hbm>> -> memref<1000000x32xf32, #tpu.memory_space<hbm>>
    tpu.enqueue_indirect_dma source(%dma_start3A_18 : memref<1000000x32xf32, #tpu.memory_space<hbm>>) target(%arg8 : memref<128x32xf32, #tpu.memory_space<vmem>>) offsets(%dma_start3A_15 : memref<128xi32, #tpu.memory_space<vmem>>) semaphore(%arg13 : memref<!tpu.dma_semaphore, #tpu.memory_space<semaphore_mem>>)
    %dma_start3A_19 = arith.constant 1152 : i32
    %dma_start3A_20 = tpu.memref_slice %arg5[%dma_start3A_19] : memref<32768xi32, #tpu.memory_space<vmem>> -> memref<72xi32, #tpu.memory_space<vmem>>
    %dma_start3A_21 = arith.constant 0 : i32
    %dma_start3A_22 = arith.constant 0 : i32
    %dma_start3A_23 = tpu.memref_slice %arg3[%dma_start3A_21, %dma_start3A_22] : memref<1000000x32xf32, #tpu.memory_space<hbm>> -> memref<1000000x32xf32, #tpu.memory_space<hbm>>
    tpu.enqueue_indirect_dma source(%dma_start3A_23 : memref<1000000x32xf32, #tpu.memory_space<hbm>>) target(%arg9 : memref<72x32xf32, #tpu.memory_space<vmem>>) offsets(%dma_start3A_20 : memref<72xi32, #tpu.memory_space<vmem>>) semaphore(%arg14 : memref<!tpu.dma_semaphore, #tpu.memory_space<semaphore_mem>>)
    %scan3A = arith.constant 0 : i32
    %scan3A_24 = arith.constant 0 : i32
    %scan3A_25 = arith.constant 64 : i32
    %scan3A_26 = arith.addi %scan3A_24, %scan3A_25 : i32
    %scan3A_27 = arith.constant 1 : i32
    scf.for %scan3A_48 = %scan3A_24 to %scan3A_26 step %scan3A_27  : i32 {
      %mul3A_49 = arith.constant 2 : i32
      %mul3A_50 = arith.muli %scan3A_48, %mul3A_49 : i32
      %dma_wait3A_51 = arith.constant 0 : i32
      %dma_wait3A_52 = tpu.memref_slice %arg5[%dma_wait3A_51] : memref<32768xi32, #tpu.memory_space<vmem>> -> memref<128xi32, #tpu.memory_space<vmem>>
      %dma_wait3A_53 = arith.constant 0 : i32
      %dma_wait3A_54 = arith.constant 0 : i32
      %dma_wait3A_55 = tpu.memref_slice %arg3[%dma_wait3A_53, %dma_wait3A_54] : memref<1000000x32xf32, #tpu.memory_space<hbm>> -> memref<1000000x32xf32, #tpu.memory_space<hbm>>
      tpu.wait_indirect_dma semaphore(%arg11 : memref<!tpu.dma_semaphore, #tpu.memory_space<semaphore_mem>>) src(%dma_wait3A_55 : memref<1000000x32xf32, #tpu.memory_space<hbm>>) dst(%arg6 : memref<128x32xf32, #tpu.memory_space<vmem>>)
      %dma_wait3A_56 = arith.constant 0 : i32
      %dma_wait3A_57 = tpu.memref_slice %arg5[%dma_wait3A_56] : memref<32768xi32, #tpu.memory_space<vmem>> -> memref<72xi32, #tpu.memory_space<vmem>>
      %dma_wait3A_58 = arith.constant 0 : i32
      %dma_wait3A_59 = arith.constant 0 : i32
      %dma_wait3A_60 = tpu.memref_slice %arg3[%dma_wait3A_58, %dma_wait3A_59] : memref<1000000x32xf32, #tpu.memory_space<hbm>> -> memref<1000000x32xf32, #tpu.memory_space<hbm>>
      tpu.wait_indirect_dma semaphore(%arg12 : memref<!tpu.dma_semaphore, #tpu.memory_space<semaphore_mem>>) src(%dma_wait3A_60 : memref<1000000x32xf32, #tpu.memory_space<hbm>>) dst(%arg7 : memref<72x32xf32, #tpu.memory_space<vmem>>)
      %add3A_61 = arith.constant 0 : i32
      %add3A_62 = arith.addi %mul3A_50, %add3A_61 : i32
      %broadcast_in_dim3A = arith.constant 0.000000e+00 : f32
      %broadcast_in_dim3A_63 = vector.broadcast %broadcast_in_dim3A : f32 to vector<16xf32>
      %broadcast_in_dim3A_64 = arith.constant 0.000000e+00 : f32
      %broadcast_in_dim3A_65 = vector.broadcast %broadcast_in_dim3A_64 : f32 to vector<16xf32>
      %broadcast_in_dim3A_66 = arith.constant 0.000000e+00 : f32
      %broadcast_in_dim3A_67 = vector.broadcast %broadcast_in_dim3A_66 : f32 to vector<16xf32>
      %broadcast_in_dim3A_68 = arith.constant 0.000000e+00 : f32
      %broadcast_in_dim3A_69 = vector.broadcast %broadcast_in_dim3A_68 : f32 to vector<16xf32>
      %get3A = arith.constant 0 : i32
      %get3A_70 = arith.index_cast %get3A : i32 to index
      %get3A_71 = arith.constant 0 : index
      %get3A_72 = tpu.vector_load %arg6[%get3A_70, %get3A_71] {strides = array<i32>} : memref<128x32xf32, #tpu.memory_space<vmem>>, vector<1x16xf32>,
      %get3A_73 = vector.shape_cast %get3A_72 : vector<1x16xf32> to vector<16xf32>
      %add3A_74 = arith.addf %broadcast_in_dim3A_63, %get3A_73 : vector<16xf32>
      %get3A_75 = arith.constant 0 : i32
      %get3A_76 = arith.index_cast %get3A_75 : i32 to index
      %get3A_77 = arith.constant 16 : index
      %get3A_78 = tpu.vector_load %arg6[%get3A_76, %get3A_77] {strides = array<i32>} : memref<128x32xf32, #tpu.memory_space<vmem>>, vector<1x16xf32>,
      %get3A_79 = vector.shape_cast %get3A_78 : vector<1x16xf32> to vector<16xf32>
      %add3A_80 = arith.addf %broadcast_in_dim3A_65, %get3A_79 : vector<16xf32>
      %get3A_81 = arith.constant 1 : i32
      %get3A_82 = arith.index_cast %get3A_81 : i32 to index
      %get3A_83 = arith.constant 0 : index
      %get3A_84 = tpu.vector_load %arg6[%get3A_82, %get3A_83] {strides = array<i32>} : memref<128x32xf32, #tpu.memory_space<vmem>>, vector<1x16xf32>,
      %get3A_85 = vector.shape_cast %get3A_84 : vector<1x16xf32> to vector<16xf32>
      %add3A_86 = arith.addf %broadcast_in_dim3A_67, %get3A_85 : vector<16xf32>
      %get3A_87 = arith.constant 1 : i32
      %get3A_88 = arith.index_cast %get3A_87 : i32 to index
      %get3A_89 = arith.constant 16 : index
      %get3A_90 = tpu.vector_load %arg6[%get3A_88, %get3A_89] {strides = array<i32>} : memref<128x32xf32, #tpu.memory_space<vmem>>, vector<1x16xf32>,
      %get3A_91 = vector.shape_cast %get3A_90 : vector<1x16xf32> to vector<16xf32>
      %add3A_92 = arith.addf %broadcast_in_dim3A_69, %get3A_91 : vector<16xf32>
      %get3A_93 = arith.constant 2 : i32
      %get3A_94 = arith.index_cast %get3A_93 : i32 to index
      %get3A_95 = arith.constant 0 : index
      %get3A_96 = tpu.vector_load %arg6[%get3A_94, %get3A_95] {strides = array<i32>} : memref<128x32xf32, #tpu.memory_space<vmem>>, vector<1x16xf32>,
      %get3A_97 = vector.shape_cast %get3A_96 : vector<1x16xf32> to vector<16xf32>
      %add3A_98 = arith.addf %add3A_74, %get3A_97 : vector<16xf32>
      %get3A_99 = arith.constant 2 : i32
      %get3A_100 = arith.index_cast %get3A_99 : i32 to index
      %get3A_101 = arith.constant 16 : index
      %get3A_102 = tpu.vector_load %arg6[%get3A_100, %get3A_101] {strides = array<i32>} : memref<128x32xf32, #tpu.memory_space<vmem>>, vector<1x16xf32>,
      %get3A_103 = vector.shape_cast %get3A_102 : vector<1x16xf32> to vector<16xf32>
      %add3A_104 = arith.addf %add3A_80, %get3A_103 : vector<16xf32>
      %get3A_105 = arith.constant 3 : i32
      %get3A_106 = arith.index_cast %get3A_105 : i32 to index
      %get3A_107 = arith.constant 0 : index
      %get3A_108 = tpu.vector_load %arg6[%get3A_106, %get3A_107] {strides = array<i32>} : memref<128x32xf32, #tpu.memory_space<vmem>>, vector<1x16xf32>,
      %get3A_109 = vector.shape_cast %get3A_108 : vector<1x16xf32> to vector<16xf32>
      %add3A_110 = arith.addf %add3A_86, %get3A_109 : vector<16xf32>
      %get3A_111 = arith.constant 3 : i32
      %get3A_112 = arith.index_cast %get3A_111 : i32 to index
      %get3A_113 = arith.constant 16 : index
      %get3A_114 = tpu.vector_load %arg6[%get3A_112, %get3A_113] {strides = array<i32>} : memref<128x32xf32, #tpu.memory_space<vmem>>, vector<1x16xf32>,
      %get3A_115 = vector.shape_cast %get3A_114 : vector<1x16xf32> to vector<16xf32>
      %add3A_116 = arith.addf %add3A_92, %get3A_115 : vector<16xf32>
      %get3A_117 = arith.constant 4 : i32
      %get3A_118 = arith.index_cast %get3A_117 : i32 to index
      %get3A_119 = arith.constant 0 : index
      %get3A_120 = tpu.vector_load %arg6[%get3A_118, %get3A_119] {strides = array<i32>} : memref<128x32xf32, #tpu.memory_space<vmem>>, vector<1x16xf32>,
      %get3A_121 = vector.shape_cast %get3A_120 : vector<1x16xf32> to vector<16xf32>
      %add3A_122 = arith.addf %add3A_98, %get3A_121 : vector<16xf32>
      %get3A_123 = arith.constant 4 : i32
      %get3A_124 = arith.index_cast %get3A_123 : i32 to index
      %get3A_125 = arith.constant 16 : index
      %get3A_126 = tpu.vector_load %arg6[%get3A_124, %get3A_125] {strides = array<i32>} : memref<128x32xf32, #tpu.memory_space<vmem>>, vector<1x16xf32>,
      %get3A_127 = vector.shape_cast %get3A_126 : vector<1x16xf32> to vector<16xf32>
      %add3A_128 = arith.addf %add3A_104, %get3A_127 : vector<16xf32>
      %get3A_129 = arith.constant 5 : i32
      %get3A_130 = arith.index_cast %get3A_129 : i32 to index
      %get3A_131 = arith.constant 0 : index
      %get3A_132 = tpu.vector_load %arg6[%get3A_130, %get3A_131] {strides = array<i32>} : memref<128x32xf32, #tpu.memory_space<vmem>>, vector<1x16xf32>,
      %get3A_133 = vector.shape_cast %get3A_132 : vector<1x16xf32> to vector<16xf32>
      %add3A_134 = arith.addf %add3A_110, %get3A_133 : vector<16xf32>
      %get3A_135 = arith.constant 5 : i32
      %get3A_136 = arith.index_cast %get3A_135 : i32 to index
      %get3A_137 = arith.constant 16 : index
      %get3A_138 = tpu.vector_load %arg6[%get3A_136, %get3A_137] {strides = array<i32>} : memref<128x32xf32, #tpu.memory_space<vmem>>, vector<1x16xf32>,
      %get3A_139 = vector.shape_cast %get3A_138 : vector<1x16xf32> to vector<16xf32>
      %add3A_140 = arith.addf %add3A_116, %get3A_139 : vector<16xf32>
      %get3A_141 = arith.constant 6 : i32
      %get3A_142 = arith.index_cast %get3A_141 : i32 to index
      %get3A_143 = arith.constant 0 : index
      %get3A_144 = tpu.vector_load %arg6[%get3A_142, %get3A_143] {strides = array<i32>} : memref<128x32xf32, #tpu.memory_space<vmem>>, vector<1x16xf32>,
      %get3A_145 = vector.shape_cast %get3A_144 : vector<1x16xf32> to vector<16xf32>
      %add3A_146 = arith.addf %add3A_122, %get3A_145 : vector<16xf32>
      %get3A_147 = arith.constant 6 : i32
      %get3A_148 = arith.index_cast %get3A_147 : i32 to index
      %get3A_149 = arith.constant 16 : index
      %get3A_150 = tpu.vector_load %arg6[%get3A_148, %get3A_149] {strides = array<i32>} : memref<128x32xf32, #tpu.memory_space<vmem>>, vector<1x16xf32>,
      %get3A_151 = vector.shape_cast %get3A_150 : vector<1x16xf32> to vector<16xf32>
      %add3A_152 = arith.addf %add3A_128, %get3A_151 : vector<16xf32>
      %get3A_153 = arith.constant 7 : i32
      %get3A_154 = arith.index_cast %get3A_153 : i32 to index
      %get3A_155 = arith.constant 0 : index
      %get3A_156 = tpu.vector_load %arg6[%get3A_154, %get3A_155] {strides = array<i32>} : memref<128x32xf32, #tpu.memory_space<vmem>>, vector<1x16xf32>,
      %get3A_157 = vector.shape_cast %get3A_156 : vector<1x16xf32> to vector<16xf32>
      %add3A_158 = arith.addf %add3A_134, %get3A_157 : vector<16xf32>
      %get3A_159 = arith.constant 7 : i32
      %get3A_160 = arith.index_cast %get3A_159 : i32 to index
      %get3A_161 = arith.constant 16 : index
      %get3A_162 = tpu.vector_load %arg6[%get3A_160, %get3A_161] {strides = array<i32>} : memref<128x32xf32, #tpu.memory_space<vmem>>, vector<1x16xf32>,
      %get3A_163 = vector.shape_cast %get3A_162 : vector<1x16xf32> to vector<16xf32>
      %add3A_164 = arith.addf %add3A_140, %get3A_163 : vector<16xf32>
      %get3A_165 = arith.constant 8 : i32
      %get3A_166 = arith.index_cast %get3A_165 : i32 to index
      %get3A_167 = arith.constant 0 : index
      %get3A_168 = tpu.vector_load %arg6[%get3A_166, %get3A_167] {strides = array<i32>} : memref<128x32xf32, #tpu.memory_space<vmem>>, vector<1x16xf32>,
      %get3A_169 = vector.shape_cast %get3A_168 : vector<1x16xf32> to vector<16xf32>
      %add3A_170 = arith.addf %add3A_146, %get3A_169 : vector<16xf32>
      %get3A_171 = arith.constant 8 : i32
      %get3A_172 = arith.index_cast %get3A_171 : i32 to index
      %get3A_173 = arith.constant 16 : index
      %get3A_174 = tpu.vector_load %arg6[%get3A_172, %get3A_173] {strides = array<i32>} : memref<128x32xf32, #tpu.memory_space<vmem>>, vector<1x16xf32>,
      %get3A_175 = vector.shape_cast %get3A_174 : vector<1x16xf32> to vector<16xf32>
      %add3A_176 = arith.addf %add3A_152, %get3A_175 : vector<16xf32>
      %get3A_177 = arith.constant 9 : i32
      %get3A_178 = arith.index_cast %get3A_177 : i32 to index
      %get3A_179 = arith.constant 0 : index
      %get3A_180 = tpu.vector_load %arg6[%get3A_178, %get3A_179] {strides = array<i32>} : memref<128x32xf32, #tpu.memory_space<vmem>>, vector<1x16xf32>,
      %get3A_181 = vector.shape_cast %get3A_180 : vector<1x16xf32> to vector<16xf32>
      %add3A_182 = arith.addf %add3A_158, %get3A_181 : vector<16xf32>
      %get3A_183 = arith.constant 9 : i32
      %get3A_184 = arith.index_cast %get3A_183 : i32 to index
      %get3A_185 = arith.constant 16 : index
      %get3A_186 = tpu.vector_load %arg6[%get3A_184, %get3A_185] {strides = array<i32>} : memref<128x32xf32, #tpu.memory_space<vmem>>, vector<1x16xf32>,
      %get3A_187 = vector.shape_cast %get3A_186 : vector<1x16xf32> to vector<16xf32>
      %add3A_188 = arith.addf %add3A_164, %get3A_187 : vector<16xf32>
      %get3A_189 = arith.constant 10 : i32
      %get3A_190 = arith.index_cast %get3A_189 : i32 to index
      %get3A_191 = arith.constant 0 : index
      %get3A_192 = tpu.vector_load %arg6[%get3A_190, %get3A_191] {strides = array<i32>} : memref<128x32xf32, #tpu.memory_space<vmem>>, vector<1x16xf32>,
      %get3A_193 = vector.shape_cast %get3A_192 : vector<1x16xf32> to vector<16xf32>
      %add3A_194 = arith.addf %add3A_170, %get3A_193 : vector<16xf32>
      %get3A_195 = arith.constant 10 : i32
      %get3A_196 = arith.index_cast %get3A_195 : i32 to index
      %get3A_197 = arith.constant 16 : index
      %get3A_198 = tpu.vector_load %arg6[%get3A_196, %get3A_197] {strides = array<i32>} : memref<128x32xf32, #tpu.memory_space<vmem>>, vector<1x16xf32>,
      %get3A_199 = vector.shape_cast %get3A_198 : vector<1x16xf32> to vector<16xf32>
      %add3A_200 = arith.addf %add3A_176, %get3A_199 : vector<16xf32>
      %get3A_201 = arith.constant 11 : i32
      %get3A_202 = arith.index_cast %get3A_201 : i32 to index
      %get3A_203 = arith.constant 0 : index
      %get3A_204 = tpu.vector_load %arg6[%get3A_202, %get3A_203] {strides = array<i32>} : memref<128x32xf32, #tpu.memory_space<vmem>>, vector<1x16xf32>,
      %get3A_205 = vector.shape_cast %get3A_204 : vector<1x16xf32> to vector<16xf32>
      %add3A_206 = arith.addf %add3A_182, %get3A_205 : vector<16xf32>
      %get3A_207 = arith.constant 11 : i32
      %get3A_208 = arith.index_cast %get3A_207 : i32 to index
      %get3A_209 = arith.constant 16 : index
      %get3A_210 = tpu.vector_load %arg6[%get3A_208, %get3A_209] {strides = array<i32>} : memref<128x32xf32, #tpu.memory_space<vmem>>, vector<1x16xf32>,
      %get3A_211 = vector.shape_cast %get3A_210 : vector<1x16xf32> to vector<16xf32>
      %add3A_212 = arith.addf %add3A_188, %get3A_211 : vector<16xf32>
      %get3A_213 = arith.constant 12 : i32
      %get3A_214 = arith.index_cast %get3A_213 : i32 to index
      %get3A_215 = arith.constant 0 : index
      %get3A_216 = tpu.vector_load %arg6[%get3A_214, %get3A_215] {strides = array<i32>} : memref<128x32xf32, #tpu.memory_space<vmem>>, vector<1x16xf32>,
      %get3A_217 = vector.shape_cast %get3A_216 : vector<1x16xf32> to vector<16xf32>
      %add3A_218 = arith.addf %add3A_194, %get3A_217 : vector<16xf32>
      %get3A_219 = arith.constant 12 : i32
      %get3A_220 = arith.index_cast %get3A_219 : i32 to index
      %get3A_221 = arith.constant 16 : index
      %get3A_222 = tpu.vector_load %arg6[%get3A_220, %get3A_221] {strides = array<i32>} : memref<128x32xf32, #tpu.memory_space<vmem>>, vector<1x16xf32>,
      %get3A_223 = vector.shape_cast %get3A_222 : vector<1x16xf32> to vector<16xf32>
      %add3A_224 = arith.addf %add3A_200, %get3A_223 : vector<16xf32>
      %get3A_225 = arith.constant 13 : i32
      %get3A_226 = arith.index_cast %get3A_225 : i32 to index
      %get3A_227 = arith.constant 0 : index
      %get3A_228 = tpu.vector_load %arg6[%get3A_226, %get3A_227] {strides = array<i32>} : memref<128x32xf32, #tpu.memory_space<vmem>>, vector<1x16xf32>,
      %get3A_229 = vector.shape_cast %get3A_228 : vector<1x16xf32> to vector<16xf32>
      %add3A_230 = arith.addf %add3A_206, %get3A_229 : vector<16xf32>
      %get3A_231 = arith.constant 13 : i32
      %get3A_232 = arith.index_cast %get3A_231 : i32 to index
      %get3A_233 = arith.constant 16 : index
      %get3A_234 = tpu.vector_load %arg6[%get3A_232, %get3A_233] {strides = array<i32>} : memref<128x32xf32, #tpu.memory_space<vmem>>, vector<1x16xf32>,
      %get3A_235 = vector.shape_cast %get3A_234 : vector<1x16xf32> to vector<16xf32>
      %add3A_236 = arith.addf %add3A_212, %get3A_235 : vector<16xf32>
      %get3A_237 = arith.constant 14 : i32
      %get3A_238 = arith.index_cast %get3A_237 : i32 to index
      %get3A_239 = arith.constant 0 : index
      %get3A_240 = tpu.vector_load %arg6[%get3A_238, %get3A_239] {strides = array<i32>} : memref<128x32xf32, #tpu.memory_space<vmem>>, vector<1x16xf32>,
      %get3A_241 = vector.shape_cast %get3A_240 : vector<1x16xf32> to vector<16xf32>
      %add3A_242 = arith.addf %add3A_218, %get3A_241 : vector<16xf32>
      %get3A_243 = arith.constant 14 : i32
      %get3A_244 = arith.index_cast %get3A_243 : i32 to index
      %get3A_245 = arith.constant 16 : index
      %get3A_246 = tpu.vector_load %arg6[%get3A_244, %get3A_245] {strides = array<i32>} : memref<128x32xf32, #tpu.memory_space<vmem>>, vector<1x16xf32>,
      %get3A_247 = vector.shape_cast %get3A_246 : vector<1x16xf32> to vector<16xf32>
      %add3A_248 = arith.addf %add3A_224, %get3A_247 : vector<16xf32>
      %get3A_249 = arith.constant 15 : i32
      %get3A_250 = arith.index_cast %get3A_249 : i32 to index
      %get3A_251 = arith.constant 0 : index
      %get3A_252 = tpu.vector_load %arg6[%get3A_250, %get3A_251] {strides = array<i32>} : memref<128x32xf32, #tpu.memory_space<vmem>>, vector<1x16xf32>,
      %get3A_253 = vector.shape_cast %get3A_252 : vector<1x16xf32> to vector<16xf32>
      %add3A_254 = arith.addf %add3A_230, %get3A_253 : vector<16xf32>
      %get3A_255 = arith.constant 15 : i32
      %get3A_256 = arith.index_cast %get3A_255 : i32 to index
      %get3A_257 = arith.constant 16 : index
      %get3A_258 = tpu.vector_load %arg6[%get3A_256, %get3A_257] {strides = array<i32>} : memref<128x32xf32, #tpu.memory_space<vmem>>, vector<1x16xf32>,
      %get3A_259 = vector.shape_cast %get3A_258 : vector<1x16xf32> to vector<16xf32>
      %add3A_260 = arith.addf %add3A_236, %get3A_259 : vector<16xf32>
      %get3A_261 = arith.constant 16 : i32
      %get3A_262 = arith.index_cast %get3A_261 : i32 to index
      %get3A_263 = arith.constant 0 : index
      %get3A_264 = tpu.vector_load %arg6[%get3A_262, %get3A_263] {strides = array<i32>} : memref<128x32xf32, #tpu.memory_space<vmem>>, vector<1x16xf32>,
      %get3A_265 = vector.shape_cast %get3A_264 : vector<1x16xf32> to vector<16xf32>
      %add3A_266 = arith.addf %add3A_242, %get3A_265 : vector<16xf32>
      %get3A_267 = arith.constant 16 : i32
      %get3A_268 = arith.index_cast %get3A_267 : i32 to index
      %get3A_269 = arith.constant 16 : index
      %get3A_270 = tpu.vector_load %arg6[%get3A_268, %get3A_269] {strides = array<i32>} : memref<128x32xf32, #tpu.memory_space<vmem>>, vector<1x16xf32>,
      %get3A_271 = vector.shape_cast %get3A_270 : vector<1x16xf32> to vector<16xf32>
      %add3A_272 = arith.addf %add3A_248, %get3A_271 : vector<16xf32>
      %get3A_273 = arith.constant 17 : i32
      %get3A_274 = arith.index_cast %get3A_273 : i32 to index
      %get3A_275 = arith.constant 0 : index
      %get3A_276 = tpu.vector_load %arg6[%get3A_274, %get3A_275] {strides = array<i32>} : memref<128x32xf32, #tpu.memory_space<vmem>>, vector<1x16xf32>,
      %get3A_277 = vector.shape_cast %get3A_276 : vector<1x16xf32> to vector<16xf32>
      %add3A_278 = arith.addf %add3A_254, %get3A_277 : vector<16xf32>
      %get3A_279 = arith.constant 17 : i32
      %get3A_280 = arith.index_cast %get3A_279 : i32 to index
      %get3A_281 = arith.constant 16 : index
      %get3A_282 = tpu.vector_load %arg6[%get3A_280, %get3A_281] {strides = array<i32>} : memref<128x32xf32, #tpu.memory_space<vmem>>, vector<1x16xf32>,
      %get3A_283 = vector.shape_cast %get3A_282 : vector<1x16xf32> to vector<16xf32>
      %add3A_284 = arith.addf %add3A_260, %get3A_283 : vector<16xf32>
      %get3A_285 = arith.constant 18 : i32
      %get3A_286 = arith.index_cast %get3A_285 : i32 to index
      %get3A_287 = arith.constant 0 : index
      %get3A_288 = tpu.vector_load %arg6[%get3A_286, %get3A_287] {strides = array<i32>} : memref<128x32xf32, #tpu.memory_space<vmem>>, vector<1x16xf32>,
      %get3A_289 = vector.shape_cast %get3A_288 : vector<1x16xf32> to vector<16xf32>
      %add3A_290 = arith.addf %add3A_266, %get3A_289 : vector<16xf32>
      %get3A_291 = arith.constant 18 : i32
      %get3A_292 = arith.index_cast %get3A_291 : i32 to index
      %get3A_293 = arith.constant 16 : index
      %get3A_294 = tpu.vector_load %arg6[%get3A_292, %get3A_293] {strides = array<i32>} : memref<128x32xf32, #tpu.memory_space<vmem>>, vector<1x16xf32>,
      %get3A_295 = vector.shape_cast %get3A_294 : vector<1x16xf32> to vector<16xf32>
      %add3A_296 = arith.addf %add3A_272, %get3A_295 : vector<16xf32>
      %get3A_297 = arith.constant 19 : i32
      %get3A_298 = arith.index_cast %get3A_297 : i32 to index
      %get3A_299 = arith.constant 0 : index
      %get3A_300 = tpu.vector_load %arg6[%get3A_298, %get3A_299] {strides = array<i32>} : memref<128x32xf32, #tpu.memory_space<vmem>>, vector<1x16xf32>,
      %get3A_301 = vector.shape_cast %get3A_300 : vector<1x16xf32> to vector<16xf32>
      %add3A_302 = arith.addf %add3A_278, %get3A_301 : vector<16xf32>
      %get3A_303 = arith.constant 19 : i32
      %get3A_304 = arith.index_cast %get3A_303 : i32 to index
      %get3A_305 = arith.constant 16 : index
      %get3A_306 = tpu.vector_load %arg6[%get3A_304, %get3A_305] {strides = array<i32>} : memref<128x32xf32, #tpu.memory_space<vmem>>, vector<1x16xf32>,
      %get3A_307 = vector.shape_cast %get3A_306 : vector<1x16xf32> to vector<16xf32>
      %add3A_308 = arith.addf %add3A_284, %get3A_307 : vector<16xf32>
      %get3A_309 = arith.constant 20 : i32
      %get3A_310 = arith.index_cast %get3A_309 : i32 to index
      %get3A_311 = arith.constant 0 : index
      %get3A_312 = tpu.vector_load %arg6[%get3A_310, %get3A_311] {strides = array<i32>} : memref<128x32xf32, #tpu.memory_space<vmem>>, vector<1x16xf32>,
      %get3A_313 = vector.shape_cast %get3A_312 : vector<1x16xf32> to vector<16xf32>
      %add3A_314 = arith.addf %add3A_290, %get3A_313 : vector<16xf32>
      %get3A_315 = arith.constant 20 : i32
      %get3A_316 = arith.index_cast %get3A_315 : i32 to index
      %get3A_317 = arith.constant 16 : index
      %get3A_318 = tpu.vector_load %arg6[%get3A_316, %get3A_317] {strides = array<i32>} : memref<128x32xf32, #tpu.memory_space<vmem>>, vector<1x16xf32>,
      %get3A_319 = vector.shape_cast %get3A_318 : vector<1x16xf32> to vector<16xf32>
      %add3A_320 = arith.addf %add3A_296, %get3A_319 : vector<16xf32>
      %get3A_321 = arith.constant 21 : i32
      %get3A_322 = arith.index_cast %get3A_321 : i32 to index
      %get3A_323 = arith.constant 0 : index
      %get3A_324 = tpu.vector_load %arg6[%get3A_322, %get3A_323] {strides = array<i32>} : memref<128x32xf32, #tpu.memory_space<vmem>>, vector<1x16xf32>,
      %get3A_325 = vector.shape_cast %get3A_324 : vector<1x16xf32> to vector<16xf32>
      %add3A_326 = arith.addf %add3A_302, %get3A_325 : vector<16xf32>
      %get3A_327 = arith.constant 21 : i32
      %get3A_328 = arith.index_cast %get3A_327 : i32 to index
      %get3A_329 = arith.constant 16 : index
      %get3A_330 = tpu.vector_load %arg6[%get3A_328, %get3A_329] {strides = array<i32>} : memref<128x32xf32, #tpu.memory_space<vmem>>, vector<1x16xf32>,
      %get3A_331 = vector.shape_cast %get3A_330 : vector<1x16xf32> to vector<16xf32>
      %add3A_332 = arith.addf %add3A_308, %get3A_331 : vector<16xf32>
      %get3A_333 = arith.constant 22 : i32
      %get3A_334 = arith.index_cast %get3A_333 : i32 to index
      %get3A_335 = arith.constant 0 : index
      %get3A_336 = tpu.vector_load %arg6[%get3A_334, %get3A_335] {strides = array<i32>} : memref<128x32xf32, #tpu.memory_space<vmem>>, vector<1x16xf32>,
      %get3A_337 = vector.shape_cast %get3A_336 : vector<1x16xf32> to vector<16xf32>
      %add3A_338 = arith.addf %add3A_314, %get3A_337 : vector<16xf32>
      %get3A_339 = arith.constant 22 : i32
      %get3A_340 = arith.index_cast %get3A_339 : i32 to index
      %get3A_341 = arith.constant 16 : index
      %get3A_342 = tpu.vector_load %arg6[%get3A_340, %get3A_341] {strides = array<i32>} : memref<128x32xf32, #tpu.memory_space<vmem>>, vector<1x16xf32>,
      %get3A_343 = vector.shape_cast %get3A_342 : vector<1x16xf32> to vector<16xf32>
      %add3A_344 = arith.addf %add3A_320, %get3A_343 : vector<16xf32>
      %get3A_345 = arith.constant 23 : i32
      %get3A_346 = arith.index_cast %get3A_345 : i32 to index
      %get3A_347 = arith.constant 0 : index
      %get3A_348 = tpu.vector_load %arg6[%get3A_346, %get3A_347] {strides = array<i32>} : memref<128x32xf32, #tpu.memory_space<vmem>>, vector<1x16xf32>,
      %get3A_349 = vector.shape_cast %get3A_348 : vector<1x16xf32> to vector<16xf32>
      %add3A_350 = arith.addf %add3A_326, %get3A_349 : vector<16xf32>
      %get3A_351 = arith.constant 23 : i32
      %get3A_352 = arith.index_cast %get3A_351 : i32 to index
      %get3A_353 = arith.constant 16 : index
      %get3A_354 = tpu.vector_load %arg6[%get3A_352, %get3A_353] {strides = array<i32>} : memref<128x32xf32, #tpu.memory_space<vmem>>, vector<1x16xf32>,
      %get3A_355 = vector.shape_cast %get3A_354 : vector<1x16xf32> to vector<16xf32>
      %add3A_356 = arith.addf %add3A_332, %get3A_355 : vector<16xf32>
      %get3A_357 = arith.constant 24 : i32
      %get3A_358 = arith.index_cast %get3A_357 : i32 to index
      %get3A_359 = arith.constant 0 : index
      %get3A_360 = tpu.vector_load %arg6[%get3A_358, %get3A_359] {strides = array<i32>} : memref<128x32xf32, #tpu.memory_space<vmem>>, vector<1x16xf32>,
      %get3A_361 = vector.shape_cast %get3A_360 : vector<1x16xf32> to vector<16xf32>
      %add3A_362 = arith.addf %add3A_338, %get3A_361 : vector<16xf32>
      %get3A_363 = arith.constant 24 : i32
      %get3A_364 = arith.index_cast %get3A_363 : i32 to index
      %get3A_365 = arith.constant 16 : index
      %get3A_366 = tpu.vector_load %arg6[%get3A_364, %get3A_365] {strides = array<i32>} : memref<128x32xf32, #tpu.memory_space<vmem>>, vector<1x16xf32>,
      %get3A_367 = vector.shape_cast %get3A_366 : vector<1x16xf32> to vector<16xf32>
      %add3A_368 = arith.addf %add3A_344, %get3A_367 : vector<16xf32>
      %get3A_369 = arith.constant 25 : i32
      %get3A_370 = arith.index_cast %get3A_369 : i32 to index
      %get3A_371 = arith.constant 0 : index
      %get3A_372 = tpu.vector_load %arg6[%get3A_370, %get3A_371] {strides = array<i32>} : memref<128x32xf32, #tpu.memory_space<vmem>>, vector<1x16xf32>,
      %get3A_373 = vector.shape_cast %get3A_372 : vector<1x16xf32> to vector<16xf32>
      %add3A_374 = arith.addf %add3A_350, %get3A_373 : vector<16xf32>
      %get3A_375 = arith.constant 25 : i32
      %get3A_376 = arith.index_cast %get3A_375 : i32 to index
      %get3A_377 = arith.constant 16 : index
      %get3A_378 = tpu.vector_load %arg6[%get3A_376, %get3A_377] {strides = array<i32>} : memref<128x32xf32, #tpu.memory_space<vmem>>, vector<1x16xf32>,
      %get3A_379 = vector.shape_cast %get3A_378 : vector<1x16xf32> to vector<16xf32>
      %add3A_380 = arith.addf %add3A_356, %get3A_379 : vector<16xf32>
      %get3A_381 = arith.constant 26 : i32
      %get3A_382 = arith.index_cast %get3A_381 : i32 to index
      %get3A_383 = arith.constant 0 : index
      %get3A_384 = tpu.vector_load %arg6[%get3A_382, %get3A_383] {strides = array<i32>} : memref<128x32xf32, #tpu.memory_space<vmem>>, vector<1x16xf32>,
      %get3A_385 = vector.shape_cast %get3A_384 : vector<1x16xf32> to vector<16xf32>
      %add3A_386 = arith.addf %add3A_362, %get3A_385 : vector<16xf32>
      %get3A_387 = arith.constant 26 : i32
      %get3A_388 = arith.index_cast %get3A_387 : i32 to index
      %get3A_389 = arith.constant 16 : index
      %get3A_390 = tpu.vector_load %arg6[%get3A_388, %get3A_389] {strides = array<i32>} : memref<128x32xf32, #tpu.memory_space<vmem>>, vector<1x16xf32>,
      %get3A_391 = vector.shape_cast %get3A_390 : vector<1x16xf32> to vector<16xf32>
      %add3A_392 = arith.addf %add3A_368, %get3A_391 : vector<16xf32>
      %get3A_393 = arith.constant 27 : i32
      %get3A_394 = arith.index_cast %get3A_393 : i32 to index
      %get3A_395 = arith.constant 0 : index
      %get3A_396 = tpu.vector_load %arg6[%get3A_394, %get3A_395] {strides = array<i32>} : memref<128x32xf32, #tpu.memory_space<vmem>>, vector<1x16xf32>,
      %get3A_397 = vector.shape_cast %get3A_396 : vector<1x16xf32> to vector<16xf32>
      %add3A_398 = arith.addf %add3A_374, %get3A_397 : vector<16xf32>
      %get3A_399 = arith.constant 27 : i32
      %get3A_400 = arith.index_cast %get3A_399 : i32 to index
      %get3A_401 = arith.constant 16 : index
      %get3A_402 = tpu.vector_load %arg6[%get3A_400, %get3A_401] {strides = array<i32>} : memref<128x32xf32, #tpu.memory_space<vmem>>, vector<1x16xf32>,
      %get3A_403 = vector.shape_cast %get3A_402 : vector<1x16xf32> to vector<16xf32>
      %add3A_404 = arith.addf %add3A_380, %get3A_403 : vector<16xf32>
      %get3A_405 = arith.constant 28 : i32
      %get3A_406 = arith.index_cast %get3A_405 : i32 to index
      %get3A_407 = arith.constant 0 : index
      %get3A_408 = tpu.vector_load %arg6[%get3A_406, %get3A_407] {strides = array<i32>} : memref<128x32xf32, #tpu.memory_space<vmem>>, vector<1x16xf32>,
      %get3A_409 = vector.shape_cast %get3A_408 : vector<1x16xf32> to vector<16xf32>
      %add3A_410 = arith.addf %add3A_386, %get3A_409 : vector<16xf32>
      %get3A_411 = arith.constant 28 : i32
      %get3A_412 = arith.index_cast %get3A_411 : i32 to index
      %get3A_413 = arith.constant 16 : index
      %get3A_414 = tpu.vector_load %arg6[%get3A_412, %get3A_413] {strides = array<i32>} : memref<128x32xf32, #tpu.memory_space<vmem>>, vector<1x16xf32>,
      %get3A_415 = vector.shape_cast %get3A_414 : vector<1x16xf32> to vector<16xf32>
      %add3A_416 = arith.addf %add3A_392, %get3A_415 : vector<16xf32>
      %get3A_417 = arith.constant 29 : i32
      %get3A_418 = arith.index_cast %get3A_417 : i32 to index
      %get3A_419 = arith.constant 0 : index
      %get3A_420 = tpu.vector_load %arg6[%get3A_418, %get3A_419] {strides = array<i32>} : memref<128x32xf32, #tpu.memory_space<vmem>>, vector<1x16xf32>,
      %get3A_421 = vector.shape_cast %get3A_420 : vector<1x16xf32> to vector<16xf32>
      %add3A_422 = arith.addf %add3A_398, %get3A_421 : vector<16xf32>
      %get3A_423 = arith.constant 29 : i32
      %get3A_424 = arith.index_cast %get3A_423 : i32 to index
      %get3A_425 = arith.constant 16 : index
      %get3A_426 = tpu.vector_load %arg6[%get3A_424, %get3A_425] {strides = array<i32>} : memref<128x32xf32, #tpu.memory_space<vmem>>, vector<1x16xf32>,
      %get3A_427 = vector.shape_cast %get3A_426 : vector<1x16xf32> to vector<16xf32>
      %add3A_428 = arith.addf %add3A_404, %get3A_427 : vector<16xf32>
      %get3A_429 = arith.constant 30 : i32
      %get3A_430 = arith.index_cast %get3A_429 : i32 to index
      %get3A_431 = arith.constant 0 : index
      %get3A_432 = tpu.vector_load %arg6[%get3A_430, %get3A_431] {strides = array<i32>} : memref<128x32xf32, #tpu.memory_space<vmem>>, vector<1x16xf32>,
      %get3A_433 = vector.shape_cast %get3A_432 : vector<1x16xf32> to vector<16xf32>
      %add3A_434 = arith.addf %add3A_410, %get3A_433 : vector<16xf32>
      %get3A_435 = arith.constant 30 : i32
      %get3A_436 = arith.index_cast %get3A_435 : i32 to index
      %get3A_437 = arith.constant 16 : index
      %get3A_438 = tpu.vector_load %arg6[%get3A_436, %get3A_437] {strides = array<i32>} : memref<128x32xf32, #tpu.memory_space<vmem>>, vector<1x16xf32>,
      %get3A_439 = vector.shape_cast %get3A_438 : vector<1x16xf32> to vector<16xf32>
      %add3A_440 = arith.addf %add3A_416, %get3A_439 : vector<16xf32>
      %get3A_441 = arith.constant 31 : i32
      %get3A_442 = arith.index_cast %get3A_441 : i32 to index
      %get3A_443 = arith.constant 0 : index
      %get3A_444 = tpu.vector_load %arg6[%get3A_442, %get3A_443] {strides = array<i32>} : memref<128x32xf32, #tpu.memory_space<vmem>>, vector<1x16xf32>,
      %get3A_445 = vector.shape_cast %get3A_444 : vector<1x16xf32> to vector<16xf32>
      %add3A_446 = arith.addf %add3A_422, %get3A_445 : vector<16xf32>
      %get3A_447 = arith.constant 31 : i32
      %get3A_448 = arith.index_cast %get3A_447 : i32 to index
      %get3A_449 = arith.constant 16 : index
      %get3A_450 = tpu.vector_load %arg6[%get3A_448, %get3A_449] {strides = array<i32>} : memref<128x32xf32, #tpu.memory_space<vmem>>, vector<1x16xf32>,
      %get3A_451 = vector.shape_cast %get3A_450 : vector<1x16xf32> to vector<16xf32>
      %add3A_452 = arith.addf %add3A_428, %get3A_451 : vector<16xf32>
      %get3A_453 = arith.constant 32 : i32
      %get3A_454 = arith.index_cast %get3A_453 : i32 to index
      %get3A_455 = arith.constant 0 : index
      %get3A_456 = tpu.vector_load %arg6[%get3A_454, %get3A_455] {strides = array<i32>} : memref<128x32xf32, #tpu.memory_space<vmem>>, vector<1x16xf32>,
      %get3A_457 = vector.shape_cast %get3A_456 : vector<1x16xf32> to vector<16xf32>
      %add3A_458 = arith.addf %add3A_434, %get3A_457 : vector<16xf32>
      %get3A_459 = arith.constant 32 : i32
      %get3A_460 = arith.index_cast %get3A_459 : i32 to index
      %get3A_461 = arith.constant 16 : index
      %get3A_462 = tpu.vector_load %arg6[%get3A_460, %get3A_461] {strides = array<i32>} : memref<128x32xf32, #tpu.memory_space<vmem>>, vector<1x16xf32>,
      %get3A_463 = vector.shape_cast %get3A_462 : vector<1x16xf32> to vector<16xf32>
      %add3A_464 = arith.addf %add3A_440, %get3A_463 : vector<16xf32>
      %get3A_465 = arith.constant 33 : i32
      %get3A_466 = arith.index_cast %get3A_465 : i32 to index
      %get3A_467 = arith.constant 0 : index
      %get3A_468 = tpu.vector_load %arg6[%get3A_466, %get3A_467] {strides = array<i32>} : memref<128x32xf32, #tpu.memory_space<vmem>>, vector<1x16xf32>,
      %get3A_469 = vector.shape_cast %get3A_468 : vector<1x16xf32> to vector<16xf32>
      %add3A_470 = arith.addf %add3A_446, %get3A_469 : vector<16xf32>
      %get3A_471 = arith.constant 33 : i32
      %get3A_472 = arith.index_cast %get3A_471 : i32 to index
      %get3A_473 = arith.constant 16 : index
      %get3A_474 = tpu.vector_load %arg6[%get3A_472, %get3A_473] {strides = array<i32>} : memref<128x32xf32, #tpu.memory_space<vmem>>, vector<1x16xf32>,
      %get3A_475 = vector.shape_cast %get3A_474 : vector<1x16xf32> to vector<16xf32>
      %add3A_476 = arith.addf %add3A_452, %get3A_475 : vector<16xf32>
      %get3A_477 = arith.constant 34 : i32
      %get3A_478 = arith.index_cast %get3A_477 : i32 to index
      %get3A_479 = arith.constant 0 : index
      %get3A_480 = tpu.vector_load %arg6[%get3A_478, %get3A_479] {strides = array<i32>} : memref<128x32xf32, #tpu.memory_space<vmem>>, vector<1x16xf32>,
      %get3A_481 = vector.shape_cast %get3A_480 : vector<1x16xf32> to vector<16xf32>
      %add3A_482 = arith.addf %add3A_458, %get3A_481 : vector<16xf32>
      %get3A_483 = arith.constant 34 : i32
      %get3A_484 = arith.index_cast %get3A_483 : i32 to index
      %get3A_485 = arith.constant 16 : index
      %get3A_486 = tpu.vector_load %arg6[%get3A_484, %get3A_485] {strides = array<i32>} : memref<128x32xf32, #tpu.memory_space<vmem>>, vector<1x16xf32>,
      %get3A_487 = vector.shape_cast %get3A_486 : vector<1x16xf32> to vector<16xf32>
      %add3A_488 = arith.addf %add3A_464, %get3A_487 : vector<16xf32>
      %get3A_489 = arith.constant 35 : i32
      %get3A_490 = arith.index_cast %get3A_489 : i32 to index
      %get3A_491 = arith.constant 0 : index
      %get3A_492 = tpu.vector_load %arg6[%get3A_490, %get3A_491] {strides = array<i32>} : memref<128x32xf32, #tpu.memory_space<vmem>>, vector<1x16xf32>,
      %get3A_493 = vector.shape_cast %get3A_492 : vector<1x16xf32> to vector<16xf32>
      %add3A_494 = arith.addf %add3A_470, %get3A_493 : vector<16xf32>
      %get3A_495 = arith.constant 35 : i32
      %get3A_496 = arith.index_cast %get3A_495 : i32 to index
      %get3A_497 = arith.constant 16 : index
      %get3A_498 = tpu.vector_load %arg6[%get3A_496, %get3A_497] {strides = array<i32>} : memref<128x32xf32, #tpu.memory_space<vmem>>, vector<1x16xf32>,
      %get3A_499 = vector.shape_cast %get3A_498 : vector<1x16xf32> to vector<16xf32>
      %add3A_500 = arith.addf %add3A_476, %get3A_499 : vector<16xf32>
      %get3A_501 = arith.constant 36 : i32
      %get3A_502 = arith.index_cast %get3A_501 : i32 to index
      %get3A_503 = arith.constant 0 : index
      %get3A_504 = tpu.vector_load %arg6[%get3A_502, %get3A_503] {strides = array<i32>} : memref<128x32xf32, #tpu.memory_space<vmem>>, vector<1x16xf32>,
      %get3A_505 = vector.shape_cast %get3A_504 : vector<1x16xf32> to vector<16xf32>
      %add3A_506 = arith.addf %add3A_482, %get3A_505 : vector<16xf32>
      %get3A_507 = arith.constant 36 : i32
      %get3A_508 = arith.index_cast %get3A_507 : i32 to index
      %get3A_509 = arith.constant 16 : index
      %get3A_510 = tpu.vector_load %arg6[%get3A_508, %get3A_509] {strides = array<i32>} : memref<128x32xf32, #tpu.memory_space<vmem>>, vector<1x16xf32>,
      %get3A_511 = vector.shape_cast %get3A_510 : vector<1x16xf32> to vector<16xf32>
      %add3A_512 = arith.addf %add3A_488, %get3A_511 : vector<16xf32>
      %get3A_513 = arith.constant 37 : i32
      %get3A_514 = arith.index_cast %get3A_513 : i32 to index
      %get3A_515 = arith.constant 0 : index
      %get3A_516 = tpu.vector_load %arg6[%get3A_514, %get3A_515] {strides = array<i32>} : memref<128x32xf32, #tpu.memory_space<vmem>>, vector<1x16xf32>,
      %get3A_517 = vector.shape_cast %get3A_516 : vector<1x16xf32> to vector<16xf32>
      %add3A_518 = arith.addf %add3A_494, %get3A_517 : vector<16xf32>
      %get3A_519 = arith.constant 37 : i32
      %get3A_520 = arith.index_cast %get3A_519 : i32 to index
      %get3A_521 = arith.constant 16 : index
      %get3A_522 = tpu.vector_load %arg6[%get3A_520, %get3A_521] {strides = array<i32>} : memref<128x32xf32, #tpu.memory_space<vmem>>, vector<1x16xf32>,
      %get3A_523 = vector.shape_cast %get3A_522 : vector<1x16xf32> to vector<16xf32>
      %add3A_524 = arith.addf %add3A_500, %get3A_523 : vector<16xf32>
      %get3A_525 = arith.constant 38 : i32
      %get3A_526 = arith.index_cast %get3A_525 : i32 to index
      %get3A_527 = arith.constant 0 : index
      %get3A_528 = tpu.vector_load %arg6[%get3A_526, %get3A_527] {strides = array<i32>} : memref<128x32xf32, #tpu.memory_space<vmem>>, vector<1x16xf32>,
      %get3A_529 = vector.shape_cast %get3A_528 : vector<1x16xf32> to vector<16xf32>
      %add3A_530 = arith.addf %add3A_506, %get3A_529 : vector<16xf32>
      %get3A_531 = arith.constant 38 : i32
      %get3A_532 = arith.index_cast %get3A_531 : i32 to index
      %get3A_533 = arith.constant 16 : index
      %get3A_534 = tpu.vector_load %arg6[%get3A_532, %get3A_533] {strides = array<i32>} : memref<128x32xf32, #tpu.memory_space<vmem>>, vector<1x16xf32>,
      %get3A_535 = vector.shape_cast %get3A_534 : vector<1x16xf32> to vector<16xf32>
      %add3A_536 = arith.addf %add3A_512, %get3A_535 : vector<16xf32>
      %get3A_537 = arith.constant 39 : i32
      %get3A_538 = arith.index_cast %get3A_537 : i32 to index
      %get3A_539 = arith.constant 0 : index
      %get3A_540 = tpu.vector_load %arg6[%get3A_538, %get3A_539] {strides = array<i32>} : memref<128x32xf32, #tpu.memory_space<vmem>>, vector<1x16xf32>,
      %get3A_541 = vector.shape_cast %get3A_540 : vector<1x16xf32> to vector<16xf32>
      %add3A_542 = arith.addf %add3A_518, %get3A_541 : vector<16xf32>
      %get3A_543 = arith.constant 39 : i32
      %get3A_544 = arith.index_cast %get3A_543 : i32 to index
      %get3A_545 = arith.constant 16 : index
      %get3A_546 = tpu.vector_load %arg6[%get3A_544, %get3A_545] {strides = array<i32>} : memref<128x32xf32, #tpu.memory_space<vmem>>, vector<1x16xf32>,
      %get3A_547 = vector.shape_cast %get3A_546 : vector<1x16xf32> to vector<16xf32>
      %add3A_548 = arith.addf %add3A_524, %get3A_547 : vector<16xf32>
      %get3A_549 = arith.constant 40 : i32
      %get3A_550 = arith.index_cast %get3A_549 : i32 to index
      %get3A_551 = arith.constant 0 : index
      %get3A_552 = tpu.vector_load %arg6[%get3A_550, %get3A_551] {strides = array<i32>} : memref<128x32xf32, #tpu.memory_space<vmem>>, vector<1x16xf32>,
      %get3A_553 = vector.shape_cast %get3A_552 : vector<1x16xf32> to vector<16xf32>
      %add3A_554 = arith.addf %add3A_530, %get3A_553 : vector<16xf32>
      %get3A_555 = arith.constant 40 : i32
      %get3A_556 = arith.index_cast %get3A_555 : i32 to index
      %get3A_557 = arith.constant 16 : index
      %get3A_558 = tpu.vector_load %arg6[%get3A_556, %get3A_557] {strides = array<i32>} : memref<128x32xf32, #tpu.memory_space<vmem>>, vector<1x16xf32>,
      %get3A_559 = vector.shape_cast %get3A_558 : vector<1x16xf32> to vector<16xf32>
      %add3A_560 = arith.addf %add3A_536, %get3A_559 : vector<16xf32>
      %get3A_561 = arith.constant 41 : i32
      %get3A_562 = arith.index_cast %get3A_561 : i32 to index
      %get3A_563 = arith.constant 0 : index
      %get3A_564 = tpu.vector_load %arg6[%get3A_562, %get3A_563] {strides = array<i32>} : memref<128x32xf32, #tpu.memory_space<vmem>>, vector<1x16xf32>,
      %get3A_565 = vector.shape_cast %get3A_564 : vector<1x16xf32> to vector<16xf32>
      %add3A_566 = arith.addf %add3A_542, %get3A_565 : vector<16xf32>
      %get3A_567 = arith.constant 41 : i32
      %get3A_568 = arith.index_cast %get3A_567 : i32 to index
      %get3A_569 = arith.constant 16 : index
      %get3A_570 = tpu.vector_load %arg6[%get3A_568, %get3A_569] {strides = array<i32>} : memref<128x32xf32, #tpu.memory_space<vmem>>, vector<1x16xf32>,
      %get3A_571 = vector.shape_cast %get3A_570 : vector<1x16xf32> to vector<16xf32>
      %add3A_572 = arith.addf %add3A_548, %get3A_571 : vector<16xf32>
      %get3A_573 = arith.constant 42 : i32
      %get3A_574 = arith.index_cast %get3A_573 : i32 to index
      %get3A_575 = arith.constant 0 : index
      %get3A_576 = tpu.vector_load %arg6[%get3A_574, %get3A_575] {strides = array<i32>} : memref<128x32xf32, #tpu.memory_space<vmem>>, vector<1x16xf32>,
      %get3A_577 = vector.shape_cast %get3A_576 : vector<1x16xf32> to vector<16xf32>
      %add3A_578 = arith.addf %add3A_554, %get3A_577 : vector<16xf32>
      %get3A_579 = arith.constant 42 : i32
      %get3A_580 = arith.index_cast %get3A_579 : i32 to index
      %get3A_581 = arith.constant 16 : index
      %get3A_582 = tpu.vector_load %arg6[%get3A_580, %get3A_581] {strides = array<i32>} : memref<128x32xf32, #tpu.memory_space<vmem>>, vector<1x16xf32>,
      %get3A_583 = vector.shape_cast %get3A_582 : vector<1x16xf32> to vector<16xf32>
      %add3A_584 = arith.addf %add3A_560, %get3A_583 : vector<16xf32>
      %get3A_585 = arith.constant 43 : i32
      %get3A_586 = arith.index_cast %get3A_585 : i32 to index
      %get3A_587 = arith.constant 0 : index
      %get3A_588 = tpu.vector_load %arg6[%get3A_586, %get3A_587] {strides = array<i32>} : memref<128x32xf32, #tpu.memory_space<vmem>>, vector<1x16xf32>,
      %get3A_589 = vector.shape_cast %get3A_588 : vector<1x16xf32> to vector<16xf32>
      %add3A_590 = arith.addf %add3A_566, %get3A_589 : vector<16xf32>
      %get3A_591 = arith.constant 43 : i32
      %get3A_592 = arith.index_cast %get3A_591 : i32 to index
      %get3A_593 = arith.constant 16 : index
      %get3A_594 = tpu.vector_load %arg6[%get3A_592, %get3A_593] {strides = array<i32>} : memref<128x32xf32, #tpu.memory_space<vmem>>, vector<1x16xf32>,
      %get3A_595 = vector.shape_cast %get3A_594 : vector<1x16xf32> to vector<16xf32>
      %add3A_596 = arith.addf %add3A_572, %get3A_595 : vector<16xf32>
      %get3A_597 = arith.constant 44 : i32
      %get3A_598 = arith.index_cast %get3A_597 : i32 to index
      %get3A_599 = arith.constant 0 : index
      %get3A_600 = tpu.vector_load %arg6[%get3A_598, %get3A_599] {strides = array<i32>} : memref<128x32xf32, #tpu.memory_space<vmem>>, vector<1x16xf32>,
      %get3A_601 = vector.shape_cast %get3A_600 : vector<1x16xf32> to vector<16xf32>
      %add3A_602 = arith.addf %add3A_578, %get3A_601 : vector<16xf32>
      %get3A_603 = arith.constant 44 : i32
      %get3A_604 = arith.index_cast %get3A_603 : i32 to index
      %get3A_605 = arith.constant 16 : index
      %get3A_606 = tpu.vector_load %arg6[%get3A_604, %get3A_605] {strides = array<i32>} : memref<128x32xf32, #tpu.memory_space<vmem>>, vector<1x16xf32>,
      %get3A_607 = vector.shape_cast %get3A_606 : vector<1x16xf32> to vector<16xf32>
      %add3A_608 = arith.addf %add3A_584, %get3A_607 : vector<16xf32>
      %get3A_609 = arith.constant 45 : i32
      %get3A_610 = arith.index_cast %get3A_609 : i32 to index
      %get3A_611 = arith.constant 0 : index
      %get3A_612 = tpu.vector_load %arg6[%get3A_610, %get3A_611] {strides = array<i32>} : memref<128x32xf32, #tpu.memory_space<vmem>>, vector<1x16xf32>,
      %get3A_613 = vector.shape_cast %get3A_612 : vector<1x16xf32> to vector<16xf32>
      %add3A_614 = arith.addf %add3A_590, %get3A_613 : vector<16xf32>
      %get3A_615 = arith.constant 45 : i32
      %get3A_616 = arith.index_cast %get3A_615 : i32 to index
      %get3A_617 = arith.constant 16 : index
      %get3A_618 = tpu.vector_load %arg6[%get3A_616, %get3A_617] {strides = array<i32>} : memref<128x32xf32, #tpu.memory_space<vmem>>, vector<1x16xf32>,
      %get3A_619 = vector.shape_cast %get3A_618 : vector<1x16xf32> to vector<16xf32>
      %add3A_620 = arith.addf %add3A_596, %get3A_619 : vector<16xf32>
      %get3A_621 = arith.constant 46 : i32
      %get3A_622 = arith.index_cast %get3A_621 : i32 to index
      %get3A_623 = arith.constant 0 : index
      %get3A_624 = tpu.vector_load %arg6[%get3A_622, %get3A_623] {strides = array<i32>} : memref<128x32xf32, #tpu.memory_space<vmem>>, vector<1x16xf32>,
      %get3A_625 = vector.shape_cast %get3A_624 : vector<1x16xf32> to vector<16xf32>
      %add3A_626 = arith.addf %add3A_602, %get3A_625 : vector<16xf32>
      %get3A_627 = arith.constant 46 : i32
      %get3A_628 = arith.index_cast %get3A_627 : i32 to index
      %get3A_629 = arith.constant 16 : index
      %get3A_630 = tpu.vector_load %arg6[%get3A_628, %get3A_629] {strides = array<i32>} : memref<128x32xf32, #tpu.memory_space<vmem>>, vector<1x16xf32>,
      %get3A_631 = vector.shape_cast %get3A_630 : vector<1x16xf32> to vector<16xf32>
      %add3A_632 = arith.addf %add3A_608, %get3A_631 : vector<16xf32>
      %get3A_633 = arith.constant 47 : i32
      %get3A_634 = arith.index_cast %get3A_633 : i32 to index
      %get3A_635 = arith.constant 0 : index
      %get3A_636 = tpu.vector_load %arg6[%get3A_634, %get3A_635] {strides = array<i32>} : memref<128x32xf32, #tpu.memory_space<vmem>>, vector<1x16xf32>,
      %get3A_637 = vector.shape_cast %get3A_636 : vector<1x16xf32> to vector<16xf32>
      %add3A_638 = arith.addf %add3A_614, %get3A_637 : vector<16xf32>
      %get3A_639 = arith.constant 47 : i32
      %get3A_640 = arith.index_cast %get3A_639 : i32 to index
      %get3A_641 = arith.constant 16 : index
      %get3A_642 = tpu.vector_load %arg6[%get3A_640, %get3A_641] {strides = array<i32>} : memref<128x32xf32, #tpu.memory_space<vmem>>, vector<1x16xf32>,
      %get3A_643 = vector.shape_cast %get3A_642 : vector<1x16xf32> to vector<16xf32>
      %add3A_644 = arith.addf %add3A_620, %get3A_643 : vector<16xf32>
      %get3A_645 = arith.constant 48 : i32
      %get3A_646 = arith.index_cast %get3A_645 : i32 to index
      %get3A_647 = arith.constant 0 : index
      %get3A_648 = tpu.vector_load %arg6[%get3A_646, %get3A_647] {strides = array<i32>} : memref<128x32xf32, #tpu.memory_space<vmem>>, vector<1x16xf32>,
      %get3A_649 = vector.shape_cast %get3A_648 : vector<1x16xf32> to vector<16xf32>
      %add3A_650 = arith.addf %add3A_626, %get3A_649 : vector<16xf32>
      %get3A_651 = arith.constant 48 : i32
      %get3A_652 = arith.index_cast %get3A_651 : i32 to index
      %get3A_653 = arith.constant 16 : index
      %get3A_654 = tpu.vector_load %arg6[%get3A_652, %get3A_653] {strides = array<i32>} : memref<128x32xf32, #tpu.memory_space<vmem>>, vector<1x16xf32>,
      %get3A_655 = vector.shape_cast %get3A_654 : vector<1x16xf32> to vector<16xf32>
      %add3A_656 = arith.addf %add3A_632, %get3A_655 : vector<16xf32>
      %get3A_657 = arith.constant 49 : i32
      %get3A_658 = arith.index_cast %get3A_657 : i32 to index
      %get3A_659 = arith.constant 0 : index
      %get3A_660 = tpu.vector_load %arg6[%get3A_658, %get3A_659] {strides = array<i32>} : memref<128x32xf32, #tpu.memory_space<vmem>>, vector<1x16xf32>,
      %get3A_661 = vector.shape_cast %get3A_660 : vector<1x16xf32> to vector<16xf32>
      %add3A_662 = arith.addf %add3A_638, %get3A_661 : vector<16xf32>
      %get3A_663 = arith.constant 49 : i32
      %get3A_664 = arith.index_cast %get3A_663 : i32 to index
      %get3A_665 = arith.constant 16 : index
      %get3A_666 = tpu.vector_load %arg6[%get3A_664, %get3A_665] {strides = array<i32>} : memref<128x32xf32, #tpu.memory_space<vmem>>, vector<1x16xf32>,
      %get3A_667 = vector.shape_cast %get3A_666 : vector<1x16xf32> to vector<16xf32>
      %add3A_668 = arith.addf %add3A_644, %get3A_667 : vector<16xf32>
      %get3A_669 = arith.constant 50 : i32
      %get3A_670 = arith.index_cast %get3A_669 : i32 to index
      %get3A_671 = arith.constant 0 : index
      %get3A_672 = tpu.vector_load %arg6[%get3A_670, %get3A_671] {strides = array<i32>} : memref<128x32xf32, #tpu.memory_space<vmem>>, vector<1x16xf32>,
      %get3A_673 = vector.shape_cast %get3A_672 : vector<1x16xf32> to vector<16xf32>
      %add3A_674 = arith.addf %add3A_650, %get3A_673 : vector<16xf32>
      %get3A_675 = arith.constant 50 : i32
      %get3A_676 = arith.index_cast %get3A_675 : i32 to index
      %get3A_677 = arith.constant 16 : index
      %get3A_678 = tpu.vector_load %arg6[%get3A_676, %get3A_677] {strides = array<i32>} : memref<128x32xf32, #tpu.memory_space<vmem>>, vector<1x16xf32>,
      %get3A_679 = vector.shape_cast %get3A_678 : vector<1x16xf32> to vector<16xf32>
      %add3A_680 = arith.addf %add3A_656, %get3A_679 : vector<16xf32>
      %get3A_681 = arith.constant 51 : i32
      %get3A_682 = arith.index_cast %get3A_681 : i32 to index
      %get3A_683 = arith.constant 0 : index
      %get3A_684 = tpu.vector_load %arg6[%get3A_682, %get3A_683] {strides = array<i32>} : memref<128x32xf32, #tpu.memory_space<vmem>>, vector<1x16xf32>,
      %get3A_685 = vector.shape_cast %get3A_684 : vector<1x16xf32> to vector<16xf32>
      %add3A_686 = arith.addf %add3A_662, %get3A_685 : vector<16xf32>
      %get3A_687 = arith.constant 51 : i32
      %get3A_688 = arith.index_cast %get3A_687 : i32 to index
      %get3A_689 = arith.constant 16 : index
      %get3A_690 = tpu.vector_load %arg6[%get3A_688, %get3A_689] {strides = array<i32>} : memref<128x32xf32, #tpu.memory_space<vmem>>, vector<1x16xf32>,
      %get3A_691 = vector.shape_cast %get3A_690 : vector<1x16xf32> to vector<16xf32>
      %add3A_692 = arith.addf %add3A_668, %get3A_691 : vector<16xf32>
      %get3A_693 = arith.constant 52 : i32
      %get3A_694 = arith.index_cast %get3A_693 : i32 to index
      %get3A_695 = arith.constant 0 : index
      %get3A_696 = tpu.vector_load %arg6[%get3A_694, %get3A_695] {strides = array<i32>} : memref<128x32xf32, #tpu.memory_space<vmem>>, vector<1x16xf32>,
      %get3A_697 = vector.shape_cast %get3A_696 : vector<1x16xf32> to vector<16xf32>
      %add3A_698 = arith.addf %add3A_674, %get3A_697 : vector<16xf32>
      %get3A_699 = arith.constant 52 : i32
      %get3A_700 = arith.index_cast %get3A_699 : i32 to index
      %get3A_701 = arith.constant 16 : index
      %get3A_702 = tpu.vector_load %arg6[%get3A_700, %get3A_701] {strides = array<i32>} : memref<128x32xf32, #tpu.memory_space<vmem>>, vector<1x16xf32>,
      %get3A_703 = vector.shape_cast %get3A_702 : vector<1x16xf32> to vector<16xf32>
      %add3A_704 = arith.addf %add3A_680, %get3A_703 : vector<16xf32>
      %get3A_705 = arith.constant 53 : i32
      %get3A_706 = arith.index_cast %get3A_705 : i32 to index
      %get3A_707 = arith.constant 0 : index
      %get3A_708 = tpu.vector_load %arg6[%get3A_706, %get3A_707] {strides = array<i32>} : memref<128x32xf32, #tpu.memory_space<vmem>>, vector<1x16xf32>,
      %get3A_709 = vector.shape_cast %get3A_708 : vector<1x16xf32> to vector<16xf32>
      %add3A_710 = arith.addf %add3A_686, %get3A_709 : vector<16xf32>
      %get3A_711 = arith.constant 53 : i32
      %get3A_712 = arith.index_cast %get3A_711 : i32 to index
      %get3A_713 = arith.constant 16 : index
      %get3A_714 = tpu.vector_load %arg6[%get3A_712, %get3A_713] {strides = array<i32>} : memref<128x32xf32, #tpu.memory_space<vmem>>, vector<1x16xf32>,
      %get3A_715 = vector.shape_cast %get3A_714 : vector<1x16xf32> to vector<16xf32>
      %add3A_716 = arith.addf %add3A_692, %get3A_715 : vector<16xf32>
      %get3A_717 = arith.constant 54 : i32
      %get3A_718 = arith.index_cast %get3A_717 : i32 to index
      %get3A_719 = arith.constant 0 : index
      %get3A_720 = tpu.vector_load %arg6[%get3A_718, %get3A_719] {strides = array<i32>} : memref<128x32xf32, #tpu.memory_space<vmem>>, vector<1x16xf32>,
      %get3A_721 = vector.shape_cast %get3A_720 : vector<1x16xf32> to vector<16xf32>
      %add3A_722 = arith.addf %add3A_698, %get3A_721 : vector<16xf32>
      %get3A_723 = arith.constant 54 : i32
      %get3A_724 = arith.index_cast %get3A_723 : i32 to index
      %get3A_725 = arith.constant 16 : index
      %get3A_726 = tpu.vector_load %arg6[%get3A_724, %get3A_725] {strides = array<i32>} : memref<128x32xf32, #tpu.memory_space<vmem>>, vector<1x16xf32>,
      %get3A_727 = vector.shape_cast %get3A_726 : vector<1x16xf32> to vector<16xf32>
      %add3A_728 = arith.addf %add3A_704, %get3A_727 : vector<16xf32>
      %get3A_729 = arith.constant 55 : i32
      %get3A_730 = arith.index_cast %get3A_729 : i32 to index
      %get3A_731 = arith.constant 0 : index
      %get3A_732 = tpu.vector_load %arg6[%get3A_730, %get3A_731] {strides = array<i32>} : memref<128x32xf32, #tpu.memory_space<vmem>>, vector<1x16xf32>,
      %get3A_733 = vector.shape_cast %get3A_732 : vector<1x16xf32> to vector<16xf32>
      %add3A_734 = arith.addf %add3A_710, %get3A_733 : vector<16xf32>
      %get3A_735 = arith.constant 55 : i32
      %get3A_736 = arith.index_cast %get3A_735 : i32 to index
      %get3A_737 = arith.constant 16 : index
      %get3A_738 = tpu.vector_load %arg6[%get3A_736, %get3A_737] {strides = array<i32>} : memref<128x32xf32, #tpu.memory_space<vmem>>, vector<1x16xf32>,
      %get3A_739 = vector.shape_cast %get3A_738 : vector<1x16xf32> to vector<16xf32>
      %add3A_740 = arith.addf %add3A_716, %get3A_739 : vector<16xf32>
      %get3A_741 = arith.constant 56 : i32
      %get3A_742 = arith.index_cast %get3A_741 : i32 to index
      %get3A_743 = arith.constant 0 : index
      %get3A_744 = tpu.vector_load %arg6[%get3A_742, %get3A_743] {strides = array<i32>} : memref<128x32xf32, #tpu.memory_space<vmem>>, vector<1x16xf32>,
      %get3A_745 = vector.shape_cast %get3A_744 : vector<1x16xf32> to vector<16xf32>
      %add3A_746 = arith.addf %add3A_722, %get3A_745 : vector<16xf32>
      %get3A_747 = arith.constant 56 : i32
      %get3A_748 = arith.index_cast %get3A_747 : i32 to index
      %get3A_749 = arith.constant 16 : index
      %get3A_750 = tpu.vector_load %arg6[%get3A_748, %get3A_749] {strides = array<i32>} : memref<128x32xf32, #tpu.memory_space<vmem>>, vector<1x16xf32>,
      %get3A_751 = vector.shape_cast %get3A_750 : vector<1x16xf32> to vector<16xf32>
      %add3A_752 = arith.addf %add3A_728, %get3A_751 : vector<16xf32>
      %get3A_753 = arith.constant 57 : i32
      %get3A_754 = arith.index_cast %get3A_753 : i32 to index
      %get3A_755 = arith.constant 0 : index
      %get3A_756 = tpu.vector_load %arg6[%get3A_754, %get3A_755] {strides = array<i32>} : memref<128x32xf32, #tpu.memory_space<vmem>>, vector<1x16xf32>,
      %get3A_757 = vector.shape_cast %get3A_756 : vector<1x16xf32> to vector<16xf32>
      %add3A_758 = arith.addf %add3A_734, %get3A_757 : vector<16xf32>
      %get3A_759 = arith.constant 57 : i32
      %get3A_760 = arith.index_cast %get3A_759 : i32 to index
      %get3A_761 = arith.constant 16 : index
      %get3A_762 = tpu.vector_load %arg6[%get3A_760, %get3A_761] {strides = array<i32>} : memref<128x32xf32, #tpu.memory_space<vmem>>, vector<1x16xf32>,
      %get3A_763 = vector.shape_cast %get3A_762 : vector<1x16xf32> to vector<16xf32>
      %add3A_764 = arith.addf %add3A_740, %get3A_763 : vector<16xf32>
      %get3A_765 = arith.constant 58 : i32
      %get3A_766 = arith.index_cast %get3A_765 : i32 to index
      %get3A_767 = arith.constant 0 : index
      %get3A_768 = tpu.vector_load %arg6[%get3A_766, %get3A_767] {strides = array<i32>} : memref<128x32xf32, #tpu.memory_space<vmem>>, vector<1x16xf32>,
      %get3A_769 = vector.shape_cast %get3A_768 : vector<1x16xf32> to vector<16xf32>
      %add3A_770 = arith.addf %add3A_746, %get3A_769 : vector<16xf32>
      %get3A_771 = arith.constant 58 : i32
      %get3A_772 = arith.index_cast %get3A_771 : i32 to index
      %get3A_773 = arith.constant 16 : index
      %get3A_774 = tpu.vector_load %arg6[%get3A_772, %get3A_773] {strides = array<i32>} : memref<128x32xf32, #tpu.memory_space<vmem>>, vector<1x16xf32>,
      %get3A_775 = vector.shape_cast %get3A_774 : vector<1x16xf32> to vector<16xf32>
      %add3A_776 = arith.addf %add3A_752, %get3A_775 : vector<16xf32>
      %get3A_777 = arith.constant 59 : i32
      %get3A_778 = arith.index_cast %get3A_777 : i32 to index
      %get3A_779 = arith.constant 0 : index
      %get3A_780 = tpu.vector_load %arg6[%get3A_778, %get3A_779] {strides = array<i32>} : memref<128x32xf32, #tpu.memory_space<vmem>>, vector<1x16xf32>,
      %get3A_781 = vector.shape_cast %get3A_780 : vector<1x16xf32> to vector<16xf32>
      %add3A_782 = arith.addf %add3A_758, %get3A_781 : vector<16xf32>
      %get3A_783 = arith.constant 59 : i32
      %get3A_784 = arith.index_cast %get3A_783 : i32 to index
      %get3A_785 = arith.constant 16 : index
      %get3A_786 = tpu.vector_load %arg6[%get3A_784, %get3A_785] {strides = array<i32>} : memref<128x32xf32, #tpu.memory_space<vmem>>, vector<1x16xf32>,
      %get3A_787 = vector.shape_cast %get3A_786 : vector<1x16xf32> to vector<16xf32>
      %add3A_788 = arith.addf %add3A_764, %get3A_787 : vector<16xf32>
      %get3A_789 = arith.constant 60 : i32
      %get3A_790 = arith.index_cast %get3A_789 : i32 to index
      %get3A_791 = arith.constant 0 : index
      %get3A_792 = tpu.vector_load %arg6[%get3A_790, %get3A_791] {strides = array<i32>} : memref<128x32xf32, #tpu.memory_space<vmem>>, vector<1x16xf32>,
      %get3A_793 = vector.shape_cast %get3A_792 : vector<1x16xf32> to vector<16xf32>
      %add3A_794 = arith.addf %add3A_770, %get3A_793 : vector<16xf32>
      %get3A_795 = arith.constant 60 : i32
      %get3A_796 = arith.index_cast %get3A_795 : i32 to index
      %get3A_797 = arith.constant 16 : index
      %get3A_798 = tpu.vector_load %arg6[%get3A_796, %get3A_797] {strides = array<i32>} : memref<128x32xf32, #tpu.memory_space<vmem>>, vector<1x16xf32>,
      %get3A_799 = vector.shape_cast %get3A_798 : vector<1x16xf32> to vector<16xf32>
      %add3A_800 = arith.addf %add3A_776, %get3A_799 : vector<16xf32>
      %get3A_801 = arith.constant 61 : i32
      %get3A_802 = arith.index_cast %get3A_801 : i32 to index
      %get3A_803 = arith.constant 0 : index
      %get3A_804 = tpu.vector_load %arg6[%get3A_802, %get3A_803] {strides = array<i32>} : memref<128x32xf32, #tpu.memory_space<vmem>>, vector<1x16xf32>,
      %get3A_805 = vector.shape_cast %get3A_804 : vector<1x16xf32> to vector<16xf32>
      %add3A_806 = arith.addf %add3A_782, %get3A_805 : vector<16xf32>
      %get3A_807 = arith.constant 61 : i32
      %get3A_808 = arith.index_cast %get3A_807 : i32 to index
      %get3A_809 = arith.constant 16 : index
      %get3A_810 = tpu.vector_load %arg6[%get3A_808, %get3A_809] {strides = array<i32>} : memref<128x32xf32, #tpu.memory_space<vmem>>, vector<1x16xf32>,
      %get3A_811 = vector.shape_cast %get3A_810 : vector<1x16xf32> to vector<16xf32>
      %add3A_812 = arith.addf %add3A_788, %get3A_811 : vector<16xf32>
      %get3A_813 = arith.constant 62 : i32
      %get3A_814 = arith.index_cast %get3A_813 : i32 to index
      %get3A_815 = arith.constant 0 : index
      %get3A_816 = tpu.vector_load %arg6[%get3A_814, %get3A_815] {strides = array<i32>} : memref<128x32xf32, #tpu.memory_space<vmem>>, vector<1x16xf32>,
      %get3A_817 = vector.shape_cast %get3A_816 : vector<1x16xf32> to vector<16xf32>
      %add3A_818 = arith.addf %add3A_794, %get3A_817 : vector<16xf32>
      %get3A_819 = arith.constant 62 : i32
      %get3A_820 = arith.index_cast %get3A_819 : i32 to index
      %get3A_821 = arith.constant 16 : index
      %get3A_822 = tpu.vector_load %arg6[%get3A_820, %get3A_821] {strides = array<i32>} : memref<128x32xf32, #tpu.memory_space<vmem>>, vector<1x16xf32>,
      %get3A_823 = vector.shape_cast %get3A_822 : vector<1x16xf32> to vector<16xf32>
      %add3A_824 = arith.addf %add3A_800, %get3A_823 : vector<16xf32>
      %get3A_825 = arith.constant 63 : i32
      %get3A_826 = arith.index_cast %get3A_825 : i32 to index
      %get3A_827 = arith.constant 0 : index
      %get3A_828 = tpu.vector_load %arg6[%get3A_826, %get3A_827] {strides = array<i32>} : memref<128x32xf32, #tpu.memory_space<vmem>>, vector<1x16xf32>,
      %get3A_829 = vector.shape_cast %get3A_828 : vector<1x16xf32> to vector<16xf32>
      %add3A_830 = arith.addf %add3A_806, %get3A_829 : vector<16xf32>
      %get3A_831 = arith.constant 63 : i32
      %get3A_832 = arith.index_cast %get3A_831 : i32 to index
      %get3A_833 = arith.constant 16 : index
      %get3A_834 = tpu.vector_load %arg6[%get3A_832, %get3A_833] {strides = array<i32>} : memref<128x32xf32, #tpu.memory_space<vmem>>, vector<1x16xf32>,
      %get3A_835 = vector.shape_cast %get3A_834 : vector<1x16xf32> to vector<16xf32>
      %add3A_836 = arith.addf %add3A_812, %get3A_835 : vector<16xf32>
      %get3A_837 = arith.constant 64 : i32
      %get3A_838 = arith.index_cast %get3A_837 : i32 to index
      %get3A_839 = arith.constant 0 : index
      %get3A_840 = tpu.vector_load %arg6[%get3A_838, %get3A_839] {strides = array<i32>} : memref<128x32xf32, #tpu.memory_space<vmem>>, vector<1x16xf32>,
      %get3A_841 = vector.shape_cast %get3A_840 : vector<1x16xf32> to vector<16xf32>
      %add3A_842 = arith.addf %add3A_818, %get3A_841 : vector<16xf32>
      %get3A_843 = arith.constant 64 : i32
      %get3A_844 = arith.index_cast %get3A_843 : i32 to index
      %get3A_845 = arith.constant 16 : index
      %get3A_846 = tpu.vector_load %arg6[%get3A_844, %get3A_845] {strides = array<i32>} : memref<128x32xf32, #tpu.memory_space<vmem>>, vector<1x16xf32>,
      %get3A_847 = vector.shape_cast %get3A_846 : vector<1x16xf32> to vector<16xf32>
      %add3A_848 = arith.addf %add3A_824, %get3A_847 : vector<16xf32>
      %get3A_849 = arith.constant 65 : i32
      %get3A_850 = arith.index_cast %get3A_849 : i32 to index
      %get3A_851 = arith.constant 0 : index
      %get3A_852 = tpu.vector_load %arg6[%get3A_850, %get3A_851] {strides = array<i32>} : memref<128x32xf32, #tpu.memory_space<vmem>>, vector<1x16xf32>,
      %get3A_853 = vector.shape_cast %get3A_852 : vector<1x16xf32> to vector<16xf32>
      %add3A_854 = arith.addf %add3A_830, %get3A_853 : vector<16xf32>
      %get3A_855 = arith.constant 65 : i32
      %get3A_856 = arith.index_cast %get3A_855 : i32 to index
      %get3A_857 = arith.constant 16 : index
      %get3A_858 = tpu.vector_load %arg6[%get3A_856, %get3A_857] {strides = array<i32>} : memref<128x32xf32, #tpu.memory_space<vmem>>, vector<1x16xf32>,
      %get3A_859 = vector.shape_cast %get3A_858 : vector<1x16xf32> to vector<16xf32>
      %add3A_860 = arith.addf %add3A_836, %get3A_859 : vector<16xf32>
      %get3A_861 = arith.constant 66 : i32
      %get3A_862 = arith.index_cast %get3A_861 : i32 to index
      %get3A_863 = arith.constant 0 : index
      %get3A_864 = tpu.vector_load %arg6[%get3A_862, %get3A_863] {strides = array<i32>} : memref<128x32xf32, #tpu.memory_space<vmem>>, vector<1x16xf32>,
      %get3A_865 = vector.shape_cast %get3A_864 : vector<1x16xf32> to vector<16xf32>
      %add3A_866 = arith.addf %add3A_842, %get3A_865 : vector<16xf32>
      %get3A_867 = arith.constant 66 : i32
      %get3A_868 = arith.index_cast %get3A_867 : i32 to index
      %get3A_869 = arith.constant 16 : index
      %get3A_870 = tpu.vector_load %arg6[%get3A_868, %get3A_869] {strides = array<i32>} : memref<128x32xf32, #tpu.memory_space<vmem>>, vector<1x16xf32>,
      %get3A_871 = vector.shape_cast %get3A_870 : vector<1x16xf32> to vector<16xf32>
      %add3A_872 = arith.addf %add3A_848, %get3A_871 : vector<16xf32>
      %get3A_873 = arith.constant 67 : i32
      %get3A_874 = arith.index_cast %get3A_873 : i32 to index
      %get3A_875 = arith.constant 0 : index
      %get3A_876 = tpu.vector_load %arg6[%get3A_874, %get3A_875] {strides = array<i32>} : memref<128x32xf32, #tpu.memory_space<vmem>>, vector<1x16xf32>,
      %get3A_877 = vector.shape_cast %get3A_876 : vector<1x16xf32> to vector<16xf32>
      %add3A_878 = arith.addf %add3A_854, %get3A_877 : vector<16xf32>
      %get3A_879 = arith.constant 67 : i32
      %get3A_880 = arith.index_cast %get3A_879 : i32 to index
      %get3A_881 = arith.constant 16 : index
      %get3A_882 = tpu.vector_load %arg6[%get3A_880, %get3A_881] {strides = array<i32>} : memref<128x32xf32, #tpu.memory_space<vmem>>, vector<1x16xf32>,
      %get3A_883 = vector.shape_cast %get3A_882 : vector<1x16xf32> to vector<16xf32>
      %add3A_884 = arith.addf %add3A_860, %get3A_883 : vector<16xf32>
      %get3A_885 = arith.constant 68 : i32
      %get3A_886 = arith.index_cast %get3A_885 : i32 to index
      %get3A_887 = arith.constant 0 : index
      %get3A_888 = tpu.vector_load %arg6[%get3A_886, %get3A_887] {strides = array<i32>} : memref<128x32xf32, #tpu.memory_space<vmem>>, vector<1x16xf32>,
      %get3A_889 = vector.shape_cast %get3A_888 : vector<1x16xf32> to vector<16xf32>
      %add3A_890 = arith.addf %add3A_866, %get3A_889 : vector<16xf32>
      %get3A_891 = arith.constant 68 : i32
      %get3A_892 = arith.index_cast %get3A_891 : i32 to index
      %get3A_893 = arith.constant 16 : index
      %get3A_894 = tpu.vector_load %arg6[%get3A_892, %get3A_893] {strides = array<i32>} : memref<128x32xf32, #tpu.memory_space<vmem>>, vector<1x16xf32>,
      %get3A_895 = vector.shape_cast %get3A_894 : vector<1x16xf32> to vector<16xf32>
      %add3A_896 = arith.addf %add3A_872, %get3A_895 : vector<16xf32>
      %get3A_897 = arith.constant 69 : i32
      %get3A_898 = arith.index_cast %get3A_897 : i32 to index
      %get3A_899 = arith.constant 0 : index
      %get3A_900 = tpu.vector_load %arg6[%get3A_898, %get3A_899] {strides = array<i32>} : memref<128x32xf32, #tpu.memory_space<vmem>>, vector<1x16xf32>,
      %get3A_901 = vector.shape_cast %get3A_900 : vector<1x16xf32> to vector<16xf32>
      %add3A_902 = arith.addf %add3A_878, %get3A_901 : vector<16xf32>
      %get3A_903 = arith.constant 69 : i32
      %get3A_904 = arith.index_cast %get3A_903 : i32 to index
      %get3A_905 = arith.constant 16 : index
      %get3A_906 = tpu.vector_load %arg6[%get3A_904, %get3A_905] {strides = array<i32>} : memref<128x32xf32, #tpu.memory_space<vmem>>, vector<1x16xf32>,
      %get3A_907 = vector.shape_cast %get3A_906 : vector<1x16xf32> to vector<16xf32>
      %add3A_908 = arith.addf %add3A_884, %get3A_907 : vector<16xf32>
      %get3A_909 = arith.constant 70 : i32
      %get3A_910 = arith.index_cast %get3A_909 : i32 to index
      %get3A_911 = arith.constant 0 : index
      %get3A_912 = tpu.vector_load %arg6[%get3A_910, %get3A_911] {strides = array<i32>} : memref<128x32xf32, #tpu.memory_space<vmem>>, vector<1x16xf32>,
      %get3A_913 = vector.shape_cast %get3A_912 : vector<1x16xf32> to vector<16xf32>
      %add3A_914 = arith.addf %add3A_890, %get3A_913 : vector<16xf32>
      %get3A_915 = arith.constant 70 : i32
      %get3A_916 = arith.index_cast %get3A_915 : i32 to index
      %get3A_917 = arith.constant 16 : index
      %get3A_918 = tpu.vector_load %arg6[%get3A_916, %get3A_917] {strides = array<i32>} : memref<128x32xf32, #tpu.memory_space<vmem>>, vector<1x16xf32>,
      %get3A_919 = vector.shape_cast %get3A_918 : vector<1x16xf32> to vector<16xf32>
      %add3A_920 = arith.addf %add3A_896, %get3A_919 : vector<16xf32>
      %get3A_921 = arith.constant 71 : i32
      %get3A_922 = arith.index_cast %get3A_921 : i32 to index
      %get3A_923 = arith.constant 0 : index
      %get3A_924 = tpu.vector_load %arg6[%get3A_922, %get3A_923] {strides = array<i32>} : memref<128x32xf32, #tpu.memory_space<vmem>>, vector<1x16xf32>,
      %get3A_925 = vector.shape_cast %get3A_924 : vector<1x16xf32> to vector<16xf32>
      %add3A_926 = arith.addf %add3A_902, %get3A_925 : vector<16xf32>
      %get3A_927 = arith.constant 71 : i32
      %get3A_928 = arith.index_cast %get3A_927 : i32 to index
      %get3A_929 = arith.constant 16 : index
      %get3A_930 = tpu.vector_load %arg6[%get3A_928, %get3A_929] {strides = array<i32>} : memref<128x32xf32, #tpu.memory_space<vmem>>, vector<1x16xf32>,
      %get3A_931 = vector.shape_cast %get3A_930 : vector<1x16xf32> to vector<16xf32>
      %add3A_932 = arith.addf %add3A_908, %get3A_931 : vector<16xf32>
      %get3A_933 = arith.constant 72 : i32
      %get3A_934 = arith.index_cast %get3A_933 : i32 to index
      %get3A_935 = arith.constant 0 : index
      %get3A_936 = tpu.vector_load %arg6[%get3A_934, %get3A_935] {strides = array<i32>} : memref<128x32xf32, #tpu.memory_space<vmem>>, vector<1x16xf32>,
      %get3A_937 = vector.shape_cast %get3A_936 : vector<1x16xf32> to vector<16xf32>
      %add3A_938 = arith.addf %add3A_914, %get3A_937 : vector<16xf32>
      %get3A_939 = arith.constant 72 : i32
      %get3A_940 = arith.index_cast %get3A_939 : i32 to index
      %get3A_941 = arith.constant 16 : index
      %get3A_942 = tpu.vector_load %arg6[%get3A_940, %get3A_941] {strides = array<i32>} : memref<128x32xf32, #tpu.memory_space<vmem>>, vector<1x16xf32>,
      %get3A_943 = vector.shape_cast %get3A_942 : vector<1x16xf32> to vector<16xf32>
      %add3A_944 = arith.addf %add3A_920, %get3A_943 : vector<16xf32>
      %get3A_945 = arith.constant 73 : i32
      %get3A_946 = arith.index_cast %get3A_945 : i32 to index
      %get3A_947 = arith.constant 0 : index
      %get3A_948 = tpu.vector_load %arg6[%get3A_946, %get3A_947] {strides = array<i32>} : memref<128x32xf32, #tpu.memory_space<vmem>>, vector<1x16xf32>,
      %get3A_949 = vector.shape_cast %get3A_948 : vector<1x16xf32> to vector<16xf32>
      %add3A_950 = arith.addf %add3A_926, %get3A_949 : vector<16xf32>
      %get3A_951 = arith.constant 73 : i32
      %get3A_952 = arith.index_cast %get3A_951 : i32 to index
      %get3A_953 = arith.constant 16 : index
      %get3A_954 = tpu.vector_load %arg6[%get3A_952, %get3A_953] {strides = array<i32>} : memref<128x32xf32, #tpu.memory_space<vmem>>, vector<1x16xf32>,
      %get3A_955 = vector.shape_cast %get3A_954 : vector<1x16xf32> to vector<16xf32>
      %add3A_956 = arith.addf %add3A_932, %get3A_955 : vector<16xf32>
      %get3A_957 = arith.constant 74 : i32
      %get3A_958 = arith.index_cast %get3A_957 : i32 to index
      %get3A_959 = arith.constant 0 : index
      %get3A_960 = tpu.vector_load %arg6[%get3A_958, %get3A_959] {strides = array<i32>} : memref<128x32xf32, #tpu.memory_space<vmem>>, vector<1x16xf32>,
      %get3A_961 = vector.shape_cast %get3A_960 : vector<1x16xf32> to vector<16xf32>
      %add3A_962 = arith.addf %add3A_938, %get3A_961 : vector<16xf32>
      %get3A_963 = arith.constant 74 : i32
      %get3A_964 = arith.index_cast %get3A_963 : i32 to index
      %get3A_965 = arith.constant 16 : index
      %get3A_966 = tpu.vector_load %arg6[%get3A_964, %get3A_965] {strides = array<i32>} : memref<128x32xf32, #tpu.memory_space<vmem>>, vector<1x16xf32>,
      %get3A_967 = vector.shape_cast %get3A_966 : vector<1x16xf32> to vector<16xf32>
      %add3A_968 = arith.addf %add3A_944, %get3A_967 : vector<16xf32>
      %get3A_969 = arith.constant 75 : i32
      %get3A_970 = arith.index_cast %get3A_969 : i32 to index
      %get3A_971 = arith.constant 0 : index
      %get3A_972 = tpu.vector_load %arg6[%get3A_970, %get3A_971] {strides = array<i32>} : memref<128x32xf32, #tpu.memory_space<vmem>>, vector<1x16xf32>,
      %get3A_973 = vector.shape_cast %get3A_972 : vector<1x16xf32> to vector<16xf32>
      %add3A_974 = arith.addf %add3A_950, %get3A_973 : vector<16xf32>
      %get3A_975 = arith.constant 75 : i32
      %get3A_976 = arith.index_cast %get3A_975 : i32 to index
      %get3A_977 = arith.constant 16 : index
      %get3A_978 = tpu.vector_load %arg6[%get3A_976, %get3A_977] {strides = array<i32>} : memref<128x32xf32, #tpu.memory_space<vmem>>, vector<1x16xf32>,
      %get3A_979 = vector.shape_cast %get3A_978 : vector<1x16xf32> to vector<16xf32>
      %add3A_980 = arith.addf %add3A_956, %get3A_979 : vector<16xf32>
      %get3A_981 = arith.constant 76 : i32
      %get3A_982 = arith.index_cast %get3A_981 : i32 to index
      %get3A_983 = arith.constant 0 : index
      %get3A_984 = tpu.vector_load %arg6[%get3A_982, %get3A_983] {strides = array<i32>} : memref<128x32xf32, #tpu.memory_space<vmem>>, vector<1x16xf32>,
      %get3A_985 = vector.shape_cast %get3A_984 : vector<1x16xf32> to vector<16xf32>
      %add3A_986 = arith.addf %add3A_962, %get3A_985 : vector<16xf32>
      %get3A_987 = arith.constant 76 : i32
      %get3A_988 = arith.index_cast %get3A_987 : i32 to index
      %get3A_989 = arith.constant 16 : index
      %get3A_990 = tpu.vector_load %arg6[%get3A_988, %get3A_989] {strides = array<i32>} : memref<128x32xf32, #tpu.memory_space<vmem>>, vector<1x16xf32>,
      %get3A_991 = vector.shape_cast %get3A_990 : vector<1x16xf32> to vector<16xf32>
      %add3A_992 = arith.addf %add3A_968, %get3A_991 : vector<16xf32>
      %get3A_993 = arith.constant 77 : i32
      %get3A_994 = arith.index_cast %get3A_993 : i32 to index
      %get3A_995 = arith.constant 0 : index
      %get3A_996 = tpu.vector_load %arg6[%get3A_994, %get3A_995] {strides = array<i32>} : memref<128x32xf32, #tpu.memory_space<vmem>>, vector<1x16xf32>,
      %get3A_997 = vector.shape_cast %get3A_996 : vector<1x16xf32> to vector<16xf32>
      %add3A_998 = arith.addf %add3A_974, %get3A_997 : vector<16xf32>
      %get3A_999 = arith.constant 77 : i32
      %get3A_1000 = arith.index_cast %get3A_999 : i32 to index
      %get3A_1001 = arith.constant 16 : index
      %get3A_1002 = tpu.vector_load %arg6[%get3A_1000, %get3A_1001] {strides = array<i32>} : memref<128x32xf32, #tpu.memory_space<vmem>>, vector<1x16xf32>,
      %get3A_1003 = vector.shape_cast %get3A_1002 : vector<1x16xf32> to vector<16xf32>
      %add3A_1004 = arith.addf %add3A_980, %get3A_1003 : vector<16xf32>
      %get3A_1005 = arith.constant 78 : i32
      %get3A_1006 = arith.index_cast %get3A_1005 : i32 to index
      %get3A_1007 = arith.constant 0 : index
      %get3A_1008 = tpu.vector_load %arg6[%get3A_1006, %get3A_1007] {strides = array<i32>} : memref<128x32xf32, #tpu.memory_space<vmem>>, vector<1x16xf32>,
      %get3A_1009 = vector.shape_cast %get3A_1008 : vector<1x16xf32> to vector<16xf32>
      %add3A_1010 = arith.addf %add3A_986, %get3A_1009 : vector<16xf32>
      %get3A_1011 = arith.constant 78 : i32
      %get3A_1012 = arith.index_cast %get3A_1011 : i32 to index
      %get3A_1013 = arith.constant 16 : index
      %get3A_1014 = tpu.vector_load %arg6[%get3A_1012, %get3A_1013] {strides = array<i32>} : memref<128x32xf32, #tpu.memory_space<vmem>>, vector<1x16xf32>,
      %get3A_1015 = vector.shape_cast %get3A_1014 : vector<1x16xf32> to vector<16xf32>
      %add3A_1016 = arith.addf %add3A_992, %get3A_1015 : vector<16xf32>
      %get3A_1017 = arith.constant 79 : i32
      %get3A_1018 = arith.index_cast %get3A_1017 : i32 to index
      %get3A_1019 = arith.constant 0 : index
      %get3A_1020 = tpu.vector_load %arg6[%get3A_1018, %get3A_1019] {strides = array<i32>} : memref<128x32xf32, #tpu.memory_space<vmem>>, vector<1x16xf32>,
      %get3A_1021 = vector.shape_cast %get3A_1020 : vector<1x16xf32> to vector<16xf32>
      %add3A_1022 = arith.addf %add3A_998, %get3A_1021 : vector<16xf32>
      %get3A_1023 = arith.constant 79 : i32
      %get3A_1024 = arith.index_cast %get3A_1023 : i32 to index
      %get3A_1025 = arith.constant 16 : index
      %get3A_1026 = tpu.vector_load %arg6[%get3A_1024, %get3A_1025] {strides = array<i32>} : memref<128x32xf32, #tpu.memory_space<vmem>>, vector<1x16xf32>,
      %get3A_1027 = vector.shape_cast %get3A_1026 : vector<1x16xf32> to vector<16xf32>
      %add3A_1028 = arith.addf %add3A_1004, %get3A_1027 : vector<16xf32>
      %get3A_1029 = arith.constant 80 : i32
      %get3A_1030 = arith.index_cast %get3A_1029 : i32 to index
      %get3A_1031 = arith.constant 0 : index
      %get3A_1032 = tpu.vector_load %arg6[%get3A_1030, %get3A_1031] {strides = array<i32>} : memref<128x32xf32, #tpu.memory_space<vmem>>, vector<1x16xf32>,
      %get3A_1033 = vector.shape_cast %get3A_1032 : vector<1x16xf32> to vector<16xf32>
      %add3A_1034 = arith.addf %add3A_1010, %get3A_1033 : vector<16xf32>
      %get3A_1035 = arith.constant 80 : i32
      %get3A_1036 = arith.index_cast %get3A_1035 : i32 to index
      %get3A_1037 = arith.constant 16 : index
      %get3A_1038 = tpu.vector_load %arg6[%get3A_1036, %get3A_1037] {strides = array<i32>} : memref<128x32xf32, #tpu.memory_space<vmem>>, vector<1x16xf32>,
      %get3A_1039 = vector.shape_cast %get3A_1038 : vector<1x16xf32> to vector<16xf32>
      %add3A_1040 = arith.addf %add3A_1016, %get3A_1039 : vector<16xf32>
      %get3A_1041 = arith.constant 81 : i32
      %get3A_1042 = arith.index_cast %get3A_1041 : i32 to index
      %get3A_1043 = arith.constant 0 : index
      %get3A_1044 = tpu.vector_load %arg6[%get3A_1042, %get3A_1043] {strides = array<i32>} : memref<128x32xf32, #tpu.memory_space<vmem>>, vector<1x16xf32>,
      %get3A_1045 = vector.shape_cast %get3A_1044 : vector<1x16xf32> to vector<16xf32>
      %add3A_1046 = arith.addf %add3A_1022, %get3A_1045 : vector<16xf32>
      %get3A_1047 = arith.constant 81 : i32
      %get3A_1048 = arith.index_cast %get3A_1047 : i32 to index
      %get3A_1049 = arith.constant 16 : index
      %get3A_1050 = tpu.vector_load %arg6[%get3A_1048, %get3A_1049] {strides = array<i32>} : memref<128x32xf32, #tpu.memory_space<vmem>>, vector<1x16xf32>,
      %get3A_1051 = vector.shape_cast %get3A_1050 : vector<1x16xf32> to vector<16xf32>
      %add3A_1052 = arith.addf %add3A_1028, %get3A_1051 : vector<16xf32>
      %get3A_1053 = arith.constant 82 : i32
      %get3A_1054 = arith.index_cast %get3A_1053 : i32 to index
      %get3A_1055 = arith.constant 0 : index
      %get3A_1056 = tpu.vector_load %arg6[%get3A_1054, %get3A_1055] {strides = array<i32>} : memref<128x32xf32, #tpu.memory_space<vmem>>, vector<1x16xf32>,
      %get3A_1057 = vector.shape_cast %get3A_1056 : vector<1x16xf32> to vector<16xf32>
      %add3A_1058 = arith.addf %add3A_1034, %get3A_1057 : vector<16xf32>
      %get3A_1059 = arith.constant 82 : i32
      %get3A_1060 = arith.index_cast %get3A_1059 : i32 to index
      %get3A_1061 = arith.constant 16 : index
      %get3A_1062 = tpu.vector_load %arg6[%get3A_1060, %get3A_1061] {strides = array<i32>} : memref<128x32xf32, #tpu.memory_space<vmem>>, vector<1x16xf32>,
      %get3A_1063 = vector.shape_cast %get3A_1062 : vector<1x16xf32> to vector<16xf32>
      %add3A_1064 = arith.addf %add3A_1040, %get3A_1063 : vector<16xf32>
      %get3A_1065 = arith.constant 83 : i32
      %get3A_1066 = arith.index_cast %get3A_1065 : i32 to index
      %get3A_1067 = arith.constant 0 : index
      %get3A_1068 = tpu.vector_load %arg6[%get3A_1066, %get3A_1067] {strides = array<i32>} : memref<128x32xf32, #tpu.memory_space<vmem>>, vector<1x16xf32>,
      %get3A_1069 = vector.shape_cast %get3A_1068 : vector<1x16xf32> to vector<16xf32>
      %add3A_1070 = arith.addf %add3A_1046, %get3A_1069 : vector<16xf32>
      %get3A_1071 = arith.constant 83 : i32
      %get3A_1072 = arith.index_cast %get3A_1071 : i32 to index
      %get3A_1073 = arith.constant 16 : index
      %get3A_1074 = tpu.vector_load %arg6[%get3A_1072, %get3A_1073] {strides = array<i32>} : memref<128x32xf32, #tpu.memory_space<vmem>>, vector<1x16xf32>,
      %get3A_1075 = vector.shape_cast %get3A_1074 : vector<1x16xf32> to vector<16xf32>
      %add3A_1076 = arith.addf %add3A_1052, %get3A_1075 : vector<16xf32>
      %get3A_1077 = arith.constant 84 : i32
      %get3A_1078 = arith.index_cast %get3A_1077 : i32 to index
      %get3A_1079 = arith.constant 0 : index
      %get3A_1080 = tpu.vector_load %arg6[%get3A_1078, %get3A_1079] {strides = array<i32>} : memref<128x32xf32, #tpu.memory_space<vmem>>, vector<1x16xf32>,
      %get3A_1081 = vector.shape_cast %get3A_1080 : vector<1x16xf32> to vector<16xf32>
      %add3A_1082 = arith.addf %add3A_1058, %get3A_1081 : vector<16xf32>
      %get3A_1083 = arith.constant 84 : i32
      %get3A_1084 = arith.index_cast %get3A_1083 : i32 to index
      %get3A_1085 = arith.constant 16 : index
      %get3A_1086 = tpu.vector_load %arg6[%get3A_1084, %get3A_1085] {strides = array<i32>} : memref<128x32xf32, #tpu.memory_space<vmem>>, vector<1x16xf32>,
      %get3A_1087 = vector.shape_cast %get3A_1086 : vector<1x16xf32> to vector<16xf32>
      %add3A_1088 = arith.addf %add3A_1064, %get3A_1087 : vector<16xf32>
      %get3A_1089 = arith.constant 85 : i32
      %get3A_1090 = arith.index_cast %get3A_1089 : i32 to index
      %get3A_1091 = arith.constant 0 : index
      %get3A_1092 = tpu.vector_load %arg6[%get3A_1090, %get3A_1091] {strides = array<i32>} : memref<128x32xf32, #tpu.memory_space<vmem>>, vector<1x16xf32>,
      %get3A_1093 = vector.shape_cast %get3A_1092 : vector<1x16xf32> to vector<16xf32>
      %add3A_1094 = arith.addf %add3A_1070, %get3A_1093 : vector<16xf32>
      %get3A_1095 = arith.constant 85 : i32
      %get3A_1096 = arith.index_cast %get3A_1095 : i32 to index
      %get3A_1097 = arith.constant 16 : index
      %get3A_1098 = tpu.vector_load %arg6[%get3A_1096, %get3A_1097] {strides = array<i32>} : memref<128x32xf32, #tpu.memory_space<vmem>>, vector<1x16xf32>,
      %get3A_1099 = vector.shape_cast %get3A_1098 : vector<1x16xf32> to vector<16xf32>
      %add3A_1100 = arith.addf %add3A_1076, %get3A_1099 : vector<16xf32>
      %get3A_1101 = arith.constant 86 : i32
      %get3A_1102 = arith.index_cast %get3A_1101 : i32 to index
      %get3A_1103 = arith.constant 0 : index
      %get3A_1104 = tpu.vector_load %arg6[%get3A_1102, %get3A_1103] {strides = array<i32>} : memref<128x32xf32, #tpu.memory_space<vmem>>, vector<1x16xf32>,
      %get3A_1105 = vector.shape_cast %get3A_1104 : vector<1x16xf32> to vector<16xf32>
      %add3A_1106 = arith.addf %add3A_1082, %get3A_1105 : vector<16xf32>
      %get3A_1107 = arith.constant 86 : i32
      %get3A_1108 = arith.index_cast %get3A_1107 : i32 to index
      %get3A_1109 = arith.constant 16 : index
      %get3A_1110 = tpu.vector_load %arg6[%get3A_1108, %get3A_1109] {strides = array<i32>} : memref<128x32xf32, #tpu.memory_space<vmem>>, vector<1x16xf32>,
      %get3A_1111 = vector.shape_cast %get3A_1110 : vector<1x16xf32> to vector<16xf32>
      %add3A_1112 = arith.addf %add3A_1088, %get3A_1111 : vector<16xf32>
      %get3A_1113 = arith.constant 87 : i32
      %get3A_1114 = arith.index_cast %get3A_1113 : i32 to index
      %get3A_1115 = arith.constant 0 : index
      %get3A_1116 = tpu.vector_load %arg6[%get3A_1114, %get3A_1115] {strides = array<i32>} : memref<128x32xf32, #tpu.memory_space<vmem>>, vector<1x16xf32>,
      %get3A_1117 = vector.shape_cast %get3A_1116 : vector<1x16xf32> to vector<16xf32>
      %add3A_1118 = arith.addf %add3A_1094, %get3A_1117 : vector<16xf32>
      %get3A_1119 = arith.constant 87 : i32
      %get3A_1120 = arith.index_cast %get3A_1119 : i32 to index
      %get3A_1121 = arith.constant 16 : index
      %get3A_1122 = tpu.vector_load %arg6[%get3A_1120, %get3A_1121] {strides = array<i32>} : memref<128x32xf32, #tpu.memory_space<vmem>>, vector<1x16xf32>,
      %get3A_1123 = vector.shape_cast %get3A_1122 : vector<1x16xf32> to vector<16xf32>
      %add3A_1124 = arith.addf %add3A_1100, %get3A_1123 : vector<16xf32>
      %get3A_1125 = arith.constant 88 : i32
      %get3A_1126 = arith.index_cast %get3A_1125 : i32 to index
      %get3A_1127 = arith.constant 0 : index
      %get3A_1128 = tpu.vector_load %arg6[%get3A_1126, %get3A_1127] {strides = array<i32>} : memref<128x32xf32, #tpu.memory_space<vmem>>, vector<1x16xf32>,
      %get3A_1129 = vector.shape_cast %get3A_1128 : vector<1x16xf32> to vector<16xf32>
      %add3A_1130 = arith.addf %add3A_1106, %get3A_1129 : vector<16xf32>
      %get3A_1131 = arith.constant 88 : i32
      %get3A_1132 = arith.index_cast %get3A_1131 : i32 to index
      %get3A_1133 = arith.constant 16 : index
      %get3A_1134 = tpu.vector_load %arg6[%get3A_1132, %get3A_1133] {strides = array<i32>} : memref<128x32xf32, #tpu.memory_space<vmem>>, vector<1x16xf32>,
      %get3A_1135 = vector.shape_cast %get3A_1134 : vector<1x16xf32> to vector<16xf32>
      %add3A_1136 = arith.addf %add3A_1112, %get3A_1135 : vector<16xf32>
      %get3A_1137 = arith.constant 89 : i32
      %get3A_1138 = arith.index_cast %get3A_1137 : i32 to index
      %get3A_1139 = arith.constant 0 : index
      %get3A_1140 = tpu.vector_load %arg6[%get3A_1138, %get3A_1139] {strides = array<i32>} : memref<128x32xf32, #tpu.memory_space<vmem>>, vector<1x16xf32>,
      %get3A_1141 = vector.shape_cast %get3A_1140 : vector<1x16xf32> to vector<16xf32>
      %add3A_1142 = arith.addf %add3A_1118, %get3A_1141 : vector<16xf32>
      %get3A_1143 = arith.constant 89 : i32
      %get3A_1144 = arith.index_cast %get3A_1143 : i32 to index
      %get3A_1145 = arith.constant 16 : index
      %get3A_1146 = tpu.vector_load %arg6[%get3A_1144, %get3A_1145] {strides = array<i32>} : memref<128x32xf32, #tpu.memory_space<vmem>>, vector<1x16xf32>,
      %get3A_1147 = vector.shape_cast %get3A_1146 : vector<1x16xf32> to vector<16xf32>
      %add3A_1148 = arith.addf %add3A_1124, %get3A_1147 : vector<16xf32>
      %get3A_1149 = arith.constant 90 : i32
      %get3A_1150 = arith.index_cast %get3A_1149 : i32 to index
      %get3A_1151 = arith.constant 0 : index
      %get3A_1152 = tpu.vector_load %arg6[%get3A_1150, %get3A_1151] {strides = array<i32>} : memref<128x32xf32, #tpu.memory_space<vmem>>, vector<1x16xf32>,
      %get3A_1153 = vector.shape_cast %get3A_1152 : vector<1x16xf32> to vector<16xf32>
      %add3A_1154 = arith.addf %add3A_1130, %get3A_1153 : vector<16xf32>
      %get3A_1155 = arith.constant 90 : i32
      %get3A_1156 = arith.index_cast %get3A_1155 : i32 to index
      %get3A_1157 = arith.constant 16 : index
      %get3A_1158 = tpu.vector_load %arg6[%get3A_1156, %get3A_1157] {strides = array<i32>} : memref<128x32xf32, #tpu.memory_space<vmem>>, vector<1x16xf32>,
      %get3A_1159 = vector.shape_cast %get3A_1158 : vector<1x16xf32> to vector<16xf32>
      %add3A_1160 = arith.addf %add3A_1136, %get3A_1159 : vector<16xf32>
      %get3A_1161 = arith.constant 91 : i32
      %get3A_1162 = arith.index_cast %get3A_1161 : i32 to index
      %get3A_1163 = arith.constant 0 : index
      %get3A_1164 = tpu.vector_load %arg6[%get3A_1162, %get3A_1163] {strides = array<i32>} : memref<128x32xf32, #tpu.memory_space<vmem>>, vector<1x16xf32>,
      %get3A_1165 = vector.shape_cast %get3A_1164 : vector<1x16xf32> to vector<16xf32>
      %add3A_1166 = arith.addf %add3A_1142, %get3A_1165 : vector<16xf32>
      %get3A_1167 = arith.constant 91 : i32
      %get3A_1168 = arith.index_cast %get3A_1167 : i32 to index
      %get3A_1169 = arith.constant 16 : index
      %get3A_1170 = tpu.vector_load %arg6[%get3A_1168, %get3A_1169] {strides = array<i32>} : memref<128x32xf32, #tpu.memory_space<vmem>>, vector<1x16xf32>,
      %get3A_1171 = vector.shape_cast %get3A_1170 : vector<1x16xf32> to vector<16xf32>
      %add3A_1172 = arith.addf %add3A_1148, %get3A_1171 : vector<16xf32>
      %get3A_1173 = arith.constant 92 : i32
      %get3A_1174 = arith.index_cast %get3A_1173 : i32 to index
      %get3A_1175 = arith.constant 0 : index
      %get3A_1176 = tpu.vector_load %arg6[%get3A_1174, %get3A_1175] {strides = array<i32>} : memref<128x32xf32, #tpu.memory_space<vmem>>, vector<1x16xf32>,
      %get3A_1177 = vector.shape_cast %get3A_1176 : vector<1x16xf32> to vector<16xf32>
      %add3A_1178 = arith.addf %add3A_1154, %get3A_1177 : vector<16xf32>
      %get3A_1179 = arith.constant 92 : i32
      %get3A_1180 = arith.index_cast %get3A_1179 : i32 to index
      %get3A_1181 = arith.constant 16 : index
      %get3A_1182 = tpu.vector_load %arg6[%get3A_1180, %get3A_1181] {strides = array<i32>} : memref<128x32xf32, #tpu.memory_space<vmem>>, vector<1x16xf32>,
      %get3A_1183 = vector.shape_cast %get3A_1182 : vector<1x16xf32> to vector<16xf32>
      %add3A_1184 = arith.addf %add3A_1160, %get3A_1183 : vector<16xf32>
      %get3A_1185 = arith.constant 93 : i32
      %get3A_1186 = arith.index_cast %get3A_1185 : i32 to index
      %get3A_1187 = arith.constant 0 : index
      %get3A_1188 = tpu.vector_load %arg6[%get3A_1186, %get3A_1187] {strides = array<i32>} : memref<128x32xf32, #tpu.memory_space<vmem>>, vector<1x16xf32>,
      %get3A_1189 = vector.shape_cast %get3A_1188 : vector<1x16xf32> to vector<16xf32>
      %add3A_1190 = arith.addf %add3A_1166, %get3A_1189 : vector<16xf32>
      %get3A_1191 = arith.constant 93 : i32
      %get3A_1192 = arith.index_cast %get3A_1191 : i32 to index
      %get3A_1193 = arith.constant 16 : index
      %get3A_1194 = tpu.vector_load %arg6[%get3A_1192, %get3A_1193] {strides = array<i32>} : memref<128x32xf32, #tpu.memory_space<vmem>>, vector<1x16xf32>,
      %get3A_1195 = vector.shape_cast %get3A_1194 : vector<1x16xf32> to vector<16xf32>
      %add3A_1196 = arith.addf %add3A_1172, %get3A_1195 : vector<16xf32>
      %get3A_1197 = arith.constant 94 : i32
      %get3A_1198 = arith.index_cast %get3A_1197 : i32 to index
      %get3A_1199 = arith.constant 0 : index
      %get3A_1200 = tpu.vector_load %arg6[%get3A_1198, %get3A_1199] {strides = array<i32>} : memref<128x32xf32, #tpu.memory_space<vmem>>, vector<1x16xf32>,
      %get3A_1201 = vector.shape_cast %get3A_1200 : vector<1x16xf32> to vector<16xf32>
      %add3A_1202 = arith.addf %add3A_1178, %get3A_1201 : vector<16xf32>
      %get3A_1203 = arith.constant 94 : i32
      %get3A_1204 = arith.index_cast %get3A_1203 : i32 to index
      %get3A_1205 = arith.constant 16 : index
      %get3A_1206 = tpu.vector_load %arg6[%get3A_1204, %get3A_1205] {strides = array<i32>} : memref<128x32xf32, #tpu.memory_space<vmem>>, vector<1x16xf32>,
      %get3A_1207 = vector.shape_cast %get3A_1206 : vector<1x16xf32> to vector<16xf32>
      %add3A_1208 = arith.addf %add3A_1184, %get3A_1207 : vector<16xf32>
      %get3A_1209 = arith.constant 95 : i32
      %get3A_1210 = arith.index_cast %get3A_1209 : i32 to index
      %get3A_1211 = arith.constant 0 : index
      %get3A_1212 = tpu.vector_load %arg6[%get3A_1210, %get3A_1211] {strides = array<i32>} : memref<128x32xf32, #tpu.memory_space<vmem>>, vector<1x16xf32>,
      %get3A_1213 = vector.shape_cast %get3A_1212 : vector<1x16xf32> to vector<16xf32>
      %add3A_1214 = arith.addf %add3A_1190, %get3A_1213 : vector<16xf32>
      %get3A_1215 = arith.constant 95 : i32
      %get3A_1216 = arith.index_cast %get3A_1215 : i32 to index
      %get3A_1217 = arith.constant 16 : index
      %get3A_1218 = tpu.vector_load %arg6[%get3A_1216, %get3A_1217] {strides = array<i32>} : memref<128x32xf32, #tpu.memory_space<vmem>>, vector<1x16xf32>,
      %get3A_1219 = vector.shape_cast %get3A_1218 : vector<1x16xf32> to vector<16xf32>
      %add3A_1220 = arith.addf %add3A_1196, %get3A_1219 : vector<16xf32>
      %get3A_1221 = arith.constant 96 : i32
      %get3A_1222 = arith.index_cast %get3A_1221 : i32 to index
      %get3A_1223 = arith.constant 0 : index
      %get3A_1224 = tpu.vector_load %arg6[%get3A_1222, %get3A_1223] {strides = array<i32>} : memref<128x32xf32, #tpu.memory_space<vmem>>, vector<1x16xf32>,
      %get3A_1225 = vector.shape_cast %get3A_1224 : vector<1x16xf32> to vector<16xf32>
      %add3A_1226 = arith.addf %add3A_1202, %get3A_1225 : vector<16xf32>
      %get3A_1227 = arith.constant 96 : i32
      %get3A_1228 = arith.index_cast %get3A_1227 : i32 to index
      %get3A_1229 = arith.constant 16 : index
      %get3A_1230 = tpu.vector_load %arg6[%get3A_1228, %get3A_1229] {strides = array<i32>} : memref<128x32xf32, #tpu.memory_space<vmem>>, vector<1x16xf32>,
      %get3A_1231 = vector.shape_cast %get3A_1230 : vector<1x16xf32> to vector<16xf32>
      %add3A_1232 = arith.addf %add3A_1208, %get3A_1231 : vector<16xf32>
      %get3A_1233 = arith.constant 97 : i32
      %get3A_1234 = arith.index_cast %get3A_1233 : i32 to index
      %get3A_1235 = arith.constant 0 : index
      %get3A_1236 = tpu.vector_load %arg6[%get3A_1234, %get3A_1235] {strides = array<i32>} : memref<128x32xf32, #tpu.memory_space<vmem>>, vector<1x16xf32>,
      %get3A_1237 = vector.shape_cast %get3A_1236 : vector<1x16xf32> to vector<16xf32>
      %add3A_1238 = arith.addf %add3A_1214, %get3A_1237 : vector<16xf32>
      %get3A_1239 = arith.constant 97 : i32
      %get3A_1240 = arith.index_cast %get3A_1239 : i32 to index
      %get3A_1241 = arith.constant 16 : index
      %get3A_1242 = tpu.vector_load %arg6[%get3A_1240, %get3A_1241] {strides = array<i32>} : memref<128x32xf32, #tpu.memory_space<vmem>>, vector<1x16xf32>,
      %get3A_1243 = vector.shape_cast %get3A_1242 : vector<1x16xf32> to vector<16xf32>
      %add3A_1244 = arith.addf %add3A_1220, %get3A_1243 : vector<16xf32>
      %get3A_1245 = arith.constant 98 : i32
      %get3A_1246 = arith.index_cast %get3A_1245 : i32 to index
      %get3A_1247 = arith.constant 0 : index
      %get3A_1248 = tpu.vector_load %arg6[%get3A_1246, %get3A_1247] {strides = array<i32>} : memref<128x32xf32, #tpu.memory_space<vmem>>, vector<1x16xf32>,
      %get3A_1249 = vector.shape_cast %get3A_1248 : vector<1x16xf32> to vector<16xf32>
      %add3A_1250 = arith.addf %add3A_1226, %get3A_1249 : vector<16xf32>
      %get3A_1251 = arith.constant 98 : i32
      %get3A_1252 = arith.index_cast %get3A_1251 : i32 to index
      %get3A_1253 = arith.constant 16 : index
      %get3A_1254 = tpu.vector_load %arg6[%get3A_1252, %get3A_1253] {strides = array<i32>} : memref<128x32xf32, #tpu.memory_space<vmem>>, vector<1x16xf32>,
      %get3A_1255 = vector.shape_cast %get3A_1254 : vector<1x16xf32> to vector<16xf32>
      %add3A_1256 = arith.addf %add3A_1232, %get3A_1255 : vector<16xf32>
      %get3A_1257 = arith.constant 99 : i32
      %get3A_1258 = arith.index_cast %get3A_1257 : i32 to index
      %get3A_1259 = arith.constant 0 : index
      %get3A_1260 = tpu.vector_load %arg6[%get3A_1258, %get3A_1259] {strides = array<i32>} : memref<128x32xf32, #tpu.memory_space<vmem>>, vector<1x16xf32>,
      %get3A_1261 = vector.shape_cast %get3A_1260 : vector<1x16xf32> to vector<16xf32>
      %add3A_1262 = arith.addf %add3A_1238, %get3A_1261 : vector<16xf32>
      %get3A_1263 = arith.constant 99 : i32
      %get3A_1264 = arith.index_cast %get3A_1263 : i32 to index
      %get3A_1265 = arith.constant 16 : index
      %get3A_1266 = tpu.vector_load %arg6[%get3A_1264, %get3A_1265] {strides = array<i32>} : memref<128x32xf32, #tpu.memory_space<vmem>>, vector<1x16xf32>,
      %get3A_1267 = vector.shape_cast %get3A_1266 : vector<1x16xf32> to vector<16xf32>
      %add3A_1268 = arith.addf %add3A_1244, %get3A_1267 : vector<16xf32>
      %get3A_1269 = arith.constant 100 : i32
      %get3A_1270 = arith.index_cast %get3A_1269 : i32 to index
      %get3A_1271 = arith.constant 0 : index
      %get3A_1272 = tpu.vector_load %arg6[%get3A_1270, %get3A_1271] {strides = array<i32>} : memref<128x32xf32, #tpu.memory_space<vmem>>, vector<1x16xf32>,
      %get3A_1273 = vector.shape_cast %get3A_1272 : vector<1x16xf32> to vector<16xf32>
      %add3A_1274 = arith.addf %add3A_1250, %get3A_1273 : vector<16xf32>
      %get3A_1275 = arith.constant 100 : i32
      %get3A_1276 = arith.index_cast %get3A_1275 : i32 to index
      %get3A_1277 = arith.constant 16 : index
      %get3A_1278 = tpu.vector_load %arg6[%get3A_1276, %get3A_1277] {strides = array<i32>} : memref<128x32xf32, #tpu.memory_space<vmem>>, vector<1x16xf32>,
      %get3A_1279 = vector.shape_cast %get3A_1278 : vector<1x16xf32> to vector<16xf32>
      %add3A_1280 = arith.addf %add3A_1256, %get3A_1279 : vector<16xf32>
      %get3A_1281 = arith.constant 101 : i32
      %get3A_1282 = arith.index_cast %get3A_1281 : i32 to index
      %get3A_1283 = arith.constant 0 : index
      %get3A_1284 = tpu.vector_load %arg6[%get3A_1282, %get3A_1283] {strides = array<i32>} : memref<128x32xf32, #tpu.memory_space<vmem>>, vector<1x16xf32>,
      %get3A_1285 = vector.shape_cast %get3A_1284 : vector<1x16xf32> to vector<16xf32>
      %add3A_1286 = arith.addf %add3A_1262, %get3A_1285 : vector<16xf32>
      %get3A_1287 = arith.constant 101 : i32
      %get3A_1288 = arith.index_cast %get3A_1287 : i32 to index
      %get3A_1289 = arith.constant 16 : index
      %get3A_1290 = tpu.vector_load %arg6[%get3A_1288, %get3A_1289] {strides = array<i32>} : memref<128x32xf32, #tpu.memory_space<vmem>>, vector<1x16xf32>,
      %get3A_1291 = vector.shape_cast %get3A_1290 : vector<1x16xf32> to vector<16xf32>
      %add3A_1292 = arith.addf %add3A_1268, %get3A_1291 : vector<16xf32>
      %get3A_1293 = arith.constant 102 : i32
      %get3A_1294 = arith.index_cast %get3A_1293 : i32 to index
      %get3A_1295 = arith.constant 0 : index
      %get3A_1296 = tpu.vector_load %arg6[%get3A_1294, %get3A_1295] {strides = array<i32>} : memref<128x32xf32, #tpu.memory_space<vmem>>, vector<1x16xf32>,
      %get3A_1297 = vector.shape_cast %get3A_1296 : vector<1x16xf32> to vector<16xf32>
      %add3A_1298 = arith.addf %add3A_1274, %get3A_1297 : vector<16xf32>
      %get3A_1299 = arith.constant 102 : i32
      %get3A_1300 = arith.index_cast %get3A_1299 : i32 to index
      %get3A_1301 = arith.constant 16 : index
      %get3A_1302 = tpu.vector_load %arg6[%get3A_1300, %get3A_1301] {strides = array<i32>} : memref<128x32xf32, #tpu.memory_space<vmem>>, vector<1x16xf32>,
      %get3A_1303 = vector.shape_cast %get3A_1302 : vector<1x16xf32> to vector<16xf32>
      %add3A_1304 = arith.addf %add3A_1280, %get3A_1303 : vector<16xf32>
      %get3A_1305 = arith.constant 103 : i32
      %get3A_1306 = arith.index_cast %get3A_1305 : i32 to index
      %get3A_1307 = arith.constant 0 : index
      %get3A_1308 = tpu.vector_load %arg6[%get3A_1306, %get3A_1307] {strides = array<i32>} : memref<128x32xf32, #tpu.memory_space<vmem>>, vector<1x16xf32>,
      %get3A_1309 = vector.shape_cast %get3A_1308 : vector<1x16xf32> to vector<16xf32>
      %add3A_1310 = arith.addf %add3A_1286, %get3A_1309 : vector<16xf32>
      %get3A_1311 = arith.constant 103 : i32
      %get3A_1312 = arith.index_cast %get3A_1311 : i32 to index
      %get3A_1313 = arith.constant 16 : index
      %get3A_1314 = tpu.vector_load %arg6[%get3A_1312, %get3A_1313] {strides = array<i32>} : memref<128x32xf32, #tpu.memory_space<vmem>>, vector<1x16xf32>,
      %get3A_1315 = vector.shape_cast %get3A_1314 : vector<1x16xf32> to vector<16xf32>
      %add3A_1316 = arith.addf %add3A_1292, %get3A_1315 : vector<16xf32>
      %get3A_1317 = arith.constant 104 : i32
      %get3A_1318 = arith.index_cast %get3A_1317 : i32 to index
      %get3A_1319 = arith.constant 0 : index
      %get3A_1320 = tpu.vector_load %arg6[%get3A_1318, %get3A_1319] {strides = array<i32>} : memref<128x32xf32, #tpu.memory_space<vmem>>, vector<1x16xf32>,
      %get3A_1321 = vector.shape_cast %get3A_1320 : vector<1x16xf32> to vector<16xf32>
      %add3A_1322 = arith.addf %add3A_1298, %get3A_1321 : vector<16xf32>
      %get3A_1323 = arith.constant 104 : i32
      %get3A_1324 = arith.index_cast %get3A_1323 : i32 to index
      %get3A_1325 = arith.constant 16 : index
      %get3A_1326 = tpu.vector_load %arg6[%get3A_1324, %get3A_1325] {strides = array<i32>} : memref<128x32xf32, #tpu.memory_space<vmem>>, vector<1x16xf32>,
      %get3A_1327 = vector.shape_cast %get3A_1326 : vector<1x16xf32> to vector<16xf32>
      %add3A_1328 = arith.addf %add3A_1304, %get3A_1327 : vector<16xf32>
      %get3A_1329 = arith.constant 105 : i32
      %get3A_1330 = arith.index_cast %get3A_1329 : i32 to index
      %get3A_1331 = arith.constant 0 : index
      %get3A_1332 = tpu.vector_load %arg6[%get3A_1330, %get3A_1331] {strides = array<i32>} : memref<128x32xf32, #tpu.memory_space<vmem>>, vector<1x16xf32>,
      %get3A_1333 = vector.shape_cast %get3A_1332 : vector<1x16xf32> to vector<16xf32>
      %add3A_1334 = arith.addf %add3A_1310, %get3A_1333 : vector<16xf32>
      %get3A_1335 = arith.constant 105 : i32
      %get3A_1336 = arith.index_cast %get3A_1335 : i32 to index
      %get3A_1337 = arith.constant 16 : index
      %get3A_1338 = tpu.vector_load %arg6[%get3A_1336, %get3A_1337] {strides = array<i32>} : memref<128x32xf32, #tpu.memory_space<vmem>>, vector<1x16xf32>,
      %get3A_1339 = vector.shape_cast %get3A_1338 : vector<1x16xf32> to vector<16xf32>
      %add3A_1340 = arith.addf %add3A_1316, %get3A_1339 : vector<16xf32>
      %get3A_1341 = arith.constant 106 : i32
      %get3A_1342 = arith.index_cast %get3A_1341 : i32 to index
      %get3A_1343 = arith.constant 0 : index
      %get3A_1344 = tpu.vector_load %arg6[%get3A_1342, %get3A_1343] {strides = array<i32>} : memref<128x32xf32, #tpu.memory_space<vmem>>, vector<1x16xf32>,
      %get3A_1345 = vector.shape_cast %get3A_1344 : vector<1x16xf32> to vector<16xf32>
      %add3A_1346 = arith.addf %add3A_1322, %get3A_1345 : vector<16xf32>
      %get3A_1347 = arith.constant 106 : i32
      %get3A_1348 = arith.index_cast %get3A_1347 : i32 to index
      %get3A_1349 = arith.constant 16 : index
      %get3A_1350 = tpu.vector_load %arg6[%get3A_1348, %get3A_1349] {strides = array<i32>} : memref<128x32xf32, #tpu.memory_space<vmem>>, vector<1x16xf32>,
      %get3A_1351 = vector.shape_cast %get3A_1350 : vector<1x16xf32> to vector<16xf32>
      %add3A_1352 = arith.addf %add3A_1328, %get3A_1351 : vector<16xf32>
      %get3A_1353 = arith.constant 107 : i32
      %get3A_1354 = arith.index_cast %get3A_1353 : i32 to index
      %get3A_1355 = arith.constant 0 : index
      %get3A_1356 = tpu.vector_load %arg6[%get3A_1354, %get3A_1355] {strides = array<i32>} : memref<128x32xf32, #tpu.memory_space<vmem>>, vector<1x16xf32>,
      %get3A_1357 = vector.shape_cast %get3A_1356 : vector<1x16xf32> to vector<16xf32>
      %add3A_1358 = arith.addf %add3A_1334, %get3A_1357 : vector<16xf32>
      %get3A_1359 = arith.constant 107 : i32
      %get3A_1360 = arith.index_cast %get3A_1359 : i32 to index
      %get3A_1361 = arith.constant 16 : index
      %get3A_1362 = tpu.vector_load %arg6[%get3A_1360, %get3A_1361] {strides = array<i32>} : memref<128x32xf32, #tpu.memory_space<vmem>>, vector<1x16xf32>,
      %get3A_1363 = vector.shape_cast %get3A_1362 : vector<1x16xf32> to vector<16xf32>
      %add3A_1364 = arith.addf %add3A_1340, %get3A_1363 : vector<16xf32>
      %get3A_1365 = arith.constant 108 : i32
      %get3A_1366 = arith.index_cast %get3A_1365 : i32 to index
      %get3A_1367 = arith.constant 0 : index
      %get3A_1368 = tpu.vector_load %arg6[%get3A_1366, %get3A_1367] {strides = array<i32>} : memref<128x32xf32, #tpu.memory_space<vmem>>, vector<1x16xf32>,
      %get3A_1369 = vector.shape_cast %get3A_1368 : vector<1x16xf32> to vector<16xf32>
      %add3A_1370 = arith.addf %add3A_1346, %get3A_1369 : vector<16xf32>
      %get3A_1371 = arith.constant 108 : i32
      %get3A_1372 = arith.index_cast %get3A_1371 : i32 to index
      %get3A_1373 = arith.constant 16 : index
      %get3A_1374 = tpu.vector_load %arg6[%get3A_1372, %get3A_1373] {strides = array<i32>} : memref<128x32xf32, #tpu.memory_space<vmem>>, vector<1x16xf32>,
      %get3A_1375 = vector.shape_cast %get3A_1374 : vector<1x16xf32> to vector<16xf32>
      %add3A_1376 = arith.addf %add3A_1352, %get3A_1375 : vector<16xf32>
      %get3A_1377 = arith.constant 109 : i32
      %get3A_1378 = arith.index_cast %get3A_1377 : i32 to index
      %get3A_1379 = arith.constant 0 : index
      %get3A_1380 = tpu.vector_load %arg6[%get3A_1378, %get3A_1379] {strides = array<i32>} : memref<128x32xf32, #tpu.memory_space<vmem>>, vector<1x16xf32>,
      %get3A_1381 = vector.shape_cast %get3A_1380 : vector<1x16xf32> to vector<16xf32>
      %add3A_1382 = arith.addf %add3A_1358, %get3A_1381 : vector<16xf32>
      %get3A_1383 = arith.constant 109 : i32
      %get3A_1384 = arith.index_cast %get3A_1383 : i32 to index
      %get3A_1385 = arith.constant 16 : index
      %get3A_1386 = tpu.vector_load %arg6[%get3A_1384, %get3A_1385] {strides = array<i32>} : memref<128x32xf32, #tpu.memory_space<vmem>>, vector<1x16xf32>,
      %get3A_1387 = vector.shape_cast %get3A_1386 : vector<1x16xf32> to vector<16xf32>
      %add3A_1388 = arith.addf %add3A_1364, %get3A_1387 : vector<16xf32>
      %get3A_1389 = arith.constant 110 : i32
      %get3A_1390 = arith.index_cast %get3A_1389 : i32 to index
      %get3A_1391 = arith.constant 0 : index
      %get3A_1392 = tpu.vector_load %arg6[%get3A_1390, %get3A_1391] {strides = array<i32>} : memref<128x32xf32, #tpu.memory_space<vmem>>, vector<1x16xf32>,
      %get3A_1393 = vector.shape_cast %get3A_1392 : vector<1x16xf32> to vector<16xf32>
      %add3A_1394 = arith.addf %add3A_1370, %get3A_1393 : vector<16xf32>
      %get3A_1395 = arith.constant 110 : i32
      %get3A_1396 = arith.index_cast %get3A_1395 : i32 to index
      %get3A_1397 = arith.constant 16 : index
      %get3A_1398 = tpu.vector_load %arg6[%get3A_1396, %get3A_1397] {strides = array<i32>} : memref<128x32xf32, #tpu.memory_space<vmem>>, vector<1x16xf32>,
      %get3A_1399 = vector.shape_cast %get3A_1398 : vector<1x16xf32> to vector<16xf32>
      %add3A_1400 = arith.addf %add3A_1376, %get3A_1399 : vector<16xf32>
      %get3A_1401 = arith.constant 111 : i32
      %get3A_1402 = arith.index_cast %get3A_1401 : i32 to index
      %get3A_1403 = arith.constant 0 : index
      %get3A_1404 = tpu.vector_load %arg6[%get3A_1402, %get3A_1403] {strides = array<i32>} : memref<128x32xf32, #tpu.memory_space<vmem>>, vector<1x16xf32>,
      %get3A_1405 = vector.shape_cast %get3A_1404 : vector<1x16xf32> to vector<16xf32>
      %add3A_1406 = arith.addf %add3A_1382, %get3A_1405 : vector<16xf32>
      %get3A_1407 = arith.constant 111 : i32
      %get3A_1408 = arith.index_cast %get3A_1407 : i32 to index
      %get3A_1409 = arith.constant 16 : index
      %get3A_1410 = tpu.vector_load %arg6[%get3A_1408, %get3A_1409] {strides = array<i32>} : memref<128x32xf32, #tpu.memory_space<vmem>>, vector<1x16xf32>,
      %get3A_1411 = vector.shape_cast %get3A_1410 : vector<1x16xf32> to vector<16xf32>
      %add3A_1412 = arith.addf %add3A_1388, %get3A_1411 : vector<16xf32>
      %get3A_1413 = arith.constant 112 : i32
      %get3A_1414 = arith.index_cast %get3A_1413 : i32 to index
      %get3A_1415 = arith.constant 0 : index
      %get3A_1416 = tpu.vector_load %arg6[%get3A_1414, %get3A_1415] {strides = array<i32>} : memref<128x32xf32, #tpu.memory_space<vmem>>, vector<1x16xf32>,
      %get3A_1417 = vector.shape_cast %get3A_1416 : vector<1x16xf32> to vector<16xf32>
      %add3A_1418 = arith.addf %add3A_1394, %get3A_1417 : vector<16xf32>
      %get3A_1419 = arith.constant 112 : i32
      %get3A_1420 = arith.index_cast %get3A_1419 : i32 to index
      %get3A_1421 = arith.constant 16 : index
      %get3A_1422 = tpu.vector_load %arg6[%get3A_1420, %get3A_1421] {strides = array<i32>} : memref<128x32xf32, #tpu.memory_space<vmem>>, vector<1x16xf32>,
      %get3A_1423 = vector.shape_cast %get3A_1422 : vector<1x16xf32> to vector<16xf32>
      %add3A_1424 = arith.addf %add3A_1400, %get3A_1423 : vector<16xf32>
      %get3A_1425 = arith.constant 113 : i32
      %get3A_1426 = arith.index_cast %get3A_1425 : i32 to index
      %get3A_1427 = arith.constant 0 : index
      %get3A_1428 = tpu.vector_load %arg6[%get3A_1426, %get3A_1427] {strides = array<i32>} : memref<128x32xf32, #tpu.memory_space<vmem>>, vector<1x16xf32>,
      %get3A_1429 = vector.shape_cast %get3A_1428 : vector<1x16xf32> to vector<16xf32>
      %add3A_1430 = arith.addf %add3A_1406, %get3A_1429 : vector<16xf32>
      %get3A_1431 = arith.constant 113 : i32
      %get3A_1432 = arith.index_cast %get3A_1431 : i32 to index
      %get3A_1433 = arith.constant 16 : index
      %get3A_1434 = tpu.vector_load %arg6[%get3A_1432, %get3A_1433] {strides = array<i32>} : memref<128x32xf32, #tpu.memory_space<vmem>>, vector<1x16xf32>,
      %get3A_1435 = vector.shape_cast %get3A_1434 : vector<1x16xf32> to vector<16xf32>
      %add3A_1436 = arith.addf %add3A_1412, %get3A_1435 : vector<16xf32>
      %get3A_1437 = arith.constant 114 : i32
      %get3A_1438 = arith.index_cast %get3A_1437 : i32 to index
      %get3A_1439 = arith.constant 0 : index
      %get3A_1440 = tpu.vector_load %arg6[%get3A_1438, %get3A_1439] {strides = array<i32>} : memref<128x32xf32, #tpu.memory_space<vmem>>, vector<1x16xf32>,
      %get3A_1441 = vector.shape_cast %get3A_1440 : vector<1x16xf32> to vector<16xf32>
      %add3A_1442 = arith.addf %add3A_1418, %get3A_1441 : vector<16xf32>
      %get3A_1443 = arith.constant 114 : i32
      %get3A_1444 = arith.index_cast %get3A_1443 : i32 to index
      %get3A_1445 = arith.constant 16 : index
      %get3A_1446 = tpu.vector_load %arg6[%get3A_1444, %get3A_1445] {strides = array<i32>} : memref<128x32xf32, #tpu.memory_space<vmem>>, vector<1x16xf32>,
      %get3A_1447 = vector.shape_cast %get3A_1446 : vector<1x16xf32> to vector<16xf32>
      %add3A_1448 = arith.addf %add3A_1424, %get3A_1447 : vector<16xf32>
      %get3A_1449 = arith.constant 115 : i32
      %get3A_1450 = arith.index_cast %get3A_1449 : i32 to index
      %get3A_1451 = arith.constant 0 : index
      %get3A_1452 = tpu.vector_load %arg6[%get3A_1450, %get3A_1451] {strides = array<i32>} : memref<128x32xf32, #tpu.memory_space<vmem>>, vector<1x16xf32>,
      %get3A_1453 = vector.shape_cast %get3A_1452 : vector<1x16xf32> to vector<16xf32>
      %add3A_1454 = arith.addf %add3A_1430, %get3A_1453 : vector<16xf32>
      %get3A_1455 = arith.constant 115 : i32
      %get3A_1456 = arith.index_cast %get3A_1455 : i32 to index
      %get3A_1457 = arith.constant 16 : index
      %get3A_1458 = tpu.vector_load %arg6[%get3A_1456, %get3A_1457] {strides = array<i32>} : memref<128x32xf32, #tpu.memory_space<vmem>>, vector<1x16xf32>,
      %get3A_1459 = vector.shape_cast %get3A_1458 : vector<1x16xf32> to vector<16xf32>
      %add3A_1460 = arith.addf %add3A_1436, %get3A_1459 : vector<16xf32>
      %get3A_1461 = arith.constant 116 : i32
      %get3A_1462 = arith.index_cast %get3A_1461 : i32 to index
      %get3A_1463 = arith.constant 0 : index
      %get3A_1464 = tpu.vector_load %arg6[%get3A_1462, %get3A_1463] {strides = array<i32>} : memref<128x32xf32, #tpu.memory_space<vmem>>, vector<1x16xf32>,
      %get3A_1465 = vector.shape_cast %get3A_1464 : vector<1x16xf32> to vector<16xf32>
      %add3A_1466 = arith.addf %add3A_1442, %get3A_1465 : vector<16xf32>
      %get3A_1467 = arith.constant 116 : i32
      %get3A_1468 = arith.index_cast %get3A_1467 : i32 to index
      %get3A_1469 = arith.constant 16 : index
      %get3A_1470 = tpu.vector_load %arg6[%get3A_1468, %get3A_1469] {strides = array<i32>} : memref<128x32xf32, #tpu.memory_space<vmem>>, vector<1x16xf32>,
      %get3A_1471 = vector.shape_cast %get3A_1470 : vector<1x16xf32> to vector<16xf32>
      %add3A_1472 = arith.addf %add3A_1448, %get3A_1471 : vector<16xf32>
      %get3A_1473 = arith.constant 117 : i32
      %get3A_1474 = arith.index_cast %get3A_1473 : i32 to index
      %get3A_1475 = arith.constant 0 : index
      %get3A_1476 = tpu.vector_load %arg6[%get3A_1474, %get3A_1475] {strides = array<i32>} : memref<128x32xf32, #tpu.memory_space<vmem>>, vector<1x16xf32>,
      %get3A_1477 = vector.shape_cast %get3A_1476 : vector<1x16xf32> to vector<16xf32>
      %add3A_1478 = arith.addf %add3A_1454, %get3A_1477 : vector<16xf32>
      %get3A_1479 = arith.constant 117 : i32
      %get3A_1480 = arith.index_cast %get3A_1479 : i32 to index
      %get3A_1481 = arith.constant 16 : index
      %get3A_1482 = tpu.vector_load %arg6[%get3A_1480, %get3A_1481] {strides = array<i32>} : memref<128x32xf32, #tpu.memory_space<vmem>>, vector<1x16xf32>,
      %get3A_1483 = vector.shape_cast %get3A_1482 : vector<1x16xf32> to vector<16xf32>
      %add3A_1484 = arith.addf %add3A_1460, %get3A_1483 : vector<16xf32>
      %get3A_1485 = arith.constant 118 : i32
      %get3A_1486 = arith.index_cast %get3A_1485 : i32 to index
      %get3A_1487 = arith.constant 0 : index
      %get3A_1488 = tpu.vector_load %arg6[%get3A_1486, %get3A_1487] {strides = array<i32>} : memref<128x32xf32, #tpu.memory_space<vmem>>, vector<1x16xf32>,
      %get3A_1489 = vector.shape_cast %get3A_1488 : vector<1x16xf32> to vector<16xf32>
      %add3A_1490 = arith.addf %add3A_1466, %get3A_1489 : vector<16xf32>
      %get3A_1491 = arith.constant 118 : i32
      %get3A_1492 = arith.index_cast %get3A_1491 : i32 to index
      %get3A_1493 = arith.constant 16 : index
      %get3A_1494 = tpu.vector_load %arg6[%get3A_1492, %get3A_1493] {strides = array<i32>} : memref<128x32xf32, #tpu.memory_space<vmem>>, vector<1x16xf32>,
      %get3A_1495 = vector.shape_cast %get3A_1494 : vector<1x16xf32> to vector<16xf32>
      %add3A_1496 = arith.addf %add3A_1472, %get3A_1495 : vector<16xf32>
      %get3A_1497 = arith.constant 119 : i32
      %get3A_1498 = arith.index_cast %get3A_1497 : i32 to index
      %get3A_1499 = arith.constant 0 : index
      %get3A_1500 = tpu.vector_load %arg6[%get3A_1498, %get3A_1499] {strides = array<i32>} : memref<128x32xf32, #tpu.memory_space<vmem>>, vector<1x16xf32>,
      %get3A_1501 = vector.shape_cast %get3A_1500 : vector<1x16xf32> to vector<16xf32>
      %add3A_1502 = arith.addf %add3A_1478, %get3A_1501 : vector<16xf32>
      %get3A_1503 = arith.constant 119 : i32
      %get3A_1504 = arith.index_cast %get3A_1503 : i32 to index
      %get3A_1505 = arith.constant 16 : index
      %get3A_1506 = tpu.vector_load %arg6[%get3A_1504, %get3A_1505] {strides = array<i32>} : memref<128x32xf32, #tpu.memory_space<vmem>>, vector<1x16xf32>,
      %get3A_1507 = vector.shape_cast %get3A_1506 : vector<1x16xf32> to vector<16xf32>
      %add3A_1508 = arith.addf %add3A_1484, %get3A_1507 : vector<16xf32>
      %get3A_1509 = arith.constant 120 : i32
      %get3A_1510 = arith.index_cast %get3A_1509 : i32 to index
      %get3A_1511 = arith.constant 0 : index
      %get3A_1512 = tpu.vector_load %arg6[%get3A_1510, %get3A_1511] {strides = array<i32>} : memref<128x32xf32, #tpu.memory_space<vmem>>, vector<1x16xf32>,
      %get3A_1513 = vector.shape_cast %get3A_1512 : vector<1x16xf32> to vector<16xf32>
      %add3A_1514 = arith.addf %add3A_1490, %get3A_1513 : vector<16xf32>
      %get3A_1515 = arith.constant 120 : i32
      %get3A_1516 = arith.index_cast %get3A_1515 : i32 to index
      %get3A_1517 = arith.constant 16 : index
      %get3A_1518 = tpu.vector_load %arg6[%get3A_1516, %get3A_1517] {strides = array<i32>} : memref<128x32xf32, #tpu.memory_space<vmem>>, vector<1x16xf32>,
      %get3A_1519 = vector.shape_cast %get3A_1518 : vector<1x16xf32> to vector<16xf32>
      %add3A_1520 = arith.addf %add3A_1496, %get3A_1519 : vector<16xf32>
      %get3A_1521 = arith.constant 121 : i32
      %get3A_1522 = arith.index_cast %get3A_1521 : i32 to index
      %get3A_1523 = arith.constant 0 : index
      %get3A_1524 = tpu.vector_load %arg6[%get3A_1522, %get3A_1523] {strides = array<i32>} : memref<128x32xf32, #tpu.memory_space<vmem>>, vector<1x16xf32>,
      %get3A_1525 = vector.shape_cast %get3A_1524 : vector<1x16xf32> to vector<16xf32>
      %add3A_1526 = arith.addf %add3A_1502, %get3A_1525 : vector<16xf32>
      %get3A_1527 = arith.constant 121 : i32
      %get3A_1528 = arith.index_cast %get3A_1527 : i32 to index
      %get3A_1529 = arith.constant 16 : index
      %get3A_1530 = tpu.vector_load %arg6[%get3A_1528, %get3A_1529] {strides = array<i32>} : memref<128x32xf32, #tpu.memory_space<vmem>>, vector<1x16xf32>,
      %get3A_1531 = vector.shape_cast %get3A_1530 : vector<1x16xf32> to vector<16xf32>
      %add3A_1532 = arith.addf %add3A_1508, %get3A_1531 : vector<16xf32>
      %get3A_1533 = arith.constant 122 : i32
      %get3A_1534 = arith.index_cast %get3A_1533 : i32 to index
      %get3A_1535 = arith.constant 0 : index
      %get3A_1536 = tpu.vector_load %arg6[%get3A_1534, %get3A_1535] {strides = array<i32>} : memref<128x32xf32, #tpu.memory_space<vmem>>, vector<1x16xf32>,
      %get3A_1537 = vector.shape_cast %get3A_1536 : vector<1x16xf32> to vector<16xf32>
      %add3A_1538 = arith.addf %add3A_1514, %get3A_1537 : vector<16xf32>
      %get3A_1539 = arith.constant 122 : i32
      %get3A_1540 = arith.index_cast %get3A_1539 : i32 to index
      %get3A_1541 = arith.constant 16 : index
      %get3A_1542 = tpu.vector_load %arg6[%get3A_1540, %get3A_1541] {strides = array<i32>} : memref<128x32xf32, #tpu.memory_space<vmem>>, vector<1x16xf32>,
      %get3A_1543 = vector.shape_cast %get3A_1542 : vector<1x16xf32> to vector<16xf32>
      %add3A_1544 = arith.addf %add3A_1520, %get3A_1543 : vector<16xf32>
      %get3A_1545 = arith.constant 123 : i32
      %get3A_1546 = arith.index_cast %get3A_1545 : i32 to index
      %get3A_1547 = arith.constant 0 : index
      %get3A_1548 = tpu.vector_load %arg6[%get3A_1546, %get3A_1547] {strides = array<i32>} : memref<128x32xf32, #tpu.memory_space<vmem>>, vector<1x16xf32>,
      %get3A_1549 = vector.shape_cast %get3A_1548 : vector<1x16xf32> to vector<16xf32>
      %add3A_1550 = arith.addf %add3A_1526, %get3A_1549 : vector<16xf32>
      %get3A_1551 = arith.constant 123 : i32
      %get3A_1552 = arith.index_cast %get3A_1551 : i32 to index
      %get3A_1553 = arith.constant 16 : index
      %get3A_1554 = tpu.vector_load %arg6[%get3A_1552, %get3A_1553] {strides = array<i32>} : memref<128x32xf32, #tpu.memory_space<vmem>>, vector<1x16xf32>,
      %get3A_1555 = vector.shape_cast %get3A_1554 : vector<1x16xf32> to vector<16xf32>
      %add3A_1556 = arith.addf %add3A_1532, %get3A_1555 : vector<16xf32>
      %get3A_1557 = arith.constant 124 : i32
      %get3A_1558 = arith.index_cast %get3A_1557 : i32 to index
      %get3A_1559 = arith.constant 0 : index
      %get3A_1560 = tpu.vector_load %arg6[%get3A_1558, %get3A_1559] {strides = array<i32>} : memref<128x32xf32, #tpu.memory_space<vmem>>, vector<1x16xf32>,
      %get3A_1561 = vector.shape_cast %get3A_1560 : vector<1x16xf32> to vector<16xf32>
      %add3A_1562 = arith.addf %add3A_1538, %get3A_1561 : vector<16xf32>
      %get3A_1563 = arith.constant 124 : i32
      %get3A_1564 = arith.index_cast %get3A_1563 : i32 to index
      %get3A_1565 = arith.constant 16 : index
      %get3A_1566 = tpu.vector_load %arg6[%get3A_1564, %get3A_1565] {strides = array<i32>} : memref<128x32xf32, #tpu.memory_space<vmem>>, vector<1x16xf32>,
      %get3A_1567 = vector.shape_cast %get3A_1566 : vector<1x16xf32> to vector<16xf32>
      %add3A_1568 = arith.addf %add3A_1544, %get3A_1567 : vector<16xf32>
      %get3A_1569 = arith.constant 125 : i32
      %get3A_1570 = arith.index_cast %get3A_1569 : i32 to index
      %get3A_1571 = arith.constant 0 : index
      %get3A_1572 = tpu.vector_load %arg6[%get3A_1570, %get3A_1571] {strides = array<i32>} : memref<128x32xf32, #tpu.memory_space<vmem>>, vector<1x16xf32>,
      %get3A_1573 = vector.shape_cast %get3A_1572 : vector<1x16xf32> to vector<16xf32>
      %add3A_1574 = arith.addf %add3A_1550, %get3A_1573 : vector<16xf32>
      %get3A_1575 = arith.constant 125 : i32
      %get3A_1576 = arith.index_cast %get3A_1575 : i32 to index
      %get3A_1577 = arith.constant 16 : index
      %get3A_1578 = tpu.vector_load %arg6[%get3A_1576, %get3A_1577] {strides = array<i32>} : memref<128x32xf32, #tpu.memory_space<vmem>>, vector<1x16xf32>,
      %get3A_1579 = vector.shape_cast %get3A_1578 : vector<1x16xf32> to vector<16xf32>
      %add3A_1580 = arith.addf %add3A_1556, %get3A_1579 : vector<16xf32>
      %get3A_1581 = arith.constant 126 : i32
      %get3A_1582 = arith.index_cast %get3A_1581 : i32 to index
      %get3A_1583 = arith.constant 0 : index
      %get3A_1584 = tpu.vector_load %arg6[%get3A_1582, %get3A_1583] {strides = array<i32>} : memref<128x32xf32, #tpu.memory_space<vmem>>, vector<1x16xf32>,
      %get3A_1585 = vector.shape_cast %get3A_1584 : vector<1x16xf32> to vector<16xf32>
      %add3A_1586 = arith.addf %add3A_1562, %get3A_1585 : vector<16xf32>
      %get3A_1587 = arith.constant 126 : i32
      %get3A_1588 = arith.index_cast %get3A_1587 : i32 to index
      %get3A_1589 = arith.constant 16 : index
      %get3A_1590 = tpu.vector_load %arg6[%get3A_1588, %get3A_1589] {strides = array<i32>} : memref<128x32xf32, #tpu.memory_space<vmem>>, vector<1x16xf32>,
      %get3A_1591 = vector.shape_cast %get3A_1590 : vector<1x16xf32> to vector<16xf32>
      %add3A_1592 = arith.addf %add3A_1568, %get3A_1591 : vector<16xf32>
      %get3A_1593 = arith.constant 127 : i32
      %get3A_1594 = arith.index_cast %get3A_1593 : i32 to index
      %get3A_1595 = arith.constant 0 : index
      %get3A_1596 = tpu.vector_load %arg6[%get3A_1594, %get3A_1595] {strides = array<i32>} : memref<128x32xf32, #tpu.memory_space<vmem>>, vector<1x16xf32>,
      %get3A_1597 = vector.shape_cast %get3A_1596 : vector<1x16xf32> to vector<16xf32>
      %add3A_1598 = arith.addf %add3A_1574, %get3A_1597 : vector<16xf32>
      %get3A_1599 = arith.constant 127 : i32
      %get3A_1600 = arith.index_cast %get3A_1599 : i32 to index
      %get3A_1601 = arith.constant 16 : index
      %get3A_1602 = tpu.vector_load %arg6[%get3A_1600, %get3A_1601] {strides = array<i32>} : memref<128x32xf32, #tpu.memory_space<vmem>>, vector<1x16xf32>,
      %get3A_1603 = vector.shape_cast %get3A_1602 : vector<1x16xf32> to vector<16xf32>
      %add3A_1604 = arith.addf %add3A_1580, %get3A_1603 : vector<16xf32>
      %get3A_1605 = arith.constant 0 : i32
      %get3A_1606 = arith.index_cast %get3A_1605 : i32 to index
      %get3A_1607 = arith.constant 0 : index
      %get3A_1608 = tpu.vector_load %arg7[%get3A_1606, %get3A_1607] {strides = array<i32>} : memref<72x32xf32, #tpu.memory_space<vmem>>, vector<1x16xf32>,
      %get3A_1609 = vector.shape_cast %get3A_1608 : vector<1x16xf32> to vector<16xf32>
      %add3A_1610 = arith.addf %add3A_1586, %get3A_1609 : vector<16xf32>
      %get3A_1611 = arith.constant 0 : i32
      %get3A_1612 = arith.index_cast %get3A_1611 : i32 to index
      %get3A_1613 = arith.constant 16 : index
      %get3A_1614 = tpu.vector_load %arg7[%get3A_1612, %get3A_1613] {strides = array<i32>} : memref<72x32xf32, #tpu.memory_space<vmem>>, vector<1x16xf32>,
      %get3A_1615 = vector.shape_cast %get3A_1614 : vector<1x16xf32> to vector<16xf32>
      %add3A_1616 = arith.addf %add3A_1592, %get3A_1615 : vector<16xf32>
      %get3A_1617 = arith.constant 1 : i32
      %get3A_1618 = arith.index_cast %get3A_1617 : i32 to index
      %get3A_1619 = arith.constant 0 : index
      %get3A_1620 = tpu.vector_load %arg7[%get3A_1618, %get3A_1619] {strides = array<i32>} : memref<72x32xf32, #tpu.memory_space<vmem>>, vector<1x16xf32>,
      %get3A_1621 = vector.shape_cast %get3A_1620 : vector<1x16xf32> to vector<16xf32>
      %add3A_1622 = arith.addf %add3A_1598, %get3A_1621 : vector<16xf32>
      %get3A_1623 = arith.constant 1 : i32
      %get3A_1624 = arith.index_cast %get3A_1623 : i32 to index
      %get3A_1625 = arith.constant 16 : index
      %get3A_1626 = tpu.vector_load %arg7[%get3A_1624, %get3A_1625] {strides = array<i32>} : memref<72x32xf32, #tpu.memory_space<vmem>>, vector<1x16xf32>,
      %get3A_1627 = vector.shape_cast %get3A_1626 : vector<1x16xf32> to vector<16xf32>
      %add3A_1628 = arith.addf %add3A_1604, %get3A_1627 : vector<16xf32>
      %get3A_1629 = arith.constant 2 : i32
      %get3A_1630 = arith.index_cast %get3A_1629 : i32 to index
      %get3A_1631 = arith.constant 0 : index
      %get3A_1632 = tpu.vector_load %arg7[%get3A_1630, %get3A_1631] {strides = array<i32>} : memref<72x32xf32, #tpu.memory_space<vmem>>, vector<1x16xf32>,
      %get3A_1633 = vector.shape_cast %get3A_1632 : vector<1x16xf32> to vector<16xf32>
      %add3A_1634 = arith.addf %add3A_1610, %get3A_1633 : vector<16xf32>
      %get3A_1635 = arith.constant 2 : i32
      %get3A_1636 = arith.index_cast %get3A_1635 : i32 to index
      %get3A_1637 = arith.constant 16 : index
      %get3A_1638 = tpu.vector_load %arg7[%get3A_1636, %get3A_1637] {strides = array<i32>} : memref<72x32xf32, #tpu.memory_space<vmem>>, vector<1x16xf32>,
      %get3A_1639 = vector.shape_cast %get3A_1638 : vector<1x16xf32> to vector<16xf32>
      %add3A_1640 = arith.addf %add3A_1616, %get3A_1639 : vector<16xf32>
      %get3A_1641 = arith.constant 3 : i32
      %get3A_1642 = arith.index_cast %get3A_1641 : i32 to index
      %get3A_1643 = arith.constant 0 : index
      %get3A_1644 = tpu.vector_load %arg7[%get3A_1642, %get3A_1643] {strides = array<i32>} : memref<72x32xf32, #tpu.memory_space<vmem>>, vector<1x16xf32>,
      %get3A_1645 = vector.shape_cast %get3A_1644 : vector<1x16xf32> to vector<16xf32>
      %add3A_1646 = arith.addf %add3A_1622, %get3A_1645 : vector<16xf32>
      %get3A_1647 = arith.constant 3 : i32
      %get3A_1648 = arith.index_cast %get3A_1647 : i32 to index
      %get3A_1649 = arith.constant 16 : index
      %get3A_1650 = tpu.vector_load %arg7[%get3A_1648, %get3A_1649] {strides = array<i32>} : memref<72x32xf32, #tpu.memory_space<vmem>>, vector<1x16xf32>,
      %get3A_1651 = vector.shape_cast %get3A_1650 : vector<1x16xf32> to vector<16xf32>
      %add3A_1652 = arith.addf %add3A_1628, %get3A_1651 : vector<16xf32>
      %get3A_1653 = arith.constant 4 : i32
      %get3A_1654 = arith.index_cast %get3A_1653 : i32 to index
      %get3A_1655 = arith.constant 0 : index
      %get3A_1656 = tpu.vector_load %arg7[%get3A_1654, %get3A_1655] {strides = array<i32>} : memref<72x32xf32, #tpu.memory_space<vmem>>, vector<1x16xf32>,
      %get3A_1657 = vector.shape_cast %get3A_1656 : vector<1x16xf32> to vector<16xf32>
      %add3A_1658 = arith.addf %add3A_1634, %get3A_1657 : vector<16xf32>
      %get3A_1659 = arith.constant 4 : i32
      %get3A_1660 = arith.index_cast %get3A_1659 : i32 to index
      %get3A_1661 = arith.constant 16 : index
      %get3A_1662 = tpu.vector_load %arg7[%get3A_1660, %get3A_1661] {strides = array<i32>} : memref<72x32xf32, #tpu.memory_space<vmem>>, vector<1x16xf32>,
      %get3A_1663 = vector.shape_cast %get3A_1662 : vector<1x16xf32> to vector<16xf32>
      %add3A_1664 = arith.addf %add3A_1640, %get3A_1663 : vector<16xf32>
      %get3A_1665 = arith.constant 5 : i32
      %get3A_1666 = arith.index_cast %get3A_1665 : i32 to index
      %get3A_1667 = arith.constant 0 : index
      %get3A_1668 = tpu.vector_load %arg7[%get3A_1666, %get3A_1667] {strides = array<i32>} : memref<72x32xf32, #tpu.memory_space<vmem>>, vector<1x16xf32>,
      %get3A_1669 = vector.shape_cast %get3A_1668 : vector<1x16xf32> to vector<16xf32>
      %add3A_1670 = arith.addf %add3A_1646, %get3A_1669 : vector<16xf32>
      %get3A_1671 = arith.constant 5 : i32
      %get3A_1672 = arith.index_cast %get3A_1671 : i32 to index
      %get3A_1673 = arith.constant 16 : index
      %get3A_1674 = tpu.vector_load %arg7[%get3A_1672, %get3A_1673] {strides = array<i32>} : memref<72x32xf32, #tpu.memory_space<vmem>>, vector<1x16xf32>,
      %get3A_1675 = vector.shape_cast %get3A_1674 : vector<1x16xf32> to vector<16xf32>
      %add3A_1676 = arith.addf %add3A_1652, %get3A_1675 : vector<16xf32>
      %get3A_1677 = arith.constant 6 : i32
      %get3A_1678 = arith.index_cast %get3A_1677 : i32 to index
      %get3A_1679 = arith.constant 0 : index
      %get3A_1680 = tpu.vector_load %arg7[%get3A_1678, %get3A_1679] {strides = array<i32>} : memref<72x32xf32, #tpu.memory_space<vmem>>, vector<1x16xf32>,
      %get3A_1681 = vector.shape_cast %get3A_1680 : vector<1x16xf32> to vector<16xf32>
      %add3A_1682 = arith.addf %add3A_1658, %get3A_1681 : vector<16xf32>
      %get3A_1683 = arith.constant 6 : i32
      %get3A_1684 = arith.index_cast %get3A_1683 : i32 to index
      %get3A_1685 = arith.constant 16 : index
      %get3A_1686 = tpu.vector_load %arg7[%get3A_1684, %get3A_1685] {strides = array<i32>} : memref<72x32xf32, #tpu.memory_space<vmem>>, vector<1x16xf32>,
      %get3A_1687 = vector.shape_cast %get3A_1686 : vector<1x16xf32> to vector<16xf32>
      %add3A_1688 = arith.addf %add3A_1664, %get3A_1687 : vector<16xf32>
      %get3A_1689 = arith.constant 7 : i32
      %get3A_1690 = arith.index_cast %get3A_1689 : i32 to index
      %get3A_1691 = arith.constant 0 : index
      %get3A_1692 = tpu.vector_load %arg7[%get3A_1690, %get3A_1691] {strides = array<i32>} : memref<72x32xf32, #tpu.memory_space<vmem>>, vector<1x16xf32>,
      %get3A_1693 = vector.shape_cast %get3A_1692 : vector<1x16xf32> to vector<16xf32>
      %add3A_1694 = arith.addf %add3A_1670, %get3A_1693 : vector<16xf32>
      %get3A_1695 = arith.constant 7 : i32
      %get3A_1696 = arith.index_cast %get3A_1695 : i32 to index
      %get3A_1697 = arith.constant 16 : index
      %get3A_1698 = tpu.vector_load %arg7[%get3A_1696, %get3A_1697] {strides = array<i32>} : memref<72x32xf32, #tpu.memory_space<vmem>>, vector<1x16xf32>,
      %get3A_1699 = vector.shape_cast %get3A_1698 : vector<1x16xf32> to vector<16xf32>
      %add3A_1700 = arith.addf %add3A_1676, %get3A_1699 : vector<16xf32>
      %get3A_1701 = arith.constant 8 : i32
      %get3A_1702 = arith.index_cast %get3A_1701 : i32 to index
      %get3A_1703 = arith.constant 0 : index
      %get3A_1704 = tpu.vector_load %arg7[%get3A_1702, %get3A_1703] {strides = array<i32>} : memref<72x32xf32, #tpu.memory_space<vmem>>, vector<1x16xf32>,
      %get3A_1705 = vector.shape_cast %get3A_1704 : vector<1x16xf32> to vector<16xf32>
      %add3A_1706 = arith.addf %add3A_1682, %get3A_1705 : vector<16xf32>
      %get3A_1707 = arith.constant 8 : i32
      %get3A_1708 = arith.index_cast %get3A_1707 : i32 to index
      %get3A_1709 = arith.constant 16 : index
      %get3A_1710 = tpu.vector_load %arg7[%get3A_1708, %get3A_1709] {strides = array<i32>} : memref<72x32xf32, #tpu.memory_space<vmem>>, vector<1x16xf32>,
      %get3A_1711 = vector.shape_cast %get3A_1710 : vector<1x16xf32> to vector<16xf32>
      %add3A_1712 = arith.addf %add3A_1688, %get3A_1711 : vector<16xf32>
      %get3A_1713 = arith.constant 9 : i32
      %get3A_1714 = arith.index_cast %get3A_1713 : i32 to index
      %get3A_1715 = arith.constant 0 : index
      %get3A_1716 = tpu.vector_load %arg7[%get3A_1714, %get3A_1715] {strides = array<i32>} : memref<72x32xf32, #tpu.memory_space<vmem>>, vector<1x16xf32>,
      %get3A_1717 = vector.shape_cast %get3A_1716 : vector<1x16xf32> to vector<16xf32>
      %add3A_1718 = arith.addf %add3A_1694, %get3A_1717 : vector<16xf32>
      %get3A_1719 = arith.constant 9 : i32
      %get3A_1720 = arith.index_cast %get3A_1719 : i32 to index
      %get3A_1721 = arith.constant 16 : index
      %get3A_1722 = tpu.vector_load %arg7[%get3A_1720, %get3A_1721] {strides = array<i32>} : memref<72x32xf32, #tpu.memory_space<vmem>>, vector<1x16xf32>,
      %get3A_1723 = vector.shape_cast %get3A_1722 : vector<1x16xf32> to vector<16xf32>
      %add3A_1724 = arith.addf %add3A_1700, %get3A_1723 : vector<16xf32>
      %get3A_1725 = arith.constant 10 : i32
      %get3A_1726 = arith.index_cast %get3A_1725 : i32 to index
      %get3A_1727 = arith.constant 0 : index
      %get3A_1728 = tpu.vector_load %arg7[%get3A_1726, %get3A_1727] {strides = array<i32>} : memref<72x32xf32, #tpu.memory_space<vmem>>, vector<1x16xf32>,
      %get3A_1729 = vector.shape_cast %get3A_1728 : vector<1x16xf32> to vector<16xf32>
      %add3A_1730 = arith.addf %add3A_1706, %get3A_1729 : vector<16xf32>
      %get3A_1731 = arith.constant 10 : i32
      %get3A_1732 = arith.index_cast %get3A_1731 : i32 to index
      %get3A_1733 = arith.constant 16 : index
      %get3A_1734 = tpu.vector_load %arg7[%get3A_1732, %get3A_1733] {strides = array<i32>} : memref<72x32xf32, #tpu.memory_space<vmem>>, vector<1x16xf32>,
      %get3A_1735 = vector.shape_cast %get3A_1734 : vector<1x16xf32> to vector<16xf32>
      %add3A_1736 = arith.addf %add3A_1712, %get3A_1735 : vector<16xf32>
      %get3A_1737 = arith.constant 11 : i32
      %get3A_1738 = arith.index_cast %get3A_1737 : i32 to index
      %get3A_1739 = arith.constant 0 : index
      %get3A_1740 = tpu.vector_load %arg7[%get3A_1738, %get3A_1739] {strides = array<i32>} : memref<72x32xf32, #tpu.memory_space<vmem>>, vector<1x16xf32>,
      %get3A_1741 = vector.shape_cast %get3A_1740 : vector<1x16xf32> to vector<16xf32>
      %add3A_1742 = arith.addf %add3A_1718, %get3A_1741 : vector<16xf32>
      %get3A_1743 = arith.constant 11 : i32
      %get3A_1744 = arith.index_cast %get3A_1743 : i32 to index
      %get3A_1745 = arith.constant 16 : index
      %get3A_1746 = tpu.vector_load %arg7[%get3A_1744, %get3A_1745] {strides = array<i32>} : memref<72x32xf32, #tpu.memory_space<vmem>>, vector<1x16xf32>,
      %get3A_1747 = vector.shape_cast %get3A_1746 : vector<1x16xf32> to vector<16xf32>
      %add3A_1748 = arith.addf %add3A_1724, %get3A_1747 : vector<16xf32>
      %get3A_1749 = arith.constant 12 : i32
      %get3A_1750 = arith.index_cast %get3A_1749 : i32 to index
      %get3A_1751 = arith.constant 0 : index
      %get3A_1752 = tpu.vector_load %arg7[%get3A_1750, %get3A_1751] {strides = array<i32>} : memref<72x32xf32, #tpu.memory_space<vmem>>, vector<1x16xf32>,
      %get3A_1753 = vector.shape_cast %get3A_1752 : vector<1x16xf32> to vector<16xf32>
      %add3A_1754 = arith.addf %add3A_1730, %get3A_1753 : vector<16xf32>
      %get3A_1755 = arith.constant 12 : i32
      %get3A_1756 = arith.index_cast %get3A_1755 : i32 to index
      %get3A_1757 = arith.constant 16 : index
      %get3A_1758 = tpu.vector_load %arg7[%get3A_1756, %get3A_1757] {strides = array<i32>} : memref<72x32xf32, #tpu.memory_space<vmem>>, vector<1x16xf32>,
      %get3A_1759 = vector.shape_cast %get3A_1758 : vector<1x16xf32> to vector<16xf32>
      %add3A_1760 = arith.addf %add3A_1736, %get3A_1759 : vector<16xf32>
      %get3A_1761 = arith.constant 13 : i32
      %get3A_1762 = arith.index_cast %get3A_1761 : i32 to index
      %get3A_1763 = arith.constant 0 : index
      %get3A_1764 = tpu.vector_load %arg7[%get3A_1762, %get3A_1763] {strides = array<i32>} : memref<72x32xf32, #tpu.memory_space<vmem>>, vector<1x16xf32>,
      %get3A_1765 = vector.shape_cast %get3A_1764 : vector<1x16xf32> to vector<16xf32>
      %add3A_1766 = arith.addf %add3A_1742, %get3A_1765 : vector<16xf32>
      %get3A_1767 = arith.constant 13 : i32
      %get3A_1768 = arith.index_cast %get3A_1767 : i32 to index
      %get3A_1769 = arith.constant 16 : index
      %get3A_1770 = tpu.vector_load %arg7[%get3A_1768, %get3A_1769] {strides = array<i32>} : memref<72x32xf32, #tpu.memory_space<vmem>>, vector<1x16xf32>,
      %get3A_1771 = vector.shape_cast %get3A_1770 : vector<1x16xf32> to vector<16xf32>
      %add3A_1772 = arith.addf %add3A_1748, %get3A_1771 : vector<16xf32>
      %get3A_1773 = arith.constant 14 : i32
      %get3A_1774 = arith.index_cast %get3A_1773 : i32 to index
      %get3A_1775 = arith.constant 0 : index
      %get3A_1776 = tpu.vector_load %arg7[%get3A_1774, %get3A_1775] {strides = array<i32>} : memref<72x32xf32, #tpu.memory_space<vmem>>, vector<1x16xf32>,
      %get3A_1777 = vector.shape_cast %get3A_1776 : vector<1x16xf32> to vector<16xf32>
      %add3A_1778 = arith.addf %add3A_1754, %get3A_1777 : vector<16xf32>
      %get3A_1779 = arith.constant 14 : i32
      %get3A_1780 = arith.index_cast %get3A_1779 : i32 to index
      %get3A_1781 = arith.constant 16 : index
      %get3A_1782 = tpu.vector_load %arg7[%get3A_1780, %get3A_1781] {strides = array<i32>} : memref<72x32xf32, #tpu.memory_space<vmem>>, vector<1x16xf32>,
      %get3A_1783 = vector.shape_cast %get3A_1782 : vector<1x16xf32> to vector<16xf32>
      %add3A_1784 = arith.addf %add3A_1760, %get3A_1783 : vector<16xf32>
      %get3A_1785 = arith.constant 15 : i32
      %get3A_1786 = arith.index_cast %get3A_1785 : i32 to index
      %get3A_1787 = arith.constant 0 : index
      %get3A_1788 = tpu.vector_load %arg7[%get3A_1786, %get3A_1787] {strides = array<i32>} : memref<72x32xf32, #tpu.memory_space<vmem>>, vector<1x16xf32>,
      %get3A_1789 = vector.shape_cast %get3A_1788 : vector<1x16xf32> to vector<16xf32>
      %add3A_1790 = arith.addf %add3A_1766, %get3A_1789 : vector<16xf32>
      %get3A_1791 = arith.constant 15 : i32
      %get3A_1792 = arith.index_cast %get3A_1791 : i32 to index
      %get3A_1793 = arith.constant 16 : index
      %get3A_1794 = tpu.vector_load %arg7[%get3A_1792, %get3A_1793] {strides = array<i32>} : memref<72x32xf32, #tpu.memory_space<vmem>>, vector<1x16xf32>,
      %get3A_1795 = vector.shape_cast %get3A_1794 : vector<1x16xf32> to vector<16xf32>
      %add3A_1796 = arith.addf %add3A_1772, %get3A_1795 : vector<16xf32>
      %get3A_1797 = arith.constant 16 : i32
      %get3A_1798 = arith.index_cast %get3A_1797 : i32 to index
      %get3A_1799 = arith.constant 0 : index
      %get3A_1800 = tpu.vector_load %arg7[%get3A_1798, %get3A_1799] {strides = array<i32>} : memref<72x32xf32, #tpu.memory_space<vmem>>, vector<1x16xf32>,
      %get3A_1801 = vector.shape_cast %get3A_1800 : vector<1x16xf32> to vector<16xf32>
      %add3A_1802 = arith.addf %add3A_1778, %get3A_1801 : vector<16xf32>
      %get3A_1803 = arith.constant 16 : i32
      %get3A_1804 = arith.index_cast %get3A_1803 : i32 to index
      %get3A_1805 = arith.constant 16 : index
      %get3A_1806 = tpu.vector_load %arg7[%get3A_1804, %get3A_1805] {strides = array<i32>} : memref<72x32xf32, #tpu.memory_space<vmem>>, vector<1x16xf32>,
      %get3A_1807 = vector.shape_cast %get3A_1806 : vector<1x16xf32> to vector<16xf32>
      %add3A_1808 = arith.addf %add3A_1784, %get3A_1807 : vector<16xf32>
      %get3A_1809 = arith.constant 17 : i32
      %get3A_1810 = arith.index_cast %get3A_1809 : i32 to index
      %get3A_1811 = arith.constant 0 : index
      %get3A_1812 = tpu.vector_load %arg7[%get3A_1810, %get3A_1811] {strides = array<i32>} : memref<72x32xf32, #tpu.memory_space<vmem>>, vector<1x16xf32>,
      %get3A_1813 = vector.shape_cast %get3A_1812 : vector<1x16xf32> to vector<16xf32>
      %add3A_1814 = arith.addf %add3A_1790, %get3A_1813 : vector<16xf32>
      %get3A_1815 = arith.constant 17 : i32
      %get3A_1816 = arith.index_cast %get3A_1815 : i32 to index
      %get3A_1817 = arith.constant 16 : index
      %get3A_1818 = tpu.vector_load %arg7[%get3A_1816, %get3A_1817] {strides = array<i32>} : memref<72x32xf32, #tpu.memory_space<vmem>>, vector<1x16xf32>,
      %get3A_1819 = vector.shape_cast %get3A_1818 : vector<1x16xf32> to vector<16xf32>
      %add3A_1820 = arith.addf %add3A_1796, %get3A_1819 : vector<16xf32>
      %get3A_1821 = arith.constant 18 : i32
      %get3A_1822 = arith.index_cast %get3A_1821 : i32 to index
      %get3A_1823 = arith.constant 0 : index
      %get3A_1824 = tpu.vector_load %arg7[%get3A_1822, %get3A_1823] {strides = array<i32>} : memref<72x32xf32, #tpu.memory_space<vmem>>, vector<1x16xf32>,
      %get3A_1825 = vector.shape_cast %get3A_1824 : vector<1x16xf32> to vector<16xf32>
      %add3A_1826 = arith.addf %add3A_1802, %get3A_1825 : vector<16xf32>
      %get3A_1827 = arith.constant 18 : i32
      %get3A_1828 = arith.index_cast %get3A_1827 : i32 to index
      %get3A_1829 = arith.constant 16 : index
      %get3A_1830 = tpu.vector_load %arg7[%get3A_1828, %get3A_1829] {strides = array<i32>} : memref<72x32xf32, #tpu.memory_space<vmem>>, vector<1x16xf32>,
      %get3A_1831 = vector.shape_cast %get3A_1830 : vector<1x16xf32> to vector<16xf32>
      %add3A_1832 = arith.addf %add3A_1808, %get3A_1831 : vector<16xf32>
      %get3A_1833 = arith.constant 19 : i32
      %get3A_1834 = arith.index_cast %get3A_1833 : i32 to index
      %get3A_1835 = arith.constant 0 : index
      %get3A_1836 = tpu.vector_load %arg7[%get3A_1834, %get3A_1835] {strides = array<i32>} : memref<72x32xf32, #tpu.memory_space<vmem>>, vector<1x16xf32>,
      %get3A_1837 = vector.shape_cast %get3A_1836 : vector<1x16xf32> to vector<16xf32>
      %add3A_1838 = arith.addf %add3A_1814, %get3A_1837 : vector<16xf32>
      %get3A_1839 = arith.constant 19 : i32
      %get3A_1840 = arith.index_cast %get3A_1839 : i32 to index
      %get3A_1841 = arith.constant 16 : index
      %get3A_1842 = tpu.vector_load %arg7[%get3A_1840, %get3A_1841] {strides = array<i32>} : memref<72x32xf32, #tpu.memory_space<vmem>>, vector<1x16xf32>,
      %get3A_1843 = vector.shape_cast %get3A_1842 : vector<1x16xf32> to vector<16xf32>
      %add3A_1844 = arith.addf %add3A_1820, %get3A_1843 : vector<16xf32>
      %get3A_1845 = arith.constant 20 : i32
      %get3A_1846 = arith.index_cast %get3A_1845 : i32 to index
      %get3A_1847 = arith.constant 0 : index
      %get3A_1848 = tpu.vector_load %arg7[%get3A_1846, %get3A_1847] {strides = array<i32>} : memref<72x32xf32, #tpu.memory_space<vmem>>, vector<1x16xf32>,
      %get3A_1849 = vector.shape_cast %get3A_1848 : vector<1x16xf32> to vector<16xf32>
      %add3A_1850 = arith.addf %add3A_1826, %get3A_1849 : vector<16xf32>
      %get3A_1851 = arith.constant 20 : i32
      %get3A_1852 = arith.index_cast %get3A_1851 : i32 to index
      %get3A_1853 = arith.constant 16 : index
      %get3A_1854 = tpu.vector_load %arg7[%get3A_1852, %get3A_1853] {strides = array<i32>} : memref<72x32xf32, #tpu.memory_space<vmem>>, vector<1x16xf32>,
      %get3A_1855 = vector.shape_cast %get3A_1854 : vector<1x16xf32> to vector<16xf32>
      %add3A_1856 = arith.addf %add3A_1832, %get3A_1855 : vector<16xf32>
      %get3A_1857 = arith.constant 21 : i32
      %get3A_1858 = arith.index_cast %get3A_1857 : i32 to index
      %get3A_1859 = arith.constant 0 : index
      %get3A_1860 = tpu.vector_load %arg7[%get3A_1858, %get3A_1859] {strides = array<i32>} : memref<72x32xf32, #tpu.memory_space<vmem>>, vector<1x16xf32>,
      %get3A_1861 = vector.shape_cast %get3A_1860 : vector<1x16xf32> to vector<16xf32>
      %add3A_1862 = arith.addf %add3A_1838, %get3A_1861 : vector<16xf32>
      %get3A_1863 = arith.constant 21 : i32
      %get3A_1864 = arith.index_cast %get3A_1863 : i32 to index
      %get3A_1865 = arith.constant 16 : index
      %get3A_1866 = tpu.vector_load %arg7[%get3A_1864, %get3A_1865] {strides = array<i32>} : memref<72x32xf32, #tpu.memory_space<vmem>>, vector<1x16xf32>,
      %get3A_1867 = vector.shape_cast %get3A_1866 : vector<1x16xf32> to vector<16xf32>
      %add3A_1868 = arith.addf %add3A_1844, %get3A_1867 : vector<16xf32>
      %get3A_1869 = arith.constant 22 : i32
      %get3A_1870 = arith.index_cast %get3A_1869 : i32 to index
      %get3A_1871 = arith.constant 0 : index
      %get3A_1872 = tpu.vector_load %arg7[%get3A_1870, %get3A_1871] {strides = array<i32>} : memref<72x32xf32, #tpu.memory_space<vmem>>, vector<1x16xf32>,
      %get3A_1873 = vector.shape_cast %get3A_1872 : vector<1x16xf32> to vector<16xf32>
      %add3A_1874 = arith.addf %add3A_1850, %get3A_1873 : vector<16xf32>
      %get3A_1875 = arith.constant 22 : i32
      %get3A_1876 = arith.index_cast %get3A_1875 : i32 to index
      %get3A_1877 = arith.constant 16 : index
      %get3A_1878 = tpu.vector_load %arg7[%get3A_1876, %get3A_1877] {strides = array<i32>} : memref<72x32xf32, #tpu.memory_space<vmem>>, vector<1x16xf32>,
      %get3A_1879 = vector.shape_cast %get3A_1878 : vector<1x16xf32> to vector<16xf32>
      %add3A_1880 = arith.addf %add3A_1856, %get3A_1879 : vector<16xf32>
      %get3A_1881 = arith.constant 23 : i32
      %get3A_1882 = arith.index_cast %get3A_1881 : i32 to index
      %get3A_1883 = arith.constant 0 : index
      %get3A_1884 = tpu.vector_load %arg7[%get3A_1882, %get3A_1883] {strides = array<i32>} : memref<72x32xf32, #tpu.memory_space<vmem>>, vector<1x16xf32>,
      %get3A_1885 = vector.shape_cast %get3A_1884 : vector<1x16xf32> to vector<16xf32>
      %add3A_1886 = arith.addf %add3A_1862, %get3A_1885 : vector<16xf32>
      %get3A_1887 = arith.constant 23 : i32
      %get3A_1888 = arith.index_cast %get3A_1887 : i32 to index
      %get3A_1889 = arith.constant 16 : index
      %get3A_1890 = tpu.vector_load %arg7[%get3A_1888, %get3A_1889] {strides = array<i32>} : memref<72x32xf32, #tpu.memory_space<vmem>>, vector<1x16xf32>,
      %get3A_1891 = vector.shape_cast %get3A_1890 : vector<1x16xf32> to vector<16xf32>
      %add3A_1892 = arith.addf %add3A_1868, %get3A_1891 : vector<16xf32>
      %get3A_1893 = arith.constant 24 : i32
      %get3A_1894 = arith.index_cast %get3A_1893 : i32 to index
      %get3A_1895 = arith.constant 0 : index
      %get3A_1896 = tpu.vector_load %arg7[%get3A_1894, %get3A_1895] {strides = array<i32>} : memref<72x32xf32, #tpu.memory_space<vmem>>, vector<1x16xf32>,
      %get3A_1897 = vector.shape_cast %get3A_1896 : vector<1x16xf32> to vector<16xf32>
      %add3A_1898 = arith.addf %add3A_1874, %get3A_1897 : vector<16xf32>
      %get3A_1899 = arith.constant 24 : i32
      %get3A_1900 = arith.index_cast %get3A_1899 : i32 to index
      %get3A_1901 = arith.constant 16 : index
      %get3A_1902 = tpu.vector_load %arg7[%get3A_1900, %get3A_1901] {strides = array<i32>} : memref<72x32xf32, #tpu.memory_space<vmem>>, vector<1x16xf32>,
      %get3A_1903 = vector.shape_cast %get3A_1902 : vector<1x16xf32> to vector<16xf32>
      %add3A_1904 = arith.addf %add3A_1880, %get3A_1903 : vector<16xf32>
      %get3A_1905 = arith.constant 25 : i32
      %get3A_1906 = arith.index_cast %get3A_1905 : i32 to index
      %get3A_1907 = arith.constant 0 : index
      %get3A_1908 = tpu.vector_load %arg7[%get3A_1906, %get3A_1907] {strides = array<i32>} : memref<72x32xf32, #tpu.memory_space<vmem>>, vector<1x16xf32>,
      %get3A_1909 = vector.shape_cast %get3A_1908 : vector<1x16xf32> to vector<16xf32>
      %add3A_1910 = arith.addf %add3A_1886, %get3A_1909 : vector<16xf32>
      %get3A_1911 = arith.constant 25 : i32
      %get3A_1912 = arith.index_cast %get3A_1911 : i32 to index
      %get3A_1913 = arith.constant 16 : index
      %get3A_1914 = tpu.vector_load %arg7[%get3A_1912, %get3A_1913] {strides = array<i32>} : memref<72x32xf32, #tpu.memory_space<vmem>>, vector<1x16xf32>,
      %get3A_1915 = vector.shape_cast %get3A_1914 : vector<1x16xf32> to vector<16xf32>
      %add3A_1916 = arith.addf %add3A_1892, %get3A_1915 : vector<16xf32>
      %get3A_1917 = arith.constant 26 : i32
      %get3A_1918 = arith.index_cast %get3A_1917 : i32 to index
      %get3A_1919 = arith.constant 0 : index
      %get3A_1920 = tpu.vector_load %arg7[%get3A_1918, %get3A_1919] {strides = array<i32>} : memref<72x32xf32, #tpu.memory_space<vmem>>, vector<1x16xf32>,
      %get3A_1921 = vector.shape_cast %get3A_1920 : vector<1x16xf32> to vector<16xf32>
      %add3A_1922 = arith.addf %add3A_1898, %get3A_1921 : vector<16xf32>
      %get3A_1923 = arith.constant 26 : i32
      %get3A_1924 = arith.index_cast %get3A_1923 : i32 to index
      %get3A_1925 = arith.constant 16 : index
      %get3A_1926 = tpu.vector_load %arg7[%get3A_1924, %get3A_1925] {strides = array<i32>} : memref<72x32xf32, #tpu.memory_space<vmem>>, vector<1x16xf32>,
      %get3A_1927 = vector.shape_cast %get3A_1926 : vector<1x16xf32> to vector<16xf32>
      %add3A_1928 = arith.addf %add3A_1904, %get3A_1927 : vector<16xf32>
      %get3A_1929 = arith.constant 27 : i32
      %get3A_1930 = arith.index_cast %get3A_1929 : i32 to index
      %get3A_1931 = arith.constant 0 : index
      %get3A_1932 = tpu.vector_load %arg7[%get3A_1930, %get3A_1931] {strides = array<i32>} : memref<72x32xf32, #tpu.memory_space<vmem>>, vector<1x16xf32>,
      %get3A_1933 = vector.shape_cast %get3A_1932 : vector<1x16xf32> to vector<16xf32>
      %add3A_1934 = arith.addf %add3A_1910, %get3A_1933 : vector<16xf32>
      %get3A_1935 = arith.constant 27 : i32
      %get3A_1936 = arith.index_cast %get3A_1935 : i32 to index
      %get3A_1937 = arith.constant 16 : index
      %get3A_1938 = tpu.vector_load %arg7[%get3A_1936, %get3A_1937] {strides = array<i32>} : memref<72x32xf32, #tpu.memory_space<vmem>>, vector<1x16xf32>,
      %get3A_1939 = vector.shape_cast %get3A_1938 : vector<1x16xf32> to vector<16xf32>
      %add3A_1940 = arith.addf %add3A_1916, %get3A_1939 : vector<16xf32>
      %get3A_1941 = arith.constant 28 : i32
      %get3A_1942 = arith.index_cast %get3A_1941 : i32 to index
      %get3A_1943 = arith.constant 0 : index
      %get3A_1944 = tpu.vector_load %arg7[%get3A_1942, %get3A_1943] {strides = array<i32>} : memref<72x32xf32, #tpu.memory_space<vmem>>, vector<1x16xf32>,
      %get3A_1945 = vector.shape_cast %get3A_1944 : vector<1x16xf32> to vector<16xf32>
      %add3A_1946 = arith.addf %add3A_1922, %get3A_1945 : vector<16xf32>
      %get3A_1947 = arith.constant 28 : i32
      %get3A_1948 = arith.index_cast %get3A_1947 : i32 to index
      %get3A_1949 = arith.constant 16 : index
      %get3A_1950 = tpu.vector_load %arg7[%get3A_1948, %get3A_1949] {strides = array<i32>} : memref<72x32xf32, #tpu.memory_space<vmem>>, vector<1x16xf32>,
      %get3A_1951 = vector.shape_cast %get3A_1950 : vector<1x16xf32> to vector<16xf32>
      %add3A_1952 = arith.addf %add3A_1928, %get3A_1951 : vector<16xf32>
      %get3A_1953 = arith.constant 29 : i32
      %get3A_1954 = arith.index_cast %get3A_1953 : i32 to index
      %get3A_1955 = arith.constant 0 : index
      %get3A_1956 = tpu.vector_load %arg7[%get3A_1954, %get3A_1955] {strides = array<i32>} : memref<72x32xf32, #tpu.memory_space<vmem>>, vector<1x16xf32>,
      %get3A_1957 = vector.shape_cast %get3A_1956 : vector<1x16xf32> to vector<16xf32>
      %add3A_1958 = arith.addf %add3A_1934, %get3A_1957 : vector<16xf32>
      %get3A_1959 = arith.constant 29 : i32
      %get3A_1960 = arith.index_cast %get3A_1959 : i32 to index
      %get3A_1961 = arith.constant 16 : index
      %get3A_1962 = tpu.vector_load %arg7[%get3A_1960, %get3A_1961] {strides = array<i32>} : memref<72x32xf32, #tpu.memory_space<vmem>>, vector<1x16xf32>,
      %get3A_1963 = vector.shape_cast %get3A_1962 : vector<1x16xf32> to vector<16xf32>
      %add3A_1964 = arith.addf %add3A_1940, %get3A_1963 : vector<16xf32>
      %get3A_1965 = arith.constant 30 : i32
      %get3A_1966 = arith.index_cast %get3A_1965 : i32 to index
      %get3A_1967 = arith.constant 0 : index
      %get3A_1968 = tpu.vector_load %arg7[%get3A_1966, %get3A_1967] {strides = array<i32>} : memref<72x32xf32, #tpu.memory_space<vmem>>, vector<1x16xf32>,
      %get3A_1969 = vector.shape_cast %get3A_1968 : vector<1x16xf32> to vector<16xf32>
      %add3A_1970 = arith.addf %add3A_1946, %get3A_1969 : vector<16xf32>
      %get3A_1971 = arith.constant 30 : i32
      %get3A_1972 = arith.index_cast %get3A_1971 : i32 to index
      %get3A_1973 = arith.constant 16 : index
      %get3A_1974 = tpu.vector_load %arg7[%get3A_1972, %get3A_1973] {strides = array<i32>} : memref<72x32xf32, #tpu.memory_space<vmem>>, vector<1x16xf32>,
      %get3A_1975 = vector.shape_cast %get3A_1974 : vector<1x16xf32> to vector<16xf32>
      %add3A_1976 = arith.addf %add3A_1952, %get3A_1975 : vector<16xf32>
      %get3A_1977 = arith.constant 31 : i32
      %get3A_1978 = arith.index_cast %get3A_1977 : i32 to index
      %get3A_1979 = arith.constant 0 : index
      %get3A_1980 = tpu.vector_load %arg7[%get3A_1978, %get3A_1979] {strides = array<i32>} : memref<72x32xf32, #tpu.memory_space<vmem>>, vector<1x16xf32>,
      %get3A_1981 = vector.shape_cast %get3A_1980 : vector<1x16xf32> to vector<16xf32>
      %add3A_1982 = arith.addf %add3A_1958, %get3A_1981 : vector<16xf32>
      %get3A_1983 = arith.constant 31 : i32
      %get3A_1984 = arith.index_cast %get3A_1983 : i32 to index
      %get3A_1985 = arith.constant 16 : index
      %get3A_1986 = tpu.vector_load %arg7[%get3A_1984, %get3A_1985] {strides = array<i32>} : memref<72x32xf32, #tpu.memory_space<vmem>>, vector<1x16xf32>,
      %get3A_1987 = vector.shape_cast %get3A_1986 : vector<1x16xf32> to vector<16xf32>
      %add3A_1988 = arith.addf %add3A_1964, %get3A_1987 : vector<16xf32>
      %get3A_1989 = arith.constant 32 : i32
      %get3A_1990 = arith.index_cast %get3A_1989 : i32 to index
      %get3A_1991 = arith.constant 0 : index
      %get3A_1992 = tpu.vector_load %arg7[%get3A_1990, %get3A_1991] {strides = array<i32>} : memref<72x32xf32, #tpu.memory_space<vmem>>, vector<1x16xf32>,
      %get3A_1993 = vector.shape_cast %get3A_1992 : vector<1x16xf32> to vector<16xf32>
      %add3A_1994 = arith.addf %add3A_1970, %get3A_1993 : vector<16xf32>
      %get3A_1995 = arith.constant 32 : i32
      %get3A_1996 = arith.index_cast %get3A_1995 : i32 to index
      %get3A_1997 = arith.constant 16 : index
      %get3A_1998 = tpu.vector_load %arg7[%get3A_1996, %get3A_1997] {strides = array<i32>} : memref<72x32xf32, #tpu.memory_space<vmem>>, vector<1x16xf32>,
      %get3A_1999 = vector.shape_cast %get3A_1998 : vector<1x16xf32> to vector<16xf32>
      %add3A_2000 = arith.addf %add3A_1976, %get3A_1999 : vector<16xf32>
      %get3A_2001 = arith.constant 33 : i32
      %get3A_2002 = arith.index_cast %get3A_2001 : i32 to index
      %get3A_2003 = arith.constant 0 : index
      %get3A_2004 = tpu.vector_load %arg7[%get3A_2002, %get3A_2003] {strides = array<i32>} : memref<72x32xf32, #tpu.memory_space<vmem>>, vector<1x16xf32>,
      %get3A_2005 = vector.shape_cast %get3A_2004 : vector<1x16xf32> to vector<16xf32>
      %add3A_2006 = arith.addf %add3A_1982, %get3A_2005 : vector<16xf32>
      %get3A_2007 = arith.constant 33 : i32
      %get3A_2008 = arith.index_cast %get3A_2007 : i32 to index
      %get3A_2009 = arith.constant 16 : index
      %get3A_2010 = tpu.vector_load %arg7[%get3A_2008, %get3A_2009] {strides = array<i32>} : memref<72x32xf32, #tpu.memory_space<vmem>>, vector<1x16xf32>,
      %get3A_2011 = vector.shape_cast %get3A_2010 : vector<1x16xf32> to vector<16xf32>
      %add3A_2012 = arith.addf %add3A_1988, %get3A_2011 : vector<16xf32>
      %get3A_2013 = arith.constant 34 : i32
      %get3A_2014 = arith.index_cast %get3A_2013 : i32 to index
      %get3A_2015 = arith.constant 0 : index
      %get3A_2016 = tpu.vector_load %arg7[%get3A_2014, %get3A_2015] {strides = array<i32>} : memref<72x32xf32, #tpu.memory_space<vmem>>, vector<1x16xf32>,
      %get3A_2017 = vector.shape_cast %get3A_2016 : vector<1x16xf32> to vector<16xf32>
      %add3A_2018 = arith.addf %add3A_1994, %get3A_2017 : vector<16xf32>
      %get3A_2019 = arith.constant 34 : i32
      %get3A_2020 = arith.index_cast %get3A_2019 : i32 to index
      %get3A_2021 = arith.constant 16 : index
      %get3A_2022 = tpu.vector_load %arg7[%get3A_2020, %get3A_2021] {strides = array<i32>} : memref<72x32xf32, #tpu.memory_space<vmem>>, vector<1x16xf32>,
      %get3A_2023 = vector.shape_cast %get3A_2022 : vector<1x16xf32> to vector<16xf32>
      %add3A_2024 = arith.addf %add3A_2000, %get3A_2023 : vector<16xf32>
      %get3A_2025 = arith.constant 35 : i32
      %get3A_2026 = arith.index_cast %get3A_2025 : i32 to index
      %get3A_2027 = arith.constant 0 : index
      %get3A_2028 = tpu.vector_load %arg7[%get3A_2026, %get3A_2027] {strides = array<i32>} : memref<72x32xf32, #tpu.memory_space<vmem>>, vector<1x16xf32>,
      %get3A_2029 = vector.shape_cast %get3A_2028 : vector<1x16xf32> to vector<16xf32>
      %add3A_2030 = arith.addf %add3A_2006, %get3A_2029 : vector<16xf32>
      %get3A_2031 = arith.constant 35 : i32
      %get3A_2032 = arith.index_cast %get3A_2031 : i32 to index
      %get3A_2033 = arith.constant 16 : index
      %get3A_2034 = tpu.vector_load %arg7[%get3A_2032, %get3A_2033] {strides = array<i32>} : memref<72x32xf32, #tpu.memory_space<vmem>>, vector<1x16xf32>,
      %get3A_2035 = vector.shape_cast %get3A_2034 : vector<1x16xf32> to vector<16xf32>
      %add3A_2036 = arith.addf %add3A_2012, %get3A_2035 : vector<16xf32>
      %get3A_2037 = arith.constant 36 : i32
      %get3A_2038 = arith.index_cast %get3A_2037 : i32 to index
      %get3A_2039 = arith.constant 0 : index
      %get3A_2040 = tpu.vector_load %arg7[%get3A_2038, %get3A_2039] {strides = array<i32>} : memref<72x32xf32, #tpu.memory_space<vmem>>, vector<1x16xf32>,
      %get3A_2041 = vector.shape_cast %get3A_2040 : vector<1x16xf32> to vector<16xf32>
      %add3A_2042 = arith.addf %add3A_2018, %get3A_2041 : vector<16xf32>
      %get3A_2043 = arith.constant 36 : i32
      %get3A_2044 = arith.index_cast %get3A_2043 : i32 to index
      %get3A_2045 = arith.constant 16 : index
      %get3A_2046 = tpu.vector_load %arg7[%get3A_2044, %get3A_2045] {strides = array<i32>} : memref<72x32xf32, #tpu.memory_space<vmem>>, vector<1x16xf32>,
      %get3A_2047 = vector.shape_cast %get3A_2046 : vector<1x16xf32> to vector<16xf32>
      %add3A_2048 = arith.addf %add3A_2024, %get3A_2047 : vector<16xf32>
      %get3A_2049 = arith.constant 37 : i32
      %get3A_2050 = arith.index_cast %get3A_2049 : i32 to index
      %get3A_2051 = arith.constant 0 : index
      %get3A_2052 = tpu.vector_load %arg7[%get3A_2050, %get3A_2051] {strides = array<i32>} : memref<72x32xf32, #tpu.memory_space<vmem>>, vector<1x16xf32>,
      %get3A_2053 = vector.shape_cast %get3A_2052 : vector<1x16xf32> to vector<16xf32>
      %add3A_2054 = arith.addf %add3A_2030, %get3A_2053 : vector<16xf32>
      %get3A_2055 = arith.constant 37 : i32
      %get3A_2056 = arith.index_cast %get3A_2055 : i32 to index
      %get3A_2057 = arith.constant 16 : index
      %get3A_2058 = tpu.vector_load %arg7[%get3A_2056, %get3A_2057] {strides = array<i32>} : memref<72x32xf32, #tpu.memory_space<vmem>>, vector<1x16xf32>,
      %get3A_2059 = vector.shape_cast %get3A_2058 : vector<1x16xf32> to vector<16xf32>
      %add3A_2060 = arith.addf %add3A_2036, %get3A_2059 : vector<16xf32>
      %get3A_2061 = arith.constant 38 : i32
      %get3A_2062 = arith.index_cast %get3A_2061 : i32 to index
      %get3A_2063 = arith.constant 0 : index
      %get3A_2064 = tpu.vector_load %arg7[%get3A_2062, %get3A_2063] {strides = array<i32>} : memref<72x32xf32, #tpu.memory_space<vmem>>, vector<1x16xf32>,
      %get3A_2065 = vector.shape_cast %get3A_2064 : vector<1x16xf32> to vector<16xf32>
      %add3A_2066 = arith.addf %add3A_2042, %get3A_2065 : vector<16xf32>
      %get3A_2067 = arith.constant 38 : i32
      %get3A_2068 = arith.index_cast %get3A_2067 : i32 to index
      %get3A_2069 = arith.constant 16 : index
      %get3A_2070 = tpu.vector_load %arg7[%get3A_2068, %get3A_2069] {strides = array<i32>} : memref<72x32xf32, #tpu.memory_space<vmem>>, vector<1x16xf32>,
      %get3A_2071 = vector.shape_cast %get3A_2070 : vector<1x16xf32> to vector<16xf32>
      %add3A_2072 = arith.addf %add3A_2048, %get3A_2071 : vector<16xf32>
      %get3A_2073 = arith.constant 39 : i32
      %get3A_2074 = arith.index_cast %get3A_2073 : i32 to index
      %get3A_2075 = arith.constant 0 : index
      %get3A_2076 = tpu.vector_load %arg7[%get3A_2074, %get3A_2075] {strides = array<i32>} : memref<72x32xf32, #tpu.memory_space<vmem>>, vector<1x16xf32>,
      %get3A_2077 = vector.shape_cast %get3A_2076 : vector<1x16xf32> to vector<16xf32>
      %add3A_2078 = arith.addf %add3A_2054, %get3A_2077 : vector<16xf32>
      %get3A_2079 = arith.constant 39 : i32
      %get3A_2080 = arith.index_cast %get3A_2079 : i32 to index
      %get3A_2081 = arith.constant 16 : index
      %get3A_2082 = tpu.vector_load %arg7[%get3A_2080, %get3A_2081] {strides = array<i32>} : memref<72x32xf32, #tpu.memory_space<vmem>>, vector<1x16xf32>,
      %get3A_2083 = vector.shape_cast %get3A_2082 : vector<1x16xf32> to vector<16xf32>
      %add3A_2084 = arith.addf %add3A_2060, %get3A_2083 : vector<16xf32>
      %get3A_2085 = arith.constant 40 : i32
      %get3A_2086 = arith.index_cast %get3A_2085 : i32 to index
      %get3A_2087 = arith.constant 0 : index
      %get3A_2088 = tpu.vector_load %arg7[%get3A_2086, %get3A_2087] {strides = array<i32>} : memref<72x32xf32, #tpu.memory_space<vmem>>, vector<1x16xf32>,
      %get3A_2089 = vector.shape_cast %get3A_2088 : vector<1x16xf32> to vector<16xf32>
      %add3A_2090 = arith.addf %add3A_2066, %get3A_2089 : vector<16xf32>
      %get3A_2091 = arith.constant 40 : i32
      %get3A_2092 = arith.index_cast %get3A_2091 : i32 to index
      %get3A_2093 = arith.constant 16 : index
      %get3A_2094 = tpu.vector_load %arg7[%get3A_2092, %get3A_2093] {strides = array<i32>} : memref<72x32xf32, #tpu.memory_space<vmem>>, vector<1x16xf32>,
      %get3A_2095 = vector.shape_cast %get3A_2094 : vector<1x16xf32> to vector<16xf32>
      %add3A_2096 = arith.addf %add3A_2072, %get3A_2095 : vector<16xf32>
      %get3A_2097 = arith.constant 41 : i32
      %get3A_2098 = arith.index_cast %get3A_2097 : i32 to index
      %get3A_2099 = arith.constant 0 : index
      %get3A_2100 = tpu.vector_load %arg7[%get3A_2098, %get3A_2099] {strides = array<i32>} : memref<72x32xf32, #tpu.memory_space<vmem>>, vector<1x16xf32>,
      %get3A_2101 = vector.shape_cast %get3A_2100 : vector<1x16xf32> to vector<16xf32>
      %add3A_2102 = arith.addf %add3A_2078, %get3A_2101 : vector<16xf32>
      %get3A_2103 = arith.constant 41 : i32
      %get3A_2104 = arith.index_cast %get3A_2103 : i32 to index
      %get3A_2105 = arith.constant 16 : index
      %get3A_2106 = tpu.vector_load %arg7[%get3A_2104, %get3A_2105] {strides = array<i32>} : memref<72x32xf32, #tpu.memory_space<vmem>>, vector<1x16xf32>,
      %get3A_2107 = vector.shape_cast %get3A_2106 : vector<1x16xf32> to vector<16xf32>
      %add3A_2108 = arith.addf %add3A_2084, %get3A_2107 : vector<16xf32>
      %get3A_2109 = arith.constant 42 : i32
      %get3A_2110 = arith.index_cast %get3A_2109 : i32 to index
      %get3A_2111 = arith.constant 0 : index
      %get3A_2112 = tpu.vector_load %arg7[%get3A_2110, %get3A_2111] {strides = array<i32>} : memref<72x32xf32, #tpu.memory_space<vmem>>, vector<1x16xf32>,
      %get3A_2113 = vector.shape_cast %get3A_2112 : vector<1x16xf32> to vector<16xf32>
      %add3A_2114 = arith.addf %add3A_2090, %get3A_2113 : vector<16xf32>
      %get3A_2115 = arith.constant 42 : i32
      %get3A_2116 = arith.index_cast %get3A_2115 : i32 to index
      %get3A_2117 = arith.constant 16 : index
      %get3A_2118 = tpu.vector_load %arg7[%get3A_2116, %get3A_2117] {strides = array<i32>} : memref<72x32xf32, #tpu.memory_space<vmem>>, vector<1x16xf32>,
      %get3A_2119 = vector.shape_cast %get3A_2118 : vector<1x16xf32> to vector<16xf32>
      %add3A_2120 = arith.addf %add3A_2096, %get3A_2119 : vector<16xf32>
      %get3A_2121 = arith.constant 43 : i32
      %get3A_2122 = arith.index_cast %get3A_2121 : i32 to index
      %get3A_2123 = arith.constant 0 : index
      %get3A_2124 = tpu.vector_load %arg7[%get3A_2122, %get3A_2123] {strides = array<i32>} : memref<72x32xf32, #tpu.memory_space<vmem>>, vector<1x16xf32>,
      %get3A_2125 = vector.shape_cast %get3A_2124 : vector<1x16xf32> to vector<16xf32>
      %add3A_2126 = arith.addf %add3A_2102, %get3A_2125 : vector<16xf32>
      %get3A_2127 = arith.constant 43 : i32
      %get3A_2128 = arith.index_cast %get3A_2127 : i32 to index
      %get3A_2129 = arith.constant 16 : index
      %get3A_2130 = tpu.vector_load %arg7[%get3A_2128, %get3A_2129] {strides = array<i32>} : memref<72x32xf32, #tpu.memory_space<vmem>>, vector<1x16xf32>,
      %get3A_2131 = vector.shape_cast %get3A_2130 : vector<1x16xf32> to vector<16xf32>
      %add3A_2132 = arith.addf %add3A_2108, %get3A_2131 : vector<16xf32>
      %get3A_2133 = arith.constant 44 : i32
      %get3A_2134 = arith.index_cast %get3A_2133 : i32 to index
      %get3A_2135 = arith.constant 0 : index
      %get3A_2136 = tpu.vector_load %arg7[%get3A_2134, %get3A_2135] {strides = array<i32>} : memref<72x32xf32, #tpu.memory_space<vmem>>, vector<1x16xf32>,
      %get3A_2137 = vector.shape_cast %get3A_2136 : vector<1x16xf32> to vector<16xf32>
      %add3A_2138 = arith.addf %add3A_2114, %get3A_2137 : vector<16xf32>
      %get3A_2139 = arith.constant 44 : i32
      %get3A_2140 = arith.index_cast %get3A_2139 : i32 to index
      %get3A_2141 = arith.constant 16 : index
      %get3A_2142 = tpu.vector_load %arg7[%get3A_2140, %get3A_2141] {strides = array<i32>} : memref<72x32xf32, #tpu.memory_space<vmem>>, vector<1x16xf32>,
      %get3A_2143 = vector.shape_cast %get3A_2142 : vector<1x16xf32> to vector<16xf32>
      %add3A_2144 = arith.addf %add3A_2120, %get3A_2143 : vector<16xf32>
      %get3A_2145 = arith.constant 45 : i32
      %get3A_2146 = arith.index_cast %get3A_2145 : i32 to index
      %get3A_2147 = arith.constant 0 : index
      %get3A_2148 = tpu.vector_load %arg7[%get3A_2146, %get3A_2147] {strides = array<i32>} : memref<72x32xf32, #tpu.memory_space<vmem>>, vector<1x16xf32>,
      %get3A_2149 = vector.shape_cast %get3A_2148 : vector<1x16xf32> to vector<16xf32>
      %add3A_2150 = arith.addf %add3A_2126, %get3A_2149 : vector<16xf32>
      %get3A_2151 = arith.constant 45 : i32
      %get3A_2152 = arith.index_cast %get3A_2151 : i32 to index
      %get3A_2153 = arith.constant 16 : index
      %get3A_2154 = tpu.vector_load %arg7[%get3A_2152, %get3A_2153] {strides = array<i32>} : memref<72x32xf32, #tpu.memory_space<vmem>>, vector<1x16xf32>,
      %get3A_2155 = vector.shape_cast %get3A_2154 : vector<1x16xf32> to vector<16xf32>
      %add3A_2156 = arith.addf %add3A_2132, %get3A_2155 : vector<16xf32>
      %get3A_2157 = arith.constant 46 : i32
      %get3A_2158 = arith.index_cast %get3A_2157 : i32 to index
      %get3A_2159 = arith.constant 0 : index
      %get3A_2160 = tpu.vector_load %arg7[%get3A_2158, %get3A_2159] {strides = array<i32>} : memref<72x32xf32, #tpu.memory_space<vmem>>, vector<1x16xf32>,
      %get3A_2161 = vector.shape_cast %get3A_2160 : vector<1x16xf32> to vector<16xf32>
      %add3A_2162 = arith.addf %add3A_2138, %get3A_2161 : vector<16xf32>
      %get3A_2163 = arith.constant 46 : i32
      %get3A_2164 = arith.index_cast %get3A_2163 : i32 to index
      %get3A_2165 = arith.constant 16 : index
      %get3A_2166 = tpu.vector_load %arg7[%get3A_2164, %get3A_2165] {strides = array<i32>} : memref<72x32xf32, #tpu.memory_space<vmem>>, vector<1x16xf32>,
      %get3A_2167 = vector.shape_cast %get3A_2166 : vector<1x16xf32> to vector<16xf32>
      %add3A_2168 = arith.addf %add3A_2144, %get3A_2167 : vector<16xf32>
      %get3A_2169 = arith.constant 47 : i32
      %get3A_2170 = arith.index_cast %get3A_2169 : i32 to index
      %get3A_2171 = arith.constant 0 : index
      %get3A_2172 = tpu.vector_load %arg7[%get3A_2170, %get3A_2171] {strides = array<i32>} : memref<72x32xf32, #tpu.memory_space<vmem>>, vector<1x16xf32>,
      %get3A_2173 = vector.shape_cast %get3A_2172 : vector<1x16xf32> to vector<16xf32>
      %add3A_2174 = arith.addf %add3A_2150, %get3A_2173 : vector<16xf32>
      %get3A_2175 = arith.constant 47 : i32
      %get3A_2176 = arith.index_cast %get3A_2175 : i32 to index
      %get3A_2177 = arith.constant 16 : index
      %get3A_2178 = tpu.vector_load %arg7[%get3A_2176, %get3A_2177] {strides = array<i32>} : memref<72x32xf32, #tpu.memory_space<vmem>>, vector<1x16xf32>,
      %get3A_2179 = vector.shape_cast %get3A_2178 : vector<1x16xf32> to vector<16xf32>
      %add3A_2180 = arith.addf %add3A_2156, %get3A_2179 : vector<16xf32>
      %get3A_2181 = arith.constant 48 : i32
      %get3A_2182 = arith.index_cast %get3A_2181 : i32 to index
      %get3A_2183 = arith.constant 0 : index
      %get3A_2184 = tpu.vector_load %arg7[%get3A_2182, %get3A_2183] {strides = array<i32>} : memref<72x32xf32, #tpu.memory_space<vmem>>, vector<1x16xf32>,
      %get3A_2185 = vector.shape_cast %get3A_2184 : vector<1x16xf32> to vector<16xf32>
      %add3A_2186 = arith.addf %add3A_2162, %get3A_2185 : vector<16xf32>
      %get3A_2187 = arith.constant 48 : i32
      %get3A_2188 = arith.index_cast %get3A_2187 : i32 to index
      %get3A_2189 = arith.constant 16 : index
      %get3A_2190 = tpu.vector_load %arg7[%get3A_2188, %get3A_2189] {strides = array<i32>} : memref<72x32xf32, #tpu.memory_space<vmem>>, vector<1x16xf32>,
      %get3A_2191 = vector.shape_cast %get3A_2190 : vector<1x16xf32> to vector<16xf32>
      %add3A_2192 = arith.addf %add3A_2168, %get3A_2191 : vector<16xf32>
      %get3A_2193 = arith.constant 49 : i32
      %get3A_2194 = arith.index_cast %get3A_2193 : i32 to index
      %get3A_2195 = arith.constant 0 : index
      %get3A_2196 = tpu.vector_load %arg7[%get3A_2194, %get3A_2195] {strides = array<i32>} : memref<72x32xf32, #tpu.memory_space<vmem>>, vector<1x16xf32>,
      %get3A_2197 = vector.shape_cast %get3A_2196 : vector<1x16xf32> to vector<16xf32>
      %add3A_2198 = arith.addf %add3A_2174, %get3A_2197 : vector<16xf32>
      %get3A_2199 = arith.constant 49 : i32
      %get3A_2200 = arith.index_cast %get3A_2199 : i32 to index
      %get3A_2201 = arith.constant 16 : index
      %get3A_2202 = tpu.vector_load %arg7[%get3A_2200, %get3A_2201] {strides = array<i32>} : memref<72x32xf32, #tpu.memory_space<vmem>>, vector<1x16xf32>,
      %get3A_2203 = vector.shape_cast %get3A_2202 : vector<1x16xf32> to vector<16xf32>
      %add3A_2204 = arith.addf %add3A_2180, %get3A_2203 : vector<16xf32>
      %get3A_2205 = arith.constant 50 : i32
      %get3A_2206 = arith.index_cast %get3A_2205 : i32 to index
      %get3A_2207 = arith.constant 0 : index
      %get3A_2208 = tpu.vector_load %arg7[%get3A_2206, %get3A_2207] {strides = array<i32>} : memref<72x32xf32, #tpu.memory_space<vmem>>, vector<1x16xf32>,
      %get3A_2209 = vector.shape_cast %get3A_2208 : vector<1x16xf32> to vector<16xf32>
      %add3A_2210 = arith.addf %add3A_2186, %get3A_2209 : vector<16xf32>
      %get3A_2211 = arith.constant 50 : i32
      %get3A_2212 = arith.index_cast %get3A_2211 : i32 to index
      %get3A_2213 = arith.constant 16 : index
      %get3A_2214 = tpu.vector_load %arg7[%get3A_2212, %get3A_2213] {strides = array<i32>} : memref<72x32xf32, #tpu.memory_space<vmem>>, vector<1x16xf32>,
      %get3A_2215 = vector.shape_cast %get3A_2214 : vector<1x16xf32> to vector<16xf32>
      %add3A_2216 = arith.addf %add3A_2192, %get3A_2215 : vector<16xf32>
      %get3A_2217 = arith.constant 51 : i32
      %get3A_2218 = arith.index_cast %get3A_2217 : i32 to index
      %get3A_2219 = arith.constant 0 : index
      %get3A_2220 = tpu.vector_load %arg7[%get3A_2218, %get3A_2219] {strides = array<i32>} : memref<72x32xf32, #tpu.memory_space<vmem>>, vector<1x16xf32>,
      %get3A_2221 = vector.shape_cast %get3A_2220 : vector<1x16xf32> to vector<16xf32>
      %add3A_2222 = arith.addf %add3A_2198, %get3A_2221 : vector<16xf32>
      %get3A_2223 = arith.constant 51 : i32
      %get3A_2224 = arith.index_cast %get3A_2223 : i32 to index
      %get3A_2225 = arith.constant 16 : index
      %get3A_2226 = tpu.vector_load %arg7[%get3A_2224, %get3A_2225] {strides = array<i32>} : memref<72x32xf32, #tpu.memory_space<vmem>>, vector<1x16xf32>,
      %get3A_2227 = vector.shape_cast %get3A_2226 : vector<1x16xf32> to vector<16xf32>
      %add3A_2228 = arith.addf %add3A_2204, %get3A_2227 : vector<16xf32>
      %get3A_2229 = arith.constant 52 : i32
      %get3A_2230 = arith.index_cast %get3A_2229 : i32 to index
      %get3A_2231 = arith.constant 0 : index
      %get3A_2232 = tpu.vector_load %arg7[%get3A_2230, %get3A_2231] {strides = array<i32>} : memref<72x32xf32, #tpu.memory_space<vmem>>, vector<1x16xf32>,
      %get3A_2233 = vector.shape_cast %get3A_2232 : vector<1x16xf32> to vector<16xf32>
      %add3A_2234 = arith.addf %add3A_2210, %get3A_2233 : vector<16xf32>
      %get3A_2235 = arith.constant 52 : i32
      %get3A_2236 = arith.index_cast %get3A_2235 : i32 to index
      %get3A_2237 = arith.constant 16 : index
      %get3A_2238 = tpu.vector_load %arg7[%get3A_2236, %get3A_2237] {strides = array<i32>} : memref<72x32xf32, #tpu.memory_space<vmem>>, vector<1x16xf32>,
      %get3A_2239 = vector.shape_cast %get3A_2238 : vector<1x16xf32> to vector<16xf32>
      %add3A_2240 = arith.addf %add3A_2216, %get3A_2239 : vector<16xf32>
      %get3A_2241 = arith.constant 53 : i32
      %get3A_2242 = arith.index_cast %get3A_2241 : i32 to index
      %get3A_2243 = arith.constant 0 : index
      %get3A_2244 = tpu.vector_load %arg7[%get3A_2242, %get3A_2243] {strides = array<i32>} : memref<72x32xf32, #tpu.memory_space<vmem>>, vector<1x16xf32>,
      %get3A_2245 = vector.shape_cast %get3A_2244 : vector<1x16xf32> to vector<16xf32>
      %add3A_2246 = arith.addf %add3A_2222, %get3A_2245 : vector<16xf32>
      %get3A_2247 = arith.constant 53 : i32
      %get3A_2248 = arith.index_cast %get3A_2247 : i32 to index
      %get3A_2249 = arith.constant 16 : index
      %get3A_2250 = tpu.vector_load %arg7[%get3A_2248, %get3A_2249] {strides = array<i32>} : memref<72x32xf32, #tpu.memory_space<vmem>>, vector<1x16xf32>,
      %get3A_2251 = vector.shape_cast %get3A_2250 : vector<1x16xf32> to vector<16xf32>
      %add3A_2252 = arith.addf %add3A_2228, %get3A_2251 : vector<16xf32>
      %get3A_2253 = arith.constant 54 : i32
      %get3A_2254 = arith.index_cast %get3A_2253 : i32 to index
      %get3A_2255 = arith.constant 0 : index
      %get3A_2256 = tpu.vector_load %arg7[%get3A_2254, %get3A_2255] {strides = array<i32>} : memref<72x32xf32, #tpu.memory_space<vmem>>, vector<1x16xf32>,
      %get3A_2257 = vector.shape_cast %get3A_2256 : vector<1x16xf32> to vector<16xf32>
      %add3A_2258 = arith.addf %add3A_2234, %get3A_2257 : vector<16xf32>
      %get3A_2259 = arith.constant 54 : i32
      %get3A_2260 = arith.index_cast %get3A_2259 : i32 to index
      %get3A_2261 = arith.constant 16 : index
      %get3A_2262 = tpu.vector_load %arg7[%get3A_2260, %get3A_2261] {strides = array<i32>} : memref<72x32xf32, #tpu.memory_space<vmem>>, vector<1x16xf32>,
      %get3A_2263 = vector.shape_cast %get3A_2262 : vector<1x16xf32> to vector<16xf32>
      %add3A_2264 = arith.addf %add3A_2240, %get3A_2263 : vector<16xf32>
      %get3A_2265 = arith.constant 55 : i32
      %get3A_2266 = arith.index_cast %get3A_2265 : i32 to index
      %get3A_2267 = arith.constant 0 : index
      %get3A_2268 = tpu.vector_load %arg7[%get3A_2266, %get3A_2267] {strides = array<i32>} : memref<72x32xf32, #tpu.memory_space<vmem>>, vector<1x16xf32>,
      %get3A_2269 = vector.shape_cast %get3A_2268 : vector<1x16xf32> to vector<16xf32>
      %add3A_2270 = arith.addf %add3A_2246, %get3A_2269 : vector<16xf32>
      %get3A_2271 = arith.constant 55 : i32
      %get3A_2272 = arith.index_cast %get3A_2271 : i32 to index
      %get3A_2273 = arith.constant 16 : index
      %get3A_2274 = tpu.vector_load %arg7[%get3A_2272, %get3A_2273] {strides = array<i32>} : memref<72x32xf32, #tpu.memory_space<vmem>>, vector<1x16xf32>,
      %get3A_2275 = vector.shape_cast %get3A_2274 : vector<1x16xf32> to vector<16xf32>
      %add3A_2276 = arith.addf %add3A_2252, %get3A_2275 : vector<16xf32>
      %get3A_2277 = arith.constant 56 : i32
      %get3A_2278 = arith.index_cast %get3A_2277 : i32 to index
      %get3A_2279 = arith.constant 0 : index
      %get3A_2280 = tpu.vector_load %arg7[%get3A_2278, %get3A_2279] {strides = array<i32>} : memref<72x32xf32, #tpu.memory_space<vmem>>, vector<1x16xf32>,
      %get3A_2281 = vector.shape_cast %get3A_2280 : vector<1x16xf32> to vector<16xf32>
      %add3A_2282 = arith.addf %add3A_2258, %get3A_2281 : vector<16xf32>
      %get3A_2283 = arith.constant 56 : i32
      %get3A_2284 = arith.index_cast %get3A_2283 : i32 to index
      %get3A_2285 = arith.constant 16 : index
      %get3A_2286 = tpu.vector_load %arg7[%get3A_2284, %get3A_2285] {strides = array<i32>} : memref<72x32xf32, #tpu.memory_space<vmem>>, vector<1x16xf32>,
      %get3A_2287 = vector.shape_cast %get3A_2286 : vector<1x16xf32> to vector<16xf32>
      %add3A_2288 = arith.addf %add3A_2264, %get3A_2287 : vector<16xf32>
      %get3A_2289 = arith.constant 57 : i32
      %get3A_2290 = arith.index_cast %get3A_2289 : i32 to index
      %get3A_2291 = arith.constant 0 : index
      %get3A_2292 = tpu.vector_load %arg7[%get3A_2290, %get3A_2291] {strides = array<i32>} : memref<72x32xf32, #tpu.memory_space<vmem>>, vector<1x16xf32>,
      %get3A_2293 = vector.shape_cast %get3A_2292 : vector<1x16xf32> to vector<16xf32>
      %add3A_2294 = arith.addf %add3A_2270, %get3A_2293 : vector<16xf32>
      %get3A_2295 = arith.constant 57 : i32
      %get3A_2296 = arith.index_cast %get3A_2295 : i32 to index
      %get3A_2297 = arith.constant 16 : index
      %get3A_2298 = tpu.vector_load %arg7[%get3A_2296, %get3A_2297] {strides = array<i32>} : memref<72x32xf32, #tpu.memory_space<vmem>>, vector<1x16xf32>,
      %get3A_2299 = vector.shape_cast %get3A_2298 : vector<1x16xf32> to vector<16xf32>
      %add3A_2300 = arith.addf %add3A_2276, %get3A_2299 : vector<16xf32>
      %get3A_2301 = arith.constant 58 : i32
      %get3A_2302 = arith.index_cast %get3A_2301 : i32 to index
      %get3A_2303 = arith.constant 0 : index
      %get3A_2304 = tpu.vector_load %arg7[%get3A_2302, %get3A_2303] {strides = array<i32>} : memref<72x32xf32, #tpu.memory_space<vmem>>, vector<1x16xf32>,
      %get3A_2305 = vector.shape_cast %get3A_2304 : vector<1x16xf32> to vector<16xf32>
      %add3A_2306 = arith.addf %add3A_2282, %get3A_2305 : vector<16xf32>
      %get3A_2307 = arith.constant 58 : i32
      %get3A_2308 = arith.index_cast %get3A_2307 : i32 to index
      %get3A_2309 = arith.constant 16 : index
      %get3A_2310 = tpu.vector_load %arg7[%get3A_2308, %get3A_2309] {strides = array<i32>} : memref<72x32xf32, #tpu.memory_space<vmem>>, vector<1x16xf32>,
      %get3A_2311 = vector.shape_cast %get3A_2310 : vector<1x16xf32> to vector<16xf32>
      %add3A_2312 = arith.addf %add3A_2288, %get3A_2311 : vector<16xf32>
      %get3A_2313 = arith.constant 59 : i32
      %get3A_2314 = arith.index_cast %get3A_2313 : i32 to index
      %get3A_2315 = arith.constant 0 : index
      %get3A_2316 = tpu.vector_load %arg7[%get3A_2314, %get3A_2315] {strides = array<i32>} : memref<72x32xf32, #tpu.memory_space<vmem>>, vector<1x16xf32>,
      %get3A_2317 = vector.shape_cast %get3A_2316 : vector<1x16xf32> to vector<16xf32>
      %add3A_2318 = arith.addf %add3A_2294, %get3A_2317 : vector<16xf32>
      %get3A_2319 = arith.constant 59 : i32
      %get3A_2320 = arith.index_cast %get3A_2319 : i32 to index
      %get3A_2321 = arith.constant 16 : index
      %get3A_2322 = tpu.vector_load %arg7[%get3A_2320, %get3A_2321] {strides = array<i32>} : memref<72x32xf32, #tpu.memory_space<vmem>>, vector<1x16xf32>,
      %get3A_2323 = vector.shape_cast %get3A_2322 : vector<1x16xf32> to vector<16xf32>
      %add3A_2324 = arith.addf %add3A_2300, %get3A_2323 : vector<16xf32>
      %get3A_2325 = arith.constant 60 : i32
      %get3A_2326 = arith.index_cast %get3A_2325 : i32 to index
      %get3A_2327 = arith.constant 0 : index
      %get3A_2328 = tpu.vector_load %arg7[%get3A_2326, %get3A_2327] {strides = array<i32>} : memref<72x32xf32, #tpu.memory_space<vmem>>, vector<1x16xf32>,
      %get3A_2329 = vector.shape_cast %get3A_2328 : vector<1x16xf32> to vector<16xf32>
      %add3A_2330 = arith.addf %add3A_2306, %get3A_2329 : vector<16xf32>
      %get3A_2331 = arith.constant 60 : i32
      %get3A_2332 = arith.index_cast %get3A_2331 : i32 to index
      %get3A_2333 = arith.constant 16 : index
      %get3A_2334 = tpu.vector_load %arg7[%get3A_2332, %get3A_2333] {strides = array<i32>} : memref<72x32xf32, #tpu.memory_space<vmem>>, vector<1x16xf32>,
      %get3A_2335 = vector.shape_cast %get3A_2334 : vector<1x16xf32> to vector<16xf32>
      %add3A_2336 = arith.addf %add3A_2312, %get3A_2335 : vector<16xf32>
      %get3A_2337 = arith.constant 61 : i32
      %get3A_2338 = arith.index_cast %get3A_2337 : i32 to index
      %get3A_2339 = arith.constant 0 : index
      %get3A_2340 = tpu.vector_load %arg7[%get3A_2338, %get3A_2339] {strides = array<i32>} : memref<72x32xf32, #tpu.memory_space<vmem>>, vector<1x16xf32>,
      %get3A_2341 = vector.shape_cast %get3A_2340 : vector<1x16xf32> to vector<16xf32>
      %add3A_2342 = arith.addf %add3A_2318, %get3A_2341 : vector<16xf32>
      %get3A_2343 = arith.constant 61 : i32
      %get3A_2344 = arith.index_cast %get3A_2343 : i32 to index
      %get3A_2345 = arith.constant 16 : index
      %get3A_2346 = tpu.vector_load %arg7[%get3A_2344, %get3A_2345] {strides = array<i32>} : memref<72x32xf32, #tpu.memory_space<vmem>>, vector<1x16xf32>,
      %get3A_2347 = vector.shape_cast %get3A_2346 : vector<1x16xf32> to vector<16xf32>
      %add3A_2348 = arith.addf %add3A_2324, %get3A_2347 : vector<16xf32>
      %get3A_2349 = arith.constant 62 : i32
      %get3A_2350 = arith.index_cast %get3A_2349 : i32 to index
      %get3A_2351 = arith.constant 0 : index
      %get3A_2352 = tpu.vector_load %arg7[%get3A_2350, %get3A_2351] {strides = array<i32>} : memref<72x32xf32, #tpu.memory_space<vmem>>, vector<1x16xf32>,
      %get3A_2353 = vector.shape_cast %get3A_2352 : vector<1x16xf32> to vector<16xf32>
      %add3A_2354 = arith.addf %add3A_2330, %get3A_2353 : vector<16xf32>
      %get3A_2355 = arith.constant 62 : i32
      %get3A_2356 = arith.index_cast %get3A_2355 : i32 to index
      %get3A_2357 = arith.constant 16 : index
      %get3A_2358 = tpu.vector_load %arg7[%get3A_2356, %get3A_2357] {strides = array<i32>} : memref<72x32xf32, #tpu.memory_space<vmem>>, vector<1x16xf32>,
      %get3A_2359 = vector.shape_cast %get3A_2358 : vector<1x16xf32> to vector<16xf32>
      %add3A_2360 = arith.addf %add3A_2336, %get3A_2359 : vector<16xf32>
      %get3A_2361 = arith.constant 63 : i32
      %get3A_2362 = arith.index_cast %get3A_2361 : i32 to index
      %get3A_2363 = arith.constant 0 : index
      %get3A_2364 = tpu.vector_load %arg7[%get3A_2362, %get3A_2363] {strides = array<i32>} : memref<72x32xf32, #tpu.memory_space<vmem>>, vector<1x16xf32>,
      %get3A_2365 = vector.shape_cast %get3A_2364 : vector<1x16xf32> to vector<16xf32>
      %add3A_2366 = arith.addf %add3A_2342, %get3A_2365 : vector<16xf32>
      %get3A_2367 = arith.constant 63 : i32
      %get3A_2368 = arith.index_cast %get3A_2367 : i32 to index
      %get3A_2369 = arith.constant 16 : index
      %get3A_2370 = tpu.vector_load %arg7[%get3A_2368, %get3A_2369] {strides = array<i32>} : memref<72x32xf32, #tpu.memory_space<vmem>>, vector<1x16xf32>,
      %get3A_2371 = vector.shape_cast %get3A_2370 : vector<1x16xf32> to vector<16xf32>
      %add3A_2372 = arith.addf %add3A_2348, %get3A_2371 : vector<16xf32>
      %get3A_2373 = arith.constant 64 : i32
      %get3A_2374 = arith.index_cast %get3A_2373 : i32 to index
      %get3A_2375 = arith.constant 0 : index
      %get3A_2376 = tpu.vector_load %arg7[%get3A_2374, %get3A_2375] {strides = array<i32>} : memref<72x32xf32, #tpu.memory_space<vmem>>, vector<1x16xf32>,
      %get3A_2377 = vector.shape_cast %get3A_2376 : vector<1x16xf32> to vector<16xf32>
      %add3A_2378 = arith.addf %add3A_2354, %get3A_2377 : vector<16xf32>
      %get3A_2379 = arith.constant 64 : i32
      %get3A_2380 = arith.index_cast %get3A_2379 : i32 to index
      %get3A_2381 = arith.constant 16 : index
      %get3A_2382 = tpu.vector_load %arg7[%get3A_2380, %get3A_2381] {strides = array<i32>} : memref<72x32xf32, #tpu.memory_space<vmem>>, vector<1x16xf32>,
      %get3A_2383 = vector.shape_cast %get3A_2382 : vector<1x16xf32> to vector<16xf32>
      %add3A_2384 = arith.addf %add3A_2360, %get3A_2383 : vector<16xf32>
      %get3A_2385 = arith.constant 65 : i32
      %get3A_2386 = arith.index_cast %get3A_2385 : i32 to index
      %get3A_2387 = arith.constant 0 : index
      %get3A_2388 = tpu.vector_load %arg7[%get3A_2386, %get3A_2387] {strides = array<i32>} : memref<72x32xf32, #tpu.memory_space<vmem>>, vector<1x16xf32>,
      %get3A_2389 = vector.shape_cast %get3A_2388 : vector<1x16xf32> to vector<16xf32>
      %add3A_2390 = arith.addf %add3A_2366, %get3A_2389 : vector<16xf32>
      %get3A_2391 = arith.constant 65 : i32
      %get3A_2392 = arith.index_cast %get3A_2391 : i32 to index
      %get3A_2393 = arith.constant 16 : index
      %get3A_2394 = tpu.vector_load %arg7[%get3A_2392, %get3A_2393] {strides = array<i32>} : memref<72x32xf32, #tpu.memory_space<vmem>>, vector<1x16xf32>,
      %get3A_2395 = vector.shape_cast %get3A_2394 : vector<1x16xf32> to vector<16xf32>
      %add3A_2396 = arith.addf %add3A_2372, %get3A_2395 : vector<16xf32>
      %get3A_2397 = arith.constant 66 : i32
      %get3A_2398 = arith.index_cast %get3A_2397 : i32 to index
      %get3A_2399 = arith.constant 0 : index
      %get3A_2400 = tpu.vector_load %arg7[%get3A_2398, %get3A_2399] {strides = array<i32>} : memref<72x32xf32, #tpu.memory_space<vmem>>, vector<1x16xf32>,
      %get3A_2401 = vector.shape_cast %get3A_2400 : vector<1x16xf32> to vector<16xf32>
      %add3A_2402 = arith.addf %add3A_2378, %get3A_2401 : vector<16xf32>
      %get3A_2403 = arith.constant 66 : i32
      %get3A_2404 = arith.index_cast %get3A_2403 : i32 to index
      %get3A_2405 = arith.constant 16 : index
      %get3A_2406 = tpu.vector_load %arg7[%get3A_2404, %get3A_2405] {strides = array<i32>} : memref<72x32xf32, #tpu.memory_space<vmem>>, vector<1x16xf32>,
      %get3A_2407 = vector.shape_cast %get3A_2406 : vector<1x16xf32> to vector<16xf32>
      %add3A_2408 = arith.addf %add3A_2384, %get3A_2407 : vector<16xf32>
      %get3A_2409 = arith.constant 67 : i32
      %get3A_2410 = arith.index_cast %get3A_2409 : i32 to index
      %get3A_2411 = arith.constant 0 : index
      %get3A_2412 = tpu.vector_load %arg7[%get3A_2410, %get3A_2411] {strides = array<i32>} : memref<72x32xf32, #tpu.memory_space<vmem>>, vector<1x16xf32>,
      %get3A_2413 = vector.shape_cast %get3A_2412 : vector<1x16xf32> to vector<16xf32>
      %add3A_2414 = arith.addf %add3A_2390, %get3A_2413 : vector<16xf32>
      %get3A_2415 = arith.constant 67 : i32
      %get3A_2416 = arith.index_cast %get3A_2415 : i32 to index
      %get3A_2417 = arith.constant 16 : index
      %get3A_2418 = tpu.vector_load %arg7[%get3A_2416, %get3A_2417] {strides = array<i32>} : memref<72x32xf32, #tpu.memory_space<vmem>>, vector<1x16xf32>,
      %get3A_2419 = vector.shape_cast %get3A_2418 : vector<1x16xf32> to vector<16xf32>
      %add3A_2420 = arith.addf %add3A_2396, %get3A_2419 : vector<16xf32>
      %get3A_2421 = arith.constant 68 : i32
      %get3A_2422 = arith.index_cast %get3A_2421 : i32 to index
      %get3A_2423 = arith.constant 0 : index
      %get3A_2424 = tpu.vector_load %arg7[%get3A_2422, %get3A_2423] {strides = array<i32>} : memref<72x32xf32, #tpu.memory_space<vmem>>, vector<1x16xf32>,
      %get3A_2425 = vector.shape_cast %get3A_2424 : vector<1x16xf32> to vector<16xf32>
      %add3A_2426 = arith.addf %add3A_2402, %get3A_2425 : vector<16xf32>
      %get3A_2427 = arith.constant 68 : i32
      %get3A_2428 = arith.index_cast %get3A_2427 : i32 to index
      %get3A_2429 = arith.constant 16 : index
      %get3A_2430 = tpu.vector_load %arg7[%get3A_2428, %get3A_2429] {strides = array<i32>} : memref<72x32xf32, #tpu.memory_space<vmem>>, vector<1x16xf32>,
      %get3A_2431 = vector.shape_cast %get3A_2430 : vector<1x16xf32> to vector<16xf32>
      %add3A_2432 = arith.addf %add3A_2408, %get3A_2431 : vector<16xf32>
      %get3A_2433 = arith.constant 69 : i32
      %get3A_2434 = arith.index_cast %get3A_2433 : i32 to index
      %get3A_2435 = arith.constant 0 : index
      %get3A_2436 = tpu.vector_load %arg7[%get3A_2434, %get3A_2435] {strides = array<i32>} : memref<72x32xf32, #tpu.memory_space<vmem>>, vector<1x16xf32>,
      %get3A_2437 = vector.shape_cast %get3A_2436 : vector<1x16xf32> to vector<16xf32>
      %add3A_2438 = arith.addf %add3A_2414, %get3A_2437 : vector<16xf32>
      %get3A_2439 = arith.constant 69 : i32
      %get3A_2440 = arith.index_cast %get3A_2439 : i32 to index
      %get3A_2441 = arith.constant 16 : index
      %get3A_2442 = tpu.vector_load %arg7[%get3A_2440, %get3A_2441] {strides = array<i32>} : memref<72x32xf32, #tpu.memory_space<vmem>>, vector<1x16xf32>,
      %get3A_2443 = vector.shape_cast %get3A_2442 : vector<1x16xf32> to vector<16xf32>
      %add3A_2444 = arith.addf %add3A_2420, %get3A_2443 : vector<16xf32>
      %get3A_2445 = arith.constant 70 : i32
      %get3A_2446 = arith.index_cast %get3A_2445 : i32 to index
      %get3A_2447 = arith.constant 0 : index
      %get3A_2448 = tpu.vector_load %arg7[%get3A_2446, %get3A_2447] {strides = array<i32>} : memref<72x32xf32, #tpu.memory_space<vmem>>, vector<1x16xf32>,
      %get3A_2449 = vector.shape_cast %get3A_2448 : vector<1x16xf32> to vector<16xf32>
      %add3A_2450 = arith.addf %add3A_2426, %get3A_2449 : vector<16xf32>
      %get3A_2451 = arith.constant 70 : i32
      %get3A_2452 = arith.index_cast %get3A_2451 : i32 to index
      %get3A_2453 = arith.constant 16 : index
      %get3A_2454 = tpu.vector_load %arg7[%get3A_2452, %get3A_2453] {strides = array<i32>} : memref<72x32xf32, #tpu.memory_space<vmem>>, vector<1x16xf32>,
      %get3A_2455 = vector.shape_cast %get3A_2454 : vector<1x16xf32> to vector<16xf32>
      %add3A_2456 = arith.addf %add3A_2432, %get3A_2455 : vector<16xf32>
      %get3A_2457 = arith.constant 71 : i32
      %get3A_2458 = arith.index_cast %get3A_2457 : i32 to index
      %get3A_2459 = arith.constant 0 : index
      %get3A_2460 = tpu.vector_load %arg7[%get3A_2458, %get3A_2459] {strides = array<i32>} : memref<72x32xf32, #tpu.memory_space<vmem>>, vector<1x16xf32>,
      %get3A_2461 = vector.shape_cast %get3A_2460 : vector<1x16xf32> to vector<16xf32>
      %add3A_2462 = arith.addf %add3A_2438, %get3A_2461 : vector<16xf32>
      %get3A_2463 = arith.constant 71 : i32
      %get3A_2464 = arith.index_cast %get3A_2463 : i32 to index
      %get3A_2465 = arith.constant 16 : index
      %get3A_2466 = tpu.vector_load %arg7[%get3A_2464, %get3A_2465] {strides = array<i32>} : memref<72x32xf32, #tpu.memory_space<vmem>>, vector<1x16xf32>,
      %get3A_2467 = vector.shape_cast %get3A_2466 : vector<1x16xf32> to vector<16xf32>
      %add3A_2468 = arith.addf %add3A_2444, %get3A_2467 : vector<16xf32>
      %add3A_2469 = arith.addf %add3A_2450, %add3A_2462 : vector<16xf32>
      %swap3A = arith.index_cast %add3A_62 : i32 to index
      %swap3A_2470 = arith.constant 0 : index
      %swap3A_2471 = tpu.vector_load %arg10[%swap3A, %swap3A_2470] {strides = array<i32>} : memref<128x32xf32, #tpu.memory_space<vmem>>, vector<1x16xf32>,
      %swap3A_2472 = vector.shape_cast %swap3A_2471 : vector<1x16xf32> to vector<16xf32>
      %swap3A_2473 = vector.shape_cast %add3A_2469 : vector<16xf32> to vector<1x16xf32>
      tpu.vector_store %arg10[%swap3A, %swap3A_2470], %swap3A_2473 {strides = array<i32>} : memref<128x32xf32, #tpu.memory_space<vmem>>, vector<1x16xf32>,
      %add3A_2474 = arith.addf %add3A_2456, %add3A_2468 : vector<16xf32>
      %swap3A_2475 = arith.index_cast %add3A_62 : i32 to index
      %swap3A_2476 = arith.constant 16 : index
      %swap3A_2477 = tpu.vector_load %arg10[%swap3A_2475, %swap3A_2476] {strides = array<i32>} : memref<128x32xf32, #tpu.memory_space<vmem>>, vector<1x16xf32>,
      %swap3A_2478 = vector.shape_cast %swap3A_2477 : vector<1x16xf32> to vector<16xf32>
      %swap3A_2479 = vector.shape_cast %add3A_2474 : vector<16xf32> to vector<1x16xf32>
      tpu.vector_store %arg10[%swap3A_2475, %swap3A_2476], %swap3A_2479 {strides = array<i32>} : memref<128x32xf32, #tpu.memory_space<vmem>>, vector<1x16xf32>,
      %add3A_2480 = arith.constant 0 : i32
      %add3A_2481 = arith.addi %mul3A_50, %add3A_2480 : i32
      %add3A_2482 = arith.constant 2 : i32
      %add3A_2483 = arith.addi %add3A_2481, %add3A_2482 : i32
      %min3A = arith.constant 127 : i32
      %min3A_2484 = arith.minsi %add3A_2483, %min3A : i32
      %jit3A = arith.constant 8 : i32
      %div3A = arith.divsi %min3A_2484, %jit3A : i32
      %sign3A = arith.constant 0 : i32
      %sign3A_2485 = arith.cmpi sgt, %min3A_2484, %sign3A : i32
      %sign3A_2486 = arith.extui %sign3A_2485 : i1 to i32
      %sign3A_2487 = arith.constant 0 : i32
      %sign3A_2488 = arith.cmpi slt, %min3A_2484, %sign3A_2487 : i32
      %sign3A_2489 = arith.extui %sign3A_2488 : i1 to i32
      %sign3A_2490 = arith.subi %sign3A_2486, %sign3A_2489 : i32
      %sign3A_2491 = arith.constant 0 : i32
      %sign3A_2492 = arith.cmpi sgt, %jit3A, %sign3A_2491 : i32
      %sign3A_2493 = arith.extui %sign3A_2492 : i1 to i32
      %sign3A_2494 = arith.constant 0 : i32
      %sign3A_2495 = arith.cmpi slt, %jit3A, %sign3A_2494 : i32
      %sign3A_2496 = arith.extui %sign3A_2495 : i1 to i32
      %sign3A_2497 = arith.subi %sign3A_2493, %sign3A_2496 : i32
      %ne3A = arith.cmpi ne, %sign3A_2490, %sign3A_2497 : i32
      %rem3A = arith.remsi %min3A_2484, %jit3A : i32
      %ne3A_2498 = arith.constant 0 : i32
      %ne3A_2499 = arith.cmpi ne, %rem3A, %ne3A_2498 : i32
      %and3A = arith.andi %ne3A, %ne3A_2499 : i1
      %sub3A = arith.constant 1 : i32
      %sub3A_2500 = arith.subi %div3A, %sub3A : i32
      %select_n3A = arith.select %and3A, %sub3A_2500, %div3A : i32
      %mul3A_2501 = arith.constant 8 : i32
      %mul3A_2502 = arith.muli %select_n3A, %mul3A_2501 : i32
      %sub3A_2503 = arith.subi %min3A_2484, %mul3A_2502 : i32
      %mul3A_2504 = arith.constant 2048 : i32
      %mul3A_2505 = arith.muli %select_n3A, %mul3A_2504 : i32
      %mul3A_2506 = arith.constant 128 : i32
      %mul3A_2507 = arith.muli %sub3A_2503, %mul3A_2506 : i32
      %add3A_2508 = arith.addi %mul3A_2505, %mul3A_2507 : i32
      %dma_start3A_2509 = tpu.memref_slice %arg5[%add3A_2508] : memref<32768xi32, #tpu.memory_space<vmem>> -> memref<128xi32, #tpu.memory_space<vmem>>
      %dma_start3A_2510 = arith.constant 0 : i32
      %dma_start3A_2511 = arith.constant 0 : i32
      %dma_start3A_2512 = tpu.memref_slice %arg3[%dma_start3A_2510, %dma_start3A_2511] : memref<1000000x32xf32, #tpu.memory_space<hbm>> -> memref<1000000x32xf32, #tpu.memory_space<hbm>>
      tpu.enqueue_indirect_dma source(%dma_start3A_2512 : memref<1000000x32xf32, #tpu.memory_space<hbm>>) target(%arg6 : memref<128x32xf32, #tpu.memory_space<vmem>>) offsets(%dma_start3A_2509 : memref<128xi32, #tpu.memory_space<vmem>>) semaphore(%arg11 : memref<!tpu.dma_semaphore, #tpu.memory_space<semaphore_mem>>)
      %add3A_2513 = arith.constant 1024 : i32
      %add3A_2514 = arith.addi %add3A_2508, %add3A_2513 : i32
      %dma_start3A_2515 = tpu.memref_slice %arg5[%add3A_2514] : memref<32768xi32, #tpu.memory_space<vmem>> -> memref<72xi32, #tpu.memory_space<vmem>>
      %dma_start3A_2516 = arith.constant 0 : i32
      %dma_start3A_2517 = arith.constant 0 : i32
      %dma_start3A_2518 = tpu.memref_slice %arg3[%dma_start3A_2516, %dma_start3A_2517] : memref<1000000x32xf32, #tpu.memory_space<hbm>> -> memref<1000000x32xf32, #tpu.memory_space<hbm>>
      tpu.enqueue_indirect_dma source(%dma_start3A_2518 : memref<1000000x32xf32, #tpu.memory_space<hbm>>) target(%arg7 : memref<72x32xf32, #tpu.memory_space<vmem>>) offsets(%dma_start3A_2515 : memref<72xi32, #tpu.memory_space<vmem>>) semaphore(%arg12 : memref<!tpu.dma_semaphore, #tpu.memory_space<semaphore_mem>>)
      %dma_wait3A_2519 = arith.constant 0 : i32
      %dma_wait3A_2520 = tpu.memref_slice %arg5[%dma_wait3A_2519] : memref<32768xi32, #tpu.memory_space<vmem>> -> memref<128xi32, #tpu.memory_space<vmem>>
      %dma_wait3A_2521 = arith.constant 0 : i32
      %dma_wait3A_2522 = arith.constant 0 : i32
      %dma_wait3A_2523 = tpu.memref_slice %arg3[%dma_wait3A_2521, %dma_wait3A_2522] : memref<1000000x32xf32, #tpu.memory_space<hbm>> -> memref<1000000x32xf32, #tpu.memory_space<hbm>>
      tpu.wait_indirect_dma semaphore(%arg13 : memref<!tpu.dma_semaphore, #tpu.memory_space<semaphore_mem>>) src(%dma_wait3A_2523 : memref<1000000x32xf32, #tpu.memory_space<hbm>>) dst(%arg8 : memref<128x32xf32, #tpu.memory_space<vmem>>)
      %dma_wait3A_2524 = arith.constant 0 : i32
      %dma_wait3A_2525 = tpu.memref_slice %arg5[%dma_wait3A_2524] : memref<32768xi32, #tpu.memory_space<vmem>> -> memref<72xi32, #tpu.memory_space<vmem>>
      %dma_wait3A_2526 = arith.constant 0 : i32
      %dma_wait3A_2527 = arith.constant 0 : i32
      %dma_wait3A_2528 = tpu.memref_slice %arg3[%dma_wait3A_2526, %dma_wait3A_2527] : memref<1000000x32xf32, #tpu.memory_space<hbm>> -> memref<1000000x32xf32, #tpu.memory_space<hbm>>
      tpu.wait_indirect_dma semaphore(%arg14 : memref<!tpu.dma_semaphore, #tpu.memory_space<semaphore_mem>>) src(%dma_wait3A_2528 : memref<1000000x32xf32, #tpu.memory_space<hbm>>) dst(%arg9 : memref<72x32xf32, #tpu.memory_space<vmem>>)
      %add3A_2529 = arith.constant 1 : i32
      %add3A_2530 = arith.addi %mul3A_50, %add3A_2529 : i32
      %broadcast_in_dim3A_2531 = arith.constant 0.000000e+00 : f32
      %broadcast_in_dim3A_2532 = vector.broadcast %broadcast_in_dim3A_2531 : f32 to vector<16xf32>
      %broadcast_in_dim3A_2533 = arith.constant 0.000000e+00 : f32
      %broadcast_in_dim3A_2534 = vector.broadcast %broadcast_in_dim3A_2533 : f32 to vector<16xf32>
      %broadcast_in_dim3A_2535 = arith.constant 0.000000e+00 : f32
      %broadcast_in_dim3A_2536 = vector.broadcast %broadcast_in_dim3A_2535 : f32 to vector<16xf32>
      %broadcast_in_dim3A_2537 = arith.constant 0.000000e+00 : f32
      %broadcast_in_dim3A_2538 = vector.broadcast %broadcast_in_dim3A_2537 : f32 to vector<16xf32>
      %get3A_2539 = arith.constant 0 : i32
      %get3A_2540 = arith.index_cast %get3A_2539 : i32 to index
      %get3A_2541 = arith.constant 0 : index
      %get3A_2542 = tpu.vector_load %arg8[%get3A_2540, %get3A_2541] {strides = array<i32>} : memref<128x32xf32, #tpu.memory_space<vmem>>, vector<1x16xf32>,
      %get3A_2543 = vector.shape_cast %get3A_2542 : vector<1x16xf32> to vector<16xf32>
      %add3A_2544 = arith.addf %broadcast_in_dim3A_2532, %get3A_2543 : vector<16xf32>
      %get3A_2545 = arith.constant 0 : i32
      %get3A_2546 = arith.index_cast %get3A_2545 : i32 to index
      %get3A_2547 = arith.constant 16 : index
      %get3A_2548 = tpu.vector_load %arg8[%get3A_2546, %get3A_2547] {strides = array<i32>} : memref<128x32xf32, #tpu.memory_space<vmem>>, vector<1x16xf32>,
      %get3A_2549 = vector.shape_cast %get3A_2548 : vector<1x16xf32> to vector<16xf32>
      %add3A_2550 = arith.addf %broadcast_in_dim3A_2534, %get3A_2549 : vector<16xf32>
      %get3A_2551 = arith.constant 1 : i32
      %get3A_2552 = arith.index_cast %get3A_2551 : i32 to index
      %get3A_2553 = arith.constant 0 : index
      %get3A_2554 = tpu.vector_load %arg8[%get3A_2552, %get3A_2553] {strides = array<i32>} : memref<128x32xf32, #tpu.memory_space<vmem>>, vector<1x16xf32>,
      %get3A_2555 = vector.shape_cast %get3A_2554 : vector<1x16xf32> to vector<16xf32>
      %add3A_2556 = arith.addf %broadcast_in_dim3A_2536, %get3A_2555 : vector<16xf32>
      %get3A_2557 = arith.constant 1 : i32
      %get3A_2558 = arith.index_cast %get3A_2557 : i32 to index
      %get3A_2559 = arith.constant 16 : index
      %get3A_2560 = tpu.vector_load %arg8[%get3A_2558, %get3A_2559] {strides = array<i32>} : memref<128x32xf32, #tpu.memory_space<vmem>>, vector<1x16xf32>,
      %get3A_2561 = vector.shape_cast %get3A_2560 : vector<1x16xf32> to vector<16xf32>
      %add3A_2562 = arith.addf %broadcast_in_dim3A_2538, %get3A_2561 : vector<16xf32>
      %get3A_2563 = arith.constant 2 : i32
      %get3A_2564 = arith.index_cast %get3A_2563 : i32 to index
      %get3A_2565 = arith.constant 0 : index
      %get3A_2566 = tpu.vector_load %arg8[%get3A_2564, %get3A_2565] {strides = array<i32>} : memref<128x32xf32, #tpu.memory_space<vmem>>, vector<1x16xf32>,
      %get3A_2567 = vector.shape_cast %get3A_2566 : vector<1x16xf32> to vector<16xf32>
      %add3A_2568 = arith.addf %add3A_2544, %get3A_2567 : vector<16xf32>
      %get3A_2569 = arith.constant 2 : i32
      %get3A_2570 = arith.index_cast %get3A_2569 : i32 to index
      %get3A_2571 = arith.constant 16 : index
      %get3A_2572 = tpu.vector_load %arg8[%get3A_2570, %get3A_2571] {strides = array<i32>} : memref<128x32xf32, #tpu.memory_space<vmem>>, vector<1x16xf32>,
      %get3A_2573 = vector.shape_cast %get3A_2572 : vector<1x16xf32> to vector<16xf32>
      %add3A_2574 = arith.addf %add3A_2550, %get3A_2573 : vector<16xf32>
      %get3A_2575 = arith.constant 3 : i32
      %get3A_2576 = arith.index_cast %get3A_2575 : i32 to index
      %get3A_2577 = arith.constant 0 : index
      %get3A_2578 = tpu.vector_load %arg8[%get3A_2576, %get3A_2577] {strides = array<i32>} : memref<128x32xf32, #tpu.memory_space<vmem>>, vector<1x16xf32>,
      %get3A_2579 = vector.shape_cast %get3A_2578 : vector<1x16xf32> to vector<16xf32>
      %add3A_2580 = arith.addf %add3A_2556, %get3A_2579 : vector<16xf32>
      %get3A_2581 = arith.constant 3 : i32
      %get3A_2582 = arith.index_cast %get3A_2581 : i32 to index
      %get3A_2583 = arith.constant 16 : index
      %get3A_2584 = tpu.vector_load %arg8[%get3A_2582, %get3A_2583] {strides = array<i32>} : memref<128x32xf32, #tpu.memory_space<vmem>>, vector<1x16xf32>,
      %get3A_2585 = vector.shape_cast %get3A_2584 : vector<1x16xf32> to vector<16xf32>
      %add3A_2586 = arith.addf %add3A_2562, %get3A_2585 : vector<16xf32>
      %get3A_2587 = arith.constant 4 : i32
      %get3A_2588 = arith.index_cast %get3A_2587 : i32 to index
      %get3A_2589 = arith.constant 0 : index
      %get3A_2590 = tpu.vector_load %arg8[%get3A_2588, %get3A_2589] {strides = array<i32>} : memref<128x32xf32, #tpu.memory_space<vmem>>, vector<1x16xf32>,
      %get3A_2591 = vector.shape_cast %get3A_2590 : vector<1x16xf32> to vector<16xf32>
      %add3A_2592 = arith.addf %add3A_2568, %get3A_2591 : vector<16xf32>
      %get3A_2593 = arith.constant 4 : i32
      %get3A_2594 = arith.index_cast %get3A_2593 : i32 to index
      %get3A_2595 = arith.constant 16 : index
      %get3A_2596 = tpu.vector_load %arg8[%get3A_2594, %get3A_2595] {strides = array<i32>} : memref<128x32xf32, #tpu.memory_space<vmem>>, vector<1x16xf32>,
      %get3A_2597 = vector.shape_cast %get3A_2596 : vector<1x16xf32> to vector<16xf32>
      %add3A_2598 = arith.addf %add3A_2574, %get3A_2597 : vector<16xf32>
      %get3A_2599 = arith.constant 5 : i32
      %get3A_2600 = arith.index_cast %get3A_2599 : i32 to index
      %get3A_2601 = arith.constant 0 : index
      %get3A_2602 = tpu.vector_load %arg8[%get3A_2600, %get3A_2601] {strides = array<i32>} : memref<128x32xf32, #tpu.memory_space<vmem>>, vector<1x16xf32>,
      %get3A_2603 = vector.shape_cast %get3A_2602 : vector<1x16xf32> to vector<16xf32>
      %add3A_2604 = arith.addf %add3A_2580, %get3A_2603 : vector<16xf32>
      %get3A_2605 = arith.constant 5 : i32
      %get3A_2606 = arith.index_cast %get3A_2605 : i32 to index
      %get3A_2607 = arith.constant 16 : index
      %get3A_2608 = tpu.vector_load %arg8[%get3A_2606, %get3A_2607] {strides = array<i32>} : memref<128x32xf32, #tpu.memory_space<vmem>>, vector<1x16xf32>,
      %get3A_2609 = vector.shape_cast %get3A_2608 : vector<1x16xf32> to vector<16xf32>
      %add3A_2610 = arith.addf %add3A_2586, %get3A_2609 : vector<16xf32>
      %get3A_2611 = arith.constant 6 : i32
      %get3A_2612 = arith.index_cast %get3A_2611 : i32 to index
      %get3A_2613 = arith.constant 0 : index
      %get3A_2614 = tpu.vector_load %arg8[%get3A_2612, %get3A_2613] {strides = array<i32>} : memref<128x32xf32, #tpu.memory_space<vmem>>, vector<1x16xf32>,
      %get3A_2615 = vector.shape_cast %get3A_2614 : vector<1x16xf32> to vector<16xf32>
      %add3A_2616 = arith.addf %add3A_2592, %get3A_2615 : vector<16xf32>
      %get3A_2617 = arith.constant 6 : i32
      %get3A_2618 = arith.index_cast %get3A_2617 : i32 to index
      %get3A_2619 = arith.constant 16 : index
      %get3A_2620 = tpu.vector_load %arg8[%get3A_2618, %get3A_2619] {strides = array<i32>} : memref<128x32xf32, #tpu.memory_space<vmem>>, vector<1x16xf32>,
      %get3A_2621 = vector.shape_cast %get3A_2620 : vector<1x16xf32> to vector<16xf32>
      %add3A_2622 = arith.addf %add3A_2598, %get3A_2621 : vector<16xf32>
      %get3A_2623 = arith.constant 7 : i32
      %get3A_2624 = arith.index_cast %get3A_2623 : i32 to index
      %get3A_2625 = arith.constant 0 : index
      %get3A_2626 = tpu.vector_load %arg8[%get3A_2624, %get3A_2625] {strides = array<i32>} : memref<128x32xf32, #tpu.memory_space<vmem>>, vector<1x16xf32>,
      %get3A_2627 = vector.shape_cast %get3A_2626 : vector<1x16xf32> to vector<16xf32>
      %add3A_2628 = arith.addf %add3A_2604, %get3A_2627 : vector<16xf32>
      %get3A_2629 = arith.constant 7 : i32
      %get3A_2630 = arith.index_cast %get3A_2629 : i32 to index
      %get3A_2631 = arith.constant 16 : index
      %get3A_2632 = tpu.vector_load %arg8[%get3A_2630, %get3A_2631] {strides = array<i32>} : memref<128x32xf32, #tpu.memory_space<vmem>>, vector<1x16xf32>,
      %get3A_2633 = vector.shape_cast %get3A_2632 : vector<1x16xf32> to vector<16xf32>
      %add3A_2634 = arith.addf %add3A_2610, %get3A_2633 : vector<16xf32>
      %get3A_2635 = arith.constant 8 : i32
      %get3A_2636 = arith.index_cast %get3A_2635 : i32 to index
      %get3A_2637 = arith.constant 0 : index
      %get3A_2638 = tpu.vector_load %arg8[%get3A_2636, %get3A_2637] {strides = array<i32>} : memref<128x32xf32, #tpu.memory_space<vmem>>, vector<1x16xf32>,
      %get3A_2639 = vector.shape_cast %get3A_2638 : vector<1x16xf32> to vector<16xf32>
      %add3A_2640 = arith.addf %add3A_2616, %get3A_2639 : vector<16xf32>
      %get3A_2641 = arith.constant 8 : i32
      %get3A_2642 = arith.index_cast %get3A_2641 : i32 to index
      %get3A_2643 = arith.constant 16 : index
      %get3A_2644 = tpu.vector_load %arg8[%get3A_2642, %get3A_2643] {strides = array<i32>} : memref<128x32xf32, #tpu.memory_space<vmem>>, vector<1x16xf32>,
      %get3A_2645 = vector.shape_cast %get3A_2644 : vector<1x16xf32> to vector<16xf32>
      %add3A_2646 = arith.addf %add3A_2622, %get3A_2645 : vector<16xf32>
      %get3A_2647 = arith.constant 9 : i32
      %get3A_2648 = arith.index_cast %get3A_2647 : i32 to index
      %get3A_2649 = arith.constant 0 : index
      %get3A_2650 = tpu.vector_load %arg8[%get3A_2648, %get3A_2649] {strides = array<i32>} : memref<128x32xf32, #tpu.memory_space<vmem>>, vector<1x16xf32>,
      %get3A_2651 = vector.shape_cast %get3A_2650 : vector<1x16xf32> to vector<16xf32>
      %add3A_2652 = arith.addf %add3A_2628, %get3A_2651 : vector<16xf32>
      %get3A_2653 = arith.constant 9 : i32
      %get3A_2654 = arith.index_cast %get3A_2653 : i32 to index
      %get3A_2655 = arith.constant 16 : index
      %get3A_2656 = tpu.vector_load %arg8[%get3A_2654, %get3A_2655] {strides = array<i32>} : memref<128x32xf32, #tpu.memory_space<vmem>>, vector<1x16xf32>,
      %get3A_2657 = vector.shape_cast %get3A_2656 : vector<1x16xf32> to vector<16xf32>
      %add3A_2658 = arith.addf %add3A_2634, %get3A_2657 : vector<16xf32>
      %get3A_2659 = arith.constant 10 : i32
      %get3A_2660 = arith.index_cast %get3A_2659 : i32 to index
      %get3A_2661 = arith.constant 0 : index
      %get3A_2662 = tpu.vector_load %arg8[%get3A_2660, %get3A_2661] {strides = array<i32>} : memref<128x32xf32, #tpu.memory_space<vmem>>, vector<1x16xf32>,
      %get3A_2663 = vector.shape_cast %get3A_2662 : vector<1x16xf32> to vector<16xf32>
      %add3A_2664 = arith.addf %add3A_2640, %get3A_2663 : vector<16xf32>
      %get3A_2665 = arith.constant 10 : i32
      %get3A_2666 = arith.index_cast %get3A_2665 : i32 to index
      %get3A_2667 = arith.constant 16 : index
      %get3A_2668 = tpu.vector_load %arg8[%get3A_2666, %get3A_2667] {strides = array<i32>} : memref<128x32xf32, #tpu.memory_space<vmem>>, vector<1x16xf32>,
      %get3A_2669 = vector.shape_cast %get3A_2668 : vector<1x16xf32> to vector<16xf32>
      %add3A_2670 = arith.addf %add3A_2646, %get3A_2669 : vector<16xf32>
      %get3A_2671 = arith.constant 11 : i32
      %get3A_2672 = arith.index_cast %get3A_2671 : i32 to index
      %get3A_2673 = arith.constant 0 : index
      %get3A_2674 = tpu.vector_load %arg8[%get3A_2672, %get3A_2673] {strides = array<i32>} : memref<128x32xf32, #tpu.memory_space<vmem>>, vector<1x16xf32>,
      %get3A_2675 = vector.shape_cast %get3A_2674 : vector<1x16xf32> to vector<16xf32>
      %add3A_2676 = arith.addf %add3A_2652, %get3A_2675 : vector<16xf32>
      %get3A_2677 = arith.constant 11 : i32
      %get3A_2678 = arith.index_cast %get3A_2677 : i32 to index
      %get3A_2679 = arith.constant 16 : index
      %get3A_2680 = tpu.vector_load %arg8[%get3A_2678, %get3A_2679] {strides = array<i32>} : memref<128x32xf32, #tpu.memory_space<vmem>>, vector<1x16xf32>,
      %get3A_2681 = vector.shape_cast %get3A_2680 : vector<1x16xf32> to vector<16xf32>
      %add3A_2682 = arith.addf %add3A_2658, %get3A_2681 : vector<16xf32>
      %get3A_2683 = arith.constant 12 : i32
      %get3A_2684 = arith.index_cast %get3A_2683 : i32 to index
      %get3A_2685 = arith.constant 0 : index
      %get3A_2686 = tpu.vector_load %arg8[%get3A_2684, %get3A_2685] {strides = array<i32>} : memref<128x32xf32, #tpu.memory_space<vmem>>, vector<1x16xf32>,
      %get3A_2687 = vector.shape_cast %get3A_2686 : vector<1x16xf32> to vector<16xf32>
      %add3A_2688 = arith.addf %add3A_2664, %get3A_2687 : vector<16xf32>
      %get3A_2689 = arith.constant 12 : i32
      %get3A_2690 = arith.index_cast %get3A_2689 : i32 to index
      %get3A_2691 = arith.constant 16 : index
      %get3A_2692 = tpu.vector_load %arg8[%get3A_2690, %get3A_2691] {strides = array<i32>} : memref<128x32xf32, #tpu.memory_space<vmem>>, vector<1x16xf32>,
      %get3A_2693 = vector.shape_cast %get3A_2692 : vector<1x16xf32> to vector<16xf32>
      %add3A_2694 = arith.addf %add3A_2670, %get3A_2693 : vector<16xf32>
      %get3A_2695 = arith.constant 13 : i32
      %get3A_2696 = arith.index_cast %get3A_2695 : i32 to index
      %get3A_2697 = arith.constant 0 : index
      %get3A_2698 = tpu.vector_load %arg8[%get3A_2696, %get3A_2697] {strides = array<i32>} : memref<128x32xf32, #tpu.memory_space<vmem>>, vector<1x16xf32>,
      %get3A_2699 = vector.shape_cast %get3A_2698 : vector<1x16xf32> to vector<16xf32>
      %add3A_2700 = arith.addf %add3A_2676, %get3A_2699 : vector<16xf32>
      %get3A_2701 = arith.constant 13 : i32
      %get3A_2702 = arith.index_cast %get3A_2701 : i32 to index
      %get3A_2703 = arith.constant 16 : index
      %get3A_2704 = tpu.vector_load %arg8[%get3A_2702, %get3A_2703] {strides = array<i32>} : memref<128x32xf32, #tpu.memory_space<vmem>>, vector<1x16xf32>,
      %get3A_2705 = vector.shape_cast %get3A_2704 : vector<1x16xf32> to vector<16xf32>
      %add3A_2706 = arith.addf %add3A_2682, %get3A_2705 : vector<16xf32>
      %get3A_2707 = arith.constant 14 : i32
      %get3A_2708 = arith.index_cast %get3A_2707 : i32 to index
      %get3A_2709 = arith.constant 0 : index
      %get3A_2710 = tpu.vector_load %arg8[%get3A_2708, %get3A_2709] {strides = array<i32>} : memref<128x32xf32, #tpu.memory_space<vmem>>, vector<1x16xf32>,
      %get3A_2711 = vector.shape_cast %get3A_2710 : vector<1x16xf32> to vector<16xf32>
      %add3A_2712 = arith.addf %add3A_2688, %get3A_2711 : vector<16xf32>
      %get3A_2713 = arith.constant 14 : i32
      %get3A_2714 = arith.index_cast %get3A_2713 : i32 to index
      %get3A_2715 = arith.constant 16 : index
      %get3A_2716 = tpu.vector_load %arg8[%get3A_2714, %get3A_2715] {strides = array<i32>} : memref<128x32xf32, #tpu.memory_space<vmem>>, vector<1x16xf32>,
      %get3A_2717 = vector.shape_cast %get3A_2716 : vector<1x16xf32> to vector<16xf32>
      %add3A_2718 = arith.addf %add3A_2694, %get3A_2717 : vector<16xf32>
      %get3A_2719 = arith.constant 15 : i32
      %get3A_2720 = arith.index_cast %get3A_2719 : i32 to index
      %get3A_2721 = arith.constant 0 : index
      %get3A_2722 = tpu.vector_load %arg8[%get3A_2720, %get3A_2721] {strides = array<i32>} : memref<128x32xf32, #tpu.memory_space<vmem>>, vector<1x16xf32>,
      %get3A_2723 = vector.shape_cast %get3A_2722 : vector<1x16xf32> to vector<16xf32>
      %add3A_2724 = arith.addf %add3A_2700, %get3A_2723 : vector<16xf32>
      %get3A_2725 = arith.constant 15 : i32
      %get3A_2726 = arith.index_cast %get3A_2725 : i32 to index
      %get3A_2727 = arith.constant 16 : index
      %get3A_2728 = tpu.vector_load %arg8[%get3A_2726, %get3A_2727] {strides = array<i32>} : memref<128x32xf32, #tpu.memory_space<vmem>>, vector<1x16xf32>,
      %get3A_2729 = vector.shape_cast %get3A_2728 : vector<1x16xf32> to vector<16xf32>
      %add3A_2730 = arith.addf %add3A_2706, %get3A_2729 : vector<16xf32>
      %get3A_2731 = arith.constant 16 : i32
      %get3A_2732 = arith.index_cast %get3A_2731 : i32 to index
      %get3A_2733 = arith.constant 0 : index
      %get3A_2734 = tpu.vector_load %arg8[%get3A_2732, %get3A_2733] {strides = array<i32>} : memref<128x32xf32, #tpu.memory_space<vmem>>, vector<1x16xf32>,
      %get3A_2735 = vector.shape_cast %get3A_2734 : vector<1x16xf32> to vector<16xf32>
      %add3A_2736 = arith.addf %add3A_2712, %get3A_2735 : vector<16xf32>
      %get3A_2737 = arith.constant 16 : i32
      %get3A_2738 = arith.index_cast %get3A_2737 : i32 to index
      %get3A_2739 = arith.constant 16 : index
      %get3A_2740 = tpu.vector_load %arg8[%get3A_2738, %get3A_2739] {strides = array<i32>} : memref<128x32xf32, #tpu.memory_space<vmem>>, vector<1x16xf32>,
      %get3A_2741 = vector.shape_cast %get3A_2740 : vector<1x16xf32> to vector<16xf32>
      %add3A_2742 = arith.addf %add3A_2718, %get3A_2741 : vector<16xf32>
      %get3A_2743 = arith.constant 17 : i32
      %get3A_2744 = arith.index_cast %get3A_2743 : i32 to index
      %get3A_2745 = arith.constant 0 : index
      %get3A_2746 = tpu.vector_load %arg8[%get3A_2744, %get3A_2745] {strides = array<i32>} : memref<128x32xf32, #tpu.memory_space<vmem>>, vector<1x16xf32>,
      %get3A_2747 = vector.shape_cast %get3A_2746 : vector<1x16xf32> to vector<16xf32>
      %add3A_2748 = arith.addf %add3A_2724, %get3A_2747 : vector<16xf32>
      %get3A_2749 = arith.constant 17 : i32
      %get3A_2750 = arith.index_cast %get3A_2749 : i32 to index
      %get3A_2751 = arith.constant 16 : index
      %get3A_2752 = tpu.vector_load %arg8[%get3A_2750, %get3A_2751] {strides = array<i32>} : memref<128x32xf32, #tpu.memory_space<vmem>>, vector<1x16xf32>,
      %get3A_2753 = vector.shape_cast %get3A_2752 : vector<1x16xf32> to vector<16xf32>
      %add3A_2754 = arith.addf %add3A_2730, %get3A_2753 : vector<16xf32>
      %get3A_2755 = arith.constant 18 : i32
      %get3A_2756 = arith.index_cast %get3A_2755 : i32 to index
      %get3A_2757 = arith.constant 0 : index
      %get3A_2758 = tpu.vector_load %arg8[%get3A_2756, %get3A_2757] {strides = array<i32>} : memref<128x32xf32, #tpu.memory_space<vmem>>, vector<1x16xf32>,
      %get3A_2759 = vector.shape_cast %get3A_2758 : vector<1x16xf32> to vector<16xf32>
      %add3A_2760 = arith.addf %add3A_2736, %get3A_2759 : vector<16xf32>
      %get3A_2761 = arith.constant 18 : i32
      %get3A_2762 = arith.index_cast %get3A_2761 : i32 to index
      %get3A_2763 = arith.constant 16 : index
      %get3A_2764 = tpu.vector_load %arg8[%get3A_2762, %get3A_2763] {strides = array<i32>} : memref<128x32xf32, #tpu.memory_space<vmem>>, vector<1x16xf32>,
      %get3A_2765 = vector.shape_cast %get3A_2764 : vector<1x16xf32> to vector<16xf32>
      %add3A_2766 = arith.addf %add3A_2742, %get3A_2765 : vector<16xf32>
      %get3A_2767 = arith.constant 19 : i32
      %get3A_2768 = arith.index_cast %get3A_2767 : i32 to index
      %get3A_2769 = arith.constant 0 : index
      %get3A_2770 = tpu.vector_load %arg8[%get3A_2768, %get3A_2769] {strides = array<i32>} : memref<128x32xf32, #tpu.memory_space<vmem>>, vector<1x16xf32>,
      %get3A_2771 = vector.shape_cast %get3A_2770 : vector<1x16xf32> to vector<16xf32>
      %add3A_2772 = arith.addf %add3A_2748, %get3A_2771 : vector<16xf32>
      %get3A_2773 = arith.constant 19 : i32
      %get3A_2774 = arith.index_cast %get3A_2773 : i32 to index
      %get3A_2775 = arith.constant 16 : index
      %get3A_2776 = tpu.vector_load %arg8[%get3A_2774, %get3A_2775] {strides = array<i32>} : memref<128x32xf32, #tpu.memory_space<vmem>>, vector<1x16xf32>,
      %get3A_2777 = vector.shape_cast %get3A_2776 : vector<1x16xf32> to vector<16xf32>
      %add3A_2778 = arith.addf %add3A_2754, %get3A_2777 : vector<16xf32>
      %get3A_2779 = arith.constant 20 : i32
      %get3A_2780 = arith.index_cast %get3A_2779 : i32 to index
      %get3A_2781 = arith.constant 0 : index
      %get3A_2782 = tpu.vector_load %arg8[%get3A_2780, %get3A_2781] {strides = array<i32>} : memref<128x32xf32, #tpu.memory_space<vmem>>, vector<1x16xf32>,
      %get3A_2783 = vector.shape_cast %get3A_2782 : vector<1x16xf32> to vector<16xf32>
      %add3A_2784 = arith.addf %add3A_2760, %get3A_2783 : vector<16xf32>
      %get3A_2785 = arith.constant 20 : i32
      %get3A_2786 = arith.index_cast %get3A_2785 : i32 to index
      %get3A_2787 = arith.constant 16 : index
      %get3A_2788 = tpu.vector_load %arg8[%get3A_2786, %get3A_2787] {strides = array<i32>} : memref<128x32xf32, #tpu.memory_space<vmem>>, vector<1x16xf32>,
      %get3A_2789 = vector.shape_cast %get3A_2788 : vector<1x16xf32> to vector<16xf32>
      %add3A_2790 = arith.addf %add3A_2766, %get3A_2789 : vector<16xf32>
      %get3A_2791 = arith.constant 21 : i32
      %get3A_2792 = arith.index_cast %get3A_2791 : i32 to index
      %get3A_2793 = arith.constant 0 : index
      %get3A_2794 = tpu.vector_load %arg8[%get3A_2792, %get3A_2793] {strides = array<i32>} : memref<128x32xf32, #tpu.memory_space<vmem>>, vector<1x16xf32>,
      %get3A_2795 = vector.shape_cast %get3A_2794 : vector<1x16xf32> to vector<16xf32>
      %add3A_2796 = arith.addf %add3A_2772, %get3A_2795 : vector<16xf32>
      %get3A_2797 = arith.constant 21 : i32
      %get3A_2798 = arith.index_cast %get3A_2797 : i32 to index
      %get3A_2799 = arith.constant 16 : index
      %get3A_2800 = tpu.vector_load %arg8[%get3A_2798, %get3A_2799] {strides = array<i32>} : memref<128x32xf32, #tpu.memory_space<vmem>>, vector<1x16xf32>,
      %get3A_2801 = vector.shape_cast %get3A_2800 : vector<1x16xf32> to vector<16xf32>
      %add3A_2802 = arith.addf %add3A_2778, %get3A_2801 : vector<16xf32>
      %get3A_2803 = arith.constant 22 : i32
      %get3A_2804 = arith.index_cast %get3A_2803 : i32 to index
      %get3A_2805 = arith.constant 0 : index
      %get3A_2806 = tpu.vector_load %arg8[%get3A_2804, %get3A_2805] {strides = array<i32>} : memref<128x32xf32, #tpu.memory_space<vmem>>, vector<1x16xf32>,
      %get3A_2807 = vector.shape_cast %get3A_2806 : vector<1x16xf32> to vector<16xf32>
      %add3A_2808 = arith.addf %add3A_2784, %get3A_2807 : vector<16xf32>
      %get3A_2809 = arith.constant 22 : i32
      %get3A_2810 = arith.index_cast %get3A_2809 : i32 to index
      %get3A_2811 = arith.constant 16 : index
      %get3A_2812 = tpu.vector_load %arg8[%get3A_2810, %get3A_2811] {strides = array<i32>} : memref<128x32xf32, #tpu.memory_space<vmem>>, vector<1x16xf32>,
      %get3A_2813 = vector.shape_cast %get3A_2812 : vector<1x16xf32> to vector<16xf32>
      %add3A_2814 = arith.addf %add3A_2790, %get3A_2813 : vector<16xf32>
      %get3A_2815 = arith.constant 23 : i32
      %get3A_2816 = arith.index_cast %get3A_2815 : i32 to index
      %get3A_2817 = arith.constant 0 : index
      %get3A_2818 = tpu.vector_load %arg8[%get3A_2816, %get3A_2817] {strides = array<i32>} : memref<128x32xf32, #tpu.memory_space<vmem>>, vector<1x16xf32>,
      %get3A_2819 = vector.shape_cast %get3A_2818 : vector<1x16xf32> to vector<16xf32>
      %add3A_2820 = arith.addf %add3A_2796, %get3A_2819 : vector<16xf32>
      %get3A_2821 = arith.constant 23 : i32
      %get3A_2822 = arith.index_cast %get3A_2821 : i32 to index
      %get3A_2823 = arith.constant 16 : index
      %get3A_2824 = tpu.vector_load %arg8[%get3A_2822, %get3A_2823] {strides = array<i32>} : memref<128x32xf32, #tpu.memory_space<vmem>>, vector<1x16xf32>,
      %get3A_2825 = vector.shape_cast %get3A_2824 : vector<1x16xf32> to vector<16xf32>
      %add3A_2826 = arith.addf %add3A_2802, %get3A_2825 : vector<16xf32>
      %get3A_2827 = arith.constant 24 : i32
      %get3A_2828 = arith.index_cast %get3A_2827 : i32 to index
      %get3A_2829 = arith.constant 0 : index
      %get3A_2830 = tpu.vector_load %arg8[%get3A_2828, %get3A_2829] {strides = array<i32>} : memref<128x32xf32, #tpu.memory_space<vmem>>, vector<1x16xf32>,
      %get3A_2831 = vector.shape_cast %get3A_2830 : vector<1x16xf32> to vector<16xf32>
      %add3A_2832 = arith.addf %add3A_2808, %get3A_2831 : vector<16xf32>
      %get3A_2833 = arith.constant 24 : i32
      %get3A_2834 = arith.index_cast %get3A_2833 : i32 to index
      %get3A_2835 = arith.constant 16 : index
      %get3A_2836 = tpu.vector_load %arg8[%get3A_2834, %get3A_2835] {strides = array<i32>} : memref<128x32xf32, #tpu.memory_space<vmem>>, vector<1x16xf32>,
      %get3A_2837 = vector.shape_cast %get3A_2836 : vector<1x16xf32> to vector<16xf32>
      %add3A_2838 = arith.addf %add3A_2814, %get3A_2837 : vector<16xf32>
      %get3A_2839 = arith.constant 25 : i32
      %get3A_2840 = arith.index_cast %get3A_2839 : i32 to index
      %get3A_2841 = arith.constant 0 : index
      %get3A_2842 = tpu.vector_load %arg8[%get3A_2840, %get3A_2841] {strides = array<i32>} : memref<128x32xf32, #tpu.memory_space<vmem>>, vector<1x16xf32>,
      %get3A_2843 = vector.shape_cast %get3A_2842 : vector<1x16xf32> to vector<16xf32>
      %add3A_2844 = arith.addf %add3A_2820, %get3A_2843 : vector<16xf32>
      %get3A_2845 = arith.constant 25 : i32
      %get3A_2846 = arith.index_cast %get3A_2845 : i32 to index
      %get3A_2847 = arith.constant 16 : index
      %get3A_2848 = tpu.vector_load %arg8[%get3A_2846, %get3A_2847] {strides = array<i32>} : memref<128x32xf32, #tpu.memory_space<vmem>>, vector<1x16xf32>,
      %get3A_2849 = vector.shape_cast %get3A_2848 : vector<1x16xf32> to vector<16xf32>
      %add3A_2850 = arith.addf %add3A_2826, %get3A_2849 : vector<16xf32>
      %get3A_2851 = arith.constant 26 : i32
      %get3A_2852 = arith.index_cast %get3A_2851 : i32 to index
      %get3A_2853 = arith.constant 0 : index
      %get3A_2854 = tpu.vector_load %arg8[%get3A_2852, %get3A_2853] {strides = array<i32>} : memref<128x32xf32, #tpu.memory_space<vmem>>, vector<1x16xf32>,
      %get3A_2855 = vector.shape_cast %get3A_2854 : vector<1x16xf32> to vector<16xf32>
      %add3A_2856 = arith.addf %add3A_2832, %get3A_2855 : vector<16xf32>
      %get3A_2857 = arith.constant 26 : i32
      %get3A_2858 = arith.index_cast %get3A_2857 : i32 to index
      %get3A_2859 = arith.constant 16 : index
      %get3A_2860 = tpu.vector_load %arg8[%get3A_2858, %get3A_2859] {strides = array<i32>} : memref<128x32xf32, #tpu.memory_space<vmem>>, vector<1x16xf32>,
      %get3A_2861 = vector.shape_cast %get3A_2860 : vector<1x16xf32> to vector<16xf32>
      %add3A_2862 = arith.addf %add3A_2838, %get3A_2861 : vector<16xf32>
      %get3A_2863 = arith.constant 27 : i32
      %get3A_2864 = arith.index_cast %get3A_2863 : i32 to index
      %get3A_2865 = arith.constant 0 : index
      %get3A_2866 = tpu.vector_load %arg8[%get3A_2864, %get3A_2865] {strides = array<i32>} : memref<128x32xf32, #tpu.memory_space<vmem>>, vector<1x16xf32>,
      %get3A_2867 = vector.shape_cast %get3A_2866 : vector<1x16xf32> to vector<16xf32>
      %add3A_2868 = arith.addf %add3A_2844, %get3A_2867 : vector<16xf32>
      %get3A_2869 = arith.constant 27 : i32
      %get3A_2870 = arith.index_cast %get3A_2869 : i32 to index
      %get3A_2871 = arith.constant 16 : index
      %get3A_2872 = tpu.vector_load %arg8[%get3A_2870, %get3A_2871] {strides = array<i32>} : memref<128x32xf32, #tpu.memory_space<vmem>>, vector<1x16xf32>,
      %get3A_2873 = vector.shape_cast %get3A_2872 : vector<1x16xf32> to vector<16xf32>
      %add3A_2874 = arith.addf %add3A_2850, %get3A_2873 : vector<16xf32>
      %get3A_2875 = arith.constant 28 : i32
      %get3A_2876 = arith.index_cast %get3A_2875 : i32 to index
      %get3A_2877 = arith.constant 0 : index
      %get3A_2878 = tpu.vector_load %arg8[%get3A_2876, %get3A_2877] {strides = array<i32>} : memref<128x32xf32, #tpu.memory_space<vmem>>, vector<1x16xf32>,
      %get3A_2879 = vector.shape_cast %get3A_2878 : vector<1x16xf32> to vector<16xf32>
      %add3A_2880 = arith.addf %add3A_2856, %get3A_2879 : vector<16xf32>
      %get3A_2881 = arith.constant 28 : i32
      %get3A_2882 = arith.index_cast %get3A_2881 : i32 to index
      %get3A_2883 = arith.constant 16 : index
      %get3A_2884 = tpu.vector_load %arg8[%get3A_2882, %get3A_2883] {strides = array<i32>} : memref<128x32xf32, #tpu.memory_space<vmem>>, vector<1x16xf32>,
      %get3A_2885 = vector.shape_cast %get3A_2884 : vector<1x16xf32> to vector<16xf32>
      %add3A_2886 = arith.addf %add3A_2862, %get3A_2885 : vector<16xf32>
      %get3A_2887 = arith.constant 29 : i32
      %get3A_2888 = arith.index_cast %get3A_2887 : i32 to index
      %get3A_2889 = arith.constant 0 : index
      %get3A_2890 = tpu.vector_load %arg8[%get3A_2888, %get3A_2889] {strides = array<i32>} : memref<128x32xf32, #tpu.memory_space<vmem>>, vector<1x16xf32>,
      %get3A_2891 = vector.shape_cast %get3A_2890 : vector<1x16xf32> to vector<16xf32>
      %add3A_2892 = arith.addf %add3A_2868, %get3A_2891 : vector<16xf32>
      %get3A_2893 = arith.constant 29 : i32
      %get3A_2894 = arith.index_cast %get3A_2893 : i32 to index
      %get3A_2895 = arith.constant 16 : index
      %get3A_2896 = tpu.vector_load %arg8[%get3A_2894, %get3A_2895] {strides = array<i32>} : memref<128x32xf32, #tpu.memory_space<vmem>>, vector<1x16xf32>,
      %get3A_2897 = vector.shape_cast %get3A_2896 : vector<1x16xf32> to vector<16xf32>
      %add3A_2898 = arith.addf %add3A_2874, %get3A_2897 : vector<16xf32>
      %get3A_2899 = arith.constant 30 : i32
      %get3A_2900 = arith.index_cast %get3A_2899 : i32 to index
      %get3A_2901 = arith.constant 0 : index
      %get3A_2902 = tpu.vector_load %arg8[%get3A_2900, %get3A_2901] {strides = array<i32>} : memref<128x32xf32, #tpu.memory_space<vmem>>, vector<1x16xf32>,
      %get3A_2903 = vector.shape_cast %get3A_2902 : vector<1x16xf32> to vector<16xf32>
      %add3A_2904 = arith.addf %add3A_2880, %get3A_2903 : vector<16xf32>
      %get3A_2905 = arith.constant 30 : i32
      %get3A_2906 = arith.index_cast %get3A_2905 : i32 to index
      %get3A_2907 = arith.constant 16 : index
      %get3A_2908 = tpu.vector_load %arg8[%get3A_2906, %get3A_2907] {strides = array<i32>} : memref<128x32xf32, #tpu.memory_space<vmem>>, vector<1x16xf32>,
      %get3A_2909 = vector.shape_cast %get3A_2908 : vector<1x16xf32> to vector<16xf32>
      %add3A_2910 = arith.addf %add3A_2886, %get3A_2909 : vector<16xf32>
      %get3A_2911 = arith.constant 31 : i32
      %get3A_2912 = arith.index_cast %get3A_2911 : i32 to index
      %get3A_2913 = arith.constant 0 : index
      %get3A_2914 = tpu.vector_load %arg8[%get3A_2912, %get3A_2913] {strides = array<i32>} : memref<128x32xf32, #tpu.memory_space<vmem>>, vector<1x16xf32>,
      %get3A_2915 = vector.shape_cast %get3A_2914 : vector<1x16xf32> to vector<16xf32>
      %add3A_2916 = arith.addf %add3A_2892, %get3A_2915 : vector<16xf32>
      %get3A_2917 = arith.constant 31 : i32
      %get3A_2918 = arith.index_cast %get3A_2917 : i32 to index
      %get3A_2919 = arith.constant 16 : index
      %get3A_2920 = tpu.vector_load %arg8[%get3A_2918, %get3A_2919] {strides = array<i32>} : memref<128x32xf32, #tpu.memory_space<vmem>>, vector<1x16xf32>,
      %get3A_2921 = vector.shape_cast %get3A_2920 : vector<1x16xf32> to vector<16xf32>
      %add3A_2922 = arith.addf %add3A_2898, %get3A_2921 : vector<16xf32>
      %get3A_2923 = arith.constant 32 : i32
      %get3A_2924 = arith.index_cast %get3A_2923 : i32 to index
      %get3A_2925 = arith.constant 0 : index
      %get3A_2926 = tpu.vector_load %arg8[%get3A_2924, %get3A_2925] {strides = array<i32>} : memref<128x32xf32, #tpu.memory_space<vmem>>, vector<1x16xf32>,
      %get3A_2927 = vector.shape_cast %get3A_2926 : vector<1x16xf32> to vector<16xf32>
      %add3A_2928 = arith.addf %add3A_2904, %get3A_2927 : vector<16xf32>
      %get3A_2929 = arith.constant 32 : i32
      %get3A_2930 = arith.index_cast %get3A_2929 : i32 to index
      %get3A_2931 = arith.constant 16 : index
      %get3A_2932 = tpu.vector_load %arg8[%get3A_2930, %get3A_2931] {strides = array<i32>} : memref<128x32xf32, #tpu.memory_space<vmem>>, vector<1x16xf32>,
      %get3A_2933 = vector.shape_cast %get3A_2932 : vector<1x16xf32> to vector<16xf32>
      %add3A_2934 = arith.addf %add3A_2910, %get3A_2933 : vector<16xf32>
      %get3A_2935 = arith.constant 33 : i32
      %get3A_2936 = arith.index_cast %get3A_2935 : i32 to index
      %get3A_2937 = arith.constant 0 : index
      %get3A_2938 = tpu.vector_load %arg8[%get3A_2936, %get3A_2937] {strides = array<i32>} : memref<128x32xf32, #tpu.memory_space<vmem>>, vector<1x16xf32>,
      %get3A_2939 = vector.shape_cast %get3A_2938 : vector<1x16xf32> to vector<16xf32>
      %add3A_2940 = arith.addf %add3A_2916, %get3A_2939 : vector<16xf32>
      %get3A_2941 = arith.constant 33 : i32
      %get3A_2942 = arith.index_cast %get3A_2941 : i32 to index
      %get3A_2943 = arith.constant 16 : index
      %get3A_2944 = tpu.vector_load %arg8[%get3A_2942, %get3A_2943] {strides = array<i32>} : memref<128x32xf32, #tpu.memory_space<vmem>>, vector<1x16xf32>,
      %get3A_2945 = vector.shape_cast %get3A_2944 : vector<1x16xf32> to vector<16xf32>
      %add3A_2946 = arith.addf %add3A_2922, %get3A_2945 : vector<16xf32>
      %get3A_2947 = arith.constant 34 : i32
      %get3A_2948 = arith.index_cast %get3A_2947 : i32 to index
      %get3A_2949 = arith.constant 0 : index
      %get3A_2950 = tpu.vector_load %arg8[%get3A_2948, %get3A_2949] {strides = array<i32>} : memref<128x32xf32, #tpu.memory_space<vmem>>, vector<1x16xf32>,
      %get3A_2951 = vector.shape_cast %get3A_2950 : vector<1x16xf32> to vector<16xf32>
      %add3A_2952 = arith.addf %add3A_2928, %get3A_2951 : vector<16xf32>
      %get3A_2953 = arith.constant 34 : i32
      %get3A_2954 = arith.index_cast %get3A_2953 : i32 to index
      %get3A_2955 = arith.constant 16 : index
      %get3A_2956 = tpu.vector_load %arg8[%get3A_2954, %get3A_2955] {strides = array<i32>} : memref<128x32xf32, #tpu.memory_space<vmem>>, vector<1x16xf32>,
      %get3A_2957 = vector.shape_cast %get3A_2956 : vector<1x16xf32> to vector<16xf32>
      %add3A_2958 = arith.addf %add3A_2934, %get3A_2957 : vector<16xf32>
      %get3A_2959 = arith.constant 35 : i32
      %get3A_2960 = arith.index_cast %get3A_2959 : i32 to index
      %get3A_2961 = arith.constant 0 : index
      %get3A_2962 = tpu.vector_load %arg8[%get3A_2960, %get3A_2961] {strides = array<i32>} : memref<128x32xf32, #tpu.memory_space<vmem>>, vector<1x16xf32>,
      %get3A_2963 = vector.shape_cast %get3A_2962 : vector<1x16xf32> to vector<16xf32>
      %add3A_2964 = arith.addf %add3A_2940, %get3A_2963 : vector<16xf32>
      %get3A_2965 = arith.constant 35 : i32
      %get3A_2966 = arith.index_cast %get3A_2965 : i32 to index
      %get3A_2967 = arith.constant 16 : index
      %get3A_2968 = tpu.vector_load %arg8[%get3A_2966, %get3A_2967] {strides = array<i32>} : memref<128x32xf32, #tpu.memory_space<vmem>>, vector<1x16xf32>,
      %get3A_2969 = vector.shape_cast %get3A_2968 : vector<1x16xf32> to vector<16xf32>
      %add3A_2970 = arith.addf %add3A_2946, %get3A_2969 : vector<16xf32>
      %get3A_2971 = arith.constant 36 : i32
      %get3A_2972 = arith.index_cast %get3A_2971 : i32 to index
      %get3A_2973 = arith.constant 0 : index
      %get3A_2974 = tpu.vector_load %arg8[%get3A_2972, %get3A_2973] {strides = array<i32>} : memref<128x32xf32, #tpu.memory_space<vmem>>, vector<1x16xf32>,
      %get3A_2975 = vector.shape_cast %get3A_2974 : vector<1x16xf32> to vector<16xf32>
      %add3A_2976 = arith.addf %add3A_2952, %get3A_2975 : vector<16xf32>
      %get3A_2977 = arith.constant 36 : i32
      %get3A_2978 = arith.index_cast %get3A_2977 : i32 to index
      %get3A_2979 = arith.constant 16 : index
      %get3A_2980 = tpu.vector_load %arg8[%get3A_2978, %get3A_2979] {strides = array<i32>} : memref<128x32xf32, #tpu.memory_space<vmem>>, vector<1x16xf32>,
      %get3A_2981 = vector.shape_cast %get3A_2980 : vector<1x16xf32> to vector<16xf32>
      %add3A_2982 = arith.addf %add3A_2958, %get3A_2981 : vector<16xf32>
      %get3A_2983 = arith.constant 37 : i32
      %get3A_2984 = arith.index_cast %get3A_2983 : i32 to index
      %get3A_2985 = arith.constant 0 : index
      %get3A_2986 = tpu.vector_load %arg8[%get3A_2984, %get3A_2985] {strides = array<i32>} : memref<128x32xf32, #tpu.memory_space<vmem>>, vector<1x16xf32>,
      %get3A_2987 = vector.shape_cast %get3A_2986 : vector<1x16xf32> to vector<16xf32>
      %add3A_2988 = arith.addf %add3A_2964, %get3A_2987 : vector<16xf32>
      %get3A_2989 = arith.constant 37 : i32
      %get3A_2990 = arith.index_cast %get3A_2989 : i32 to index
      %get3A_2991 = arith.constant 16 : index
      %get3A_2992 = tpu.vector_load %arg8[%get3A_2990, %get3A_2991] {strides = array<i32>} : memref<128x32xf32, #tpu.memory_space<vmem>>, vector<1x16xf32>,
      %get3A_2993 = vector.shape_cast %get3A_2992 : vector<1x16xf32> to vector<16xf32>
      %add3A_2994 = arith.addf %add3A_2970, %get3A_2993 : vector<16xf32>
      %get3A_2995 = arith.constant 38 : i32
      %get3A_2996 = arith.index_cast %get3A_2995 : i32 to index
      %get3A_2997 = arith.constant 0 : index
      %get3A_2998 = tpu.vector_load %arg8[%get3A_2996, %get3A_2997] {strides = array<i32>} : memref<128x32xf32, #tpu.memory_space<vmem>>, vector<1x16xf32>,
      %get3A_2999 = vector.shape_cast %get3A_2998 : vector<1x16xf32> to vector<16xf32>
      %add3A_3000 = arith.addf %add3A_2976, %get3A_2999 : vector<16xf32>
      %get3A_3001 = arith.constant 38 : i32
      %get3A_3002 = arith.index_cast %get3A_3001 : i32 to index
      %get3A_3003 = arith.constant 16 : index
      %get3A_3004 = tpu.vector_load %arg8[%get3A_3002, %get3A_3003] {strides = array<i32>} : memref<128x32xf32, #tpu.memory_space<vmem>>, vector<1x16xf32>,
      %get3A_3005 = vector.shape_cast %get3A_3004 : vector<1x16xf32> to vector<16xf32>
      %add3A_3006 = arith.addf %add3A_2982, %get3A_3005 : vector<16xf32>
      %get3A_3007 = arith.constant 39 : i32
      %get3A_3008 = arith.index_cast %get3A_3007 : i32 to index
      %get3A_3009 = arith.constant 0 : index
      %get3A_3010 = tpu.vector_load %arg8[%get3A_3008, %get3A_3009] {strides = array<i32>} : memref<128x32xf32, #tpu.memory_space<vmem>>, vector<1x16xf32>,
      %get3A_3011 = vector.shape_cast %get3A_3010 : vector<1x16xf32> to vector<16xf32>
      %add3A_3012 = arith.addf %add3A_2988, %get3A_3011 : vector<16xf32>
      %get3A_3013 = arith.constant 39 : i32
      %get3A_3014 = arith.index_cast %get3A_3013 : i32 to index
      %get3A_3015 = arith.constant 16 : index
      %get3A_3016 = tpu.vector_load %arg8[%get3A_3014, %get3A_3015] {strides = array<i32>} : memref<128x32xf32, #tpu.memory_space<vmem>>, vector<1x16xf32>,
      %get3A_3017 = vector.shape_cast %get3A_3016 : vector<1x16xf32> to vector<16xf32>
      %add3A_3018 = arith.addf %add3A_2994, %get3A_3017 : vector<16xf32>
      %get3A_3019 = arith.constant 40 : i32
      %get3A_3020 = arith.index_cast %get3A_3019 : i32 to index
      %get3A_3021 = arith.constant 0 : index
      %get3A_3022 = tpu.vector_load %arg8[%get3A_3020, %get3A_3021] {strides = array<i32>} : memref<128x32xf32, #tpu.memory_space<vmem>>, vector<1x16xf32>,
      %get3A_3023 = vector.shape_cast %get3A_3022 : vector<1x16xf32> to vector<16xf32>
      %add3A_3024 = arith.addf %add3A_3000, %get3A_3023 : vector<16xf32>
      %get3A_3025 = arith.constant 40 : i32
      %get3A_3026 = arith.index_cast %get3A_3025 : i32 to index
      %get3A_3027 = arith.constant 16 : index
      %get3A_3028 = tpu.vector_load %arg8[%get3A_3026, %get3A_3027] {strides = array<i32>} : memref<128x32xf32, #tpu.memory_space<vmem>>, vector<1x16xf32>,
      %get3A_3029 = vector.shape_cast %get3A_3028 : vector<1x16xf32> to vector<16xf32>
      %add3A_3030 = arith.addf %add3A_3006, %get3A_3029 : vector<16xf32>
      %get3A_3031 = arith.constant 41 : i32
      %get3A_3032 = arith.index_cast %get3A_3031 : i32 to index
      %get3A_3033 = arith.constant 0 : index
      %get3A_3034 = tpu.vector_load %arg8[%get3A_3032, %get3A_3033] {strides = array<i32>} : memref<128x32xf32, #tpu.memory_space<vmem>>, vector<1x16xf32>,
      %get3A_3035 = vector.shape_cast %get3A_3034 : vector<1x16xf32> to vector<16xf32>
      %add3A_3036 = arith.addf %add3A_3012, %get3A_3035 : vector<16xf32>
      %get3A_3037 = arith.constant 41 : i32
      %get3A_3038 = arith.index_cast %get3A_3037 : i32 to index
      %get3A_3039 = arith.constant 16 : index
      %get3A_3040 = tpu.vector_load %arg8[%get3A_3038, %get3A_3039] {strides = array<i32>} : memref<128x32xf32, #tpu.memory_space<vmem>>, vector<1x16xf32>,
      %get3A_3041 = vector.shape_cast %get3A_3040 : vector<1x16xf32> to vector<16xf32>
      %add3A_3042 = arith.addf %add3A_3018, %get3A_3041 : vector<16xf32>
      %get3A_3043 = arith.constant 42 : i32
      %get3A_3044 = arith.index_cast %get3A_3043 : i32 to index
      %get3A_3045 = arith.constant 0 : index
      %get3A_3046 = tpu.vector_load %arg8[%get3A_3044, %get3A_3045] {strides = array<i32>} : memref<128x32xf32, #tpu.memory_space<vmem>>, vector<1x16xf32>,
      %get3A_3047 = vector.shape_cast %get3A_3046 : vector<1x16xf32> to vector<16xf32>
      %add3A_3048 = arith.addf %add3A_3024, %get3A_3047 : vector<16xf32>
      %get3A_3049 = arith.constant 42 : i32
      %get3A_3050 = arith.index_cast %get3A_3049 : i32 to index
      %get3A_3051 = arith.constant 16 : index
      %get3A_3052 = tpu.vector_load %arg8[%get3A_3050, %get3A_3051] {strides = array<i32>} : memref<128x32xf32, #tpu.memory_space<vmem>>, vector<1x16xf32>,
      %get3A_3053 = vector.shape_cast %get3A_3052 : vector<1x16xf32> to vector<16xf32>
      %add3A_3054 = arith.addf %add3A_3030, %get3A_3053 : vector<16xf32>
      %get3A_3055 = arith.constant 43 : i32
      %get3A_3056 = arith.index_cast %get3A_3055 : i32 to index
      %get3A_3057 = arith.constant 0 : index
      %get3A_3058 = tpu.vector_load %arg8[%get3A_3056, %get3A_3057] {strides = array<i32>} : memref<128x32xf32, #tpu.memory_space<vmem>>, vector<1x16xf32>,
      %get3A_3059 = vector.shape_cast %get3A_3058 : vector<1x16xf32> to vector<16xf32>
      %add3A_3060 = arith.addf %add3A_3036, %get3A_3059 : vector<16xf32>
      %get3A_3061 = arith.constant 43 : i32
      %get3A_3062 = arith.index_cast %get3A_3061 : i32 to index
      %get3A_3063 = arith.constant 16 : index
      %get3A_3064 = tpu.vector_load %arg8[%get3A_3062, %get3A_3063] {strides = array<i32>} : memref<128x32xf32, #tpu.memory_space<vmem>>, vector<1x16xf32>,
      %get3A_3065 = vector.shape_cast %get3A_3064 : vector<1x16xf32> to vector<16xf32>
      %add3A_3066 = arith.addf %add3A_3042, %get3A_3065 : vector<16xf32>
      %get3A_3067 = arith.constant 44 : i32
      %get3A_3068 = arith.index_cast %get3A_3067 : i32 to index
      %get3A_3069 = arith.constant 0 : index
      %get3A_3070 = tpu.vector_load %arg8[%get3A_3068, %get3A_3069] {strides = array<i32>} : memref<128x32xf32, #tpu.memory_space<vmem>>, vector<1x16xf32>,
      %get3A_3071 = vector.shape_cast %get3A_3070 : vector<1x16xf32> to vector<16xf32>
      %add3A_3072 = arith.addf %add3A_3048, %get3A_3071 : vector<16xf32>
      %get3A_3073 = arith.constant 44 : i32
      %get3A_3074 = arith.index_cast %get3A_3073 : i32 to index
      %get3A_3075 = arith.constant 16 : index
      %get3A_3076 = tpu.vector_load %arg8[%get3A_3074, %get3A_3075] {strides = array<i32>} : memref<128x32xf32, #tpu.memory_space<vmem>>, vector<1x16xf32>,
      %get3A_3077 = vector.shape_cast %get3A_3076 : vector<1x16xf32> to vector<16xf32>
      %add3A_3078 = arith.addf %add3A_3054, %get3A_3077 : vector<16xf32>
      %get3A_3079 = arith.constant 45 : i32
      %get3A_3080 = arith.index_cast %get3A_3079 : i32 to index
      %get3A_3081 = arith.constant 0 : index
      %get3A_3082 = tpu.vector_load %arg8[%get3A_3080, %get3A_3081] {strides = array<i32>} : memref<128x32xf32, #tpu.memory_space<vmem>>, vector<1x16xf32>,
      %get3A_3083 = vector.shape_cast %get3A_3082 : vector<1x16xf32> to vector<16xf32>
      %add3A_3084 = arith.addf %add3A_3060, %get3A_3083 : vector<16xf32>
      %get3A_3085 = arith.constant 45 : i32
      %get3A_3086 = arith.index_cast %get3A_3085 : i32 to index
      %get3A_3087 = arith.constant 16 : index
      %get3A_3088 = tpu.vector_load %arg8[%get3A_3086, %get3A_3087] {strides = array<i32>} : memref<128x32xf32, #tpu.memory_space<vmem>>, vector<1x16xf32>,
      %get3A_3089 = vector.shape_cast %get3A_3088 : vector<1x16xf32> to vector<16xf32>
      %add3A_3090 = arith.addf %add3A_3066, %get3A_3089 : vector<16xf32>
      %get3A_3091 = arith.constant 46 : i32
      %get3A_3092 = arith.index_cast %get3A_3091 : i32 to index
      %get3A_3093 = arith.constant 0 : index
      %get3A_3094 = tpu.vector_load %arg8[%get3A_3092, %get3A_3093] {strides = array<i32>} : memref<128x32xf32, #tpu.memory_space<vmem>>, vector<1x16xf32>,
      %get3A_3095 = vector.shape_cast %get3A_3094 : vector<1x16xf32> to vector<16xf32>
      %add3A_3096 = arith.addf %add3A_3072, %get3A_3095 : vector<16xf32>
      %get3A_3097 = arith.constant 46 : i32
      %get3A_3098 = arith.index_cast %get3A_3097 : i32 to index
      %get3A_3099 = arith.constant 16 : index
      %get3A_3100 = tpu.vector_load %arg8[%get3A_3098, %get3A_3099] {strides = array<i32>} : memref<128x32xf32, #tpu.memory_space<vmem>>, vector<1x16xf32>,
      %get3A_3101 = vector.shape_cast %get3A_3100 : vector<1x16xf32> to vector<16xf32>
      %add3A_3102 = arith.addf %add3A_3078, %get3A_3101 : vector<16xf32>
      %get3A_3103 = arith.constant 47 : i32
      %get3A_3104 = arith.index_cast %get3A_3103 : i32 to index
      %get3A_3105 = arith.constant 0 : index
      %get3A_3106 = tpu.vector_load %arg8[%get3A_3104, %get3A_3105] {strides = array<i32>} : memref<128x32xf32, #tpu.memory_space<vmem>>, vector<1x16xf32>,
      %get3A_3107 = vector.shape_cast %get3A_3106 : vector<1x16xf32> to vector<16xf32>
      %add3A_3108 = arith.addf %add3A_3084, %get3A_3107 : vector<16xf32>
      %get3A_3109 = arith.constant 47 : i32
      %get3A_3110 = arith.index_cast %get3A_3109 : i32 to index
      %get3A_3111 = arith.constant 16 : index
      %get3A_3112 = tpu.vector_load %arg8[%get3A_3110, %get3A_3111] {strides = array<i32>} : memref<128x32xf32, #tpu.memory_space<vmem>>, vector<1x16xf32>,
      %get3A_3113 = vector.shape_cast %get3A_3112 : vector<1x16xf32> to vector<16xf32>
      %add3A_3114 = arith.addf %add3A_3090, %get3A_3113 : vector<16xf32>
      %get3A_3115 = arith.constant 48 : i32
      %get3A_3116 = arith.index_cast %get3A_3115 : i32 to index
      %get3A_3117 = arith.constant 0 : index
      %get3A_3118 = tpu.vector_load %arg8[%get3A_3116, %get3A_3117] {strides = array<i32>} : memref<128x32xf32, #tpu.memory_space<vmem>>, vector<1x16xf32>,
      %get3A_3119 = vector.shape_cast %get3A_3118 : vector<1x16xf32> to vector<16xf32>
      %add3A_3120 = arith.addf %add3A_3096, %get3A_3119 : vector<16xf32>
      %get3A_3121 = arith.constant 48 : i32
      %get3A_3122 = arith.index_cast %get3A_3121 : i32 to index
      %get3A_3123 = arith.constant 16 : index
      %get3A_3124 = tpu.vector_load %arg8[%get3A_3122, %get3A_3123] {strides = array<i32>} : memref<128x32xf32, #tpu.memory_space<vmem>>, vector<1x16xf32>,
      %get3A_3125 = vector.shape_cast %get3A_3124 : vector<1x16xf32> to vector<16xf32>
      %add3A_3126 = arith.addf %add3A_3102, %get3A_3125 : vector<16xf32>
      %get3A_3127 = arith.constant 49 : i32
      %get3A_3128 = arith.index_cast %get3A_3127 : i32 to index
      %get3A_3129 = arith.constant 0 : index
      %get3A_3130 = tpu.vector_load %arg8[%get3A_3128, %get3A_3129] {strides = array<i32>} : memref<128x32xf32, #tpu.memory_space<vmem>>, vector<1x16xf32>,
      %get3A_3131 = vector.shape_cast %get3A_3130 : vector<1x16xf32> to vector<16xf32>
      %add3A_3132 = arith.addf %add3A_3108, %get3A_3131 : vector<16xf32>
      %get3A_3133 = arith.constant 49 : i32
      %get3A_3134 = arith.index_cast %get3A_3133 : i32 to index
      %get3A_3135 = arith.constant 16 : index
      %get3A_3136 = tpu.vector_load %arg8[%get3A_3134, %get3A_3135] {strides = array<i32>} : memref<128x32xf32, #tpu.memory_space<vmem>>, vector<1x16xf32>,
      %get3A_3137 = vector.shape_cast %get3A_3136 : vector<1x16xf32> to vector<16xf32>
      %add3A_3138 = arith.addf %add3A_3114, %get3A_3137 : vector<16xf32>
      %get3A_3139 = arith.constant 50 : i32
      %get3A_3140 = arith.index_cast %get3A_3139 : i32 to index
      %get3A_3141 = arith.constant 0 : index
      %get3A_3142 = tpu.vector_load %arg8[%get3A_3140, %get3A_3141] {strides = array<i32>} : memref<128x32xf32, #tpu.memory_space<vmem>>, vector<1x16xf32>,
      %get3A_3143 = vector.shape_cast %get3A_3142 : vector<1x16xf32> to vector<16xf32>
      %add3A_3144 = arith.addf %add3A_3120, %get3A_3143 : vector<16xf32>
      %get3A_3145 = arith.constant 50 : i32
      %get3A_3146 = arith.index_cast %get3A_3145 : i32 to index
      %get3A_3147 = arith.constant 16 : index
      %get3A_3148 = tpu.vector_load %arg8[%get3A_3146, %get3A_3147] {strides = array<i32>} : memref<128x32xf32, #tpu.memory_space<vmem>>, vector<1x16xf32>,
      %get3A_3149 = vector.shape_cast %get3A_3148 : vector<1x16xf32> to vector<16xf32>
      %add3A_3150 = arith.addf %add3A_3126, %get3A_3149 : vector<16xf32>
      %get3A_3151 = arith.constant 51 : i32
      %get3A_3152 = arith.index_cast %get3A_3151 : i32 to index
      %get3A_3153 = arith.constant 0 : index
      %get3A_3154 = tpu.vector_load %arg8[%get3A_3152, %get3A_3153] {strides = array<i32>} : memref<128x32xf32, #tpu.memory_space<vmem>>, vector<1x16xf32>,
      %get3A_3155 = vector.shape_cast %get3A_3154 : vector<1x16xf32> to vector<16xf32>
      %add3A_3156 = arith.addf %add3A_3132, %get3A_3155 : vector<16xf32>
      %get3A_3157 = arith.constant 51 : i32
      %get3A_3158 = arith.index_cast %get3A_3157 : i32 to index
      %get3A_3159 = arith.constant 16 : index
      %get3A_3160 = tpu.vector_load %arg8[%get3A_3158, %get3A_3159] {strides = array<i32>} : memref<128x32xf32, #tpu.memory_space<vmem>>, vector<1x16xf32>,
      %get3A_3161 = vector.shape_cast %get3A_3160 : vector<1x16xf32> to vector<16xf32>
      %add3A_3162 = arith.addf %add3A_3138, %get3A_3161 : vector<16xf32>
      %get3A_3163 = arith.constant 52 : i32
      %get3A_3164 = arith.index_cast %get3A_3163 : i32 to index
      %get3A_3165 = arith.constant 0 : index
      %get3A_3166 = tpu.vector_load %arg8[%get3A_3164, %get3A_3165] {strides = array<i32>} : memref<128x32xf32, #tpu.memory_space<vmem>>, vector<1x16xf32>,
      %get3A_3167 = vector.shape_cast %get3A_3166 : vector<1x16xf32> to vector<16xf32>
      %add3A_3168 = arith.addf %add3A_3144, %get3A_3167 : vector<16xf32>
      %get3A_3169 = arith.constant 52 : i32
      %get3A_3170 = arith.index_cast %get3A_3169 : i32 to index
      %get3A_3171 = arith.constant 16 : index
      %get3A_3172 = tpu.vector_load %arg8[%get3A_3170, %get3A_3171] {strides = array<i32>} : memref<128x32xf32, #tpu.memory_space<vmem>>, vector<1x16xf32>,
      %get3A_3173 = vector.shape_cast %get3A_3172 : vector<1x16xf32> to vector<16xf32>
      %add3A_3174 = arith.addf %add3A_3150, %get3A_3173 : vector<16xf32>
      %get3A_3175 = arith.constant 53 : i32
      %get3A_3176 = arith.index_cast %get3A_3175 : i32 to index
      %get3A_3177 = arith.constant 0 : index
      %get3A_3178 = tpu.vector_load %arg8[%get3A_3176, %get3A_3177] {strides = array<i32>} : memref<128x32xf32, #tpu.memory_space<vmem>>, vector<1x16xf32>,
      %get3A_3179 = vector.shape_cast %get3A_3178 : vector<1x16xf32> to vector<16xf32>
      %add3A_3180 = arith.addf %add3A_3156, %get3A_3179 : vector<16xf32>
      %get3A_3181 = arith.constant 53 : i32
      %get3A_3182 = arith.index_cast %get3A_3181 : i32 to index
      %get3A_3183 = arith.constant 16 : index
      %get3A_3184 = tpu.vector_load %arg8[%get3A_3182, %get3A_3183] {strides = array<i32>} : memref<128x32xf32, #tpu.memory_space<vmem>>, vector<1x16xf32>,
      %get3A_3185 = vector.shape_cast %get3A_3184 : vector<1x16xf32> to vector<16xf32>
      %add3A_3186 = arith.addf %add3A_3162, %get3A_3185 : vector<16xf32>
      %get3A_3187 = arith.constant 54 : i32
      %get3A_3188 = arith.index_cast %get3A_3187 : i32 to index
      %get3A_3189 = arith.constant 0 : index
      %get3A_3190 = tpu.vector_load %arg8[%get3A_3188, %get3A_3189] {strides = array<i32>} : memref<128x32xf32, #tpu.memory_space<vmem>>, vector<1x16xf32>,
      %get3A_3191 = vector.shape_cast %get3A_3190 : vector<1x16xf32> to vector<16xf32>
      %add3A_3192 = arith.addf %add3A_3168, %get3A_3191 : vector<16xf32>
      %get3A_3193 = arith.constant 54 : i32
      %get3A_3194 = arith.index_cast %get3A_3193 : i32 to index
      %get3A_3195 = arith.constant 16 : index
      %get3A_3196 = tpu.vector_load %arg8[%get3A_3194, %get3A_3195] {strides = array<i32>} : memref<128x32xf32, #tpu.memory_space<vmem>>, vector<1x16xf32>,
      %get3A_3197 = vector.shape_cast %get3A_3196 : vector<1x16xf32> to vector<16xf32>
      %add3A_3198 = arith.addf %add3A_3174, %get3A_3197 : vector<16xf32>
      %get3A_3199 = arith.constant 55 : i32
      %get3A_3200 = arith.index_cast %get3A_3199 : i32 to index
      %get3A_3201 = arith.constant 0 : index
      %get3A_3202 = tpu.vector_load %arg8[%get3A_3200, %get3A_3201] {strides = array<i32>} : memref<128x32xf32, #tpu.memory_space<vmem>>, vector<1x16xf32>,
      %get3A_3203 = vector.shape_cast %get3A_3202 : vector<1x16xf32> to vector<16xf32>
      %add3A_3204 = arith.addf %add3A_3180, %get3A_3203 : vector<16xf32>
      %get3A_3205 = arith.constant 55 : i32
      %get3A_3206 = arith.index_cast %get3A_3205 : i32 to index
      %get3A_3207 = arith.constant 16 : index
      %get3A_3208 = tpu.vector_load %arg8[%get3A_3206, %get3A_3207] {strides = array<i32>} : memref<128x32xf32, #tpu.memory_space<vmem>>, vector<1x16xf32>,
      %get3A_3209 = vector.shape_cast %get3A_3208 : vector<1x16xf32> to vector<16xf32>
      %add3A_3210 = arith.addf %add3A_3186, %get3A_3209 : vector<16xf32>
      %get3A_3211 = arith.constant 56 : i32
      %get3A_3212 = arith.index_cast %get3A_3211 : i32 to index
      %get3A_3213 = arith.constant 0 : index
      %get3A_3214 = tpu.vector_load %arg8[%get3A_3212, %get3A_3213] {strides = array<i32>} : memref<128x32xf32, #tpu.memory_space<vmem>>, vector<1x16xf32>,
      %get3A_3215 = vector.shape_cast %get3A_3214 : vector<1x16xf32> to vector<16xf32>
      %add3A_3216 = arith.addf %add3A_3192, %get3A_3215 : vector<16xf32>
      %get3A_3217 = arith.constant 56 : i32
      %get3A_3218 = arith.index_cast %get3A_3217 : i32 to index
      %get3A_3219 = arith.constant 16 : index
      %get3A_3220 = tpu.vector_load %arg8[%get3A_3218, %get3A_3219] {strides = array<i32>} : memref<128x32xf32, #tpu.memory_space<vmem>>, vector<1x16xf32>,
      %get3A_3221 = vector.shape_cast %get3A_3220 : vector<1x16xf32> to vector<16xf32>
      %add3A_3222 = arith.addf %add3A_3198, %get3A_3221 : vector<16xf32>
      %get3A_3223 = arith.constant 57 : i32
      %get3A_3224 = arith.index_cast %get3A_3223 : i32 to index
      %get3A_3225 = arith.constant 0 : index
      %get3A_3226 = tpu.vector_load %arg8[%get3A_3224, %get3A_3225] {strides = array<i32>} : memref<128x32xf32, #tpu.memory_space<vmem>>, vector<1x16xf32>,
      %get3A_3227 = vector.shape_cast %get3A_3226 : vector<1x16xf32> to vector<16xf32>
      %add3A_3228 = arith.addf %add3A_3204, %get3A_3227 : vector<16xf32>
      %get3A_3229 = arith.constant 57 : i32
      %get3A_3230 = arith.index_cast %get3A_3229 : i32 to index
      %get3A_3231 = arith.constant 16 : index
      %get3A_3232 = tpu.vector_load %arg8[%get3A_3230, %get3A_3231] {strides = array<i32>} : memref<128x32xf32, #tpu.memory_space<vmem>>, vector<1x16xf32>,
      %get3A_3233 = vector.shape_cast %get3A_3232 : vector<1x16xf32> to vector<16xf32>
      %add3A_3234 = arith.addf %add3A_3210, %get3A_3233 : vector<16xf32>
      %get3A_3235 = arith.constant 58 : i32
      %get3A_3236 = arith.index_cast %get3A_3235 : i32 to index
      %get3A_3237 = arith.constant 0 : index
      %get3A_3238 = tpu.vector_load %arg8[%get3A_3236, %get3A_3237] {strides = array<i32>} : memref<128x32xf32, #tpu.memory_space<vmem>>, vector<1x16xf32>,
      %get3A_3239 = vector.shape_cast %get3A_3238 : vector<1x16xf32> to vector<16xf32>
      %add3A_3240 = arith.addf %add3A_3216, %get3A_3239 : vector<16xf32>
      %get3A_3241 = arith.constant 58 : i32
      %get3A_3242 = arith.index_cast %get3A_3241 : i32 to index
      %get3A_3243 = arith.constant 16 : index
      %get3A_3244 = tpu.vector_load %arg8[%get3A_3242, %get3A_3243] {strides = array<i32>} : memref<128x32xf32, #tpu.memory_space<vmem>>, vector<1x16xf32>,
      %get3A_3245 = vector.shape_cast %get3A_3244 : vector<1x16xf32> to vector<16xf32>
      %add3A_3246 = arith.addf %add3A_3222, %get3A_3245 : vector<16xf32>
      %get3A_3247 = arith.constant 59 : i32
      %get3A_3248 = arith.index_cast %get3A_3247 : i32 to index
      %get3A_3249 = arith.constant 0 : index
      %get3A_3250 = tpu.vector_load %arg8[%get3A_3248, %get3A_3249] {strides = array<i32>} : memref<128x32xf32, #tpu.memory_space<vmem>>, vector<1x16xf32>,
      %get3A_3251 = vector.shape_cast %get3A_3250 : vector<1x16xf32> to vector<16xf32>
      %add3A_3252 = arith.addf %add3A_3228, %get3A_3251 : vector<16xf32>
      %get3A_3253 = arith.constant 59 : i32
      %get3A_3254 = arith.index_cast %get3A_3253 : i32 to index
      %get3A_3255 = arith.constant 16 : index
      %get3A_3256 = tpu.vector_load %arg8[%get3A_3254, %get3A_3255] {strides = array<i32>} : memref<128x32xf32, #tpu.memory_space<vmem>>, vector<1x16xf32>,
      %get3A_3257 = vector.shape_cast %get3A_3256 : vector<1x16xf32> to vector<16xf32>
      %add3A_3258 = arith.addf %add3A_3234, %get3A_3257 : vector<16xf32>
      %get3A_3259 = arith.constant 60 : i32
      %get3A_3260 = arith.index_cast %get3A_3259 : i32 to index
      %get3A_3261 = arith.constant 0 : index
      %get3A_3262 = tpu.vector_load %arg8[%get3A_3260, %get3A_3261] {strides = array<i32>} : memref<128x32xf32, #tpu.memory_space<vmem>>, vector<1x16xf32>,
      %get3A_3263 = vector.shape_cast %get3A_3262 : vector<1x16xf32> to vector<16xf32>
      %add3A_3264 = arith.addf %add3A_3240, %get3A_3263 : vector<16xf32>
      %get3A_3265 = arith.constant 60 : i32
      %get3A_3266 = arith.index_cast %get3A_3265 : i32 to index
      %get3A_3267 = arith.constant 16 : index
      %get3A_3268 = tpu.vector_load %arg8[%get3A_3266, %get3A_3267] {strides = array<i32>} : memref<128x32xf32, #tpu.memory_space<vmem>>, vector<1x16xf32>,
      %get3A_3269 = vector.shape_cast %get3A_3268 : vector<1x16xf32> to vector<16xf32>
      %add3A_3270 = arith.addf %add3A_3246, %get3A_3269 : vector<16xf32>
      %get3A_3271 = arith.constant 61 : i32
      %get3A_3272 = arith.index_cast %get3A_3271 : i32 to index
      %get3A_3273 = arith.constant 0 : index
      %get3A_3274 = tpu.vector_load %arg8[%get3A_3272, %get3A_3273] {strides = array<i32>} : memref<128x32xf32, #tpu.memory_space<vmem>>, vector<1x16xf32>,
      %get3A_3275 = vector.shape_cast %get3A_3274 : vector<1x16xf32> to vector<16xf32>
      %add3A_3276 = arith.addf %add3A_3252, %get3A_3275 : vector<16xf32>
      %get3A_3277 = arith.constant 61 : i32
      %get3A_3278 = arith.index_cast %get3A_3277 : i32 to index
      %get3A_3279 = arith.constant 16 : index
      %get3A_3280 = tpu.vector_load %arg8[%get3A_3278, %get3A_3279] {strides = array<i32>} : memref<128x32xf32, #tpu.memory_space<vmem>>, vector<1x16xf32>,
      %get3A_3281 = vector.shape_cast %get3A_3280 : vector<1x16xf32> to vector<16xf32>
      %add3A_3282 = arith.addf %add3A_3258, %get3A_3281 : vector<16xf32>
      %get3A_3283 = arith.constant 62 : i32
      %get3A_3284 = arith.index_cast %get3A_3283 : i32 to index
      %get3A_3285 = arith.constant 0 : index
      %get3A_3286 = tpu.vector_load %arg8[%get3A_3284, %get3A_3285] {strides = array<i32>} : memref<128x32xf32, #tpu.memory_space<vmem>>, vector<1x16xf32>,
      %get3A_3287 = vector.shape_cast %get3A_3286 : vector<1x16xf32> to vector<16xf32>
      %add3A_3288 = arith.addf %add3A_3264, %get3A_3287 : vector<16xf32>
      %get3A_3289 = arith.constant 62 : i32
      %get3A_3290 = arith.index_cast %get3A_3289 : i32 to index
      %get3A_3291 = arith.constant 16 : index
      %get3A_3292 = tpu.vector_load %arg8[%get3A_3290, %get3A_3291] {strides = array<i32>} : memref<128x32xf32, #tpu.memory_space<vmem>>, vector<1x16xf32>,
      %get3A_3293 = vector.shape_cast %get3A_3292 : vector<1x16xf32> to vector<16xf32>
      %add3A_3294 = arith.addf %add3A_3270, %get3A_3293 : vector<16xf32>
      %get3A_3295 = arith.constant 63 : i32
      %get3A_3296 = arith.index_cast %get3A_3295 : i32 to index
      %get3A_3297 = arith.constant 0 : index
      %get3A_3298 = tpu.vector_load %arg8[%get3A_3296, %get3A_3297] {strides = array<i32>} : memref<128x32xf32, #tpu.memory_space<vmem>>, vector<1x16xf32>,
      %get3A_3299 = vector.shape_cast %get3A_3298 : vector<1x16xf32> to vector<16xf32>
      %add3A_3300 = arith.addf %add3A_3276, %get3A_3299 : vector<16xf32>
      %get3A_3301 = arith.constant 63 : i32
      %get3A_3302 = arith.index_cast %get3A_3301 : i32 to index
      %get3A_3303 = arith.constant 16 : index
      %get3A_3304 = tpu.vector_load %arg8[%get3A_3302, %get3A_3303] {strides = array<i32>} : memref<128x32xf32, #tpu.memory_space<vmem>>, vector<1x16xf32>,
      %get3A_3305 = vector.shape_cast %get3A_3304 : vector<1x16xf32> to vector<16xf32>
      %add3A_3306 = arith.addf %add3A_3282, %get3A_3305 : vector<16xf32>
      %get3A_3307 = arith.constant 64 : i32
      %get3A_3308 = arith.index_cast %get3A_3307 : i32 to index
      %get3A_3309 = arith.constant 0 : index
      %get3A_3310 = tpu.vector_load %arg8[%get3A_3308, %get3A_3309] {strides = array<i32>} : memref<128x32xf32, #tpu.memory_space<vmem>>, vector<1x16xf32>,
      %get3A_3311 = vector.shape_cast %get3A_3310 : vector<1x16xf32> to vector<16xf32>
      %add3A_3312 = arith.addf %add3A_3288, %get3A_3311 : vector<16xf32>
      %get3A_3313 = arith.constant 64 : i32
      %get3A_3314 = arith.index_cast %get3A_3313 : i32 to index
      %get3A_3315 = arith.constant 16 : index
      %get3A_3316 = tpu.vector_load %arg8[%get3A_3314, %get3A_3315] {strides = array<i32>} : memref<128x32xf32, #tpu.memory_space<vmem>>, vector<1x16xf32>,
      %get3A_3317 = vector.shape_cast %get3A_3316 : vector<1x16xf32> to vector<16xf32>
      %add3A_3318 = arith.addf %add3A_3294, %get3A_3317 : vector<16xf32>
      %get3A_3319 = arith.constant 65 : i32
      %get3A_3320 = arith.index_cast %get3A_3319 : i32 to index
      %get3A_3321 = arith.constant 0 : index
      %get3A_3322 = tpu.vector_load %arg8[%get3A_3320, %get3A_3321] {strides = array<i32>} : memref<128x32xf32, #tpu.memory_space<vmem>>, vector<1x16xf32>,
      %get3A_3323 = vector.shape_cast %get3A_3322 : vector<1x16xf32> to vector<16xf32>
      %add3A_3324 = arith.addf %add3A_3300, %get3A_3323 : vector<16xf32>
      %get3A_3325 = arith.constant 65 : i32
      %get3A_3326 = arith.index_cast %get3A_3325 : i32 to index
      %get3A_3327 = arith.constant 16 : index
      %get3A_3328 = tpu.vector_load %arg8[%get3A_3326, %get3A_3327] {strides = array<i32>} : memref<128x32xf32, #tpu.memory_space<vmem>>, vector<1x16xf32>,
      %get3A_3329 = vector.shape_cast %get3A_3328 : vector<1x16xf32> to vector<16xf32>
      %add3A_3330 = arith.addf %add3A_3306, %get3A_3329 : vector<16xf32>
      %get3A_3331 = arith.constant 66 : i32
      %get3A_3332 = arith.index_cast %get3A_3331 : i32 to index
      %get3A_3333 = arith.constant 0 : index
      %get3A_3334 = tpu.vector_load %arg8[%get3A_3332, %get3A_3333] {strides = array<i32>} : memref<128x32xf32, #tpu.memory_space<vmem>>, vector<1x16xf32>,
      %get3A_3335 = vector.shape_cast %get3A_3334 : vector<1x16xf32> to vector<16xf32>
      %add3A_3336 = arith.addf %add3A_3312, %get3A_3335 : vector<16xf32>
      %get3A_3337 = arith.constant 66 : i32
      %get3A_3338 = arith.index_cast %get3A_3337 : i32 to index
      %get3A_3339 = arith.constant 16 : index
      %get3A_3340 = tpu.vector_load %arg8[%get3A_3338, %get3A_3339] {strides = array<i32>} : memref<128x32xf32, #tpu.memory_space<vmem>>, vector<1x16xf32>,
      %get3A_3341 = vector.shape_cast %get3A_3340 : vector<1x16xf32> to vector<16xf32>
      %add3A_3342 = arith.addf %add3A_3318, %get3A_3341 : vector<16xf32>
      %get3A_3343 = arith.constant 67 : i32
      %get3A_3344 = arith.index_cast %get3A_3343 : i32 to index
      %get3A_3345 = arith.constant 0 : index
      %get3A_3346 = tpu.vector_load %arg8[%get3A_3344, %get3A_3345] {strides = array<i32>} : memref<128x32xf32, #tpu.memory_space<vmem>>, vector<1x16xf32>,
      %get3A_3347 = vector.shape_cast %get3A_3346 : vector<1x16xf32> to vector<16xf32>
      %add3A_3348 = arith.addf %add3A_3324, %get3A_3347 : vector<16xf32>
      %get3A_3349 = arith.constant 67 : i32
      %get3A_3350 = arith.index_cast %get3A_3349 : i32 to index
      %get3A_3351 = arith.constant 16 : index
      %get3A_3352 = tpu.vector_load %arg8[%get3A_3350, %get3A_3351] {strides = array<i32>} : memref<128x32xf32, #tpu.memory_space<vmem>>, vector<1x16xf32>,
      %get3A_3353 = vector.shape_cast %get3A_3352 : vector<1x16xf32> to vector<16xf32>
      %add3A_3354 = arith.addf %add3A_3330, %get3A_3353 : vector<16xf32>
      %get3A_3355 = arith.constant 68 : i32
      %get3A_3356 = arith.index_cast %get3A_3355 : i32 to index
      %get3A_3357 = arith.constant 0 : index
      %get3A_3358 = tpu.vector_load %arg8[%get3A_3356, %get3A_3357] {strides = array<i32>} : memref<128x32xf32, #tpu.memory_space<vmem>>, vector<1x16xf32>,
      %get3A_3359 = vector.shape_cast %get3A_3358 : vector<1x16xf32> to vector<16xf32>
      %add3A_3360 = arith.addf %add3A_3336, %get3A_3359 : vector<16xf32>
      %get3A_3361 = arith.constant 68 : i32
      %get3A_3362 = arith.index_cast %get3A_3361 : i32 to index
      %get3A_3363 = arith.constant 16 : index
      %get3A_3364 = tpu.vector_load %arg8[%get3A_3362, %get3A_3363] {strides = array<i32>} : memref<128x32xf32, #tpu.memory_space<vmem>>, vector<1x16xf32>,
      %get3A_3365 = vector.shape_cast %get3A_3364 : vector<1x16xf32> to vector<16xf32>
      %add3A_3366 = arith.addf %add3A_3342, %get3A_3365 : vector<16xf32>
      %get3A_3367 = arith.constant 69 : i32
      %get3A_3368 = arith.index_cast %get3A_3367 : i32 to index
      %get3A_3369 = arith.constant 0 : index
      %get3A_3370 = tpu.vector_load %arg8[%get3A_3368, %get3A_3369] {strides = array<i32>} : memref<128x32xf32, #tpu.memory_space<vmem>>, vector<1x16xf32>,
      %get3A_3371 = vector.shape_cast %get3A_3370 : vector<1x16xf32> to vector<16xf32>
      %add3A_3372 = arith.addf %add3A_3348, %get3A_3371 : vector<16xf32>
      %get3A_3373 = arith.constant 69 : i32
      %get3A_3374 = arith.index_cast %get3A_3373 : i32 to index
      %get3A_3375 = arith.constant 16 : index
      %get3A_3376 = tpu.vector_load %arg8[%get3A_3374, %get3A_3375] {strides = array<i32>} : memref<128x32xf32, #tpu.memory_space<vmem>>, vector<1x16xf32>,
      %get3A_3377 = vector.shape_cast %get3A_3376 : vector<1x16xf32> to vector<16xf32>
      %add3A_3378 = arith.addf %add3A_3354, %get3A_3377 : vector<16xf32>
      %get3A_3379 = arith.constant 70 : i32
      %get3A_3380 = arith.index_cast %get3A_3379 : i32 to index
      %get3A_3381 = arith.constant 0 : index
      %get3A_3382 = tpu.vector_load %arg8[%get3A_3380, %get3A_3381] {strides = array<i32>} : memref<128x32xf32, #tpu.memory_space<vmem>>, vector<1x16xf32>,
      %get3A_3383 = vector.shape_cast %get3A_3382 : vector<1x16xf32> to vector<16xf32>
      %add3A_3384 = arith.addf %add3A_3360, %get3A_3383 : vector<16xf32>
      %get3A_3385 = arith.constant 70 : i32
      %get3A_3386 = arith.index_cast %get3A_3385 : i32 to index
      %get3A_3387 = arith.constant 16 : index
      %get3A_3388 = tpu.vector_load %arg8[%get3A_3386, %get3A_3387] {strides = array<i32>} : memref<128x32xf32, #tpu.memory_space<vmem>>, vector<1x16xf32>,
      %get3A_3389 = vector.shape_cast %get3A_3388 : vector<1x16xf32> to vector<16xf32>
      %add3A_3390 = arith.addf %add3A_3366, %get3A_3389 : vector<16xf32>
      %get3A_3391 = arith.constant 71 : i32
      %get3A_3392 = arith.index_cast %get3A_3391 : i32 to index
      %get3A_3393 = arith.constant 0 : index
      %get3A_3394 = tpu.vector_load %arg8[%get3A_3392, %get3A_3393] {strides = array<i32>} : memref<128x32xf32, #tpu.memory_space<vmem>>, vector<1x16xf32>,
      %get3A_3395 = vector.shape_cast %get3A_3394 : vector<1x16xf32> to vector<16xf32>
      %add3A_3396 = arith.addf %add3A_3372, %get3A_3395 : vector<16xf32>
      %get3A_3397 = arith.constant 71 : i32
      %get3A_3398 = arith.index_cast %get3A_3397 : i32 to index
      %get3A_3399 = arith.constant 16 : index
      %get3A_3400 = tpu.vector_load %arg8[%get3A_3398, %get3A_3399] {strides = array<i32>} : memref<128x32xf32, #tpu.memory_space<vmem>>, vector<1x16xf32>,
      %get3A_3401 = vector.shape_cast %get3A_3400 : vector<1x16xf32> to vector<16xf32>
      %add3A_3402 = arith.addf %add3A_3378, %get3A_3401 : vector<16xf32>
      %get3A_3403 = arith.constant 72 : i32
      %get3A_3404 = arith.index_cast %get3A_3403 : i32 to index
      %get3A_3405 = arith.constant 0 : index
      %get3A_3406 = tpu.vector_load %arg8[%get3A_3404, %get3A_3405] {strides = array<i32>} : memref<128x32xf32, #tpu.memory_space<vmem>>, vector<1x16xf32>,
      %get3A_3407 = vector.shape_cast %get3A_3406 : vector<1x16xf32> to vector<16xf32>
      %add3A_3408 = arith.addf %add3A_3384, %get3A_3407 : vector<16xf32>
      %get3A_3409 = arith.constant 72 : i32
      %get3A_3410 = arith.index_cast %get3A_3409 : i32 to index
      %get3A_3411 = arith.constant 16 : index
      %get3A_3412 = tpu.vector_load %arg8[%get3A_3410, %get3A_3411] {strides = array<i32>} : memref<128x32xf32, #tpu.memory_space<vmem>>, vector<1x16xf32>,
      %get3A_3413 = vector.shape_cast %get3A_3412 : vector<1x16xf32> to vector<16xf32>
      %add3A_3414 = arith.addf %add3A_3390, %get3A_3413 : vector<16xf32>
      %get3A_3415 = arith.constant 73 : i32
      %get3A_3416 = arith.index_cast %get3A_3415 : i32 to index
      %get3A_3417 = arith.constant 0 : index
      %get3A_3418 = tpu.vector_load %arg8[%get3A_3416, %get3A_3417] {strides = array<i32>} : memref<128x32xf32, #tpu.memory_space<vmem>>, vector<1x16xf32>,
      %get3A_3419 = vector.shape_cast %get3A_3418 : vector<1x16xf32> to vector<16xf32>
      %add3A_3420 = arith.addf %add3A_3396, %get3A_3419 : vector<16xf32>
      %get3A_3421 = arith.constant 73 : i32
      %get3A_3422 = arith.index_cast %get3A_3421 : i32 to index
      %get3A_3423 = arith.constant 16 : index
      %get3A_3424 = tpu.vector_load %arg8[%get3A_3422, %get3A_3423] {strides = array<i32>} : memref<128x32xf32, #tpu.memory_space<vmem>>, vector<1x16xf32>,
      %get3A_3425 = vector.shape_cast %get3A_3424 : vector<1x16xf32> to vector<16xf32>
      %add3A_3426 = arith.addf %add3A_3402, %get3A_3425 : vector<16xf32>
      %get3A_3427 = arith.constant 74 : i32
      %get3A_3428 = arith.index_cast %get3A_3427 : i32 to index
      %get3A_3429 = arith.constant 0 : index
      %get3A_3430 = tpu.vector_load %arg8[%get3A_3428, %get3A_3429] {strides = array<i32>} : memref<128x32xf32, #tpu.memory_space<vmem>>, vector<1x16xf32>,
      %get3A_3431 = vector.shape_cast %get3A_3430 : vector<1x16xf32> to vector<16xf32>
      %add3A_3432 = arith.addf %add3A_3408, %get3A_3431 : vector<16xf32>
      %get3A_3433 = arith.constant 74 : i32
      %get3A_3434 = arith.index_cast %get3A_3433 : i32 to index
      %get3A_3435 = arith.constant 16 : index
      %get3A_3436 = tpu.vector_load %arg8[%get3A_3434, %get3A_3435] {strides = array<i32>} : memref<128x32xf32, #tpu.memory_space<vmem>>, vector<1x16xf32>,
      %get3A_3437 = vector.shape_cast %get3A_3436 : vector<1x16xf32> to vector<16xf32>
      %add3A_3438 = arith.addf %add3A_3414, %get3A_3437 : vector<16xf32>
      %get3A_3439 = arith.constant 75 : i32
      %get3A_3440 = arith.index_cast %get3A_3439 : i32 to index
      %get3A_3441 = arith.constant 0 : index
      %get3A_3442 = tpu.vector_load %arg8[%get3A_3440, %get3A_3441] {strides = array<i32>} : memref<128x32xf32, #tpu.memory_space<vmem>>, vector<1x16xf32>,
      %get3A_3443 = vector.shape_cast %get3A_3442 : vector<1x16xf32> to vector<16xf32>
      %add3A_3444 = arith.addf %add3A_3420, %get3A_3443 : vector<16xf32>
      %get3A_3445 = arith.constant 75 : i32
      %get3A_3446 = arith.index_cast %get3A_3445 : i32 to index
      %get3A_3447 = arith.constant 16 : index
      %get3A_3448 = tpu.vector_load %arg8[%get3A_3446, %get3A_3447] {strides = array<i32>} : memref<128x32xf32, #tpu.memory_space<vmem>>, vector<1x16xf32>,
      %get3A_3449 = vector.shape_cast %get3A_3448 : vector<1x16xf32> to vector<16xf32>
      %add3A_3450 = arith.addf %add3A_3426, %get3A_3449 : vector<16xf32>
      %get3A_3451 = arith.constant 76 : i32
      %get3A_3452 = arith.index_cast %get3A_3451 : i32 to index
      %get3A_3453 = arith.constant 0 : index
      %get3A_3454 = tpu.vector_load %arg8[%get3A_3452, %get3A_3453] {strides = array<i32>} : memref<128x32xf32, #tpu.memory_space<vmem>>, vector<1x16xf32>,
      %get3A_3455 = vector.shape_cast %get3A_3454 : vector<1x16xf32> to vector<16xf32>
      %add3A_3456 = arith.addf %add3A_3432, %get3A_3455 : vector<16xf32>
      %get3A_3457 = arith.constant 76 : i32
      %get3A_3458 = arith.index_cast %get3A_3457 : i32 to index
      %get3A_3459 = arith.constant 16 : index
      %get3A_3460 = tpu.vector_load %arg8[%get3A_3458, %get3A_3459] {strides = array<i32>} : memref<128x32xf32, #tpu.memory_space<vmem>>, vector<1x16xf32>,
      %get3A_3461 = vector.shape_cast %get3A_3460 : vector<1x16xf32> to vector<16xf32>
      %add3A_3462 = arith.addf %add3A_3438, %get3A_3461 : vector<16xf32>
      %get3A_3463 = arith.constant 77 : i32
      %get3A_3464 = arith.index_cast %get3A_3463 : i32 to index
      %get3A_3465 = arith.constant 0 : index
      %get3A_3466 = tpu.vector_load %arg8[%get3A_3464, %get3A_3465] {strides = array<i32>} : memref<128x32xf32, #tpu.memory_space<vmem>>, vector<1x16xf32>,
      %get3A_3467 = vector.shape_cast %get3A_3466 : vector<1x16xf32> to vector<16xf32>
      %add3A_3468 = arith.addf %add3A_3444, %get3A_3467 : vector<16xf32>
      %get3A_3469 = arith.constant 77 : i32
      %get3A_3470 = arith.index_cast %get3A_3469 : i32 to index
      %get3A_3471 = arith.constant 16 : index
      %get3A_3472 = tpu.vector_load %arg8[%get3A_3470, %get3A_3471] {strides = array<i32>} : memref<128x32xf32, #tpu.memory_space<vmem>>, vector<1x16xf32>,
      %get3A_3473 = vector.shape_cast %get3A_3472 : vector<1x16xf32> to vector<16xf32>
      %add3A_3474 = arith.addf %add3A_3450, %get3A_3473 : vector<16xf32>
      %get3A_3475 = arith.constant 78 : i32
      %get3A_3476 = arith.index_cast %get3A_3475 : i32 to index
      %get3A_3477 = arith.constant 0 : index
      %get3A_3478 = tpu.vector_load %arg8[%get3A_3476, %get3A_3477] {strides = array<i32>} : memref<128x32xf32, #tpu.memory_space<vmem>>, vector<1x16xf32>,
      %get3A_3479 = vector.shape_cast %get3A_3478 : vector<1x16xf32> to vector<16xf32>
      %add3A_3480 = arith.addf %add3A_3456, %get3A_3479 : vector<16xf32>
      %get3A_3481 = arith.constant 78 : i32
      %get3A_3482 = arith.index_cast %get3A_3481 : i32 to index
      %get3A_3483 = arith.constant 16 : index
      %get3A_3484 = tpu.vector_load %arg8[%get3A_3482, %get3A_3483] {strides = array<i32>} : memref<128x32xf32, #tpu.memory_space<vmem>>, vector<1x16xf32>,
      %get3A_3485 = vector.shape_cast %get3A_3484 : vector<1x16xf32> to vector<16xf32>
      %add3A_3486 = arith.addf %add3A_3462, %get3A_3485 : vector<16xf32>
      %get3A_3487 = arith.constant 79 : i32
      %get3A_3488 = arith.index_cast %get3A_3487 : i32 to index
      %get3A_3489 = arith.constant 0 : index
      %get3A_3490 = tpu.vector_load %arg8[%get3A_3488, %get3A_3489] {strides = array<i32>} : memref<128x32xf32, #tpu.memory_space<vmem>>, vector<1x16xf32>,
      %get3A_3491 = vector.shape_cast %get3A_3490 : vector<1x16xf32> to vector<16xf32>
      %add3A_3492 = arith.addf %add3A_3468, %get3A_3491 : vector<16xf32>
      %get3A_3493 = arith.constant 79 : i32
      %get3A_3494 = arith.index_cast %get3A_3493 : i32 to index
      %get3A_3495 = arith.constant 16 : index
      %get3A_3496 = tpu.vector_load %arg8[%get3A_3494, %get3A_3495] {strides = array<i32>} : memref<128x32xf32, #tpu.memory_space<vmem>>, vector<1x16xf32>,
      %get3A_3497 = vector.shape_cast %get3A_3496 : vector<1x16xf32> to vector<16xf32>
      %add3A_3498 = arith.addf %add3A_3474, %get3A_3497 : vector<16xf32>
      %get3A_3499 = arith.constant 80 : i32
      %get3A_3500 = arith.index_cast %get3A_3499 : i32 to index
      %get3A_3501 = arith.constant 0 : index
      %get3A_3502 = tpu.vector_load %arg8[%get3A_3500, %get3A_3501] {strides = array<i32>} : memref<128x32xf32, #tpu.memory_space<vmem>>, vector<1x16xf32>,
      %get3A_3503 = vector.shape_cast %get3A_3502 : vector<1x16xf32> to vector<16xf32>
      %add3A_3504 = arith.addf %add3A_3480, %get3A_3503 : vector<16xf32>
      %get3A_3505 = arith.constant 80 : i32
      %get3A_3506 = arith.index_cast %get3A_3505 : i32 to index
      %get3A_3507 = arith.constant 16 : index
      %get3A_3508 = tpu.vector_load %arg8[%get3A_3506, %get3A_3507] {strides = array<i32>} : memref<128x32xf32, #tpu.memory_space<vmem>>, vector<1x16xf32>,
      %get3A_3509 = vector.shape_cast %get3A_3508 : vector<1x16xf32> to vector<16xf32>
      %add3A_3510 = arith.addf %add3A_3486, %get3A_3509 : vector<16xf32>
      %get3A_3511 = arith.constant 81 : i32
      %get3A_3512 = arith.index_cast %get3A_3511 : i32 to index
      %get3A_3513 = arith.constant 0 : index
      %get3A_3514 = tpu.vector_load %arg8[%get3A_3512, %get3A_3513] {strides = array<i32>} : memref<128x32xf32, #tpu.memory_space<vmem>>, vector<1x16xf32>,
      %get3A_3515 = vector.shape_cast %get3A_3514 : vector<1x16xf32> to vector<16xf32>
      %add3A_3516 = arith.addf %add3A_3492, %get3A_3515 : vector<16xf32>
      %get3A_3517 = arith.constant 81 : i32
      %get3A_3518 = arith.index_cast %get3A_3517 : i32 to index
      %get3A_3519 = arith.constant 16 : index
      %get3A_3520 = tpu.vector_load %arg8[%get3A_3518, %get3A_3519] {strides = array<i32>} : memref<128x32xf32, #tpu.memory_space<vmem>>, vector<1x16xf32>,
      %get3A_3521 = vector.shape_cast %get3A_3520 : vector<1x16xf32> to vector<16xf32>
      %add3A_3522 = arith.addf %add3A_3498, %get3A_3521 : vector<16xf32>
      %get3A_3523 = arith.constant 82 : i32
      %get3A_3524 = arith.index_cast %get3A_3523 : i32 to index
      %get3A_3525 = arith.constant 0 : index
      %get3A_3526 = tpu.vector_load %arg8[%get3A_3524, %get3A_3525] {strides = array<i32>} : memref<128x32xf32, #tpu.memory_space<vmem>>, vector<1x16xf32>,
      %get3A_3527 = vector.shape_cast %get3A_3526 : vector<1x16xf32> to vector<16xf32>
      %add3A_3528 = arith.addf %add3A_3504, %get3A_3527 : vector<16xf32>
      %get3A_3529 = arith.constant 82 : i32
      %get3A_3530 = arith.index_cast %get3A_3529 : i32 to index
      %get3A_3531 = arith.constant 16 : index
      %get3A_3532 = tpu.vector_load %arg8[%get3A_3530, %get3A_3531] {strides = array<i32>} : memref<128x32xf32, #tpu.memory_space<vmem>>, vector<1x16xf32>,
      %get3A_3533 = vector.shape_cast %get3A_3532 : vector<1x16xf32> to vector<16xf32>
      %add3A_3534 = arith.addf %add3A_3510, %get3A_3533 : vector<16xf32>
      %get3A_3535 = arith.constant 83 : i32
      %get3A_3536 = arith.index_cast %get3A_3535 : i32 to index
      %get3A_3537 = arith.constant 0 : index
      %get3A_3538 = tpu.vector_load %arg8[%get3A_3536, %get3A_3537] {strides = array<i32>} : memref<128x32xf32, #tpu.memory_space<vmem>>, vector<1x16xf32>,
      %get3A_3539 = vector.shape_cast %get3A_3538 : vector<1x16xf32> to vector<16xf32>
      %add3A_3540 = arith.addf %add3A_3516, %get3A_3539 : vector<16xf32>
      %get3A_3541 = arith.constant 83 : i32
      %get3A_3542 = arith.index_cast %get3A_3541 : i32 to index
      %get3A_3543 = arith.constant 16 : index
      %get3A_3544 = tpu.vector_load %arg8[%get3A_3542, %get3A_3543] {strides = array<i32>} : memref<128x32xf32, #tpu.memory_space<vmem>>, vector<1x16xf32>,
      %get3A_3545 = vector.shape_cast %get3A_3544 : vector<1x16xf32> to vector<16xf32>
      %add3A_3546 = arith.addf %add3A_3522, %get3A_3545 : vector<16xf32>
      %get3A_3547 = arith.constant 84 : i32
      %get3A_3548 = arith.index_cast %get3A_3547 : i32 to index
      %get3A_3549 = arith.constant 0 : index
      %get3A_3550 = tpu.vector_load %arg8[%get3A_3548, %get3A_3549] {strides = array<i32>} : memref<128x32xf32, #tpu.memory_space<vmem>>, vector<1x16xf32>,
      %get3A_3551 = vector.shape_cast %get3A_3550 : vector<1x16xf32> to vector<16xf32>
      %add3A_3552 = arith.addf %add3A_3528, %get3A_3551 : vector<16xf32>
      %get3A_3553 = arith.constant 84 : i32
      %get3A_3554 = arith.index_cast %get3A_3553 : i32 to index
      %get3A_3555 = arith.constant 16 : index
      %get3A_3556 = tpu.vector_load %arg8[%get3A_3554, %get3A_3555] {strides = array<i32>} : memref<128x32xf32, #tpu.memory_space<vmem>>, vector<1x16xf32>,
      %get3A_3557 = vector.shape_cast %get3A_3556 : vector<1x16xf32> to vector<16xf32>
      %add3A_3558 = arith.addf %add3A_3534, %get3A_3557 : vector<16xf32>
      %get3A_3559 = arith.constant 85 : i32
      %get3A_3560 = arith.index_cast %get3A_3559 : i32 to index
      %get3A_3561 = arith.constant 0 : index
      %get3A_3562 = tpu.vector_load %arg8[%get3A_3560, %get3A_3561] {strides = array<i32>} : memref<128x32xf32, #tpu.memory_space<vmem>>, vector<1x16xf32>,
      %get3A_3563 = vector.shape_cast %get3A_3562 : vector<1x16xf32> to vector<16xf32>
      %add3A_3564 = arith.addf %add3A_3540, %get3A_3563 : vector<16xf32>
      %get3A_3565 = arith.constant 85 : i32
      %get3A_3566 = arith.index_cast %get3A_3565 : i32 to index
      %get3A_3567 = arith.constant 16 : index
      %get3A_3568 = tpu.vector_load %arg8[%get3A_3566, %get3A_3567] {strides = array<i32>} : memref<128x32xf32, #tpu.memory_space<vmem>>, vector<1x16xf32>,
      %get3A_3569 = vector.shape_cast %get3A_3568 : vector<1x16xf32> to vector<16xf32>
      %add3A_3570 = arith.addf %add3A_3546, %get3A_3569 : vector<16xf32>
      %get3A_3571 = arith.constant 86 : i32
      %get3A_3572 = arith.index_cast %get3A_3571 : i32 to index
      %get3A_3573 = arith.constant 0 : index
      %get3A_3574 = tpu.vector_load %arg8[%get3A_3572, %get3A_3573] {strides = array<i32>} : memref<128x32xf32, #tpu.memory_space<vmem>>, vector<1x16xf32>,
      %get3A_3575 = vector.shape_cast %get3A_3574 : vector<1x16xf32> to vector<16xf32>
      %add3A_3576 = arith.addf %add3A_3552, %get3A_3575 : vector<16xf32>
      %get3A_3577 = arith.constant 86 : i32
      %get3A_3578 = arith.index_cast %get3A_3577 : i32 to index
      %get3A_3579 = arith.constant 16 : index
      %get3A_3580 = tpu.vector_load %arg8[%get3A_3578, %get3A_3579] {strides = array<i32>} : memref<128x32xf32, #tpu.memory_space<vmem>>, vector<1x16xf32>,
      %get3A_3581 = vector.shape_cast %get3A_3580 : vector<1x16xf32> to vector<16xf32>
      %add3A_3582 = arith.addf %add3A_3558, %get3A_3581 : vector<16xf32>
      %get3A_3583 = arith.constant 87 : i32
      %get3A_3584 = arith.index_cast %get3A_3583 : i32 to index
      %get3A_3585 = arith.constant 0 : index
      %get3A_3586 = tpu.vector_load %arg8[%get3A_3584, %get3A_3585] {strides = array<i32>} : memref<128x32xf32, #tpu.memory_space<vmem>>, vector<1x16xf32>,
      %get3A_3587 = vector.shape_cast %get3A_3586 : vector<1x16xf32> to vector<16xf32>
      %add3A_3588 = arith.addf %add3A_3564, %get3A_3587 : vector<16xf32>
      %get3A_3589 = arith.constant 87 : i32
      %get3A_3590 = arith.index_cast %get3A_3589 : i32 to index
      %get3A_3591 = arith.constant 16 : index
      %get3A_3592 = tpu.vector_load %arg8[%get3A_3590, %get3A_3591] {strides = array<i32>} : memref<128x32xf32, #tpu.memory_space<vmem>>, vector<1x16xf32>,
      %get3A_3593 = vector.shape_cast %get3A_3592 : vector<1x16xf32> to vector<16xf32>
      %add3A_3594 = arith.addf %add3A_3570, %get3A_3593 : vector<16xf32>
      %get3A_3595 = arith.constant 88 : i32
      %get3A_3596 = arith.index_cast %get3A_3595 : i32 to index
      %get3A_3597 = arith.constant 0 : index
      %get3A_3598 = tpu.vector_load %arg8[%get3A_3596, %get3A_3597] {strides = array<i32>} : memref<128x32xf32, #tpu.memory_space<vmem>>, vector<1x16xf32>,
      %get3A_3599 = vector.shape_cast %get3A_3598 : vector<1x16xf32> to vector<16xf32>
      %add3A_3600 = arith.addf %add3A_3576, %get3A_3599 : vector<16xf32>
      %get3A_3601 = arith.constant 88 : i32
      %get3A_3602 = arith.index_cast %get3A_3601 : i32 to index
      %get3A_3603 = arith.constant 16 : index
      %get3A_3604 = tpu.vector_load %arg8[%get3A_3602, %get3A_3603] {strides = array<i32>} : memref<128x32xf32, #tpu.memory_space<vmem>>, vector<1x16xf32>,
      %get3A_3605 = vector.shape_cast %get3A_3604 : vector<1x16xf32> to vector<16xf32>
      %add3A_3606 = arith.addf %add3A_3582, %get3A_3605 : vector<16xf32>
      %get3A_3607 = arith.constant 89 : i32
      %get3A_3608 = arith.index_cast %get3A_3607 : i32 to index
      %get3A_3609 = arith.constant 0 : index
      %get3A_3610 = tpu.vector_load %arg8[%get3A_3608, %get3A_3609] {strides = array<i32>} : memref<128x32xf32, #tpu.memory_space<vmem>>, vector<1x16xf32>,
      %get3A_3611 = vector.shape_cast %get3A_3610 : vector<1x16xf32> to vector<16xf32>
      %add3A_3612 = arith.addf %add3A_3588, %get3A_3611 : vector<16xf32>
      %get3A_3613 = arith.constant 89 : i32
      %get3A_3614 = arith.index_cast %get3A_3613 : i32 to index
      %get3A_3615 = arith.constant 16 : index
      %get3A_3616 = tpu.vector_load %arg8[%get3A_3614, %get3A_3615] {strides = array<i32>} : memref<128x32xf32, #tpu.memory_space<vmem>>, vector<1x16xf32>,
      %get3A_3617 = vector.shape_cast %get3A_3616 : vector<1x16xf32> to vector<16xf32>
      %add3A_3618 = arith.addf %add3A_3594, %get3A_3617 : vector<16xf32>
      %get3A_3619 = arith.constant 90 : i32
      %get3A_3620 = arith.index_cast %get3A_3619 : i32 to index
      %get3A_3621 = arith.constant 0 : index
      %get3A_3622 = tpu.vector_load %arg8[%get3A_3620, %get3A_3621] {strides = array<i32>} : memref<128x32xf32, #tpu.memory_space<vmem>>, vector<1x16xf32>,
      %get3A_3623 = vector.shape_cast %get3A_3622 : vector<1x16xf32> to vector<16xf32>
      %add3A_3624 = arith.addf %add3A_3600, %get3A_3623 : vector<16xf32>
      %get3A_3625 = arith.constant 90 : i32
      %get3A_3626 = arith.index_cast %get3A_3625 : i32 to index
      %get3A_3627 = arith.constant 16 : index
      %get3A_3628 = tpu.vector_load %arg8[%get3A_3626, %get3A_3627] {strides = array<i32>} : memref<128x32xf32, #tpu.memory_space<vmem>>, vector<1x16xf32>,
      %get3A_3629 = vector.shape_cast %get3A_3628 : vector<1x16xf32> to vector<16xf32>
      %add3A_3630 = arith.addf %add3A_3606, %get3A_3629 : vector<16xf32>
      %get3A_3631 = arith.constant 91 : i32
      %get3A_3632 = arith.index_cast %get3A_3631 : i32 to index
      %get3A_3633 = arith.constant 0 : index
      %get3A_3634 = tpu.vector_load %arg8[%get3A_3632, %get3A_3633] {strides = array<i32>} : memref<128x32xf32, #tpu.memory_space<vmem>>, vector<1x16xf32>,
      %get3A_3635 = vector.shape_cast %get3A_3634 : vector<1x16xf32> to vector<16xf32>
      %add3A_3636 = arith.addf %add3A_3612, %get3A_3635 : vector<16xf32>
      %get3A_3637 = arith.constant 91 : i32
      %get3A_3638 = arith.index_cast %get3A_3637 : i32 to index
      %get3A_3639 = arith.constant 16 : index
      %get3A_3640 = tpu.vector_load %arg8[%get3A_3638, %get3A_3639] {strides = array<i32>} : memref<128x32xf32, #tpu.memory_space<vmem>>, vector<1x16xf32>,
      %get3A_3641 = vector.shape_cast %get3A_3640 : vector<1x16xf32> to vector<16xf32>
      %add3A_3642 = arith.addf %add3A_3618, %get3A_3641 : vector<16xf32>
      %get3A_3643 = arith.constant 92 : i32
      %get3A_3644 = arith.index_cast %get3A_3643 : i32 to index
      %get3A_3645 = arith.constant 0 : index
      %get3A_3646 = tpu.vector_load %arg8[%get3A_3644, %get3A_3645] {strides = array<i32>} : memref<128x32xf32, #tpu.memory_space<vmem>>, vector<1x16xf32>,
      %get3A_3647 = vector.shape_cast %get3A_3646 : vector<1x16xf32> to vector<16xf32>
      %add3A_3648 = arith.addf %add3A_3624, %get3A_3647 : vector<16xf32>
      %get3A_3649 = arith.constant 92 : i32
      %get3A_3650 = arith.index_cast %get3A_3649 : i32 to index
      %get3A_3651 = arith.constant 16 : index
      %get3A_3652 = tpu.vector_load %arg8[%get3A_3650, %get3A_3651] {strides = array<i32>} : memref<128x32xf32, #tpu.memory_space<vmem>>, vector<1x16xf32>,
      %get3A_3653 = vector.shape_cast %get3A_3652 : vector<1x16xf32> to vector<16xf32>
      %add3A_3654 = arith.addf %add3A_3630, %get3A_3653 : vector<16xf32>
      %get3A_3655 = arith.constant 93 : i32
      %get3A_3656 = arith.index_cast %get3A_3655 : i32 to index
      %get3A_3657 = arith.constant 0 : index
      %get3A_3658 = tpu.vector_load %arg8[%get3A_3656, %get3A_3657] {strides = array<i32>} : memref<128x32xf32, #tpu.memory_space<vmem>>, vector<1x16xf32>,
      %get3A_3659 = vector.shape_cast %get3A_3658 : vector<1x16xf32> to vector<16xf32>
      %add3A_3660 = arith.addf %add3A_3636, %get3A_3659 : vector<16xf32>
      %get3A_3661 = arith.constant 93 : i32
      %get3A_3662 = arith.index_cast %get3A_3661 : i32 to index
      %get3A_3663 = arith.constant 16 : index
      %get3A_3664 = tpu.vector_load %arg8[%get3A_3662, %get3A_3663] {strides = array<i32>} : memref<128x32xf32, #tpu.memory_space<vmem>>, vector<1x16xf32>,
      %get3A_3665 = vector.shape_cast %get3A_3664 : vector<1x16xf32> to vector<16xf32>
      %add3A_3666 = arith.addf %add3A_3642, %get3A_3665 : vector<16xf32>
      %get3A_3667 = arith.constant 94 : i32
      %get3A_3668 = arith.index_cast %get3A_3667 : i32 to index
      %get3A_3669 = arith.constant 0 : index
      %get3A_3670 = tpu.vector_load %arg8[%get3A_3668, %get3A_3669] {strides = array<i32>} : memref<128x32xf32, #tpu.memory_space<vmem>>, vector<1x16xf32>,
      %get3A_3671 = vector.shape_cast %get3A_3670 : vector<1x16xf32> to vector<16xf32>
      %add3A_3672 = arith.addf %add3A_3648, %get3A_3671 : vector<16xf32>
      %get3A_3673 = arith.constant 94 : i32
      %get3A_3674 = arith.index_cast %get3A_3673 : i32 to index
      %get3A_3675 = arith.constant 16 : index
      %get3A_3676 = tpu.vector_load %arg8[%get3A_3674, %get3A_3675] {strides = array<i32>} : memref<128x32xf32, #tpu.memory_space<vmem>>, vector<1x16xf32>,
      %get3A_3677 = vector.shape_cast %get3A_3676 : vector<1x16xf32> to vector<16xf32>
      %add3A_3678 = arith.addf %add3A_3654, %get3A_3677 : vector<16xf32>
      %get3A_3679 = arith.constant 95 : i32
      %get3A_3680 = arith.index_cast %get3A_3679 : i32 to index
      %get3A_3681 = arith.constant 0 : index
      %get3A_3682 = tpu.vector_load %arg8[%get3A_3680, %get3A_3681] {strides = array<i32>} : memref<128x32xf32, #tpu.memory_space<vmem>>, vector<1x16xf32>,
      %get3A_3683 = vector.shape_cast %get3A_3682 : vector<1x16xf32> to vector<16xf32>
      %add3A_3684 = arith.addf %add3A_3660, %get3A_3683 : vector<16xf32>
      %get3A_3685 = arith.constant 95 : i32
      %get3A_3686 = arith.index_cast %get3A_3685 : i32 to index
      %get3A_3687 = arith.constant 16 : index
      %get3A_3688 = tpu.vector_load %arg8[%get3A_3686, %get3A_3687] {strides = array<i32>} : memref<128x32xf32, #tpu.memory_space<vmem>>, vector<1x16xf32>,
      %get3A_3689 = vector.shape_cast %get3A_3688 : vector<1x16xf32> to vector<16xf32>
      %add3A_3690 = arith.addf %add3A_3666, %get3A_3689 : vector<16xf32>
      %get3A_3691 = arith.constant 96 : i32
      %get3A_3692 = arith.index_cast %get3A_3691 : i32 to index
      %get3A_3693 = arith.constant 0 : index
      %get3A_3694 = tpu.vector_load %arg8[%get3A_3692, %get3A_3693] {strides = array<i32>} : memref<128x32xf32, #tpu.memory_space<vmem>>, vector<1x16xf32>,
      %get3A_3695 = vector.shape_cast %get3A_3694 : vector<1x16xf32> to vector<16xf32>
      %add3A_3696 = arith.addf %add3A_3672, %get3A_3695 : vector<16xf32>
      %get3A_3697 = arith.constant 96 : i32
      %get3A_3698 = arith.index_cast %get3A_3697 : i32 to index
      %get3A_3699 = arith.constant 16 : index
      %get3A_3700 = tpu.vector_load %arg8[%get3A_3698, %get3A_3699] {strides = array<i32>} : memref<128x32xf32, #tpu.memory_space<vmem>>, vector<1x16xf32>,
      %get3A_3701 = vector.shape_cast %get3A_3700 : vector<1x16xf32> to vector<16xf32>
      %add3A_3702 = arith.addf %add3A_3678, %get3A_3701 : vector<16xf32>
      %get3A_3703 = arith.constant 97 : i32
      %get3A_3704 = arith.index_cast %get3A_3703 : i32 to index
      %get3A_3705 = arith.constant 0 : index
      %get3A_3706 = tpu.vector_load %arg8[%get3A_3704, %get3A_3705] {strides = array<i32>} : memref<128x32xf32, #tpu.memory_space<vmem>>, vector<1x16xf32>,
      %get3A_3707 = vector.shape_cast %get3A_3706 : vector<1x16xf32> to vector<16xf32>
      %add3A_3708 = arith.addf %add3A_3684, %get3A_3707 : vector<16xf32>
      %get3A_3709 = arith.constant 97 : i32
      %get3A_3710 = arith.index_cast %get3A_3709 : i32 to index
      %get3A_3711 = arith.constant 16 : index
      %get3A_3712 = tpu.vector_load %arg8[%get3A_3710, %get3A_3711] {strides = array<i32>} : memref<128x32xf32, #tpu.memory_space<vmem>>, vector<1x16xf32>,
      %get3A_3713 = vector.shape_cast %get3A_3712 : vector<1x16xf32> to vector<16xf32>
      %add3A_3714 = arith.addf %add3A_3690, %get3A_3713 : vector<16xf32>
      %get3A_3715 = arith.constant 98 : i32
      %get3A_3716 = arith.index_cast %get3A_3715 : i32 to index
      %get3A_3717 = arith.constant 0 : index
      %get3A_3718 = tpu.vector_load %arg8[%get3A_3716, %get3A_3717] {strides = array<i32>} : memref<128x32xf32, #tpu.memory_space<vmem>>, vector<1x16xf32>,
      %get3A_3719 = vector.shape_cast %get3A_3718 : vector<1x16xf32> to vector<16xf32>
      %add3A_3720 = arith.addf %add3A_3696, %get3A_3719 : vector<16xf32>
      %get3A_3721 = arith.constant 98 : i32
      %get3A_3722 = arith.index_cast %get3A_3721 : i32 to index
      %get3A_3723 = arith.constant 16 : index
      %get3A_3724 = tpu.vector_load %arg8[%get3A_3722, %get3A_3723] {strides = array<i32>} : memref<128x32xf32, #tpu.memory_space<vmem>>, vector<1x16xf32>,
      %get3A_3725 = vector.shape_cast %get3A_3724 : vector<1x16xf32> to vector<16xf32>
      %add3A_3726 = arith.addf %add3A_3702, %get3A_3725 : vector<16xf32>
      %get3A_3727 = arith.constant 99 : i32
      %get3A_3728 = arith.index_cast %get3A_3727 : i32 to index
      %get3A_3729 = arith.constant 0 : index
      %get3A_3730 = tpu.vector_load %arg8[%get3A_3728, %get3A_3729] {strides = array<i32>} : memref<128x32xf32, #tpu.memory_space<vmem>>, vector<1x16xf32>,
      %get3A_3731 = vector.shape_cast %get3A_3730 : vector<1x16xf32> to vector<16xf32>
      %add3A_3732 = arith.addf %add3A_3708, %get3A_3731 : vector<16xf32>
      %get3A_3733 = arith.constant 99 : i32
      %get3A_3734 = arith.index_cast %get3A_3733 : i32 to index
      %get3A_3735 = arith.constant 16 : index
      %get3A_3736 = tpu.vector_load %arg8[%get3A_3734, %get3A_3735] {strides = array<i32>} : memref<128x32xf32, #tpu.memory_space<vmem>>, vector<1x16xf32>,
      %get3A_3737 = vector.shape_cast %get3A_3736 : vector<1x16xf32> to vector<16xf32>
      %add3A_3738 = arith.addf %add3A_3714, %get3A_3737 : vector<16xf32>
      %get3A_3739 = arith.constant 100 : i32
      %get3A_3740 = arith.index_cast %get3A_3739 : i32 to index
      %get3A_3741 = arith.constant 0 : index
      %get3A_3742 = tpu.vector_load %arg8[%get3A_3740, %get3A_3741] {strides = array<i32>} : memref<128x32xf32, #tpu.memory_space<vmem>>, vector<1x16xf32>,
      %get3A_3743 = vector.shape_cast %get3A_3742 : vector<1x16xf32> to vector<16xf32>
      %add3A_3744 = arith.addf %add3A_3720, %get3A_3743 : vector<16xf32>
      %get3A_3745 = arith.constant 100 : i32
      %get3A_3746 = arith.index_cast %get3A_3745 : i32 to index
      %get3A_3747 = arith.constant 16 : index
      %get3A_3748 = tpu.vector_load %arg8[%get3A_3746, %get3A_3747] {strides = array<i32>} : memref<128x32xf32, #tpu.memory_space<vmem>>, vector<1x16xf32>,
      %get3A_3749 = vector.shape_cast %get3A_3748 : vector<1x16xf32> to vector<16xf32>
      %add3A_3750 = arith.addf %add3A_3726, %get3A_3749 : vector<16xf32>
      %get3A_3751 = arith.constant 101 : i32
      %get3A_3752 = arith.index_cast %get3A_3751 : i32 to index
      %get3A_3753 = arith.constant 0 : index
      %get3A_3754 = tpu.vector_load %arg8[%get3A_3752, %get3A_3753] {strides = array<i32>} : memref<128x32xf32, #tpu.memory_space<vmem>>, vector<1x16xf32>,
      %get3A_3755 = vector.shape_cast %get3A_3754 : vector<1x16xf32> to vector<16xf32>
      %add3A_3756 = arith.addf %add3A_3732, %get3A_3755 : vector<16xf32>
      %get3A_3757 = arith.constant 101 : i32
      %get3A_3758 = arith.index_cast %get3A_3757 : i32 to index
      %get3A_3759 = arith.constant 16 : index
      %get3A_3760 = tpu.vector_load %arg8[%get3A_3758, %get3A_3759] {strides = array<i32>} : memref<128x32xf32, #tpu.memory_space<vmem>>, vector<1x16xf32>,
      %get3A_3761 = vector.shape_cast %get3A_3760 : vector<1x16xf32> to vector<16xf32>
      %add3A_3762 = arith.addf %add3A_3738, %get3A_3761 : vector<16xf32>
      %get3A_3763 = arith.constant 102 : i32
      %get3A_3764 = arith.index_cast %get3A_3763 : i32 to index
      %get3A_3765 = arith.constant 0 : index
      %get3A_3766 = tpu.vector_load %arg8[%get3A_3764, %get3A_3765] {strides = array<i32>} : memref<128x32xf32, #tpu.memory_space<vmem>>, vector<1x16xf32>,
      %get3A_3767 = vector.shape_cast %get3A_3766 : vector<1x16xf32> to vector<16xf32>
      %add3A_3768 = arith.addf %add3A_3744, %get3A_3767 : vector<16xf32>
      %get3A_3769 = arith.constant 102 : i32
      %get3A_3770 = arith.index_cast %get3A_3769 : i32 to index
      %get3A_3771 = arith.constant 16 : index
      %get3A_3772 = tpu.vector_load %arg8[%get3A_3770, %get3A_3771] {strides = array<i32>} : memref<128x32xf32, #tpu.memory_space<vmem>>, vector<1x16xf32>,
      %get3A_3773 = vector.shape_cast %get3A_3772 : vector<1x16xf32> to vector<16xf32>
      %add3A_3774 = arith.addf %add3A_3750, %get3A_3773 : vector<16xf32>
      %get3A_3775 = arith.constant 103 : i32
      %get3A_3776 = arith.index_cast %get3A_3775 : i32 to index
      %get3A_3777 = arith.constant 0 : index
      %get3A_3778 = tpu.vector_load %arg8[%get3A_3776, %get3A_3777] {strides = array<i32>} : memref<128x32xf32, #tpu.memory_space<vmem>>, vector<1x16xf32>,
      %get3A_3779 = vector.shape_cast %get3A_3778 : vector<1x16xf32> to vector<16xf32>
      %add3A_3780 = arith.addf %add3A_3756, %get3A_3779 : vector<16xf32>
      %get3A_3781 = arith.constant 103 : i32
      %get3A_3782 = arith.index_cast %get3A_3781 : i32 to index
      %get3A_3783 = arith.constant 16 : index
      %get3A_3784 = tpu.vector_load %arg8[%get3A_3782, %get3A_3783] {strides = array<i32>} : memref<128x32xf32, #tpu.memory_space<vmem>>, vector<1x16xf32>,
      %get3A_3785 = vector.shape_cast %get3A_3784 : vector<1x16xf32> to vector<16xf32>
      %add3A_3786 = arith.addf %add3A_3762, %get3A_3785 : vector<16xf32>
      %get3A_3787 = arith.constant 104 : i32
      %get3A_3788 = arith.index_cast %get3A_3787 : i32 to index
      %get3A_3789 = arith.constant 0 : index
      %get3A_3790 = tpu.vector_load %arg8[%get3A_3788, %get3A_3789] {strides = array<i32>} : memref<128x32xf32, #tpu.memory_space<vmem>>, vector<1x16xf32>,
      %get3A_3791 = vector.shape_cast %get3A_3790 : vector<1x16xf32> to vector<16xf32>
      %add3A_3792 = arith.addf %add3A_3768, %get3A_3791 : vector<16xf32>
      %get3A_3793 = arith.constant 104 : i32
      %get3A_3794 = arith.index_cast %get3A_3793 : i32 to index
      %get3A_3795 = arith.constant 16 : index
      %get3A_3796 = tpu.vector_load %arg8[%get3A_3794, %get3A_3795] {strides = array<i32>} : memref<128x32xf32, #tpu.memory_space<vmem>>, vector<1x16xf32>,
      %get3A_3797 = vector.shape_cast %get3A_3796 : vector<1x16xf32> to vector<16xf32>
      %add3A_3798 = arith.addf %add3A_3774, %get3A_3797 : vector<16xf32>
      %get3A_3799 = arith.constant 105 : i32
      %get3A_3800 = arith.index_cast %get3A_3799 : i32 to index
      %get3A_3801 = arith.constant 0 : index
      %get3A_3802 = tpu.vector_load %arg8[%get3A_3800, %get3A_3801] {strides = array<i32>} : memref<128x32xf32, #tpu.memory_space<vmem>>, vector<1x16xf32>,
      %get3A_3803 = vector.shape_cast %get3A_3802 : vector<1x16xf32> to vector<16xf32>
      %add3A_3804 = arith.addf %add3A_3780, %get3A_3803 : vector<16xf32>
      %get3A_3805 = arith.constant 105 : i32
      %get3A_3806 = arith.index_cast %get3A_3805 : i32 to index
      %get3A_3807 = arith.constant 16 : index
      %get3A_3808 = tpu.vector_load %arg8[%get3A_3806, %get3A_3807] {strides = array<i32>} : memref<128x32xf32, #tpu.memory_space<vmem>>, vector<1x16xf32>,
      %get3A_3809 = vector.shape_cast %get3A_3808 : vector<1x16xf32> to vector<16xf32>
      %add3A_3810 = arith.addf %add3A_3786, %get3A_3809 : vector<16xf32>
      %get3A_3811 = arith.constant 106 : i32
      %get3A_3812 = arith.index_cast %get3A_3811 : i32 to index
      %get3A_3813 = arith.constant 0 : index
      %get3A_3814 = tpu.vector_load %arg8[%get3A_3812, %get3A_3813] {strides = array<i32>} : memref<128x32xf32, #tpu.memory_space<vmem>>, vector<1x16xf32>,
      %get3A_3815 = vector.shape_cast %get3A_3814 : vector<1x16xf32> to vector<16xf32>
      %add3A_3816 = arith.addf %add3A_3792, %get3A_3815 : vector<16xf32>
      %get3A_3817 = arith.constant 106 : i32
      %get3A_3818 = arith.index_cast %get3A_3817 : i32 to index
      %get3A_3819 = arith.constant 16 : index
      %get3A_3820 = tpu.vector_load %arg8[%get3A_3818, %get3A_3819] {strides = array<i32>} : memref<128x32xf32, #tpu.memory_space<vmem>>, vector<1x16xf32>,
      %get3A_3821 = vector.shape_cast %get3A_3820 : vector<1x16xf32> to vector<16xf32>
      %add3A_3822 = arith.addf %add3A_3798, %get3A_3821 : vector<16xf32>
      %get3A_3823 = arith.constant 107 : i32
      %get3A_3824 = arith.index_cast %get3A_3823 : i32 to index
      %get3A_3825 = arith.constant 0 : index
      %get3A_3826 = tpu.vector_load %arg8[%get3A_3824, %get3A_3825] {strides = array<i32>} : memref<128x32xf32, #tpu.memory_space<vmem>>, vector<1x16xf32>,
      %get3A_3827 = vector.shape_cast %get3A_3826 : vector<1x16xf32> to vector<16xf32>
      %add3A_3828 = arith.addf %add3A_3804, %get3A_3827 : vector<16xf32>
      %get3A_3829 = arith.constant 107 : i32
      %get3A_3830 = arith.index_cast %get3A_3829 : i32 to index
      %get3A_3831 = arith.constant 16 : index
      %get3A_3832 = tpu.vector_load %arg8[%get3A_3830, %get3A_3831] {strides = array<i32>} : memref<128x32xf32, #tpu.memory_space<vmem>>, vector<1x16xf32>,
      %get3A_3833 = vector.shape_cast %get3A_3832 : vector<1x16xf32> to vector<16xf32>
      %add3A_3834 = arith.addf %add3A_3810, %get3A_3833 : vector<16xf32>
      %get3A_3835 = arith.constant 108 : i32
      %get3A_3836 = arith.index_cast %get3A_3835 : i32 to index
      %get3A_3837 = arith.constant 0 : index
      %get3A_3838 = tpu.vector_load %arg8[%get3A_3836, %get3A_3837] {strides = array<i32>} : memref<128x32xf32, #tpu.memory_space<vmem>>, vector<1x16xf32>,
      %get3A_3839 = vector.shape_cast %get3A_3838 : vector<1x16xf32> to vector<16xf32>
      %add3A_3840 = arith.addf %add3A_3816, %get3A_3839 : vector<16xf32>
      %get3A_3841 = arith.constant 108 : i32
      %get3A_3842 = arith.index_cast %get3A_3841 : i32 to index
      %get3A_3843 = arith.constant 16 : index
      %get3A_3844 = tpu.vector_load %arg8[%get3A_3842, %get3A_3843] {strides = array<i32>} : memref<128x32xf32, #tpu.memory_space<vmem>>, vector<1x16xf32>,
      %get3A_3845 = vector.shape_cast %get3A_3844 : vector<1x16xf32> to vector<16xf32>
      %add3A_3846 = arith.addf %add3A_3822, %get3A_3845 : vector<16xf32>
      %get3A_3847 = arith.constant 109 : i32
      %get3A_3848 = arith.index_cast %get3A_3847 : i32 to index
      %get3A_3849 = arith.constant 0 : index
      %get3A_3850 = tpu.vector_load %arg8[%get3A_3848, %get3A_3849] {strides = array<i32>} : memref<128x32xf32, #tpu.memory_space<vmem>>, vector<1x16xf32>,
      %get3A_3851 = vector.shape_cast %get3A_3850 : vector<1x16xf32> to vector<16xf32>
      %add3A_3852 = arith.addf %add3A_3828, %get3A_3851 : vector<16xf32>
      %get3A_3853 = arith.constant 109 : i32
      %get3A_3854 = arith.index_cast %get3A_3853 : i32 to index
      %get3A_3855 = arith.constant 16 : index
      %get3A_3856 = tpu.vector_load %arg8[%get3A_3854, %get3A_3855] {strides = array<i32>} : memref<128x32xf32, #tpu.memory_space<vmem>>, vector<1x16xf32>,
      %get3A_3857 = vector.shape_cast %get3A_3856 : vector<1x16xf32> to vector<16xf32>
      %add3A_3858 = arith.addf %add3A_3834, %get3A_3857 : vector<16xf32>
      %get3A_3859 = arith.constant 110 : i32
      %get3A_3860 = arith.index_cast %get3A_3859 : i32 to index
      %get3A_3861 = arith.constant 0 : index
      %get3A_3862 = tpu.vector_load %arg8[%get3A_3860, %get3A_3861] {strides = array<i32>} : memref<128x32xf32, #tpu.memory_space<vmem>>, vector<1x16xf32>,
      %get3A_3863 = vector.shape_cast %get3A_3862 : vector<1x16xf32> to vector<16xf32>
      %add3A_3864 = arith.addf %add3A_3840, %get3A_3863 : vector<16xf32>
      %get3A_3865 = arith.constant 110 : i32
      %get3A_3866 = arith.index_cast %get3A_3865 : i32 to index
      %get3A_3867 = arith.constant 16 : index
      %get3A_3868 = tpu.vector_load %arg8[%get3A_3866, %get3A_3867] {strides = array<i32>} : memref<128x32xf32, #tpu.memory_space<vmem>>, vector<1x16xf32>,
      %get3A_3869 = vector.shape_cast %get3A_3868 : vector<1x16xf32> to vector<16xf32>
      %add3A_3870 = arith.addf %add3A_3846, %get3A_3869 : vector<16xf32>
      %get3A_3871 = arith.constant 111 : i32
      %get3A_3872 = arith.index_cast %get3A_3871 : i32 to index
      %get3A_3873 = arith.constant 0 : index
      %get3A_3874 = tpu.vector_load %arg8[%get3A_3872, %get3A_3873] {strides = array<i32>} : memref<128x32xf32, #tpu.memory_space<vmem>>, vector<1x16xf32>,
      %get3A_3875 = vector.shape_cast %get3A_3874 : vector<1x16xf32> to vector<16xf32>
      %add3A_3876 = arith.addf %add3A_3852, %get3A_3875 : vector<16xf32>
      %get3A_3877 = arith.constant 111 : i32
      %get3A_3878 = arith.index_cast %get3A_3877 : i32 to index
      %get3A_3879 = arith.constant 16 : index
      %get3A_3880 = tpu.vector_load %arg8[%get3A_3878, %get3A_3879] {strides = array<i32>} : memref<128x32xf32, #tpu.memory_space<vmem>>, vector<1x16xf32>,
      %get3A_3881 = vector.shape_cast %get3A_3880 : vector<1x16xf32> to vector<16xf32>
      %add3A_3882 = arith.addf %add3A_3858, %get3A_3881 : vector<16xf32>
      %get3A_3883 = arith.constant 112 : i32
      %get3A_3884 = arith.index_cast %get3A_3883 : i32 to index
      %get3A_3885 = arith.constant 0 : index
      %get3A_3886 = tpu.vector_load %arg8[%get3A_3884, %get3A_3885] {strides = array<i32>} : memref<128x32xf32, #tpu.memory_space<vmem>>, vector<1x16xf32>,
      %get3A_3887 = vector.shape_cast %get3A_3886 : vector<1x16xf32> to vector<16xf32>
      %add3A_3888 = arith.addf %add3A_3864, %get3A_3887 : vector<16xf32>
      %get3A_3889 = arith.constant 112 : i32
      %get3A_3890 = arith.index_cast %get3A_3889 : i32 to index
      %get3A_3891 = arith.constant 16 : index
      %get3A_3892 = tpu.vector_load %arg8[%get3A_3890, %get3A_3891] {strides = array<i32>} : memref<128x32xf32, #tpu.memory_space<vmem>>, vector<1x16xf32>,
      %get3A_3893 = vector.shape_cast %get3A_3892 : vector<1x16xf32> to vector<16xf32>
      %add3A_3894 = arith.addf %add3A_3870, %get3A_3893 : vector<16xf32>
      %get3A_3895 = arith.constant 113 : i32
      %get3A_3896 = arith.index_cast %get3A_3895 : i32 to index
      %get3A_3897 = arith.constant 0 : index
      %get3A_3898 = tpu.vector_load %arg8[%get3A_3896, %get3A_3897] {strides = array<i32>} : memref<128x32xf32, #tpu.memory_space<vmem>>, vector<1x16xf32>,
      %get3A_3899 = vector.shape_cast %get3A_3898 : vector<1x16xf32> to vector<16xf32>
      %add3A_3900 = arith.addf %add3A_3876, %get3A_3899 : vector<16xf32>
      %get3A_3901 = arith.constant 113 : i32
      %get3A_3902 = arith.index_cast %get3A_3901 : i32 to index
      %get3A_3903 = arith.constant 16 : index
      %get3A_3904 = tpu.vector_load %arg8[%get3A_3902, %get3A_3903] {strides = array<i32>} : memref<128x32xf32, #tpu.memory_space<vmem>>, vector<1x16xf32>,
      %get3A_3905 = vector.shape_cast %get3A_3904 : vector<1x16xf32> to vector<16xf32>
      %add3A_3906 = arith.addf %add3A_3882, %get3A_3905 : vector<16xf32>
      %get3A_3907 = arith.constant 114 : i32
      %get3A_3908 = arith.index_cast %get3A_3907 : i32 to index
      %get3A_3909 = arith.constant 0 : index
      %get3A_3910 = tpu.vector_load %arg8[%get3A_3908, %get3A_3909] {strides = array<i32>} : memref<128x32xf32, #tpu.memory_space<vmem>>, vector<1x16xf32>,
      %get3A_3911 = vector.shape_cast %get3A_3910 : vector<1x16xf32> to vector<16xf32>
      %add3A_3912 = arith.addf %add3A_3888, %get3A_3911 : vector<16xf32>
      %get3A_3913 = arith.constant 114 : i32
      %get3A_3914 = arith.index_cast %get3A_3913 : i32 to index
      %get3A_3915 = arith.constant 16 : index
      %get3A_3916 = tpu.vector_load %arg8[%get3A_3914, %get3A_3915] {strides = array<i32>} : memref<128x32xf32, #tpu.memory_space<vmem>>, vector<1x16xf32>,
      %get3A_3917 = vector.shape_cast %get3A_3916 : vector<1x16xf32> to vector<16xf32>
      %add3A_3918 = arith.addf %add3A_3894, %get3A_3917 : vector<16xf32>
      %get3A_3919 = arith.constant 115 : i32
      %get3A_3920 = arith.index_cast %get3A_3919 : i32 to index
      %get3A_3921 = arith.constant 0 : index
      %get3A_3922 = tpu.vector_load %arg8[%get3A_3920, %get3A_3921] {strides = array<i32>} : memref<128x32xf32, #tpu.memory_space<vmem>>, vector<1x16xf32>,
      %get3A_3923 = vector.shape_cast %get3A_3922 : vector<1x16xf32> to vector<16xf32>
      %add3A_3924 = arith.addf %add3A_3900, %get3A_3923 : vector<16xf32>
      %get3A_3925 = arith.constant 115 : i32
      %get3A_3926 = arith.index_cast %get3A_3925 : i32 to index
      %get3A_3927 = arith.constant 16 : index
      %get3A_3928 = tpu.vector_load %arg8[%get3A_3926, %get3A_3927] {strides = array<i32>} : memref<128x32xf32, #tpu.memory_space<vmem>>, vector<1x16xf32>,
      %get3A_3929 = vector.shape_cast %get3A_3928 : vector<1x16xf32> to vector<16xf32>
      %add3A_3930 = arith.addf %add3A_3906, %get3A_3929 : vector<16xf32>
      %get3A_3931 = arith.constant 116 : i32
      %get3A_3932 = arith.index_cast %get3A_3931 : i32 to index
      %get3A_3933 = arith.constant 0 : index
      %get3A_3934 = tpu.vector_load %arg8[%get3A_3932, %get3A_3933] {strides = array<i32>} : memref<128x32xf32, #tpu.memory_space<vmem>>, vector<1x16xf32>,
      %get3A_3935 = vector.shape_cast %get3A_3934 : vector<1x16xf32> to vector<16xf32>
      %add3A_3936 = arith.addf %add3A_3912, %get3A_3935 : vector<16xf32>
      %get3A_3937 = arith.constant 116 : i32
      %get3A_3938 = arith.index_cast %get3A_3937 : i32 to index
      %get3A_3939 = arith.constant 16 : index
      %get3A_3940 = tpu.vector_load %arg8[%get3A_3938, %get3A_3939] {strides = array<i32>} : memref<128x32xf32, #tpu.memory_space<vmem>>, vector<1x16xf32>,
      %get3A_3941 = vector.shape_cast %get3A_3940 : vector<1x16xf32> to vector<16xf32>
      %add3A_3942 = arith.addf %add3A_3918, %get3A_3941 : vector<16xf32>
      %get3A_3943 = arith.constant 117 : i32
      %get3A_3944 = arith.index_cast %get3A_3943 : i32 to index
      %get3A_3945 = arith.constant 0 : index
      %get3A_3946 = tpu.vector_load %arg8[%get3A_3944, %get3A_3945] {strides = array<i32>} : memref<128x32xf32, #tpu.memory_space<vmem>>, vector<1x16xf32>,
      %get3A_3947 = vector.shape_cast %get3A_3946 : vector<1x16xf32> to vector<16xf32>
      %add3A_3948 = arith.addf %add3A_3924, %get3A_3947 : vector<16xf32>
      %get3A_3949 = arith.constant 117 : i32
      %get3A_3950 = arith.index_cast %get3A_3949 : i32 to index
      %get3A_3951 = arith.constant 16 : index
      %get3A_3952 = tpu.vector_load %arg8[%get3A_3950, %get3A_3951] {strides = array<i32>} : memref<128x32xf32, #tpu.memory_space<vmem>>, vector<1x16xf32>,
      %get3A_3953 = vector.shape_cast %get3A_3952 : vector<1x16xf32> to vector<16xf32>
      %add3A_3954 = arith.addf %add3A_3930, %get3A_3953 : vector<16xf32>
      %get3A_3955 = arith.constant 118 : i32
      %get3A_3956 = arith.index_cast %get3A_3955 : i32 to index
      %get3A_3957 = arith.constant 0 : index
      %get3A_3958 = tpu.vector_load %arg8[%get3A_3956, %get3A_3957] {strides = array<i32>} : memref<128x32xf32, #tpu.memory_space<vmem>>, vector<1x16xf32>,
      %get3A_3959 = vector.shape_cast %get3A_3958 : vector<1x16xf32> to vector<16xf32>
      %add3A_3960 = arith.addf %add3A_3936, %get3A_3959 : vector<16xf32>
      %get3A_3961 = arith.constant 118 : i32
      %get3A_3962 = arith.index_cast %get3A_3961 : i32 to index
      %get3A_3963 = arith.constant 16 : index
      %get3A_3964 = tpu.vector_load %arg8[%get3A_3962, %get3A_3963] {strides = array<i32>} : memref<128x32xf32, #tpu.memory_space<vmem>>, vector<1x16xf32>,
      %get3A_3965 = vector.shape_cast %get3A_3964 : vector<1x16xf32> to vector<16xf32>
      %add3A_3966 = arith.addf %add3A_3942, %get3A_3965 : vector<16xf32>
      %get3A_3967 = arith.constant 119 : i32
      %get3A_3968 = arith.index_cast %get3A_3967 : i32 to index
      %get3A_3969 = arith.constant 0 : index
      %get3A_3970 = tpu.vector_load %arg8[%get3A_3968, %get3A_3969] {strides = array<i32>} : memref<128x32xf32, #tpu.memory_space<vmem>>, vector<1x16xf32>,
      %get3A_3971 = vector.shape_cast %get3A_3970 : vector<1x16xf32> to vector<16xf32>
      %add3A_3972 = arith.addf %add3A_3948, %get3A_3971 : vector<16xf32>
      %get3A_3973 = arith.constant 119 : i32
      %get3A_3974 = arith.index_cast %get3A_3973 : i32 to index
      %get3A_3975 = arith.constant 16 : index
      %get3A_3976 = tpu.vector_load %arg8[%get3A_3974, %get3A_3975] {strides = array<i32>} : memref<128x32xf32, #tpu.memory_space<vmem>>, vector<1x16xf32>,
      %get3A_3977 = vector.shape_cast %get3A_3976 : vector<1x16xf32> to vector<16xf32>
      %add3A_3978 = arith.addf %add3A_3954, %get3A_3977 : vector<16xf32>
      %get3A_3979 = arith.constant 120 : i32
      %get3A_3980 = arith.index_cast %get3A_3979 : i32 to index
      %get3A_3981 = arith.constant 0 : index
      %get3A_3982 = tpu.vector_load %arg8[%get3A_3980, %get3A_3981] {strides = array<i32>} : memref<128x32xf32, #tpu.memory_space<vmem>>, vector<1x16xf32>,
      %get3A_3983 = vector.shape_cast %get3A_3982 : vector<1x16xf32> to vector<16xf32>
      %add3A_3984 = arith.addf %add3A_3960, %get3A_3983 : vector<16xf32>
      %get3A_3985 = arith.constant 120 : i32
      %get3A_3986 = arith.index_cast %get3A_3985 : i32 to index
      %get3A_3987 = arith.constant 16 : index
      %get3A_3988 = tpu.vector_load %arg8[%get3A_3986, %get3A_3987] {strides = array<i32>} : memref<128x32xf32, #tpu.memory_space<vmem>>, vector<1x16xf32>,
      %get3A_3989 = vector.shape_cast %get3A_3988 : vector<1x16xf32> to vector<16xf32>
      %add3A_3990 = arith.addf %add3A_3966, %get3A_3989 : vector<16xf32>
      %get3A_3991 = arith.constant 121 : i32
      %get3A_3992 = arith.index_cast %get3A_3991 : i32 to index
      %get3A_3993 = arith.constant 0 : index
      %get3A_3994 = tpu.vector_load %arg8[%get3A_3992, %get3A_3993] {strides = array<i32>} : memref<128x32xf32, #tpu.memory_space<vmem>>, vector<1x16xf32>,
      %get3A_3995 = vector.shape_cast %get3A_3994 : vector<1x16xf32> to vector<16xf32>
      %add3A_3996 = arith.addf %add3A_3972, %get3A_3995 : vector<16xf32>
      %get3A_3997 = arith.constant 121 : i32
      %get3A_3998 = arith.index_cast %get3A_3997 : i32 to index
      %get3A_3999 = arith.constant 16 : index
      %get3A_4000 = tpu.vector_load %arg8[%get3A_3998, %get3A_3999] {strides = array<i32>} : memref<128x32xf32, #tpu.memory_space<vmem>>, vector<1x16xf32>,
      %get3A_4001 = vector.shape_cast %get3A_4000 : vector<1x16xf32> to vector<16xf32>
      %add3A_4002 = arith.addf %add3A_3978, %get3A_4001 : vector<16xf32>
      %get3A_4003 = arith.constant 122 : i32
      %get3A_4004 = arith.index_cast %get3A_4003 : i32 to index
      %get3A_4005 = arith.constant 0 : index
      %get3A_4006 = tpu.vector_load %arg8[%get3A_4004, %get3A_4005] {strides = array<i32>} : memref<128x32xf32, #tpu.memory_space<vmem>>, vector<1x16xf32>,
      %get3A_4007 = vector.shape_cast %get3A_4006 : vector<1x16xf32> to vector<16xf32>
      %add3A_4008 = arith.addf %add3A_3984, %get3A_4007 : vector<16xf32>
      %get3A_4009 = arith.constant 122 : i32
      %get3A_4010 = arith.index_cast %get3A_4009 : i32 to index
      %get3A_4011 = arith.constant 16 : index
      %get3A_4012 = tpu.vector_load %arg8[%get3A_4010, %get3A_4011] {strides = array<i32>} : memref<128x32xf32, #tpu.memory_space<vmem>>, vector<1x16xf32>,
      %get3A_4013 = vector.shape_cast %get3A_4012 : vector<1x16xf32> to vector<16xf32>
      %add3A_4014 = arith.addf %add3A_3990, %get3A_4013 : vector<16xf32>
      %get3A_4015 = arith.constant 123 : i32
      %get3A_4016 = arith.index_cast %get3A_4015 : i32 to index
      %get3A_4017 = arith.constant 0 : index
      %get3A_4018 = tpu.vector_load %arg8[%get3A_4016, %get3A_4017] {strides = array<i32>} : memref<128x32xf32, #tpu.memory_space<vmem>>, vector<1x16xf32>,
      %get3A_4019 = vector.shape_cast %get3A_4018 : vector<1x16xf32> to vector<16xf32>
      %add3A_4020 = arith.addf %add3A_3996, %get3A_4019 : vector<16xf32>
      %get3A_4021 = arith.constant 123 : i32
      %get3A_4022 = arith.index_cast %get3A_4021 : i32 to index
      %get3A_4023 = arith.constant 16 : index
      %get3A_4024 = tpu.vector_load %arg8[%get3A_4022, %get3A_4023] {strides = array<i32>} : memref<128x32xf32, #tpu.memory_space<vmem>>, vector<1x16xf32>,
      %get3A_4025 = vector.shape_cast %get3A_4024 : vector<1x16xf32> to vector<16xf32>
      %add3A_4026 = arith.addf %add3A_4002, %get3A_4025 : vector<16xf32>
      %get3A_4027 = arith.constant 124 : i32
      %get3A_4028 = arith.index_cast %get3A_4027 : i32 to index
      %get3A_4029 = arith.constant 0 : index
      %get3A_4030 = tpu.vector_load %arg8[%get3A_4028, %get3A_4029] {strides = array<i32>} : memref<128x32xf32, #tpu.memory_space<vmem>>, vector<1x16xf32>,
      %get3A_4031 = vector.shape_cast %get3A_4030 : vector<1x16xf32> to vector<16xf32>
      %add3A_4032 = arith.addf %add3A_4008, %get3A_4031 : vector<16xf32>
      %get3A_4033 = arith.constant 124 : i32
      %get3A_4034 = arith.index_cast %get3A_4033 : i32 to index
      %get3A_4035 = arith.constant 16 : index
      %get3A_4036 = tpu.vector_load %arg8[%get3A_4034, %get3A_4035] {strides = array<i32>} : memref<128x32xf32, #tpu.memory_space<vmem>>, vector<1x16xf32>,
      %get3A_4037 = vector.shape_cast %get3A_4036 : vector<1x16xf32> to vector<16xf32>
      %add3A_4038 = arith.addf %add3A_4014, %get3A_4037 : vector<16xf32>
      %get3A_4039 = arith.constant 125 : i32
      %get3A_4040 = arith.index_cast %get3A_4039 : i32 to index
      %get3A_4041 = arith.constant 0 : index
      %get3A_4042 = tpu.vector_load %arg8[%get3A_4040, %get3A_4041] {strides = array<i32>} : memref<128x32xf32, #tpu.memory_space<vmem>>, vector<1x16xf32>,
      %get3A_4043 = vector.shape_cast %get3A_4042 : vector<1x16xf32> to vector<16xf32>
      %add3A_4044 = arith.addf %add3A_4020, %get3A_4043 : vector<16xf32>
      %get3A_4045 = arith.constant 125 : i32
      %get3A_4046 = arith.index_cast %get3A_4045 : i32 to index
      %get3A_4047 = arith.constant 16 : index
      %get3A_4048 = tpu.vector_load %arg8[%get3A_4046, %get3A_4047] {strides = array<i32>} : memref<128x32xf32, #tpu.memory_space<vmem>>, vector<1x16xf32>,
      %get3A_4049 = vector.shape_cast %get3A_4048 : vector<1x16xf32> to vector<16xf32>
      %add3A_4050 = arith.addf %add3A_4026, %get3A_4049 : vector<16xf32>
      %get3A_4051 = arith.constant 126 : i32
      %get3A_4052 = arith.index_cast %get3A_4051 : i32 to index
      %get3A_4053 = arith.constant 0 : index
      %get3A_4054 = tpu.vector_load %arg8[%get3A_4052, %get3A_4053] {strides = array<i32>} : memref<128x32xf32, #tpu.memory_space<vmem>>, vector<1x16xf32>,
      %get3A_4055 = vector.shape_cast %get3A_4054 : vector<1x16xf32> to vector<16xf32>
      %add3A_4056 = arith.addf %add3A_4032, %get3A_4055 : vector<16xf32>
      %get3A_4057 = arith.constant 126 : i32
      %get3A_4058 = arith.index_cast %get3A_4057 : i32 to index
      %get3A_4059 = arith.constant 16 : index
      %get3A_4060 = tpu.vector_load %arg8[%get3A_4058, %get3A_4059] {strides = array<i32>} : memref<128x32xf32, #tpu.memory_space<vmem>>, vector<1x16xf32>,
      %get3A_4061 = vector.shape_cast %get3A_4060 : vector<1x16xf32> to vector<16xf32>
      %add3A_4062 = arith.addf %add3A_4038, %get3A_4061 : vector<16xf32>
      %get3A_4063 = arith.constant 127 : i32
      %get3A_4064 = arith.index_cast %get3A_4063 : i32 to index
      %get3A_4065 = arith.constant 0 : index
      %get3A_4066 = tpu.vector_load %arg8[%get3A_4064, %get3A_4065] {strides = array<i32>} : memref<128x32xf32, #tpu.memory_space<vmem>>, vector<1x16xf32>,
      %get3A_4067 = vector.shape_cast %get3A_4066 : vector<1x16xf32> to vector<16xf32>
      %add3A_4068 = arith.addf %add3A_4044, %get3A_4067 : vector<16xf32>
      %get3A_4069 = arith.constant 127 : i32
      %get3A_4070 = arith.index_cast %get3A_4069 : i32 to index
      %get3A_4071 = arith.constant 16 : index
      %get3A_4072 = tpu.vector_load %arg8[%get3A_4070, %get3A_4071] {strides = array<i32>} : memref<128x32xf32, #tpu.memory_space<vmem>>, vector<1x16xf32>,
      %get3A_4073 = vector.shape_cast %get3A_4072 : vector<1x16xf32> to vector<16xf32>
      %add3A_4074 = arith.addf %add3A_4050, %get3A_4073 : vector<16xf32>
      %get3A_4075 = arith.constant 0 : i32
      %get3A_4076 = arith.index_cast %get3A_4075 : i32 to index
      %get3A_4077 = arith.constant 0 : index
      %get3A_4078 = tpu.vector_load %arg9[%get3A_4076, %get3A_4077] {strides = array<i32>} : memref<72x32xf32, #tpu.memory_space<vmem>>, vector<1x16xf32>,
      %get3A_4079 = vector.shape_cast %get3A_4078 : vector<1x16xf32> to vector<16xf32>
      %add3A_4080 = arith.addf %add3A_4056, %get3A_4079 : vector<16xf32>
      %get3A_4081 = arith.constant 0 : i32
      %get3A_4082 = arith.index_cast %get3A_4081 : i32 to index
      %get3A_4083 = arith.constant 16 : index
      %get3A_4084 = tpu.vector_load %arg9[%get3A_4082, %get3A_4083] {strides = array<i32>} : memref<72x32xf32, #tpu.memory_space<vmem>>, vector<1x16xf32>,
      %get3A_4085 = vector.shape_cast %get3A_4084 : vector<1x16xf32> to vector<16xf32>
      %add3A_4086 = arith.addf %add3A_4062, %get3A_4085 : vector<16xf32>
      %get3A_4087 = arith.constant 1 : i32
      %get3A_4088 = arith.index_cast %get3A_4087 : i32 to index
      %get3A_4089 = arith.constant 0 : index
      %get3A_4090 = tpu.vector_load %arg9[%get3A_4088, %get3A_4089] {strides = array<i32>} : memref<72x32xf32, #tpu.memory_space<vmem>>, vector<1x16xf32>,
      %get3A_4091 = vector.shape_cast %get3A_4090 : vector<1x16xf32> to vector<16xf32>
      %add3A_4092 = arith.addf %add3A_4068, %get3A_4091 : vector<16xf32>
      %get3A_4093 = arith.constant 1 : i32
      %get3A_4094 = arith.index_cast %get3A_4093 : i32 to index
      %get3A_4095 = arith.constant 16 : index
      %get3A_4096 = tpu.vector_load %arg9[%get3A_4094, %get3A_4095] {strides = array<i32>} : memref<72x32xf32, #tpu.memory_space<vmem>>, vector<1x16xf32>,
      %get3A_4097 = vector.shape_cast %get3A_4096 : vector<1x16xf32> to vector<16xf32>
      %add3A_4098 = arith.addf %add3A_4074, %get3A_4097 : vector<16xf32>
      %get3A_4099 = arith.constant 2 : i32
      %get3A_4100 = arith.index_cast %get3A_4099 : i32 to index
      %get3A_4101 = arith.constant 0 : index
      %get3A_4102 = tpu.vector_load %arg9[%get3A_4100, %get3A_4101] {strides = array<i32>} : memref<72x32xf32, #tpu.memory_space<vmem>>, vector<1x16xf32>,
      %get3A_4103 = vector.shape_cast %get3A_4102 : vector<1x16xf32> to vector<16xf32>
      %add3A_4104 = arith.addf %add3A_4080, %get3A_4103 : vector<16xf32>
      %get3A_4105 = arith.constant 2 : i32
      %get3A_4106 = arith.index_cast %get3A_4105 : i32 to index
      %get3A_4107 = arith.constant 16 : index
      %get3A_4108 = tpu.vector_load %arg9[%get3A_4106, %get3A_4107] {strides = array<i32>} : memref<72x32xf32, #tpu.memory_space<vmem>>, vector<1x16xf32>,
      %get3A_4109 = vector.shape_cast %get3A_4108 : vector<1x16xf32> to vector<16xf32>
      %add3A_4110 = arith.addf %add3A_4086, %get3A_4109 : vector<16xf32>
      %get3A_4111 = arith.constant 3 : i32
      %get3A_4112 = arith.index_cast %get3A_4111 : i32 to index
      %get3A_4113 = arith.constant 0 : index
      %get3A_4114 = tpu.vector_load %arg9[%get3A_4112, %get3A_4113] {strides = array<i32>} : memref<72x32xf32, #tpu.memory_space<vmem>>, vector<1x16xf32>,
      %get3A_4115 = vector.shape_cast %get3A_4114 : vector<1x16xf32> to vector<16xf32>
      %add3A_4116 = arith.addf %add3A_4092, %get3A_4115 : vector<16xf32>
      %get3A_4117 = arith.constant 3 : i32
      %get3A_4118 = arith.index_cast %get3A_4117 : i32 to index
      %get3A_4119 = arith.constant 16 : index
      %get3A_4120 = tpu.vector_load %arg9[%get3A_4118, %get3A_4119] {strides = array<i32>} : memref<72x32xf32, #tpu.memory_space<vmem>>, vector<1x16xf32>,
      %get3A_4121 = vector.shape_cast %get3A_4120 : vector<1x16xf32> to vector<16xf32>
      %add3A_4122 = arith.addf %add3A_4098, %get3A_4121 : vector<16xf32>
      %get3A_4123 = arith.constant 4 : i32
      %get3A_4124 = arith.index_cast %get3A_4123 : i32 to index
      %get3A_4125 = arith.constant 0 : index
      %get3A_4126 = tpu.vector_load %arg9[%get3A_4124, %get3A_4125] {strides = array<i32>} : memref<72x32xf32, #tpu.memory_space<vmem>>, vector<1x16xf32>,
      %get3A_4127 = vector.shape_cast %get3A_4126 : vector<1x16xf32> to vector<16xf32>
      %add3A_4128 = arith.addf %add3A_4104, %get3A_4127 : vector<16xf32>
      %get3A_4129 = arith.constant 4 : i32
      %get3A_4130 = arith.index_cast %get3A_4129 : i32 to index
      %get3A_4131 = arith.constant 16 : index
      %get3A_4132 = tpu.vector_load %arg9[%get3A_4130, %get3A_4131] {strides = array<i32>} : memref<72x32xf32, #tpu.memory_space<vmem>>, vector<1x16xf32>,
      %get3A_4133 = vector.shape_cast %get3A_4132 : vector<1x16xf32> to vector<16xf32>
      %add3A_4134 = arith.addf %add3A_4110, %get3A_4133 : vector<16xf32>
      %get3A_4135 = arith.constant 5 : i32
      %get3A_4136 = arith.index_cast %get3A_4135 : i32 to index
      %get3A_4137 = arith.constant 0 : index
      %get3A_4138 = tpu.vector_load %arg9[%get3A_4136, %get3A_4137] {strides = array<i32>} : memref<72x32xf32, #tpu.memory_space<vmem>>, vector<1x16xf32>,
      %get3A_4139 = vector.shape_cast %get3A_4138 : vector<1x16xf32> to vector<16xf32>
      %add3A_4140 = arith.addf %add3A_4116, %get3A_4139 : vector<16xf32>
      %get3A_4141 = arith.constant 5 : i32
      %get3A_4142 = arith.index_cast %get3A_4141 : i32 to index
      %get3A_4143 = arith.constant 16 : index
      %get3A_4144 = tpu.vector_load %arg9[%get3A_4142, %get3A_4143] {strides = array<i32>} : memref<72x32xf32, #tpu.memory_space<vmem>>, vector<1x16xf32>,
      %get3A_4145 = vector.shape_cast %get3A_4144 : vector<1x16xf32> to vector<16xf32>
      %add3A_4146 = arith.addf %add3A_4122, %get3A_4145 : vector<16xf32>
      %get3A_4147 = arith.constant 6 : i32
      %get3A_4148 = arith.index_cast %get3A_4147 : i32 to index
      %get3A_4149 = arith.constant 0 : index
      %get3A_4150 = tpu.vector_load %arg9[%get3A_4148, %get3A_4149] {strides = array<i32>} : memref<72x32xf32, #tpu.memory_space<vmem>>, vector<1x16xf32>,
      %get3A_4151 = vector.shape_cast %get3A_4150 : vector<1x16xf32> to vector<16xf32>
      %add3A_4152 = arith.addf %add3A_4128, %get3A_4151 : vector<16xf32>
      %get3A_4153 = arith.constant 6 : i32
      %get3A_4154 = arith.index_cast %get3A_4153 : i32 to index
      %get3A_4155 = arith.constant 16 : index
      %get3A_4156 = tpu.vector_load %arg9[%get3A_4154, %get3A_4155] {strides = array<i32>} : memref<72x32xf32, #tpu.memory_space<vmem>>, vector<1x16xf32>,
      %get3A_4157 = vector.shape_cast %get3A_4156 : vector<1x16xf32> to vector<16xf32>
      %add3A_4158 = arith.addf %add3A_4134, %get3A_4157 : vector<16xf32>
      %get3A_4159 = arith.constant 7 : i32
      %get3A_4160 = arith.index_cast %get3A_4159 : i32 to index
      %get3A_4161 = arith.constant 0 : index
      %get3A_4162 = tpu.vector_load %arg9[%get3A_4160, %get3A_4161] {strides = array<i32>} : memref<72x32xf32, #tpu.memory_space<vmem>>, vector<1x16xf32>,
      %get3A_4163 = vector.shape_cast %get3A_4162 : vector<1x16xf32> to vector<16xf32>
      %add3A_4164 = arith.addf %add3A_4140, %get3A_4163 : vector<16xf32>
      %get3A_4165 = arith.constant 7 : i32
      %get3A_4166 = arith.index_cast %get3A_4165 : i32 to index
      %get3A_4167 = arith.constant 16 : index
      %get3A_4168 = tpu.vector_load %arg9[%get3A_4166, %get3A_4167] {strides = array<i32>} : memref<72x32xf32, #tpu.memory_space<vmem>>, vector<1x16xf32>,
      %get3A_4169 = vector.shape_cast %get3A_4168 : vector<1x16xf32> to vector<16xf32>
      %add3A_4170 = arith.addf %add3A_4146, %get3A_4169 : vector<16xf32>
      %get3A_4171 = arith.constant 8 : i32
      %get3A_4172 = arith.index_cast %get3A_4171 : i32 to index
      %get3A_4173 = arith.constant 0 : index
      %get3A_4174 = tpu.vector_load %arg9[%get3A_4172, %get3A_4173] {strides = array<i32>} : memref<72x32xf32, #tpu.memory_space<vmem>>, vector<1x16xf32>,
      %get3A_4175 = vector.shape_cast %get3A_4174 : vector<1x16xf32> to vector<16xf32>
      %add3A_4176 = arith.addf %add3A_4152, %get3A_4175 : vector<16xf32>
      %get3A_4177 = arith.constant 8 : i32
      %get3A_4178 = arith.index_cast %get3A_4177 : i32 to index
      %get3A_4179 = arith.constant 16 : index
      %get3A_4180 = tpu.vector_load %arg9[%get3A_4178, %get3A_4179] {strides = array<i32>} : memref<72x32xf32, #tpu.memory_space<vmem>>, vector<1x16xf32>,
      %get3A_4181 = vector.shape_cast %get3A_4180 : vector<1x16xf32> to vector<16xf32>
      %add3A_4182 = arith.addf %add3A_4158, %get3A_4181 : vector<16xf32>
      %get3A_4183 = arith.constant 9 : i32
      %get3A_4184 = arith.index_cast %get3A_4183 : i32 to index
      %get3A_4185 = arith.constant 0 : index
      %get3A_4186 = tpu.vector_load %arg9[%get3A_4184, %get3A_4185] {strides = array<i32>} : memref<72x32xf32, #tpu.memory_space<vmem>>, vector<1x16xf32>,
      %get3A_4187 = vector.shape_cast %get3A_4186 : vector<1x16xf32> to vector<16xf32>
      %add3A_4188 = arith.addf %add3A_4164, %get3A_4187 : vector<16xf32>
      %get3A_4189 = arith.constant 9 : i32
      %get3A_4190 = arith.index_cast %get3A_4189 : i32 to index
      %get3A_4191 = arith.constant 16 : index
      %get3A_4192 = tpu.vector_load %arg9[%get3A_4190, %get3A_4191] {strides = array<i32>} : memref<72x32xf32, #tpu.memory_space<vmem>>, vector<1x16xf32>,
      %get3A_4193 = vector.shape_cast %get3A_4192 : vector<1x16xf32> to vector<16xf32>
      %add3A_4194 = arith.addf %add3A_4170, %get3A_4193 : vector<16xf32>
      %get3A_4195 = arith.constant 10 : i32
      %get3A_4196 = arith.index_cast %get3A_4195 : i32 to index
      %get3A_4197 = arith.constant 0 : index
      %get3A_4198 = tpu.vector_load %arg9[%get3A_4196, %get3A_4197] {strides = array<i32>} : memref<72x32xf32, #tpu.memory_space<vmem>>, vector<1x16xf32>,
      %get3A_4199 = vector.shape_cast %get3A_4198 : vector<1x16xf32> to vector<16xf32>
      %add3A_4200 = arith.addf %add3A_4176, %get3A_4199 : vector<16xf32>
      %get3A_4201 = arith.constant 10 : i32
      %get3A_4202 = arith.index_cast %get3A_4201 : i32 to index
      %get3A_4203 = arith.constant 16 : index
      %get3A_4204 = tpu.vector_load %arg9[%get3A_4202, %get3A_4203] {strides = array<i32>} : memref<72x32xf32, #tpu.memory_space<vmem>>, vector<1x16xf32>,
      %get3A_4205 = vector.shape_cast %get3A_4204 : vector<1x16xf32> to vector<16xf32>
      %add3A_4206 = arith.addf %add3A_4182, %get3A_4205 : vector<16xf32>
      %get3A_4207 = arith.constant 11 : i32
      %get3A_4208 = arith.index_cast %get3A_4207 : i32 to index
      %get3A_4209 = arith.constant 0 : index
      %get3A_4210 = tpu.vector_load %arg9[%get3A_4208, %get3A_4209] {strides = array<i32>} : memref<72x32xf32, #tpu.memory_space<vmem>>, vector<1x16xf32>,
      %get3A_4211 = vector.shape_cast %get3A_4210 : vector<1x16xf32> to vector<16xf32>
      %add3A_4212 = arith.addf %add3A_4188, %get3A_4211 : vector<16xf32>
      %get3A_4213 = arith.constant 11 : i32
      %get3A_4214 = arith.index_cast %get3A_4213 : i32 to index
      %get3A_4215 = arith.constant 16 : index
      %get3A_4216 = tpu.vector_load %arg9[%get3A_4214, %get3A_4215] {strides = array<i32>} : memref<72x32xf32, #tpu.memory_space<vmem>>, vector<1x16xf32>,
      %get3A_4217 = vector.shape_cast %get3A_4216 : vector<1x16xf32> to vector<16xf32>
      %add3A_4218 = arith.addf %add3A_4194, %get3A_4217 : vector<16xf32>
      %get3A_4219 = arith.constant 12 : i32
      %get3A_4220 = arith.index_cast %get3A_4219 : i32 to index
      %get3A_4221 = arith.constant 0 : index
      %get3A_4222 = tpu.vector_load %arg9[%get3A_4220, %get3A_4221] {strides = array<i32>} : memref<72x32xf32, #tpu.memory_space<vmem>>, vector<1x16xf32>,
      %get3A_4223 = vector.shape_cast %get3A_4222 : vector<1x16xf32> to vector<16xf32>
      %add3A_4224 = arith.addf %add3A_4200, %get3A_4223 : vector<16xf32>
      %get3A_4225 = arith.constant 12 : i32
      %get3A_4226 = arith.index_cast %get3A_4225 : i32 to index
      %get3A_4227 = arith.constant 16 : index
      %get3A_4228 = tpu.vector_load %arg9[%get3A_4226, %get3A_4227] {strides = array<i32>} : memref<72x32xf32, #tpu.memory_space<vmem>>, vector<1x16xf32>,
      %get3A_4229 = vector.shape_cast %get3A_4228 : vector<1x16xf32> to vector<16xf32>
      %add3A_4230 = arith.addf %add3A_4206, %get3A_4229 : vector<16xf32>
      %get3A_4231 = arith.constant 13 : i32
      %get3A_4232 = arith.index_cast %get3A_4231 : i32 to index
      %get3A_4233 = arith.constant 0 : index
      %get3A_4234 = tpu.vector_load %arg9[%get3A_4232, %get3A_4233] {strides = array<i32>} : memref<72x32xf32, #tpu.memory_space<vmem>>, vector<1x16xf32>,
      %get3A_4235 = vector.shape_cast %get3A_4234 : vector<1x16xf32> to vector<16xf32>
      %add3A_4236 = arith.addf %add3A_4212, %get3A_4235 : vector<16xf32>
      %get3A_4237 = arith.constant 13 : i32
      %get3A_4238 = arith.index_cast %get3A_4237 : i32 to index
      %get3A_4239 = arith.constant 16 : index
      %get3A_4240 = tpu.vector_load %arg9[%get3A_4238, %get3A_4239] {strides = array<i32>} : memref<72x32xf32, #tpu.memory_space<vmem>>, vector<1x16xf32>,
      %get3A_4241 = vector.shape_cast %get3A_4240 : vector<1x16xf32> to vector<16xf32>
      %add3A_4242 = arith.addf %add3A_4218, %get3A_4241 : vector<16xf32>
      %get3A_4243 = arith.constant 14 : i32
      %get3A_4244 = arith.index_cast %get3A_4243 : i32 to index
      %get3A_4245 = arith.constant 0 : index
      %get3A_4246 = tpu.vector_load %arg9[%get3A_4244, %get3A_4245] {strides = array<i32>} : memref<72x32xf32, #tpu.memory_space<vmem>>, vector<1x16xf32>,
      %get3A_4247 = vector.shape_cast %get3A_4246 : vector<1x16xf32> to vector<16xf32>
      %add3A_4248 = arith.addf %add3A_4224, %get3A_4247 : vector<16xf32>
      %get3A_4249 = arith.constant 14 : i32
      %get3A_4250 = arith.index_cast %get3A_4249 : i32 to index
      %get3A_4251 = arith.constant 16 : index
      %get3A_4252 = tpu.vector_load %arg9[%get3A_4250, %get3A_4251] {strides = array<i32>} : memref<72x32xf32, #tpu.memory_space<vmem>>, vector<1x16xf32>,
      %get3A_4253 = vector.shape_cast %get3A_4252 : vector<1x16xf32> to vector<16xf32>
      %add3A_4254 = arith.addf %add3A_4230, %get3A_4253 : vector<16xf32>
      %get3A_4255 = arith.constant 15 : i32
      %get3A_4256 = arith.index_cast %get3A_4255 : i32 to index
      %get3A_4257 = arith.constant 0 : index
      %get3A_4258 = tpu.vector_load %arg9[%get3A_4256, %get3A_4257] {strides = array<i32>} : memref<72x32xf32, #tpu.memory_space<vmem>>, vector<1x16xf32>,
      %get3A_4259 = vector.shape_cast %get3A_4258 : vector<1x16xf32> to vector<16xf32>
      %add3A_4260 = arith.addf %add3A_4236, %get3A_4259 : vector<16xf32>
      %get3A_4261 = arith.constant 15 : i32
      %get3A_4262 = arith.index_cast %get3A_4261 : i32 to index
      %get3A_4263 = arith.constant 16 : index
      %get3A_4264 = tpu.vector_load %arg9[%get3A_4262, %get3A_4263] {strides = array<i32>} : memref<72x32xf32, #tpu.memory_space<vmem>>, vector<1x16xf32>,
      %get3A_4265 = vector.shape_cast %get3A_4264 : vector<1x16xf32> to vector<16xf32>
      %add3A_4266 = arith.addf %add3A_4242, %get3A_4265 : vector<16xf32>
      %get3A_4267 = arith.constant 16 : i32
      %get3A_4268 = arith.index_cast %get3A_4267 : i32 to index
      %get3A_4269 = arith.constant 0 : index
      %get3A_4270 = tpu.vector_load %arg9[%get3A_4268, %get3A_4269] {strides = array<i32>} : memref<72x32xf32, #tpu.memory_space<vmem>>, vector<1x16xf32>,
      %get3A_4271 = vector.shape_cast %get3A_4270 : vector<1x16xf32> to vector<16xf32>
      %add3A_4272 = arith.addf %add3A_4248, %get3A_4271 : vector<16xf32>
      %get3A_4273 = arith.constant 16 : i32
      %get3A_4274 = arith.index_cast %get3A_4273 : i32 to index
      %get3A_4275 = arith.constant 16 : index
      %get3A_4276 = tpu.vector_load %arg9[%get3A_4274, %get3A_4275] {strides = array<i32>} : memref<72x32xf32, #tpu.memory_space<vmem>>, vector<1x16xf32>,
      %get3A_4277 = vector.shape_cast %get3A_4276 : vector<1x16xf32> to vector<16xf32>
      %add3A_4278 = arith.addf %add3A_4254, %get3A_4277 : vector<16xf32>
      %get3A_4279 = arith.constant 17 : i32
      %get3A_4280 = arith.index_cast %get3A_4279 : i32 to index
      %get3A_4281 = arith.constant 0 : index
      %get3A_4282 = tpu.vector_load %arg9[%get3A_4280, %get3A_4281] {strides = array<i32>} : memref<72x32xf32, #tpu.memory_space<vmem>>, vector<1x16xf32>,
      %get3A_4283 = vector.shape_cast %get3A_4282 : vector<1x16xf32> to vector<16xf32>
      %add3A_4284 = arith.addf %add3A_4260, %get3A_4283 : vector<16xf32>
      %get3A_4285 = arith.constant 17 : i32
      %get3A_4286 = arith.index_cast %get3A_4285 : i32 to index
      %get3A_4287 = arith.constant 16 : index
      %get3A_4288 = tpu.vector_load %arg9[%get3A_4286, %get3A_4287] {strides = array<i32>} : memref<72x32xf32, #tpu.memory_space<vmem>>, vector<1x16xf32>,
      %get3A_4289 = vector.shape_cast %get3A_4288 : vector<1x16xf32> to vector<16xf32>
      %add3A_4290 = arith.addf %add3A_4266, %get3A_4289 : vector<16xf32>
      %get3A_4291 = arith.constant 18 : i32
      %get3A_4292 = arith.index_cast %get3A_4291 : i32 to index
      %get3A_4293 = arith.constant 0 : index
      %get3A_4294 = tpu.vector_load %arg9[%get3A_4292, %get3A_4293] {strides = array<i32>} : memref<72x32xf32, #tpu.memory_space<vmem>>, vector<1x16xf32>,
      %get3A_4295 = vector.shape_cast %get3A_4294 : vector<1x16xf32> to vector<16xf32>
      %add3A_4296 = arith.addf %add3A_4272, %get3A_4295 : vector<16xf32>
      %get3A_4297 = arith.constant 18 : i32
      %get3A_4298 = arith.index_cast %get3A_4297 : i32 to index
      %get3A_4299 = arith.constant 16 : index
      %get3A_4300 = tpu.vector_load %arg9[%get3A_4298, %get3A_4299] {strides = array<i32>} : memref<72x32xf32, #tpu.memory_space<vmem>>, vector<1x16xf32>,
      %get3A_4301 = vector.shape_cast %get3A_4300 : vector<1x16xf32> to vector<16xf32>
      %add3A_4302 = arith.addf %add3A_4278, %get3A_4301 : vector<16xf32>
      %get3A_4303 = arith.constant 19 : i32
      %get3A_4304 = arith.index_cast %get3A_4303 : i32 to index
      %get3A_4305 = arith.constant 0 : index
      %get3A_4306 = tpu.vector_load %arg9[%get3A_4304, %get3A_4305] {strides = array<i32>} : memref<72x32xf32, #tpu.memory_space<vmem>>, vector<1x16xf32>,
      %get3A_4307 = vector.shape_cast %get3A_4306 : vector<1x16xf32> to vector<16xf32>
      %add3A_4308 = arith.addf %add3A_4284, %get3A_4307 : vector<16xf32>
      %get3A_4309 = arith.constant 19 : i32
      %get3A_4310 = arith.index_cast %get3A_4309 : i32 to index
      %get3A_4311 = arith.constant 16 : index
      %get3A_4312 = tpu.vector_load %arg9[%get3A_4310, %get3A_4311] {strides = array<i32>} : memref<72x32xf32, #tpu.memory_space<vmem>>, vector<1x16xf32>,
      %get3A_4313 = vector.shape_cast %get3A_4312 : vector<1x16xf32> to vector<16xf32>
      %add3A_4314 = arith.addf %add3A_4290, %get3A_4313 : vector<16xf32>
      %get3A_4315 = arith.constant 20 : i32
      %get3A_4316 = arith.index_cast %get3A_4315 : i32 to index
      %get3A_4317 = arith.constant 0 : index
      %get3A_4318 = tpu.vector_load %arg9[%get3A_4316, %get3A_4317] {strides = array<i32>} : memref<72x32xf32, #tpu.memory_space<vmem>>, vector<1x16xf32>,
      %get3A_4319 = vector.shape_cast %get3A_4318 : vector<1x16xf32> to vector<16xf32>
      %add3A_4320 = arith.addf %add3A_4296, %get3A_4319 : vector<16xf32>
      %get3A_4321 = arith.constant 20 : i32
      %get3A_4322 = arith.index_cast %get3A_4321 : i32 to index
      %get3A_4323 = arith.constant 16 : index
      %get3A_4324 = tpu.vector_load %arg9[%get3A_4322, %get3A_4323] {strides = array<i32>} : memref<72x32xf32, #tpu.memory_space<vmem>>, vector<1x16xf32>,
      %get3A_4325 = vector.shape_cast %get3A_4324 : vector<1x16xf32> to vector<16xf32>
      %add3A_4326 = arith.addf %add3A_4302, %get3A_4325 : vector<16xf32>
      %get3A_4327 = arith.constant 21 : i32
      %get3A_4328 = arith.index_cast %get3A_4327 : i32 to index
      %get3A_4329 = arith.constant 0 : index
      %get3A_4330 = tpu.vector_load %arg9[%get3A_4328, %get3A_4329] {strides = array<i32>} : memref<72x32xf32, #tpu.memory_space<vmem>>, vector<1x16xf32>,
      %get3A_4331 = vector.shape_cast %get3A_4330 : vector<1x16xf32> to vector<16xf32>
      %add3A_4332 = arith.addf %add3A_4308, %get3A_4331 : vector<16xf32>
      %get3A_4333 = arith.constant 21 : i32
      %get3A_4334 = arith.index_cast %get3A_4333 : i32 to index
      %get3A_4335 = arith.constant 16 : index
      %get3A_4336 = tpu.vector_load %arg9[%get3A_4334, %get3A_4335] {strides = array<i32>} : memref<72x32xf32, #tpu.memory_space<vmem>>, vector<1x16xf32>,
      %get3A_4337 = vector.shape_cast %get3A_4336 : vector<1x16xf32> to vector<16xf32>
      %add3A_4338 = arith.addf %add3A_4314, %get3A_4337 : vector<16xf32>
      %get3A_4339 = arith.constant 22 : i32
      %get3A_4340 = arith.index_cast %get3A_4339 : i32 to index
      %get3A_4341 = arith.constant 0 : index
      %get3A_4342 = tpu.vector_load %arg9[%get3A_4340, %get3A_4341] {strides = array<i32>} : memref<72x32xf32, #tpu.memory_space<vmem>>, vector<1x16xf32>,
      %get3A_4343 = vector.shape_cast %get3A_4342 : vector<1x16xf32> to vector<16xf32>
      %add3A_4344 = arith.addf %add3A_4320, %get3A_4343 : vector<16xf32>
      %get3A_4345 = arith.constant 22 : i32
      %get3A_4346 = arith.index_cast %get3A_4345 : i32 to index
      %get3A_4347 = arith.constant 16 : index
      %get3A_4348 = tpu.vector_load %arg9[%get3A_4346, %get3A_4347] {strides = array<i32>} : memref<72x32xf32, #tpu.memory_space<vmem>>, vector<1x16xf32>,
      %get3A_4349 = vector.shape_cast %get3A_4348 : vector<1x16xf32> to vector<16xf32>
      %add3A_4350 = arith.addf %add3A_4326, %get3A_4349 : vector<16xf32>
      %get3A_4351 = arith.constant 23 : i32
      %get3A_4352 = arith.index_cast %get3A_4351 : i32 to index
      %get3A_4353 = arith.constant 0 : index
      %get3A_4354 = tpu.vector_load %arg9[%get3A_4352, %get3A_4353] {strides = array<i32>} : memref<72x32xf32, #tpu.memory_space<vmem>>, vector<1x16xf32>,
      %get3A_4355 = vector.shape_cast %get3A_4354 : vector<1x16xf32> to vector<16xf32>
      %add3A_4356 = arith.addf %add3A_4332, %get3A_4355 : vector<16xf32>
      %get3A_4357 = arith.constant 23 : i32
      %get3A_4358 = arith.index_cast %get3A_4357 : i32 to index
      %get3A_4359 = arith.constant 16 : index
      %get3A_4360 = tpu.vector_load %arg9[%get3A_4358, %get3A_4359] {strides = array<i32>} : memref<72x32xf32, #tpu.memory_space<vmem>>, vector<1x16xf32>,
      %get3A_4361 = vector.shape_cast %get3A_4360 : vector<1x16xf32> to vector<16xf32>
      %add3A_4362 = arith.addf %add3A_4338, %get3A_4361 : vector<16xf32>
      %get3A_4363 = arith.constant 24 : i32
      %get3A_4364 = arith.index_cast %get3A_4363 : i32 to index
      %get3A_4365 = arith.constant 0 : index
      %get3A_4366 = tpu.vector_load %arg9[%get3A_4364, %get3A_4365] {strides = array<i32>} : memref<72x32xf32, #tpu.memory_space<vmem>>, vector<1x16xf32>,
      %get3A_4367 = vector.shape_cast %get3A_4366 : vector<1x16xf32> to vector<16xf32>
      %add3A_4368 = arith.addf %add3A_4344, %get3A_4367 : vector<16xf32>
      %get3A_4369 = arith.constant 24 : i32
      %get3A_4370 = arith.index_cast %get3A_4369 : i32 to index
      %get3A_4371 = arith.constant 16 : index
      %get3A_4372 = tpu.vector_load %arg9[%get3A_4370, %get3A_4371] {strides = array<i32>} : memref<72x32xf32, #tpu.memory_space<vmem>>, vector<1x16xf32>,
      %get3A_4373 = vector.shape_cast %get3A_4372 : vector<1x16xf32> to vector<16xf32>
      %add3A_4374 = arith.addf %add3A_4350, %get3A_4373 : vector<16xf32>
      %get3A_4375 = arith.constant 25 : i32
      %get3A_4376 = arith.index_cast %get3A_4375 : i32 to index
      %get3A_4377 = arith.constant 0 : index
      %get3A_4378 = tpu.vector_load %arg9[%get3A_4376, %get3A_4377] {strides = array<i32>} : memref<72x32xf32, #tpu.memory_space<vmem>>, vector<1x16xf32>,
      %get3A_4379 = vector.shape_cast %get3A_4378 : vector<1x16xf32> to vector<16xf32>
      %add3A_4380 = arith.addf %add3A_4356, %get3A_4379 : vector<16xf32>
      %get3A_4381 = arith.constant 25 : i32
      %get3A_4382 = arith.index_cast %get3A_4381 : i32 to index
      %get3A_4383 = arith.constant 16 : index
      %get3A_4384 = tpu.vector_load %arg9[%get3A_4382, %get3A_4383] {strides = array<i32>} : memref<72x32xf32, #tpu.memory_space<vmem>>, vector<1x16xf32>,
      %get3A_4385 = vector.shape_cast %get3A_4384 : vector<1x16xf32> to vector<16xf32>
      %add3A_4386 = arith.addf %add3A_4362, %get3A_4385 : vector<16xf32>
      %get3A_4387 = arith.constant 26 : i32
      %get3A_4388 = arith.index_cast %get3A_4387 : i32 to index
      %get3A_4389 = arith.constant 0 : index
      %get3A_4390 = tpu.vector_load %arg9[%get3A_4388, %get3A_4389] {strides = array<i32>} : memref<72x32xf32, #tpu.memory_space<vmem>>, vector<1x16xf32>,
      %get3A_4391 = vector.shape_cast %get3A_4390 : vector<1x16xf32> to vector<16xf32>
      %add3A_4392 = arith.addf %add3A_4368, %get3A_4391 : vector<16xf32>
      %get3A_4393 = arith.constant 26 : i32
      %get3A_4394 = arith.index_cast %get3A_4393 : i32 to index
      %get3A_4395 = arith.constant 16 : index
      %get3A_4396 = tpu.vector_load %arg9[%get3A_4394, %get3A_4395] {strides = array<i32>} : memref<72x32xf32, #tpu.memory_space<vmem>>, vector<1x16xf32>,
      %get3A_4397 = vector.shape_cast %get3A_4396 : vector<1x16xf32> to vector<16xf32>
      %add3A_4398 = arith.addf %add3A_4374, %get3A_4397 : vector<16xf32>
      %get3A_4399 = arith.constant 27 : i32
      %get3A_4400 = arith.index_cast %get3A_4399 : i32 to index
      %get3A_4401 = arith.constant 0 : index
      %get3A_4402 = tpu.vector_load %arg9[%get3A_4400, %get3A_4401] {strides = array<i32>} : memref<72x32xf32, #tpu.memory_space<vmem>>, vector<1x16xf32>,
      %get3A_4403 = vector.shape_cast %get3A_4402 : vector<1x16xf32> to vector<16xf32>
      %add3A_4404 = arith.addf %add3A_4380, %get3A_4403 : vector<16xf32>
      %get3A_4405 = arith.constant 27 : i32
      %get3A_4406 = arith.index_cast %get3A_4405 : i32 to index
      %get3A_4407 = arith.constant 16 : index
      %get3A_4408 = tpu.vector_load %arg9[%get3A_4406, %get3A_4407] {strides = array<i32>} : memref<72x32xf32, #tpu.memory_space<vmem>>, vector<1x16xf32>,
      %get3A_4409 = vector.shape_cast %get3A_4408 : vector<1x16xf32> to vector<16xf32>
      %add3A_4410 = arith.addf %add3A_4386, %get3A_4409 : vector<16xf32>
      %get3A_4411 = arith.constant 28 : i32
      %get3A_4412 = arith.index_cast %get3A_4411 : i32 to index
      %get3A_4413 = arith.constant 0 : index
      %get3A_4414 = tpu.vector_load %arg9[%get3A_4412, %get3A_4413] {strides = array<i32>} : memref<72x32xf32, #tpu.memory_space<vmem>>, vector<1x16xf32>,
      %get3A_4415 = vector.shape_cast %get3A_4414 : vector<1x16xf32> to vector<16xf32>
      %add3A_4416 = arith.addf %add3A_4392, %get3A_4415 : vector<16xf32>
      %get3A_4417 = arith.constant 28 : i32
      %get3A_4418 = arith.index_cast %get3A_4417 : i32 to index
      %get3A_4419 = arith.constant 16 : index
      %get3A_4420 = tpu.vector_load %arg9[%get3A_4418, %get3A_4419] {strides = array<i32>} : memref<72x32xf32, #tpu.memory_space<vmem>>, vector<1x16xf32>,
      %get3A_4421 = vector.shape_cast %get3A_4420 : vector<1x16xf32> to vector<16xf32>
      %add3A_4422 = arith.addf %add3A_4398, %get3A_4421 : vector<16xf32>
      %get3A_4423 = arith.constant 29 : i32
      %get3A_4424 = arith.index_cast %get3A_4423 : i32 to index
      %get3A_4425 = arith.constant 0 : index
      %get3A_4426 = tpu.vector_load %arg9[%get3A_4424, %get3A_4425] {strides = array<i32>} : memref<72x32xf32, #tpu.memory_space<vmem>>, vector<1x16xf32>,
      %get3A_4427 = vector.shape_cast %get3A_4426 : vector<1x16xf32> to vector<16xf32>
      %add3A_4428 = arith.addf %add3A_4404, %get3A_4427 : vector<16xf32>
      %get3A_4429 = arith.constant 29 : i32
      %get3A_4430 = arith.index_cast %get3A_4429 : i32 to index
      %get3A_4431 = arith.constant 16 : index
      %get3A_4432 = tpu.vector_load %arg9[%get3A_4430, %get3A_4431] {strides = array<i32>} : memref<72x32xf32, #tpu.memory_space<vmem>>, vector<1x16xf32>,
      %get3A_4433 = vector.shape_cast %get3A_4432 : vector<1x16xf32> to vector<16xf32>
      %add3A_4434 = arith.addf %add3A_4410, %get3A_4433 : vector<16xf32>
      %get3A_4435 = arith.constant 30 : i32
      %get3A_4436 = arith.index_cast %get3A_4435 : i32 to index
      %get3A_4437 = arith.constant 0 : index
      %get3A_4438 = tpu.vector_load %arg9[%get3A_4436, %get3A_4437] {strides = array<i32>} : memref<72x32xf32, #tpu.memory_space<vmem>>, vector<1x16xf32>,
      %get3A_4439 = vector.shape_cast %get3A_4438 : vector<1x16xf32> to vector<16xf32>
      %add3A_4440 = arith.addf %add3A_4416, %get3A_4439 : vector<16xf32>
      %get3A_4441 = arith.constant 30 : i32
      %get3A_4442 = arith.index_cast %get3A_4441 : i32 to index
      %get3A_4443 = arith.constant 16 : index
      %get3A_4444 = tpu.vector_load %arg9[%get3A_4442, %get3A_4443] {strides = array<i32>} : memref<72x32xf32, #tpu.memory_space<vmem>>, vector<1x16xf32>,
      %get3A_4445 = vector.shape_cast %get3A_4444 : vector<1x16xf32> to vector<16xf32>
      %add3A_4446 = arith.addf %add3A_4422, %get3A_4445 : vector<16xf32>
      %get3A_4447 = arith.constant 31 : i32
      %get3A_4448 = arith.index_cast %get3A_4447 : i32 to index
      %get3A_4449 = arith.constant 0 : index
      %get3A_4450 = tpu.vector_load %arg9[%get3A_4448, %get3A_4449] {strides = array<i32>} : memref<72x32xf32, #tpu.memory_space<vmem>>, vector<1x16xf32>,
      %get3A_4451 = vector.shape_cast %get3A_4450 : vector<1x16xf32> to vector<16xf32>
      %add3A_4452 = arith.addf %add3A_4428, %get3A_4451 : vector<16xf32>
      %get3A_4453 = arith.constant 31 : i32
      %get3A_4454 = arith.index_cast %get3A_4453 : i32 to index
      %get3A_4455 = arith.constant 16 : index
      %get3A_4456 = tpu.vector_load %arg9[%get3A_4454, %get3A_4455] {strides = array<i32>} : memref<72x32xf32, #tpu.memory_space<vmem>>, vector<1x16xf32>,
      %get3A_4457 = vector.shape_cast %get3A_4456 : vector<1x16xf32> to vector<16xf32>
      %add3A_4458 = arith.addf %add3A_4434, %get3A_4457 : vector<16xf32>
      %get3A_4459 = arith.constant 32 : i32
      %get3A_4460 = arith.index_cast %get3A_4459 : i32 to index
      %get3A_4461 = arith.constant 0 : index
      %get3A_4462 = tpu.vector_load %arg9[%get3A_4460, %get3A_4461] {strides = array<i32>} : memref<72x32xf32, #tpu.memory_space<vmem>>, vector<1x16xf32>,
      %get3A_4463 = vector.shape_cast %get3A_4462 : vector<1x16xf32> to vector<16xf32>
      %add3A_4464 = arith.addf %add3A_4440, %get3A_4463 : vector<16xf32>
      %get3A_4465 = arith.constant 32 : i32
      %get3A_4466 = arith.index_cast %get3A_4465 : i32 to index
      %get3A_4467 = arith.constant 16 : index
      %get3A_4468 = tpu.vector_load %arg9[%get3A_4466, %get3A_4467] {strides = array<i32>} : memref<72x32xf32, #tpu.memory_space<vmem>>, vector<1x16xf32>,
      %get3A_4469 = vector.shape_cast %get3A_4468 : vector<1x16xf32> to vector<16xf32>
      %add3A_4470 = arith.addf %add3A_4446, %get3A_4469 : vector<16xf32>
      %get3A_4471 = arith.constant 33 : i32
      %get3A_4472 = arith.index_cast %get3A_4471 : i32 to index
      %get3A_4473 = arith.constant 0 : index
      %get3A_4474 = tpu.vector_load %arg9[%get3A_4472, %get3A_4473] {strides = array<i32>} : memref<72x32xf32, #tpu.memory_space<vmem>>, vector<1x16xf32>,
      %get3A_4475 = vector.shape_cast %get3A_4474 : vector<1x16xf32> to vector<16xf32>
      %add3A_4476 = arith.addf %add3A_4452, %get3A_4475 : vector<16xf32>
      %get3A_4477 = arith.constant 33 : i32
      %get3A_4478 = arith.index_cast %get3A_4477 : i32 to index
      %get3A_4479 = arith.constant 16 : index
      %get3A_4480 = tpu.vector_load %arg9[%get3A_4478, %get3A_4479] {strides = array<i32>} : memref<72x32xf32, #tpu.memory_space<vmem>>, vector<1x16xf32>,
      %get3A_4481 = vector.shape_cast %get3A_4480 : vector<1x16xf32> to vector<16xf32>
      %add3A_4482 = arith.addf %add3A_4458, %get3A_4481 : vector<16xf32>
      %get3A_4483 = arith.constant 34 : i32
      %get3A_4484 = arith.index_cast %get3A_4483 : i32 to index
      %get3A_4485 = arith.constant 0 : index
      %get3A_4486 = tpu.vector_load %arg9[%get3A_4484, %get3A_4485] {strides = array<i32>} : memref<72x32xf32, #tpu.memory_space<vmem>>, vector<1x16xf32>,
      %get3A_4487 = vector.shape_cast %get3A_4486 : vector<1x16xf32> to vector<16xf32>
      %add3A_4488 = arith.addf %add3A_4464, %get3A_4487 : vector<16xf32>
      %get3A_4489 = arith.constant 34 : i32
      %get3A_4490 = arith.index_cast %get3A_4489 : i32 to index
      %get3A_4491 = arith.constant 16 : index
      %get3A_4492 = tpu.vector_load %arg9[%get3A_4490, %get3A_4491] {strides = array<i32>} : memref<72x32xf32, #tpu.memory_space<vmem>>, vector<1x16xf32>,
      %get3A_4493 = vector.shape_cast %get3A_4492 : vector<1x16xf32> to vector<16xf32>
      %add3A_4494 = arith.addf %add3A_4470, %get3A_4493 : vector<16xf32>
      %get3A_4495 = arith.constant 35 : i32
      %get3A_4496 = arith.index_cast %get3A_4495 : i32 to index
      %get3A_4497 = arith.constant 0 : index
      %get3A_4498 = tpu.vector_load %arg9[%get3A_4496, %get3A_4497] {strides = array<i32>} : memref<72x32xf32, #tpu.memory_space<vmem>>, vector<1x16xf32>,
      %get3A_4499 = vector.shape_cast %get3A_4498 : vector<1x16xf32> to vector<16xf32>
      %add3A_4500 = arith.addf %add3A_4476, %get3A_4499 : vector<16xf32>
      %get3A_4501 = arith.constant 35 : i32
      %get3A_4502 = arith.index_cast %get3A_4501 : i32 to index
      %get3A_4503 = arith.constant 16 : index
      %get3A_4504 = tpu.vector_load %arg9[%get3A_4502, %get3A_4503] {strides = array<i32>} : memref<72x32xf32, #tpu.memory_space<vmem>>, vector<1x16xf32>,
      %get3A_4505 = vector.shape_cast %get3A_4504 : vector<1x16xf32> to vector<16xf32>
      %add3A_4506 = arith.addf %add3A_4482, %get3A_4505 : vector<16xf32>
      %get3A_4507 = arith.constant 36 : i32
      %get3A_4508 = arith.index_cast %get3A_4507 : i32 to index
      %get3A_4509 = arith.constant 0 : index
      %get3A_4510 = tpu.vector_load %arg9[%get3A_4508, %get3A_4509] {strides = array<i32>} : memref<72x32xf32, #tpu.memory_space<vmem>>, vector<1x16xf32>,
      %get3A_4511 = vector.shape_cast %get3A_4510 : vector<1x16xf32> to vector<16xf32>
      %add3A_4512 = arith.addf %add3A_4488, %get3A_4511 : vector<16xf32>
      %get3A_4513 = arith.constant 36 : i32
      %get3A_4514 = arith.index_cast %get3A_4513 : i32 to index
      %get3A_4515 = arith.constant 16 : index
      %get3A_4516 = tpu.vector_load %arg9[%get3A_4514, %get3A_4515] {strides = array<i32>} : memref<72x32xf32, #tpu.memory_space<vmem>>, vector<1x16xf32>,
      %get3A_4517 = vector.shape_cast %get3A_4516 : vector<1x16xf32> to vector<16xf32>
      %add3A_4518 = arith.addf %add3A_4494, %get3A_4517 : vector<16xf32>
      %get3A_4519 = arith.constant 37 : i32
      %get3A_4520 = arith.index_cast %get3A_4519 : i32 to index
      %get3A_4521 = arith.constant 0 : index
      %get3A_4522 = tpu.vector_load %arg9[%get3A_4520, %get3A_4521] {strides = array<i32>} : memref<72x32xf32, #tpu.memory_space<vmem>>, vector<1x16xf32>,
      %get3A_4523 = vector.shape_cast %get3A_4522 : vector<1x16xf32> to vector<16xf32>
      %add3A_4524 = arith.addf %add3A_4500, %get3A_4523 : vector<16xf32>
      %get3A_4525 = arith.constant 37 : i32
      %get3A_4526 = arith.index_cast %get3A_4525 : i32 to index
      %get3A_4527 = arith.constant 16 : index
      %get3A_4528 = tpu.vector_load %arg9[%get3A_4526, %get3A_4527] {strides = array<i32>} : memref<72x32xf32, #tpu.memory_space<vmem>>, vector<1x16xf32>,
      %get3A_4529 = vector.shape_cast %get3A_4528 : vector<1x16xf32> to vector<16xf32>
      %add3A_4530 = arith.addf %add3A_4506, %get3A_4529 : vector<16xf32>
      %get3A_4531 = arith.constant 38 : i32
      %get3A_4532 = arith.index_cast %get3A_4531 : i32 to index
      %get3A_4533 = arith.constant 0 : index
      %get3A_4534 = tpu.vector_load %arg9[%get3A_4532, %get3A_4533] {strides = array<i32>} : memref<72x32xf32, #tpu.memory_space<vmem>>, vector<1x16xf32>,
      %get3A_4535 = vector.shape_cast %get3A_4534 : vector<1x16xf32> to vector<16xf32>
      %add3A_4536 = arith.addf %add3A_4512, %get3A_4535 : vector<16xf32>
      %get3A_4537 = arith.constant 38 : i32
      %get3A_4538 = arith.index_cast %get3A_4537 : i32 to index
      %get3A_4539 = arith.constant 16 : index
      %get3A_4540 = tpu.vector_load %arg9[%get3A_4538, %get3A_4539] {strides = array<i32>} : memref<72x32xf32, #tpu.memory_space<vmem>>, vector<1x16xf32>,
      %get3A_4541 = vector.shape_cast %get3A_4540 : vector<1x16xf32> to vector<16xf32>
      %add3A_4542 = arith.addf %add3A_4518, %get3A_4541 : vector<16xf32>
      %get3A_4543 = arith.constant 39 : i32
      %get3A_4544 = arith.index_cast %get3A_4543 : i32 to index
      %get3A_4545 = arith.constant 0 : index
      %get3A_4546 = tpu.vector_load %arg9[%get3A_4544, %get3A_4545] {strides = array<i32>} : memref<72x32xf32, #tpu.memory_space<vmem>>, vector<1x16xf32>,
      %get3A_4547 = vector.shape_cast %get3A_4546 : vector<1x16xf32> to vector<16xf32>
      %add3A_4548 = arith.addf %add3A_4524, %get3A_4547 : vector<16xf32>
      %get3A_4549 = arith.constant 39 : i32
      %get3A_4550 = arith.index_cast %get3A_4549 : i32 to index
      %get3A_4551 = arith.constant 16 : index
      %get3A_4552 = tpu.vector_load %arg9[%get3A_4550, %get3A_4551] {strides = array<i32>} : memref<72x32xf32, #tpu.memory_space<vmem>>, vector<1x16xf32>,
      %get3A_4553 = vector.shape_cast %get3A_4552 : vector<1x16xf32> to vector<16xf32>
      %add3A_4554 = arith.addf %add3A_4530, %get3A_4553 : vector<16xf32>
      %get3A_4555 = arith.constant 40 : i32
      %get3A_4556 = arith.index_cast %get3A_4555 : i32 to index
      %get3A_4557 = arith.constant 0 : index
      %get3A_4558 = tpu.vector_load %arg9[%get3A_4556, %get3A_4557] {strides = array<i32>} : memref<72x32xf32, #tpu.memory_space<vmem>>, vector<1x16xf32>,
      %get3A_4559 = vector.shape_cast %get3A_4558 : vector<1x16xf32> to vector<16xf32>
      %add3A_4560 = arith.addf %add3A_4536, %get3A_4559 : vector<16xf32>
      %get3A_4561 = arith.constant 40 : i32
      %get3A_4562 = arith.index_cast %get3A_4561 : i32 to index
      %get3A_4563 = arith.constant 16 : index
      %get3A_4564 = tpu.vector_load %arg9[%get3A_4562, %get3A_4563] {strides = array<i32>} : memref<72x32xf32, #tpu.memory_space<vmem>>, vector<1x16xf32>,
      %get3A_4565 = vector.shape_cast %get3A_4564 : vector<1x16xf32> to vector<16xf32>
      %add3A_4566 = arith.addf %add3A_4542, %get3A_4565 : vector<16xf32>
      %get3A_4567 = arith.constant 41 : i32
      %get3A_4568 = arith.index_cast %get3A_4567 : i32 to index
      %get3A_4569 = arith.constant 0 : index
      %get3A_4570 = tpu.vector_load %arg9[%get3A_4568, %get3A_4569] {strides = array<i32>} : memref<72x32xf32, #tpu.memory_space<vmem>>, vector<1x16xf32>,
      %get3A_4571 = vector.shape_cast %get3A_4570 : vector<1x16xf32> to vector<16xf32>
      %add3A_4572 = arith.addf %add3A_4548, %get3A_4571 : vector<16xf32>
      %get3A_4573 = arith.constant 41 : i32
      %get3A_4574 = arith.index_cast %get3A_4573 : i32 to index
      %get3A_4575 = arith.constant 16 : index
      %get3A_4576 = tpu.vector_load %arg9[%get3A_4574, %get3A_4575] {strides = array<i32>} : memref<72x32xf32, #tpu.memory_space<vmem>>, vector<1x16xf32>,
      %get3A_4577 = vector.shape_cast %get3A_4576 : vector<1x16xf32> to vector<16xf32>
      %add3A_4578 = arith.addf %add3A_4554, %get3A_4577 : vector<16xf32>
      %get3A_4579 = arith.constant 42 : i32
      %get3A_4580 = arith.index_cast %get3A_4579 : i32 to index
      %get3A_4581 = arith.constant 0 : index
      %get3A_4582 = tpu.vector_load %arg9[%get3A_4580, %get3A_4581] {strides = array<i32>} : memref<72x32xf32, #tpu.memory_space<vmem>>, vector<1x16xf32>,
      %get3A_4583 = vector.shape_cast %get3A_4582 : vector<1x16xf32> to vector<16xf32>
      %add3A_4584 = arith.addf %add3A_4560, %get3A_4583 : vector<16xf32>
      %get3A_4585 = arith.constant 42 : i32
      %get3A_4586 = arith.index_cast %get3A_4585 : i32 to index
      %get3A_4587 = arith.constant 16 : index
      %get3A_4588 = tpu.vector_load %arg9[%get3A_4586, %get3A_4587] {strides = array<i32>} : memref<72x32xf32, #tpu.memory_space<vmem>>, vector<1x16xf32>,
      %get3A_4589 = vector.shape_cast %get3A_4588 : vector<1x16xf32> to vector<16xf32>
      %add3A_4590 = arith.addf %add3A_4566, %get3A_4589 : vector<16xf32>
      %get3A_4591 = arith.constant 43 : i32
      %get3A_4592 = arith.index_cast %get3A_4591 : i32 to index
      %get3A_4593 = arith.constant 0 : index
      %get3A_4594 = tpu.vector_load %arg9[%get3A_4592, %get3A_4593] {strides = array<i32>} : memref<72x32xf32, #tpu.memory_space<vmem>>, vector<1x16xf32>,
      %get3A_4595 = vector.shape_cast %get3A_4594 : vector<1x16xf32> to vector<16xf32>
      %add3A_4596 = arith.addf %add3A_4572, %get3A_4595 : vector<16xf32>
      %get3A_4597 = arith.constant 43 : i32
      %get3A_4598 = arith.index_cast %get3A_4597 : i32 to index
      %get3A_4599 = arith.constant 16 : index
      %get3A_4600 = tpu.vector_load %arg9[%get3A_4598, %get3A_4599] {strides = array<i32>} : memref<72x32xf32, #tpu.memory_space<vmem>>, vector<1x16xf32>,
      %get3A_4601 = vector.shape_cast %get3A_4600 : vector<1x16xf32> to vector<16xf32>
      %add3A_4602 = arith.addf %add3A_4578, %get3A_4601 : vector<16xf32>
      %get3A_4603 = arith.constant 44 : i32
      %get3A_4604 = arith.index_cast %get3A_4603 : i32 to index
      %get3A_4605 = arith.constant 0 : index
      %get3A_4606 = tpu.vector_load %arg9[%get3A_4604, %get3A_4605] {strides = array<i32>} : memref<72x32xf32, #tpu.memory_space<vmem>>, vector<1x16xf32>,
      %get3A_4607 = vector.shape_cast %get3A_4606 : vector<1x16xf32> to vector<16xf32>
      %add3A_4608 = arith.addf %add3A_4584, %get3A_4607 : vector<16xf32>
      %get3A_4609 = arith.constant 44 : i32
      %get3A_4610 = arith.index_cast %get3A_4609 : i32 to index
      %get3A_4611 = arith.constant 16 : index
      %get3A_4612 = tpu.vector_load %arg9[%get3A_4610, %get3A_4611] {strides = array<i32>} : memref<72x32xf32, #tpu.memory_space<vmem>>, vector<1x16xf32>,
      %get3A_4613 = vector.shape_cast %get3A_4612 : vector<1x16xf32> to vector<16xf32>
      %add3A_4614 = arith.addf %add3A_4590, %get3A_4613 : vector<16xf32>
      %get3A_4615 = arith.constant 45 : i32
      %get3A_4616 = arith.index_cast %get3A_4615 : i32 to index
      %get3A_4617 = arith.constant 0 : index
      %get3A_4618 = tpu.vector_load %arg9[%get3A_4616, %get3A_4617] {strides = array<i32>} : memref<72x32xf32, #tpu.memory_space<vmem>>, vector<1x16xf32>,
      %get3A_4619 = vector.shape_cast %get3A_4618 : vector<1x16xf32> to vector<16xf32>
      %add3A_4620 = arith.addf %add3A_4596, %get3A_4619 : vector<16xf32>
      %get3A_4621 = arith.constant 45 : i32
      %get3A_4622 = arith.index_cast %get3A_4621 : i32 to index
      %get3A_4623 = arith.constant 16 : index
      %get3A_4624 = tpu.vector_load %arg9[%get3A_4622, %get3A_4623] {strides = array<i32>} : memref<72x32xf32, #tpu.memory_space<vmem>>, vector<1x16xf32>,
      %get3A_4625 = vector.shape_cast %get3A_4624 : vector<1x16xf32> to vector<16xf32>
      %add3A_4626 = arith.addf %add3A_4602, %get3A_4625 : vector<16xf32>
      %get3A_4627 = arith.constant 46 : i32
      %get3A_4628 = arith.index_cast %get3A_4627 : i32 to index
      %get3A_4629 = arith.constant 0 : index
      %get3A_4630 = tpu.vector_load %arg9[%get3A_4628, %get3A_4629] {strides = array<i32>} : memref<72x32xf32, #tpu.memory_space<vmem>>, vector<1x16xf32>,
      %get3A_4631 = vector.shape_cast %get3A_4630 : vector<1x16xf32> to vector<16xf32>
      %add3A_4632 = arith.addf %add3A_4608, %get3A_4631 : vector<16xf32>
      %get3A_4633 = arith.constant 46 : i32
      %get3A_4634 = arith.index_cast %get3A_4633 : i32 to index
      %get3A_4635 = arith.constant 16 : index
      %get3A_4636 = tpu.vector_load %arg9[%get3A_4634, %get3A_4635] {strides = array<i32>} : memref<72x32xf32, #tpu.memory_space<vmem>>, vector<1x16xf32>,
      %get3A_4637 = vector.shape_cast %get3A_4636 : vector<1x16xf32> to vector<16xf32>
      %add3A_4638 = arith.addf %add3A_4614, %get3A_4637 : vector<16xf32>
      %get3A_4639 = arith.constant 47 : i32
      %get3A_4640 = arith.index_cast %get3A_4639 : i32 to index
      %get3A_4641 = arith.constant 0 : index
      %get3A_4642 = tpu.vector_load %arg9[%get3A_4640, %get3A_4641] {strides = array<i32>} : memref<72x32xf32, #tpu.memory_space<vmem>>, vector<1x16xf32>,
      %get3A_4643 = vector.shape_cast %get3A_4642 : vector<1x16xf32> to vector<16xf32>
      %add3A_4644 = arith.addf %add3A_4620, %get3A_4643 : vector<16xf32>
      %get3A_4645 = arith.constant 47 : i32
      %get3A_4646 = arith.index_cast %get3A_4645 : i32 to index
      %get3A_4647 = arith.constant 16 : index
      %get3A_4648 = tpu.vector_load %arg9[%get3A_4646, %get3A_4647] {strides = array<i32>} : memref<72x32xf32, #tpu.memory_space<vmem>>, vector<1x16xf32>,
      %get3A_4649 = vector.shape_cast %get3A_4648 : vector<1x16xf32> to vector<16xf32>
      %add3A_4650 = arith.addf %add3A_4626, %get3A_4649 : vector<16xf32>
      %get3A_4651 = arith.constant 48 : i32
      %get3A_4652 = arith.index_cast %get3A_4651 : i32 to index
      %get3A_4653 = arith.constant 0 : index
      %get3A_4654 = tpu.vector_load %arg9[%get3A_4652, %get3A_4653] {strides = array<i32>} : memref<72x32xf32, #tpu.memory_space<vmem>>, vector<1x16xf32>,
      %get3A_4655 = vector.shape_cast %get3A_4654 : vector<1x16xf32> to vector<16xf32>
      %add3A_4656 = arith.addf %add3A_4632, %get3A_4655 : vector<16xf32>
      %get3A_4657 = arith.constant 48 : i32
      %get3A_4658 = arith.index_cast %get3A_4657 : i32 to index
      %get3A_4659 = arith.constant 16 : index
      %get3A_4660 = tpu.vector_load %arg9[%get3A_4658, %get3A_4659] {strides = array<i32>} : memref<72x32xf32, #tpu.memory_space<vmem>>, vector<1x16xf32>,
      %get3A_4661 = vector.shape_cast %get3A_4660 : vector<1x16xf32> to vector<16xf32>
      %add3A_4662 = arith.addf %add3A_4638, %get3A_4661 : vector<16xf32>
      %get3A_4663 = arith.constant 49 : i32
      %get3A_4664 = arith.index_cast %get3A_4663 : i32 to index
      %get3A_4665 = arith.constant 0 : index
      %get3A_4666 = tpu.vector_load %arg9[%get3A_4664, %get3A_4665] {strides = array<i32>} : memref<72x32xf32, #tpu.memory_space<vmem>>, vector<1x16xf32>,
      %get3A_4667 = vector.shape_cast %get3A_4666 : vector<1x16xf32> to vector<16xf32>
      %add3A_4668 = arith.addf %add3A_4644, %get3A_4667 : vector<16xf32>
      %get3A_4669 = arith.constant 49 : i32
      %get3A_4670 = arith.index_cast %get3A_4669 : i32 to index
      %get3A_4671 = arith.constant 16 : index
      %get3A_4672 = tpu.vector_load %arg9[%get3A_4670, %get3A_4671] {strides = array<i32>} : memref<72x32xf32, #tpu.memory_space<vmem>>, vector<1x16xf32>,
      %get3A_4673 = vector.shape_cast %get3A_4672 : vector<1x16xf32> to vector<16xf32>
      %add3A_4674 = arith.addf %add3A_4650, %get3A_4673 : vector<16xf32>
      %get3A_4675 = arith.constant 50 : i32
      %get3A_4676 = arith.index_cast %get3A_4675 : i32 to index
      %get3A_4677 = arith.constant 0 : index
      %get3A_4678 = tpu.vector_load %arg9[%get3A_4676, %get3A_4677] {strides = array<i32>} : memref<72x32xf32, #tpu.memory_space<vmem>>, vector<1x16xf32>,
      %get3A_4679 = vector.shape_cast %get3A_4678 : vector<1x16xf32> to vector<16xf32>
      %add3A_4680 = arith.addf %add3A_4656, %get3A_4679 : vector<16xf32>
      %get3A_4681 = arith.constant 50 : i32
      %get3A_4682 = arith.index_cast %get3A_4681 : i32 to index
      %get3A_4683 = arith.constant 16 : index
      %get3A_4684 = tpu.vector_load %arg9[%get3A_4682, %get3A_4683] {strides = array<i32>} : memref<72x32xf32, #tpu.memory_space<vmem>>, vector<1x16xf32>,
      %get3A_4685 = vector.shape_cast %get3A_4684 : vector<1x16xf32> to vector<16xf32>
      %add3A_4686 = arith.addf %add3A_4662, %get3A_4685 : vector<16xf32>
      %get3A_4687 = arith.constant 51 : i32
      %get3A_4688 = arith.index_cast %get3A_4687 : i32 to index
      %get3A_4689 = arith.constant 0 : index
      %get3A_4690 = tpu.vector_load %arg9[%get3A_4688, %get3A_4689] {strides = array<i32>} : memref<72x32xf32, #tpu.memory_space<vmem>>, vector<1x16xf32>,
      %get3A_4691 = vector.shape_cast %get3A_4690 : vector<1x16xf32> to vector<16xf32>
      %add3A_4692 = arith.addf %add3A_4668, %get3A_4691 : vector<16xf32>
      %get3A_4693 = arith.constant 51 : i32
      %get3A_4694 = arith.index_cast %get3A_4693 : i32 to index
      %get3A_4695 = arith.constant 16 : index
      %get3A_4696 = tpu.vector_load %arg9[%get3A_4694, %get3A_4695] {strides = array<i32>} : memref<72x32xf32, #tpu.memory_space<vmem>>, vector<1x16xf32>,
      %get3A_4697 = vector.shape_cast %get3A_4696 : vector<1x16xf32> to vector<16xf32>
      %add3A_4698 = arith.addf %add3A_4674, %get3A_4697 : vector<16xf32>
      %get3A_4699 = arith.constant 52 : i32
      %get3A_4700 = arith.index_cast %get3A_4699 : i32 to index
      %get3A_4701 = arith.constant 0 : index
      %get3A_4702 = tpu.vector_load %arg9[%get3A_4700, %get3A_4701] {strides = array<i32>} : memref<72x32xf32, #tpu.memory_space<vmem>>, vector<1x16xf32>,
      %get3A_4703 = vector.shape_cast %get3A_4702 : vector<1x16xf32> to vector<16xf32>
      %add3A_4704 = arith.addf %add3A_4680, %get3A_4703 : vector<16xf32>
      %get3A_4705 = arith.constant 52 : i32
      %get3A_4706 = arith.index_cast %get3A_4705 : i32 to index
      %get3A_4707 = arith.constant 16 : index
      %get3A_4708 = tpu.vector_load %arg9[%get3A_4706, %get3A_4707] {strides = array<i32>} : memref<72x32xf32, #tpu.memory_space<vmem>>, vector<1x16xf32>,
      %get3A_4709 = vector.shape_cast %get3A_4708 : vector<1x16xf32> to vector<16xf32>
      %add3A_4710 = arith.addf %add3A_4686, %get3A_4709 : vector<16xf32>
      %get3A_4711 = arith.constant 53 : i32
      %get3A_4712 = arith.index_cast %get3A_4711 : i32 to index
      %get3A_4713 = arith.constant 0 : index
      %get3A_4714 = tpu.vector_load %arg9[%get3A_4712, %get3A_4713] {strides = array<i32>} : memref<72x32xf32, #tpu.memory_space<vmem>>, vector<1x16xf32>,
      %get3A_4715 = vector.shape_cast %get3A_4714 : vector<1x16xf32> to vector<16xf32>
      %add3A_4716 = arith.addf %add3A_4692, %get3A_4715 : vector<16xf32>
      %get3A_4717 = arith.constant 53 : i32
      %get3A_4718 = arith.index_cast %get3A_4717 : i32 to index
      %get3A_4719 = arith.constant 16 : index
      %get3A_4720 = tpu.vector_load %arg9[%get3A_4718, %get3A_4719] {strides = array<i32>} : memref<72x32xf32, #tpu.memory_space<vmem>>, vector<1x16xf32>,
      %get3A_4721 = vector.shape_cast %get3A_4720 : vector<1x16xf32> to vector<16xf32>
      %add3A_4722 = arith.addf %add3A_4698, %get3A_4721 : vector<16xf32>
      %get3A_4723 = arith.constant 54 : i32
      %get3A_4724 = arith.index_cast %get3A_4723 : i32 to index
      %get3A_4725 = arith.constant 0 : index
      %get3A_4726 = tpu.vector_load %arg9[%get3A_4724, %get3A_4725] {strides = array<i32>} : memref<72x32xf32, #tpu.memory_space<vmem>>, vector<1x16xf32>,
      %get3A_4727 = vector.shape_cast %get3A_4726 : vector<1x16xf32> to vector<16xf32>
      %add3A_4728 = arith.addf %add3A_4704, %get3A_4727 : vector<16xf32>
      %get3A_4729 = arith.constant 54 : i32
      %get3A_4730 = arith.index_cast %get3A_4729 : i32 to index
      %get3A_4731 = arith.constant 16 : index
      %get3A_4732 = tpu.vector_load %arg9[%get3A_4730, %get3A_4731] {strides = array<i32>} : memref<72x32xf32, #tpu.memory_space<vmem>>, vector<1x16xf32>,
      %get3A_4733 = vector.shape_cast %get3A_4732 : vector<1x16xf32> to vector<16xf32>
      %add3A_4734 = arith.addf %add3A_4710, %get3A_4733 : vector<16xf32>
      %get3A_4735 = arith.constant 55 : i32
      %get3A_4736 = arith.index_cast %get3A_4735 : i32 to index
      %get3A_4737 = arith.constant 0 : index
      %get3A_4738 = tpu.vector_load %arg9[%get3A_4736, %get3A_4737] {strides = array<i32>} : memref<72x32xf32, #tpu.memory_space<vmem>>, vector<1x16xf32>,
      %get3A_4739 = vector.shape_cast %get3A_4738 : vector<1x16xf32> to vector<16xf32>
      %add3A_4740 = arith.addf %add3A_4716, %get3A_4739 : vector<16xf32>
      %get3A_4741 = arith.constant 55 : i32
      %get3A_4742 = arith.index_cast %get3A_4741 : i32 to index
      %get3A_4743 = arith.constant 16 : index
      %get3A_4744 = tpu.vector_load %arg9[%get3A_4742, %get3A_4743] {strides = array<i32>} : memref<72x32xf32, #tpu.memory_space<vmem>>, vector<1x16xf32>,
      %get3A_4745 = vector.shape_cast %get3A_4744 : vector<1x16xf32> to vector<16xf32>
      %add3A_4746 = arith.addf %add3A_4722, %get3A_4745 : vector<16xf32>
      %get3A_4747 = arith.constant 56 : i32
      %get3A_4748 = arith.index_cast %get3A_4747 : i32 to index
      %get3A_4749 = arith.constant 0 : index
      %get3A_4750 = tpu.vector_load %arg9[%get3A_4748, %get3A_4749] {strides = array<i32>} : memref<72x32xf32, #tpu.memory_space<vmem>>, vector<1x16xf32>,
      %get3A_4751 = vector.shape_cast %get3A_4750 : vector<1x16xf32> to vector<16xf32>
      %add3A_4752 = arith.addf %add3A_4728, %get3A_4751 : vector<16xf32>
      %get3A_4753 = arith.constant 56 : i32
      %get3A_4754 = arith.index_cast %get3A_4753 : i32 to index
      %get3A_4755 = arith.constant 16 : index
      %get3A_4756 = tpu.vector_load %arg9[%get3A_4754, %get3A_4755] {strides = array<i32>} : memref<72x32xf32, #tpu.memory_space<vmem>>, vector<1x16xf32>,
      %get3A_4757 = vector.shape_cast %get3A_4756 : vector<1x16xf32> to vector<16xf32>
      %add3A_4758 = arith.addf %add3A_4734, %get3A_4757 : vector<16xf32>
      %get3A_4759 = arith.constant 57 : i32
      %get3A_4760 = arith.index_cast %get3A_4759 : i32 to index
      %get3A_4761 = arith.constant 0 : index
      %get3A_4762 = tpu.vector_load %arg9[%get3A_4760, %get3A_4761] {strides = array<i32>} : memref<72x32xf32, #tpu.memory_space<vmem>>, vector<1x16xf32>,
      %get3A_4763 = vector.shape_cast %get3A_4762 : vector<1x16xf32> to vector<16xf32>
      %add3A_4764 = arith.addf %add3A_4740, %get3A_4763 : vector<16xf32>
      %get3A_4765 = arith.constant 57 : i32
      %get3A_4766 = arith.index_cast %get3A_4765 : i32 to index
      %get3A_4767 = arith.constant 16 : index
      %get3A_4768 = tpu.vector_load %arg9[%get3A_4766, %get3A_4767] {strides = array<i32>} : memref<72x32xf32, #tpu.memory_space<vmem>>, vector<1x16xf32>,
      %get3A_4769 = vector.shape_cast %get3A_4768 : vector<1x16xf32> to vector<16xf32>
      %add3A_4770 = arith.addf %add3A_4746, %get3A_4769 : vector<16xf32>
      %get3A_4771 = arith.constant 58 : i32
      %get3A_4772 = arith.index_cast %get3A_4771 : i32 to index
      %get3A_4773 = arith.constant 0 : index
      %get3A_4774 = tpu.vector_load %arg9[%get3A_4772, %get3A_4773] {strides = array<i32>} : memref<72x32xf32, #tpu.memory_space<vmem>>, vector<1x16xf32>,
      %get3A_4775 = vector.shape_cast %get3A_4774 : vector<1x16xf32> to vector<16xf32>
      %add3A_4776 = arith.addf %add3A_4752, %get3A_4775 : vector<16xf32>
      %get3A_4777 = arith.constant 58 : i32
      %get3A_4778 = arith.index_cast %get3A_4777 : i32 to index
      %get3A_4779 = arith.constant 16 : index
      %get3A_4780 = tpu.vector_load %arg9[%get3A_4778, %get3A_4779] {strides = array<i32>} : memref<72x32xf32, #tpu.memory_space<vmem>>, vector<1x16xf32>,
      %get3A_4781 = vector.shape_cast %get3A_4780 : vector<1x16xf32> to vector<16xf32>
      %add3A_4782 = arith.addf %add3A_4758, %get3A_4781 : vector<16xf32>
      %get3A_4783 = arith.constant 59 : i32
      %get3A_4784 = arith.index_cast %get3A_4783 : i32 to index
      %get3A_4785 = arith.constant 0 : index
      %get3A_4786 = tpu.vector_load %arg9[%get3A_4784, %get3A_4785] {strides = array<i32>} : memref<72x32xf32, #tpu.memory_space<vmem>>, vector<1x16xf32>,
      %get3A_4787 = vector.shape_cast %get3A_4786 : vector<1x16xf32> to vector<16xf32>
      %add3A_4788 = arith.addf %add3A_4764, %get3A_4787 : vector<16xf32>
      %get3A_4789 = arith.constant 59 : i32
      %get3A_4790 = arith.index_cast %get3A_4789 : i32 to index
      %get3A_4791 = arith.constant 16 : index
      %get3A_4792 = tpu.vector_load %arg9[%get3A_4790, %get3A_4791] {strides = array<i32>} : memref<72x32xf32, #tpu.memory_space<vmem>>, vector<1x16xf32>,
      %get3A_4793 = vector.shape_cast %get3A_4792 : vector<1x16xf32> to vector<16xf32>
      %add3A_4794 = arith.addf %add3A_4770, %get3A_4793 : vector<16xf32>
      %get3A_4795 = arith.constant 60 : i32
      %get3A_4796 = arith.index_cast %get3A_4795 : i32 to index
      %get3A_4797 = arith.constant 0 : index
      %get3A_4798 = tpu.vector_load %arg9[%get3A_4796, %get3A_4797] {strides = array<i32>} : memref<72x32xf32, #tpu.memory_space<vmem>>, vector<1x16xf32>,
      %get3A_4799 = vector.shape_cast %get3A_4798 : vector<1x16xf32> to vector<16xf32>
      %add3A_4800 = arith.addf %add3A_4776, %get3A_4799 : vector<16xf32>
      %get3A_4801 = arith.constant 60 : i32
      %get3A_4802 = arith.index_cast %get3A_4801 : i32 to index
      %get3A_4803 = arith.constant 16 : index
      %get3A_4804 = tpu.vector_load %arg9[%get3A_4802, %get3A_4803] {strides = array<i32>} : memref<72x32xf32, #tpu.memory_space<vmem>>, vector<1x16xf32>,
      %get3A_4805 = vector.shape_cast %get3A_4804 : vector<1x16xf32> to vector<16xf32>
      %add3A_4806 = arith.addf %add3A_4782, %get3A_4805 : vector<16xf32>
      %get3A_4807 = arith.constant 61 : i32
      %get3A_4808 = arith.index_cast %get3A_4807 : i32 to index
      %get3A_4809 = arith.constant 0 : index
      %get3A_4810 = tpu.vector_load %arg9[%get3A_4808, %get3A_4809] {strides = array<i32>} : memref<72x32xf32, #tpu.memory_space<vmem>>, vector<1x16xf32>,
      %get3A_4811 = vector.shape_cast %get3A_4810 : vector<1x16xf32> to vector<16xf32>
      %add3A_4812 = arith.addf %add3A_4788, %get3A_4811 : vector<16xf32>
      %get3A_4813 = arith.constant 61 : i32
      %get3A_4814 = arith.index_cast %get3A_4813 : i32 to index
      %get3A_4815 = arith.constant 16 : index
      %get3A_4816 = tpu.vector_load %arg9[%get3A_4814, %get3A_4815] {strides = array<i32>} : memref<72x32xf32, #tpu.memory_space<vmem>>, vector<1x16xf32>,
      %get3A_4817 = vector.shape_cast %get3A_4816 : vector<1x16xf32> to vector<16xf32>
      %add3A_4818 = arith.addf %add3A_4794, %get3A_4817 : vector<16xf32>
      %get3A_4819 = arith.constant 62 : i32
      %get3A_4820 = arith.index_cast %get3A_4819 : i32 to index
      %get3A_4821 = arith.constant 0 : index
      %get3A_4822 = tpu.vector_load %arg9[%get3A_4820, %get3A_4821] {strides = array<i32>} : memref<72x32xf32, #tpu.memory_space<vmem>>, vector<1x16xf32>,
      %get3A_4823 = vector.shape_cast %get3A_4822 : vector<1x16xf32> to vector<16xf32>
      %add3A_4824 = arith.addf %add3A_4800, %get3A_4823 : vector<16xf32>
      %get3A_4825 = arith.constant 62 : i32
      %get3A_4826 = arith.index_cast %get3A_4825 : i32 to index
      %get3A_4827 = arith.constant 16 : index
      %get3A_4828 = tpu.vector_load %arg9[%get3A_4826, %get3A_4827] {strides = array<i32>} : memref<72x32xf32, #tpu.memory_space<vmem>>, vector<1x16xf32>,
      %get3A_4829 = vector.shape_cast %get3A_4828 : vector<1x16xf32> to vector<16xf32>
      %add3A_4830 = arith.addf %add3A_4806, %get3A_4829 : vector<16xf32>
      %get3A_4831 = arith.constant 63 : i32
      %get3A_4832 = arith.index_cast %get3A_4831 : i32 to index
      %get3A_4833 = arith.constant 0 : index
      %get3A_4834 = tpu.vector_load %arg9[%get3A_4832, %get3A_4833] {strides = array<i32>} : memref<72x32xf32, #tpu.memory_space<vmem>>, vector<1x16xf32>,
      %get3A_4835 = vector.shape_cast %get3A_4834 : vector<1x16xf32> to vector<16xf32>
      %add3A_4836 = arith.addf %add3A_4812, %get3A_4835 : vector<16xf32>
      %get3A_4837 = arith.constant 63 : i32
      %get3A_4838 = arith.index_cast %get3A_4837 : i32 to index
      %get3A_4839 = arith.constant 16 : index
      %get3A_4840 = tpu.vector_load %arg9[%get3A_4838, %get3A_4839] {strides = array<i32>} : memref<72x32xf32, #tpu.memory_space<vmem>>, vector<1x16xf32>,
      %get3A_4841 = vector.shape_cast %get3A_4840 : vector<1x16xf32> to vector<16xf32>
      %add3A_4842 = arith.addf %add3A_4818, %get3A_4841 : vector<16xf32>
      %get3A_4843 = arith.constant 64 : i32
      %get3A_4844 = arith.index_cast %get3A_4843 : i32 to index
      %get3A_4845 = arith.constant 0 : index
      %get3A_4846 = tpu.vector_load %arg9[%get3A_4844, %get3A_4845] {strides = array<i32>} : memref<72x32xf32, #tpu.memory_space<vmem>>, vector<1x16xf32>,
      %get3A_4847 = vector.shape_cast %get3A_4846 : vector<1x16xf32> to vector<16xf32>
      %add3A_4848 = arith.addf %add3A_4824, %get3A_4847 : vector<16xf32>
      %get3A_4849 = arith.constant 64 : i32
      %get3A_4850 = arith.index_cast %get3A_4849 : i32 to index
      %get3A_4851 = arith.constant 16 : index
      %get3A_4852 = tpu.vector_load %arg9[%get3A_4850, %get3A_4851] {strides = array<i32>} : memref<72x32xf32, #tpu.memory_space<vmem>>, vector<1x16xf32>,
      %get3A_4853 = vector.shape_cast %get3A_4852 : vector<1x16xf32> to vector<16xf32>
      %add3A_4854 = arith.addf %add3A_4830, %get3A_4853 : vector<16xf32>
      %get3A_4855 = arith.constant 65 : i32
      %get3A_4856 = arith.index_cast %get3A_4855 : i32 to index
      %get3A_4857 = arith.constant 0 : index
      %get3A_4858 = tpu.vector_load %arg9[%get3A_4856, %get3A_4857] {strides = array<i32>} : memref<72x32xf32, #tpu.memory_space<vmem>>, vector<1x16xf32>,
      %get3A_4859 = vector.shape_cast %get3A_4858 : vector<1x16xf32> to vector<16xf32>
      %add3A_4860 = arith.addf %add3A_4836, %get3A_4859 : vector<16xf32>
      %get3A_4861 = arith.constant 65 : i32
      %get3A_4862 = arith.index_cast %get3A_4861 : i32 to index
      %get3A_4863 = arith.constant 16 : index
      %get3A_4864 = tpu.vector_load %arg9[%get3A_4862, %get3A_4863] {strides = array<i32>} : memref<72x32xf32, #tpu.memory_space<vmem>>, vector<1x16xf32>,
      %get3A_4865 = vector.shape_cast %get3A_4864 : vector<1x16xf32> to vector<16xf32>
      %add3A_4866 = arith.addf %add3A_4842, %get3A_4865 : vector<16xf32>
      %get3A_4867 = arith.constant 66 : i32
      %get3A_4868 = arith.index_cast %get3A_4867 : i32 to index
      %get3A_4869 = arith.constant 0 : index
      %get3A_4870 = tpu.vector_load %arg9[%get3A_4868, %get3A_4869] {strides = array<i32>} : memref<72x32xf32, #tpu.memory_space<vmem>>, vector<1x16xf32>,
      %get3A_4871 = vector.shape_cast %get3A_4870 : vector<1x16xf32> to vector<16xf32>
      %add3A_4872 = arith.addf %add3A_4848, %get3A_4871 : vector<16xf32>
      %get3A_4873 = arith.constant 66 : i32
      %get3A_4874 = arith.index_cast %get3A_4873 : i32 to index
      %get3A_4875 = arith.constant 16 : index
      %get3A_4876 = tpu.vector_load %arg9[%get3A_4874, %get3A_4875] {strides = array<i32>} : memref<72x32xf32, #tpu.memory_space<vmem>>, vector<1x16xf32>,
      %get3A_4877 = vector.shape_cast %get3A_4876 : vector<1x16xf32> to vector<16xf32>
      %add3A_4878 = arith.addf %add3A_4854, %get3A_4877 : vector<16xf32>
      %get3A_4879 = arith.constant 67 : i32
      %get3A_4880 = arith.index_cast %get3A_4879 : i32 to index
      %get3A_4881 = arith.constant 0 : index
      %get3A_4882 = tpu.vector_load %arg9[%get3A_4880, %get3A_4881] {strides = array<i32>} : memref<72x32xf32, #tpu.memory_space<vmem>>, vector<1x16xf32>,
      %get3A_4883 = vector.shape_cast %get3A_4882 : vector<1x16xf32> to vector<16xf32>
      %add3A_4884 = arith.addf %add3A_4860, %get3A_4883 : vector<16xf32>
      %get3A_4885 = arith.constant 67 : i32
      %get3A_4886 = arith.index_cast %get3A_4885 : i32 to index
      %get3A_4887 = arith.constant 16 : index
      %get3A_4888 = tpu.vector_load %arg9[%get3A_4886, %get3A_4887] {strides = array<i32>} : memref<72x32xf32, #tpu.memory_space<vmem>>, vector<1x16xf32>,
      %get3A_4889 = vector.shape_cast %get3A_4888 : vector<1x16xf32> to vector<16xf32>
      %add3A_4890 = arith.addf %add3A_4866, %get3A_4889 : vector<16xf32>
      %get3A_4891 = arith.constant 68 : i32
      %get3A_4892 = arith.index_cast %get3A_4891 : i32 to index
      %get3A_4893 = arith.constant 0 : index
      %get3A_4894 = tpu.vector_load %arg9[%get3A_4892, %get3A_4893] {strides = array<i32>} : memref<72x32xf32, #tpu.memory_space<vmem>>, vector<1x16xf32>,
      %get3A_4895 = vector.shape_cast %get3A_4894 : vector<1x16xf32> to vector<16xf32>
      %add3A_4896 = arith.addf %add3A_4872, %get3A_4895 : vector<16xf32>
      %get3A_4897 = arith.constant 68 : i32
      %get3A_4898 = arith.index_cast %get3A_4897 : i32 to index
      %get3A_4899 = arith.constant 16 : index
      %get3A_4900 = tpu.vector_load %arg9[%get3A_4898, %get3A_4899] {strides = array<i32>} : memref<72x32xf32, #tpu.memory_space<vmem>>, vector<1x16xf32>,
      %get3A_4901 = vector.shape_cast %get3A_4900 : vector<1x16xf32> to vector<16xf32>
      %add3A_4902 = arith.addf %add3A_4878, %get3A_4901 : vector<16xf32>
      %get3A_4903 = arith.constant 69 : i32
      %get3A_4904 = arith.index_cast %get3A_4903 : i32 to index
      %get3A_4905 = arith.constant 0 : index
      %get3A_4906 = tpu.vector_load %arg9[%get3A_4904, %get3A_4905] {strides = array<i32>} : memref<72x32xf32, #tpu.memory_space<vmem>>, vector<1x16xf32>,
      %get3A_4907 = vector.shape_cast %get3A_4906 : vector<1x16xf32> to vector<16xf32>
      %add3A_4908 = arith.addf %add3A_4884, %get3A_4907 : vector<16xf32>
      %get3A_4909 = arith.constant 69 : i32
      %get3A_4910 = arith.index_cast %get3A_4909 : i32 to index
      %get3A_4911 = arith.constant 16 : index
      %get3A_4912 = tpu.vector_load %arg9[%get3A_4910, %get3A_4911] {strides = array<i32>} : memref<72x32xf32, #tpu.memory_space<vmem>>, vector<1x16xf32>,
      %get3A_4913 = vector.shape_cast %get3A_4912 : vector<1x16xf32> to vector<16xf32>
      %add3A_4914 = arith.addf %add3A_4890, %get3A_4913 : vector<16xf32>
      %get3A_4915 = arith.constant 70 : i32
      %get3A_4916 = arith.index_cast %get3A_4915 : i32 to index
      %get3A_4917 = arith.constant 0 : index
      %get3A_4918 = tpu.vector_load %arg9[%get3A_4916, %get3A_4917] {strides = array<i32>} : memref<72x32xf32, #tpu.memory_space<vmem>>, vector<1x16xf32>,
      %get3A_4919 = vector.shape_cast %get3A_4918 : vector<1x16xf32> to vector<16xf32>
      %add3A_4920 = arith.addf %add3A_4896, %get3A_4919 : vector<16xf32>
      %get3A_4921 = arith.constant 70 : i32
      %get3A_4922 = arith.index_cast %get3A_4921 : i32 to index
      %get3A_4923 = arith.constant 16 : index
      %get3A_4924 = tpu.vector_load %arg9[%get3A_4922, %get3A_4923] {strides = array<i32>} : memref<72x32xf32, #tpu.memory_space<vmem>>, vector<1x16xf32>,
      %get3A_4925 = vector.shape_cast %get3A_4924 : vector<1x16xf32> to vector<16xf32>
      %add3A_4926 = arith.addf %add3A_4902, %get3A_4925 : vector<16xf32>
      %get3A_4927 = arith.constant 71 : i32
      %get3A_4928 = arith.index_cast %get3A_4927 : i32 to index
      %get3A_4929 = arith.constant 0 : index
      %get3A_4930 = tpu.vector_load %arg9[%get3A_4928, %get3A_4929] {strides = array<i32>} : memref<72x32xf32, #tpu.memory_space<vmem>>, vector<1x16xf32>,
      %get3A_4931 = vector.shape_cast %get3A_4930 : vector<1x16xf32> to vector<16xf32>
      %add3A_4932 = arith.addf %add3A_4908, %get3A_4931 : vector<16xf32>
      %get3A_4933 = arith.constant 71 : i32
      %get3A_4934 = arith.index_cast %get3A_4933 : i32 to index
      %get3A_4935 = arith.constant 16 : index
      %get3A_4936 = tpu.vector_load %arg9[%get3A_4934, %get3A_4935] {strides = array<i32>} : memref<72x32xf32, #tpu.memory_space<vmem>>, vector<1x16xf32>,
      %get3A_4937 = vector.shape_cast %get3A_4936 : vector<1x16xf32> to vector<16xf32>
      %add3A_4938 = arith.addf %add3A_4914, %get3A_4937 : vector<16xf32>
      %add3A_4939 = arith.addf %add3A_4920, %add3A_4932 : vector<16xf32>
      %swap3A_4940 = arith.index_cast %add3A_2530 : i32 to index
      %swap3A_4941 = arith.constant 0 : index
      %swap3A_4942 = tpu.vector_load %arg10[%swap3A_4940, %swap3A_4941] {strides = array<i32>} : memref<128x32xf32, #tpu.memory_space<vmem>>, vector<1x16xf32>,
      %swap3A_4943 = vector.shape_cast %swap3A_4942 : vector<1x16xf32> to vector<16xf32>
      %swap3A_4944 = vector.shape_cast %add3A_4939 : vector<16xf32> to vector<1x16xf32>
      tpu.vector_store %arg10[%swap3A_4940, %swap3A_4941], %swap3A_4944 {strides = array<i32>} : memref<128x32xf32, #tpu.memory_space<vmem>>, vector<1x16xf32>,
      %add3A_4945 = arith.addf %add3A_4926, %add3A_4938 : vector<16xf32>
      %swap3A_4946 = arith.index_cast %add3A_2530 : i32 to index
      %swap3A_4947 = arith.constant 16 : index
      %swap3A_4948 = tpu.vector_load %arg10[%swap3A_4946, %swap3A_4947] {strides = array<i32>} : memref<128x32xf32, #tpu.memory_space<vmem>>, vector<1x16xf32>,
      %swap3A_4949 = vector.shape_cast %swap3A_4948 : vector<1x16xf32> to vector<16xf32>
      %swap3A_4950 = vector.shape_cast %add3A_4945 : vector<16xf32> to vector<1x16xf32>
      tpu.vector_store %arg10[%swap3A_4946, %swap3A_4947], %swap3A_4950 {strides = array<i32>} : memref<128x32xf32, #tpu.memory_space<vmem>>, vector<1x16xf32>,
      %add3A_4951 = arith.constant 1 : i32
      %add3A_4952 = arith.addi %mul3A_50, %add3A_4951 : i32
      %add3A_4953 = arith.constant 2 : i32
      %add3A_4954 = arith.addi %add3A_4952, %add3A_4953 : i32
      %min3A_4955 = arith.constant 127 : i32
      %min3A_4956 = arith.minsi %add3A_4954, %min3A_4955 : i32
      %jit3A_4957 = arith.constant 8 : i32
      %div3A_4958 = arith.divsi %min3A_4956, %jit3A_4957 : i32
      %sign3A_4959 = arith.constant 0 : i32
      %sign3A_4960 = arith.cmpi sgt, %min3A_4956, %sign3A_4959 : i32
      %sign3A_4961 = arith.extui %sign3A_4960 : i1 to i32
      %sign3A_4962 = arith.constant 0 : i32
      %sign3A_4963 = arith.cmpi slt, %min3A_4956, %sign3A_4962 : i32
      %sign3A_4964 = arith.extui %sign3A_4963 : i1 to i32
      %sign3A_4965 = arith.subi %sign3A_4961, %sign3A_4964 : i32
      %sign3A_4966 = arith.constant 0 : i32
      %sign3A_4967 = arith.cmpi sgt, %jit3A_4957, %sign3A_4966 : i32
      %sign3A_4968 = arith.extui %sign3A_4967 : i1 to i32
      %sign3A_4969 = arith.constant 0 : i32
      %sign3A_4970 = arith.cmpi slt, %jit3A_4957, %sign3A_4969 : i32
      %sign3A_4971 = arith.extui %sign3A_4970 : i1 to i32
      %sign3A_4972 = arith.subi %sign3A_4968, %sign3A_4971 : i32
      %ne3A_4973 = arith.cmpi ne, %sign3A_4965, %sign3A_4972 : i32
      %rem3A_4974 = arith.remsi %min3A_4956, %jit3A_4957 : i32
      %ne3A_4975 = arith.constant 0 : i32
      %ne3A_4976 = arith.cmpi ne, %rem3A_4974, %ne3A_4975 : i32
      %and3A_4977 = arith.andi %ne3A_4973, %ne3A_4976 : i1
      %sub3A_4978 = arith.constant 1 : i32
      %sub3A_4979 = arith.subi %div3A_4958, %sub3A_4978 : i32
      %select_n3A_4980 = arith.select %and3A_4977, %sub3A_4979, %div3A_4958 : i32
      %mul3A_4981 = arith.constant 8 : i32
      %mul3A_4982 = arith.muli %select_n3A_4980, %mul3A_4981 : i32
      %sub3A_4983 = arith.subi %min3A_4956, %mul3A_4982 : i32
      %mul3A_4984 = arith.constant 2048 : i32
      %mul3A_4985 = arith.muli %select_n3A_4980, %mul3A_4984 : i32
      %mul3A_4986 = arith.constant 128 : i32
      %mul3A_4987 = arith.muli %sub3A_4983, %mul3A_4986 : i32
      %add3A_4988 = arith.addi %mul3A_4985, %mul3A_4987 : i32
      %dma_start3A_4989 = tpu.memref_slice %arg5[%add3A_4988] : memref<32768xi32, #tpu.memory_space<vmem>> -> memref<128xi32, #tpu.memory_space<vmem>>
      %dma_start3A_4990 = arith.constant 0 : i32
      %dma_start3A_4991 = arith.constant 0 : i32
      %dma_start3A_4992 = tpu.memref_slice %arg3[%dma_start3A_4990, %dma_start3A_4991] : memref<1000000x32xf32, #tpu.memory_space<hbm>> -> memref<1000000x32xf32, #tpu.memory_space<hbm>>
      tpu.enqueue_indirect_dma source(%dma_start3A_4992 : memref<1000000x32xf32, #tpu.memory_space<hbm>>) target(%arg8 : memref<128x32xf32, #tpu.memory_space<vmem>>) offsets(%dma_start3A_4989 : memref<128xi32, #tpu.memory_space<vmem>>) semaphore(%arg13 : memref<!tpu.dma_semaphore, #tpu.memory_space<semaphore_mem>>)
      %add3A_4993 = arith.constant 1024 : i32
      %add3A_4994 = arith.addi %add3A_4988, %add3A_4993 : i32
      %dma_start3A_4995 = tpu.memref_slice %arg5[%add3A_4994] : memref<32768xi32, #tpu.memory_space<vmem>> -> memref<72xi32, #tpu.memory_space<vmem>>
      %dma_start3A_4996 = arith.constant 0 : i32
      %dma_start3A_4997 = arith.constant 0 : i32
      %dma_start3A_4998 = tpu.memref_slice %arg3[%dma_start3A_4996, %dma_start3A_4997] : memref<1000000x32xf32, #tpu.memory_space<hbm>> -> memref<1000000x32xf32, #tpu.memory_space<hbm>>
      tpu.enqueue_indirect_dma source(%dma_start3A_4998 : memref<1000000x32xf32, #tpu.memory_space<hbm>>) target(%arg9 : memref<72x32xf32, #tpu.memory_space<vmem>>) offsets(%dma_start3A_4995 : memref<72xi32, #tpu.memory_space<vmem>>) semaphore(%arg14 : memref<!tpu.dma_semaphore, #tpu.memory_space<semaphore_mem>>)
    }
    %scan3A_28 = arith.constant 64 : i32
    %dma_wait3A = arith.constant 0 : i32
    %dma_wait3A_29 = tpu.memref_slice %arg5[%dma_wait3A] : memref<32768xi32, #tpu.memory_space<vmem>> -> memref<128xi32, #tpu.memory_space<vmem>>
    %dma_wait3A_30 = arith.constant 0 : i32
    %dma_wait3A_31 = arith.constant 0 : i32
    %dma_wait3A_32 = tpu.memref_slice %arg3[%dma_wait3A_30, %dma_wait3A_31] : memref<1000000x32xf32, #tpu.memory_space<hbm>> -> memref<1000000x32xf32, #tpu.memory_space<hbm>>
    tpu.wait_indirect_dma semaphore(%arg11 : memref<!tpu.dma_semaphore, #tpu.memory_space<semaphore_mem>>) src(%dma_wait3A_32 : memref<1000000x32xf32, #tpu.memory_space<hbm>>) dst(%arg6 : memref<128x32xf32, #tpu.memory_space<vmem>>)
    %dma_wait3A_33 = arith.constant 0 : i32
    %dma_wait3A_34 = tpu.memref_slice %arg5[%dma_wait3A_33] : memref<32768xi32, #tpu.memory_space<vmem>> -> memref<72xi32, #tpu.memory_space<vmem>>
    %dma_wait3A_35 = arith.constant 0 : i32
    %dma_wait3A_36 = arith.constant 0 : i32
    %dma_wait3A_37 = tpu.memref_slice %arg3[%dma_wait3A_35, %dma_wait3A_36] : memref<1000000x32xf32, #tpu.memory_space<hbm>> -> memref<1000000x32xf32, #tpu.memory_space<hbm>>
    tpu.wait_indirect_dma semaphore(%arg12 : memref<!tpu.dma_semaphore, #tpu.memory_space<semaphore_mem>>) src(%dma_wait3A_37 : memref<1000000x32xf32, #tpu.memory_space<hbm>>) dst(%arg7 : memref<72x32xf32, #tpu.memory_space<vmem>>)
    %dma_wait3A_38 = arith.constant 0 : i32
    %dma_wait3A_39 = tpu.memref_slice %arg5[%dma_wait3A_38] : memref<32768xi32, #tpu.memory_space<vmem>> -> memref<128xi32, #tpu.memory_space<vmem>>
    %dma_wait3A_40 = arith.constant 0 : i32
    %dma_wait3A_41 = arith.constant 0 : i32
    %dma_wait3A_42 = tpu.memref_slice %arg3[%dma_wait3A_40, %dma_wait3A_41] : memref<1000000x32xf32, #tpu.memory_space<hbm>> -> memref<1000000x32xf32, #tpu.memory_space<hbm>>
    tpu.wait_indirect_dma semaphore(%arg13 : memref<!tpu.dma_semaphore, #tpu.memory_space<semaphore_mem>>) src(%dma_wait3A_42 : memref<1000000x32xf32, #tpu.memory_space<hbm>>) dst(%arg8 : memref<128x32xf32, #tpu.memory_space<vmem>>)
    %dma_wait3A_43 = arith.constant 0 : i32
    %dma_wait3A_44 = tpu.memref_slice %arg5[%dma_wait3A_43] : memref<32768xi32, #tpu.memory_space<vmem>> -> memref<72xi32, #tpu.memory_space<vmem>>
    %dma_wait3A_45 = arith.constant 0 : i32
    %dma_wait3A_46 = arith.constant 0 : i32
    %dma_wait3A_47 = tpu.memref_slice %arg3[%dma_wait3A_45, %dma_wait3A_46] : memref<1000000x32xf32, #tpu.memory_space<hbm>> -> memref<1000000x32xf32, #tpu.memory_space<hbm>>
    tpu.wait_indirect_dma semaphore(%arg14 : memref<!tpu.dma_semaphore, #tpu.memory_space<semaphore_mem>>) src(%dma_wait3A_47 : memref<1000000x32xf32, #tpu.memory_space<hbm>>) dst(%arg9 : memref<72x32xf32, #tpu.memory_space<vmem>>)
    "tpu.region"() ({
      %run_scoped3A = tpu.sem_alloc : memref<!tpu.dma_semaphore, #tpu.memory_space<semaphore_mem>>
      %dma_start3A_48 = arith.constant 0 : i32
      %dma_start3A_49 = tpu.memref_slice %arg4[%mul3A_2, %dma_start3A_48] : memref<4096x32xf32, #tpu.memory_space<hbm>> -> memref<128x32xf32, #tpu.memory_space<hbm>>
      %dma_start3A_50 = arith.constant 0 : i32
      %dma_start3A_51 = tpu.memref_slice %arg4[%mul3A_2, %dma_start3A_50] : memref<4096x32xf32, #tpu.memory_space<hbm>> -> memref<128x32xf32, #tpu.memory_space<hbm>>
      tpu.enqueue_dma source(%arg10 : memref<128x32xf32, #tpu.memory_space<vmem>>) target(%dma_start3A_51 : memref<128x32xf32, #tpu.memory_space<hbm>>) target_semaphore(%run_scoped3A : memref<!tpu.dma_semaphore, #tpu.memory_space<semaphore_mem>>)
      %dma_wait3A_52 = arith.constant 0 : i32
      %dma_wait3A_53 = tpu.memref_slice %arg4[%mul3A_2, %dma_wait3A_52] : memref<4096x32xf32, #tpu.memory_space<hbm>> -> memref<128x32xf32, #tpu.memory_space<hbm>>
      %dma_wait3A_54 = arith.constant 0 : i32
      %dma_wait3A_55 = tpu.memref_slice %arg4[%mul3A_2, %dma_wait3A_54] : memref<4096x32xf32, #tpu.memory_space<hbm>> -> memref<128x32xf32, #tpu.memory_space<hbm>>
      tpu.wait_dma2 semaphore(%run_scoped3A : memref<!tpu.dma_semaphore, #tpu.memory_space<semaphore_mem>>) src(%arg10 : memref<128x32xf32, #tpu.memory_space<vmem>>) dst(%dma_wait3A_55 : memref<128x32xf32, #tpu.memory_space<hbm>>)
      tpu.yield
    }) : () -> ()
    return
  }
}

</mosaic_0001>

<sc_bundles>
// kernel: _sc_pool.3.cloned.1.call-start
scs
__scs_entry_jumppad:
0x0: {  	(pc) =	sbr.rel $0x88, $3  }
0x1: {  	(tag) =	ssettag $0x0;
	lr =	simm.s32 $0x1  }
0x2: {  	[smem:$0x3F9F] =	sst lr;
	_ =	strace $0xD0000000  }
0x3: {  	_ = 	snop  }
0x4: {  	_ = 	snop  }
0x5: {  	_ = 	snop  }
0x6: {  	_ = 	snop  }
0x7: {  	_ = 	snop  }
__scs_overlays_trampoline_lowered:
0x8: {  	[smem:$0x3FAE] =	sst s0  }
0x9: {  	[smem:$0x3FAF] =	sst s1  }
0xa: {  	[smem:$0x3FB0] =	sst s2  }
0xb: {  	[smem:$0x3FB1] =	sst s3  }
0xc: {  	[smem:$0x3FB2] =	sst s4  }
0xd: {  	[smem:$0x3FB3] =	sst s5  }
0xe: {  	[smem:$0x3FB4] =	sst s6  }
0xf: {  	[smem:$0x3FB5] =	sst s7  }
0x10: {  	[smem:$0x3FB6] =	sst s8  }
0x11: {  	[smem:$0x3FB7] =	sst s9;
	s0 =	simm.s32 @!p0 $0x0  }
0x12: {  	s1 =	sld [smem:$0x3F9D];
	s0 =	simm.s32 @p0 $0x1  }
0x13: {  	[smem:$0x3FB8] =	sst s0;
	s0 =	simm.s32 @!p1 $0x0  }
0x14: {  	s2 =	sld [smem:$0x3F9C];
	s0 =	simm.s32 @p1 $0x1  }
0x15: {  	[smem:$0x3FB9] =	sst s0;
	s0 =	simm.s32 @!p2 $0x0  }
0x16: {  	s3 =	sld [smem:$0x3FDB];
	s0 =	simm.s32 @p2 $0x1  }
0x17: {  	s4 =	simm.s32 $0x1BF5;
	[smem:$0x3FBB] =	sst s0  }
0x18: {  	s0 =	sld [smem:$0x3F9E];
	_ =	swait.ge [sflag:s4], $0x0  }
0x19: {  	s7 =	sld [smem:$0x3F9F]  }
0x1a: {  	s8 =	sadd.s32 $0xFFFFE003, lr  }
0x1b: {  	s9 =	sadd.s32 $0xFFFFFEF7, lr;
	s5 =	simm.s32 $0xFFFFFFFF;
	p2 =	slt.u32 s8, $0xFFFFF086  }
0x1c: {  	p1 =	slt.u32 s9, $0xF7A;
	s5 =	simm.s32 @!p2 $0x0  }
0x1d: {  	s5 =	simm.s32 @p1 $0x1;
	p0 =	seq.s32 s7, s2  }
0x1e: {  	s7 =	smul.u32 @!p0 $0xF7A, s2;
	p2 =	seq.s32 @!p0 s5, $0x0  }
0x1f: {  	s9 =	smul.u32 $0xF7A, s1;
	s8 =	simm.s32 @!p0 $0x1BF5;
	p2 =	por !p2, p0  }
0x20: {  	[sflag:s8] =	ssyncset.s32 @!p0 $0xFFFFF086;
	s6 =	sadd.s32 @!p0 s3, s7;
	s7 =	simm.s32 @!p0 $0x108  }
0x21: {  	s3 =	sadd.s32 s3, s9;
	s6 =	sadd.s32 @!p0 $0x88, s6;
	s7 =	simm.s32 @p2 $0x1082  }
0x22: {  	[simem:s7], [sflag:s8] =	dma.local @!p0 [hbm:s6], $0xF7A  }
0x23: {  	s9 =	sor.u32 $0xD0000000, s2;
	s6 =	simm.s32 $0x108;
	_ =	swait.ge @!p0 [sflag:s8], $0x0  }
0x24: {  	s3 =	sadd.s32 $0x88, s3;
	s6 =	simm.s32 @!p1 $0x1082;
	[sflag:s4] =	ssyncset.s32 $0xFFFFF086  }
0x25: {  	[simem:s6], [sflag:s4] =	dma.local [hbm:s3], $0xF7A  }
0x26: {  	[smem:$0x3F9F] =	sst s1;
	(tag) =	ssettag s2;
	_ =	strace s9  }
0x27: {  	s1 =	sld [smem:$0x3FAF]  }
0x28: {  	s2 =	sld [smem:$0x3FB0]  }
0x29: {  	s4 =	sld [smem:$0x3FB2]  }
0x2a: {  	p0 =	seq.s32 s5, $0x0;
	s5 =	sld [smem:$0x3FB3]  }
0x2b: {  	s6 =	sld [smem:$0x3FB4]  }
0x2c: {  	s7 =	sld [smem:$0x3FB5]  }
0x2d: {  	s3 =	simm.s32 $0x108;
	s8 =	sld [smem:$0x3FB6]  }
0x2e: {  	s3 =	simm.s32 @!p0 $0x1082;
	s9 =	sld [smem:$0x3FB7]  }
0x2f: {  	lr =	sadd.s32 s0, s3;
	s0 =	sld [smem:$0x3FAE]  }
0x30: {  	s3 =	sld [smem:$0x3FB1]  }
0x31: {  	[smem:$0x3FBA] =	sst s10  }
0x32: {  	s10 =	sld [smem:$0x3FB8];
	_ =	sdelay $0x3  }
0x33: {  	p0 =	seq.s32 s10, $0x1;
	s10 =	sld [smem:$0x3FBA];
	_ =	sdelay $0x3  }
0x34: {  	[smem:$0x3FBA] =	sst s10  }
0x35: {  	s10 =	sld [smem:$0x3FB9];
	_ =	sdelay $0x3  }
0x36: {  	p1 =	seq.s32 s10, $0x1;
	s10 =	sld [smem:$0x3FBA];
	_ =	sdelay $0x3  }
0x37: {  	[smem:$0x3FBA] =	sst s10  }
0x38: {  	s10 =	sld [smem:$0x3FBB]  }
0x39: {  	_ = 	snop;
	(pc) =	sbr.ind lr, $3  }
0x3a: {  	_ = 	snop  }
0x3b: {  	_ = 	snop  }
0x3c: {  	p2 =	seq.s32 s10, $0x1;
	s10 =	sld [smem:$0x3FBA]  }
0x3d: {  	_ =	shalt  }
0x3e: {  	_ =	shalt  }
0x3f: {  	_ =	shalt  }
0x40: {  	_ =	shalt  }
0x41: {  	_ =	shalt  }
0x42: {  	_ =	shalt  }
0x43: {  	_ =	shalt  }
0x44: {  	_ =	shalt  }
0x45: {  	_ =	shalt  }
0x46: {  	_ =	shalt  }
0x47: {  	_ =	shalt  }
0x48: {  	_ =	shalt  }
0x49: {  	_ =	shalt  }
0x4a: {  	_ =	shalt  }
0x4b: {  	_ =	shalt  }
0x4c: {  	_ =	shalt  }
0x4d: {  	_ =	shalt  }
0x4e: {  	_ =	shalt  }
0x4f: {  	_ =	shalt  }
0x50: {  	_ =	shalt  }
0x51: {  	_ =	shalt  }
0x52: {  	_ =	shalt  }
0x53: {  	_ =	shalt  }
0x54: {  	_ =	shalt  }
0x55: {  	_ =	shalt  }
0x56: {  	_ =	shalt  }
0x57: {  	_ =	shalt  }
0x58: {  	_ =	shalt  }
0x59: {  	_ =	shalt  }
0x5a: {  	_ =	shalt  }
0x5b: {  	_ =	shalt  }
0x5c: {  	_ =	shalt  }
0x5d: {  	_ =	shalt  }
0x5e: {  	_ =	shalt  }
0x5f: {  	_ =	shalt  }
0x60: {  	_ =	shalt  }
0x61: {  	_ =	shalt  }
0x62: {  	_ =	shalt  }
0x63: {  	_ =	shalt  }
0x64: {  	_ =	shalt  }
0x65: {  	_ =	shalt  }
0x66: {  	_ =	shalt  }
0x67: {  	_ =	shalt  }
0x68: {  	_ =	shalt  }
0x69: {  	_ =	shalt  }
0x6a: {  	_ =	shalt  }
0x6b: {  	_ =	shalt  }
0x6c: {  	_ =	shalt  }
0x6d: {  	_ =	shalt  }
0x6e: {  	_ =	shalt  }
0x6f: {  	_ =	shalt  }
0x70: {  	_ =	shalt  }
0x71: {  	_ =	shalt  }
0x72: {  	_ =	shalt  }
0x73: {  	_ =	shalt  }
0x74: {  	_ =	shalt  }
0x75: {  	_ =	shalt  }
0x76: {  	_ =	shalt  }
0x77: {  	_ =	shalt  }
0x78: {  	_ =	shalt  }
0x79: {  	_ =	shalt  }
0x7a: {  	_ =	shalt  }
0x7b: {  	_ =	shalt  }
0x7c: {  	_ =	shalt  }
0x7d: {  	_ =	shalt  }
0x7e: {  	_ =	shalt  }
0x7f: {  	_ =	shalt  }
0x80: {  	_ =	shalt  }
0x81: {  	_ =	shalt  }
0x82: {  	_ =	shalt  }
0x83: {  	_ =	shalt  }
0x84: {  	_ =	shalt  }
0x85: {  	_ =	shalt  }
0x86: {  	_ =	shalt  }
0x87: {  	_ =	shalt  }
.Lfunc_end0:
.L_simem_size_0:
called_computation_lowered:
.L_overlay_start_0:
0x88: {  	s2 =	sld [smem:$0x3FD9]  }
0x89: {  	s3 =	sld [smem:$0x3FFE];
	_ =	sdelay $0x1  }
0x8a: {  	s1 =	srdreg.scid  }
0x8b: {  	s0 =	sand.u32 $0x1, s1  }
0x8c: {  	s17 =	sshll.u32 s0, $0xA;
	s2 =	sadd.s32 s3, s2  }
0x8d: {  	s2 =	sadd.s32 s2, s17  }
0x8e: {  	[smem:$0x3FC6] =	sst s2  }
0x8f: {  	_ = 	snop  }
0x90: {  	s2 =	sld [smem:$0x3FC9]  }
0x91: {  	s18 =	sld [smem:$0x3FD0];
	(tm) =	ssettm $0x1  }
0x92: {  	s4 =	sld [smem:$0x3FFB];
	_ =	sdelay $0x3  }
0x93: {  	_ =	strace s4  }
0x94: {  	s4 =	sld [smem:$0x3FFC];
	_ =	sdelay $0x3  }
0x95: {  	_ =	strace s4  }
0x96: {  	s4 =	sld [smem:$0x3FFD];
	_ =	sdelay $0x3  }
0x97: {  	_ =	strace s4  }
0x98: {  	_ =	strace $0x8FFFFFFF  }
0x99: {  	s19 =	sld [smem:$0x3FDB];
	_ =	sdelay $0x1  }
0x9a: {  	s5 =	simm.s32 $_scs_section_size  }
0x9b: {  	s6 =	simm.s32 $_size__tile_overlayer_lowered;
	s7 =	simm.s32 $_tile_overlayer_lowered  }
0x9c: {  	s22 =	simm.s32 $0x1BFF;
	s21 =	sshll.u32 s7, $0x1;
	s4 =	sadd.s32 s5, s19  }
0x9d: {  	s8 =	simm.s32 $0x0;
	s20 =	sshll.u32 s6, $0x1;
	s6 =	sadd.s32 s21, s4  }
0x9e: {  	[timem:s8], [sflag:s22] =	dma.local [hbm:s6], s20  }
0x9f: {  	_ =	swait.ge [sflag:s22], s20  }
0xa0: {  	s5 =	ssub.s32 $0x0, s20;
	[sflag:s22] =	ssyncset.done $0x0  }
0xa1: {  	[sflag:s22] =	ssyncadd.s32 s5;
	_ =	sdelay $0x1  }
0xa2: {  	s23 =	simm.s32 $0x1B8B  }
0xa3: {  	_ =	swait.ge [sflag:s23], $0x1  }
0xa4: {  	[sflag:s23] =	ssyncset.done $0x0  }
0xa5: {  	s25 =	simm.s32 $0x1B8E;
	s24 =	sld [smem:$0x3FFE];
	[sflag:s23] =	ssyncadd.s32 $0xFFFFFFFF  }
0xa6: {  	s26 =	simm.s32 $execute0_lowered;
	[smem:$0x3FD2] =	sst s25  }
0xa7: {  	s6 =	sshll.u32 s26, $0x1;
	_ =	strace $0x80000046;
	[dreg:$0x1] =	wrdreg $0xFFFFFFFF  }
0xa8: {  	s28 =	simm.s32 $_size_execute0_lowered;
	s4 =	sadd.s32 s4, s6;
	[dreg:$0x0] =	wrdreg $0x0  }
0xa9: {  	s6 =	sshll.u32 s28, $0x1;
	[dreg:$0x2] =	wrdreg s4  }
0xaa: {  	[dreg:$0x3] =	wrdreg s6  }
0xab: {  	[dreg:$0x4] =	wrdreg $0xC0  }
0xac: {  	_ =	task [dreg:s8], $0x5FFFF  }
0xad: {  	[dreg:$0x1] =	wrdreg $0xFFFFFFFF  }
0xae: {  	[dreg:$0x0] =	wrdreg $0x60  }
0xaf: {  	[dreg:$0x2] =	wrdreg s2  }
0xb0: {  	[dreg:$0x3] =	wrdreg s24  }
0xb1: {  	[dreg:$0x4] =	wrdreg s18  }
0xb2: {  	[dreg:$0x5] =	wrdreg $0x9  }
0xb3: {  	_ =	task.clear_ibuf [dreg:s8], $0x6FFFF;
	_ =	strace $0x90000046  }
0xb4: {  	s29 =	simm.s32 $0x9;
	_ =	strace $0x80000048  }
0xb5: {  	_ =	swait.ge [sflag:s29], $0x1  }
0xb6: {  	[sflag:s29] =	ssyncadd.s32 $0xFFFFFFFF  }
0xb7: {  	_ =	strace $0x90000048  }
0xb8: {  	_ =	sfence  }
0xb9: {  	s30 =	sld [smem:$0x0];
	_ =	sdelay $0x2  }
0xba: {  	s31 =	sshll.u32 s1, $0xD;
	s1 =	sshrl.u32 s1, $0x2  }
0xbb: {  	s3 =	sand.u32 $0x4000, s31;
	s1 =	sadd.s32 s1, s30  }
0xbc: {  	s0 =	sor.u32 s3, s0;
	s1 =	sshll.u32 s1, $0x11  }
0xbd: {  	s0 =	sor.u32 s1, s0  }
0xbe: {  	s0 =	sadd.s32 $0x8F2B, s0  }
0xbf: {  	[sflag:s0] =	ssyncadd.remote.s32 $0x1  }
0xc0: {  	_ =	sfence.sel $0xFFFF  }
0xc1: {  	[dreg:$0x0] =	wrdreg $0xFFFFFFFF;
	(pc) =	sbr.abs _section_cstart, $3  }
0xc2: {  	[dreg:$0x1] =	wrdreg $0xFFFFFFFF  }
0xc3: {  	_ =	task.clear_ibuf [dreg:s8], $0x2FFFF;
	_ =	strace $0x9FFFFFFF  }
0xc4: {  	(tm) =	ssettm $0x7FFFFFFF  }
0xc5: {  	_ =	shalt  }
tec
execute0_lowered:
.L_overlay_start_1:
0x0: {  	(tag) =	ssettag $0x1  }
0x1: {  	s4 =	rddreg [dreg:$0x0]  }
0x2: {  	s3 =	rddreg [dreg:$0x1]  }
0x3: {  	s5 =	rddreg [dreg:$0x2]  }
0x4: {  	s0 =	rddreg [dreg:$0x3];
	s2 =	simm.s32 $0x0;
	s6 =	srdreg.scid  }
0x5: {  	s1 =	stileid.u32;
	s10 =	simm.s32 $0x48;
	s11 =	simm.s32 $0x400  }
0x6: {  	s12 =	simm.s32 $0x9000;
	s13 =	simm.s32 $0x9900;
	s14 =	simm.s32 $0x480  }
0x7: {  	s15 =	simm.s32 $0xA900;
	s16 =	simm.s32 $0x1;
	s17 =	simm.s32 $0x2  }
0x8: {  	s18 =	simm.s32 $0x3;
	s19 =	simm.s32 $0x4;
	s20 =	simm.s32 $0xB200  }
0x9: {  	s21 =	simm.s32 $0x0;
	[smem:$0x7FF] =	sst s2;
	s6 =	sand.u32 $0x1, s6  }
0xa: {  	s8 =	sshll.u32 s1, $0x1;
	s3 =	sadd.s32 $0xF42800, s3;
	s7 =	ssub.s32 $0x2, s6  }
0xb: {  	_ =	strace $0x80000047;
	s6 =	sor.u32 s6, s8;
	s9 =	sshrl.u32 s7, $0x1  }
0xc: {  	s8 =	sshll.u32 s6, $0xC;
	s6 =	sshll.u32 s6, $0x9;
	s7 =	ssub.s32 s7, s9  }
0xd: {  	s4 =	sadd.s32 s4, s8;
	s5 =	sadd.s32 s5, s6;
	s8 =	simm.s32 $0x80  }
0xe: {  	s9 =	simm.s32 $0x8000;
	s6 =	smax.u32 s7, $0x1;
	s7 =	simm.s32 $0x5  }
.LBB2_1:
0xf: {  	[tilespmem:s2], [sflag:$0x5] =	stream.linear.gather [hbm4b:s4+s2], $0x8000, $0x38;
	[tilespmem:$0xC200] =	vst v63  }
0x10: {  	_ =	swait.ge [sflag:s7], $0x8000  }
0x11: {  	[sflag:s7] =	ssyncset.done $0x0  }
0x12: {  	[sflag:s7] =	ssyncadd.s32 $0xFFFF8000  }
0x13: {  	[tilespmem:s9], [sflag:$0x1] =	stream.indirect.gather [hbm4b:s3+s8], $0x20, s2, s8, $0xb8;
	[tilespmem:$0xC200] =	vst v63  }
0x14: {  	_ = 	snop  }
0x15: {  	[tilespmem:s12], [sflag:$0x2] =	stream.indirect.gather [hbm4b:s3+s10], $0x20, s11, s10, $0xb8;
	[tilespmem:$0xC200] =	vst v63  }
0x16: {  	_ = 	snop  }
0x17: {  	[tilespmem:s13], [sflag:$0x3] =	stream.indirect.gather [hbm4b:s3+s8], $0x20, s8, s8, $0xb8;
	[tilespmem:$0xC200] =	vst v63  }
0x18: {  	s22 =	simm.s32 $0xB220;
	s23 =	simm.s32 $0x0  }
0x19: {  	[tilespmem:s15], [sflag:$0x4] =	stream.indirect.gather [hbm4b:s3+s10], $0x20, s14, s10, $0xb8;
	[tilespmem:$0xC200] =	vst v63  }
.LBB2_2:
0x1a: {  	_ =	swait.ge [sflag:s16], $0x1000  }
0x1b: {  	[sflag:s16] =	ssyncset.done $0x0  }
0x1c: {  	[sflag:s16] =	ssyncadd.s32 $0xFFFFF000  }
0x1d: {  	_ =	swait.ge [sflag:s17], $0x900  }
0x1e: {  	[sflag:s17] =	ssyncset.done $0x0  }
0x1f: {  	[sflag:s17] =	ssyncadd.s32 $0xFFFFF700  }
0x20: {  	v60 =	vld [tilespmem:$0x83F0];
	_ =	sdelay $0x4  }
0x21: {  	[tilespmem:$0x1E710] =	vst v60;
	v60 =	vld [tilespmem:$0x8400];
	_ =	sdelay $0x4  }
0x22: {  	[tilespmem:$0x1E720] =	vst v60;
	v60 =	vld [tilespmem:$0x8410];
	_ =	sdelay $0x4  }
0x23: {  	[tilespmem:$0x1E730] =	vst v60;
	v60 =	vld [tilespmem:$0x8430];
	_ =	sdelay $0x4  }
0x24: {  	[tilespmem:$0x1E740] =	vst v60;
	v60 =	vld [tilespmem:$0x8440];
	_ =	sdelay $0x4  }
0x25: {  	[tilespmem:$0x1E750] =	vst v60;
	v60 =	vld [tilespmem:$0x8450];
	_ =	sdelay $0x4  }
0x26: {  	[tilespmem:$0x1E770] =	vst v60;
	v60 =	vld [tilespmem:$0x8460];
	_ =	sdelay $0x4  }
0x27: {  	[tilespmem:$0x1E760] =	vst v60;
	v60 =	vld [tilespmem:$0x8470];
	_ =	sdelay $0x4  }
0x28: {  	[tilespmem:$0x1E780] =	vst v60;
	v60 =	vld [tilespmem:$0x8480];
	_ =	sdelay $0x1  }
0x29: {  	v1 =	vld [tilespmem:$0x8000]  }
0x2a: {  	v4 =	vld [tilespmem:$0x8010]  }
0x2b: {  	v0 =	vld [tilespmem:$0x8020]  }
0x2c: {  	[tilespmem:$0x1E790] =	vst v60;
	v60 =	vld [tilespmem:$0x8490]  }
0x2d: {  	v2 =	vld [tilespmem:$0x8030]  }
0x2e: {  	v5 =	vld [tilespmem:$0x8040]  }
0x2f: {  	v8 =	vld [tilespmem:$0x8050]  }
0x30: {  	v3 =	vld [tilespmem:$0x8060]  }
0x31: {  	[tilespmem:$0x1E7B0] =	vst v60;
	v60 =	vld [tilespmem:$0x84A0]  }
0x32: {  	v6 =	vld [tilespmem:$0x8070]  }
0x33: {  	v9 =	vld [tilespmem:$0x8080]  }
0x34: {  	v12 =	vld [tilespmem:$0x8090]  }
0x35: {  	v7 =	vld [tilespmem:$0x80A0]  }
0x36: {  	[tilespmem:$0x1E7A0] =	vst v60;
	v60 =	vld [tilespmem:$0x84B0]  }
0x37: {  	v10 =	vld [tilespmem:$0x80B0]  }
0x38: {  	v13 =	vld [tilespmem:$0x80C0]  }
0x39: {  	v16 =	vld [tilespmem:$0x80D0]  }
0x3a: {  	v11 =	vld [tilespmem:$0x80E0]  }
0x3b: {  	[tilespmem:$0x1E7C0] =	vst v60;
	v60 =	vld [tilespmem:$0x84C0]  }
0x3c: {  	v14 =	vld [tilespmem:$0x80F0]  }
0x3d: {  	v17 =	vld [tilespmem:$0x8100]  }
0x3e: {  	v20 =	vld [tilespmem:$0x8110]  }
0x3f: {  	v15 =	vld [tilespmem:$0x8120]  }
0x40: {  	[tilespmem:$0x1E7D0] =	vst v60;
	v60 =	vld [tilespmem:$0x84D0]  }
0x41: {  	v18 =	vld [tilespmem:$0x8130]  }
0x42: {  	v21 =	vld [tilespmem:$0x8140]  }
0x43: {  	v24 =	vld [tilespmem:$0x8150]  }
0x44: {  	v19 =	vld [tilespmem:$0x8160]  }
0x45: {  	[tilespmem:$0x1E7F0] =	vst v60;
	v60 =	vld [tilespmem:$0x84E0]  }
0x46: {  	v22 =	vld [tilespmem:$0x8170]  }
0x47: {  	v25 =	vld [tilespmem:$0x8180]  }
0x48: {  	v28 =	vld [tilespmem:$0x8190]  }
0x49: {  	v23 =	vld [tilespmem:$0x81A0]  }
0x4a: {  	[tilespmem:$0x1E7E0] =	vst v60;
	v60 =	vld [tilespmem:$0x84F0]  }
0x4b: {  	v26 =	vld [tilespmem:$0x81B0]  }
0x4c: {  	v29 =	vld [tilespmem:$0x81C0]  }
0x4d: {  	v32 =	vld [tilespmem:$0x81D0]  }
0x4e: {  	v27 =	vld [tilespmem:$0x81E0]  }
0x4f: {  	[tilespmem:$0x1E800] =	vst v60;
	v60 =	vld [tilespmem:$0x8500]  }
0x50: {  	v30 =	vld [tilespmem:$0x81F0]  }
0x51: {  	v33 =	vld [tilespmem:$0x8200]  }
0x52: {  	v36 =	vld [tilespmem:$0x8210]  }
0x53: {  	v31 =	vld [tilespmem:$0x8220]  }
0x54: {  	[tilespmem:$0x1E810] =	vst v60;
	v60 =	vld [tilespmem:$0x8510]  }
0x55: {  	v34 =	vld [tilespmem:$0x8230]  }
0x56: {  	v37 =	vld [tilespmem:$0x8240]  }
0x57: {  	v40 =	vld [tilespmem:$0x8250]  }
0x58: {  	v35 =	vld [tilespmem:$0x8260]  }
0x59: {  	[tilespmem:$0x1E830] =	vst v60;
	v60 =	vld [tilespmem:$0x8520]  }
0x5a: {  	v38 =	vld [tilespmem:$0x8270]  }
0x5b: {  	v41 =	vld [tilespmem:$0x8280]  }
0x5c: {  	v44 =	vld [tilespmem:$0x8290]  }
0x5d: {  	v39 =	vld [tilespmem:$0x82A0]  }
0x5e: {  	[tilespmem:$0x1E820] =	vst v60;
	v60 =	vld [tilespmem:$0x8530]  }
0x5f: {  	v42 =	vld [tilespmem:$0x82B0]  }
0x60: {  	v45 =	vld [tilespmem:$0x82C0]  }
0x61: {  	v48 =	vld [tilespmem:$0x82D0]  }
0x62: {  	v43 =	vld [tilespmem:$0x82E0]  }
0x63: {  	[tilespmem:$0x1E840] =	vst v60;
	v60 =	vld [tilespmem:$0x8540]  }
0x64: {  	v46 =	vld [tilespmem:$0x82F0]  }
0x65: {  	v49 =	vld [tilespmem:$0x8300]  }
0x66: {  	v52 =	vld [tilespmem:$0x8310]  }
0x67: {  	v47 =	vld [tilespmem:$0x8320]  }
0x68: {  	[tilespmem:$0x1E850] =	vst v60;
	v60 =	vld [tilespmem:$0x8550]  }
0x69: {  	v50 =	vld [tilespmem:$0x8330]  }
0x6a: {  	v53 =	vld [tilespmem:$0x8340]  }
0x6b: {  	v62 =	vld [tilespmem:$0x8350]  }
0x6c: {  	v51 =	vld [tilespmem:$0x8360]  }
0x6d: {  	[tilespmem:$0x1E870] =	vst v60;
	v60 =	vld [tilespmem:$0x8560]  }
0x6e: {  	v54 =	vld [tilespmem:$0x8370]  }
0x6f: {  	v63 =	vld [tilespmem:$0x8380]  }
0x70: {  	v58 =	vld [tilespmem:$0x8390]  }
0x71: {  	v57 =	vld [tilespmem:$0x83D0]  }
0x72: {  	[tilespmem:$0x1E860] =	vst v60;
	v60 =	vld [tilespmem:$0x8570]  }
0x73: {  	v55 =	vld [tilespmem:$0x83A0]  }
0x74: {  	v56 =	vld [tilespmem:$0x83B0]  }
0x75: {  	v59 =	vld [tilespmem:$0x83C0]  }
0x76: {  	v61 =	vld [tilespmem:$0x8420];
	[tilespmem:$0x1E700] =	vst v57  }
0x77: {  	v57 =	vld [tilespmem:$0x83E0];
	[tilespmem:$0x1E880] =	vst v60  }
0x78: {  	v60 =	vld [tilespmem:$0x8580];
	_ =	sdelay $0x4  }
0x79: {  	[tilespmem:$0x1E890] =	vst v60;
	v60 =	vld [tilespmem:$0x8590];
	_ =	sdelay $0x4  }
0x7a: {  	[tilespmem:$0x1E8B0] =	vst v60;
	v60 =	vld [tilespmem:$0x85A0];
	_ =	sdelay $0x4  }
0x7b: {  	[tilespmem:$0x1E8A0] =	vst v60;
	v60 =	vld [tilespmem:$0x85B0];
	_ =	sdelay $0x4  }
0x7c: {  	[tilespmem:$0x1E8C0] =	vst v60;
	v60 =	vld [tilespmem:$0x85C0];
	_ =	sdelay $0x4  }
0x7d: {  	[tilespmem:$0x1E8D0] =	vst v60;
	v60 =	vld [tilespmem:$0x85D0];
	_ =	sdelay $0x4  }
0x7e: {  	[tilespmem:$0x1E8F0] =	vst v60;
	v60 =	vld [tilespmem:$0x85E0];
	_ =	sdelay $0x4  }
0x7f: {  	[tilespmem:$0x1E8E0] =	vst v60;
	v60 =	vld [tilespmem:$0x85F0];
	_ =	sdelay $0x4  }
0x80: {  	[tilespmem:$0x1E900] =	vst v60;
	v60 =	vld [tilespmem:$0x8600];
	_ =	sdelay $0x4  }
0x81: {  	[tilespmem:$0x1E910] =	vst v60;
	v60 =	vld [tilespmem:$0x8610];
	_ =	sdelay $0x4  }
0x82: {  	[tilespmem:$0x1E930] =	vst v60;
	v60 =	vld [tilespmem:$0x8620];
	_ =	sdelay $0x4  }
0x83: {  	[tilespmem:$0x1E920] =	vst v60;
	v60 =	vld [tilespmem:$0x8630];
	_ =	sdelay $0x4  }
0x84: {  	[tilespmem:$0x1E940] =	vst v60;
	v60 =	vld [tilespmem:$0x8640];
	_ =	sdelay $0x4  }
0x85: {  	[tilespmem:$0x1E950] =	vst v60;
	v60 =	vld [tilespmem:$0x8650];
	_ =	sdelay $0x4  }
0x86: {  	[tilespmem:$0x1E970] =	vst v60;
	v60 =	vld [tilespmem:$0x8660];
	_ =	sdelay $0x4  }
0x87: {  	[tilespmem:$0x1E960] =	vst v60;
	v60 =	vld [tilespmem:$0x8670];
	_ =	sdelay $0x4  }
0x88: {  	[tilespmem:$0x1E980] =	vst v60;
	v60 =	vld [tilespmem:$0x8680];
	_ =	sdelay $0x4  }
0x89: {  	[tilespmem:$0x1E990] =	vst v60;
	v60 =	vld [tilespmem:$0x8690];
	_ =	sdelay $0x4  }
0x8a: {  	[tilespmem:$0x1E9B0] =	vst v60;
	v60 =	vld [tilespmem:$0x86A0];
	_ =	sdelay $0x4  }
0x8b: {  	[tilespmem:$0x1E9A0] =	vst v60;
	v60 =	vld [tilespmem:$0x86B0];
	_ =	sdelay $0x4  }
0x8c: {  	[tilespmem:$0x1E9C0] =	vst v60;
	v60 =	vld [tilespmem:$0x86C0];
	_ =	sdelay $0x4  }
0x8d: {  	[tilespmem:$0x1E9D0] =	vst v60;
	v60 =	vld [tilespmem:$0x86D0];
	_ =	sdelay $0x4  }
0x8e: {  	[tilespmem:$0x1E9F0] =	vst v60;
	v60 =	vld [tilespmem:$0x86E0];
	_ =	sdelay $0x4  }
0x8f: {  	[tilespmem:$0x1E9E0] =	vst v60;
	v60 =	vld [tilespmem:$0x86F0];
	_ =	sdelay $0x4  }
0x90: {  	[tilespmem:$0x1EA00] =	vst v60;
	v60 =	vld [tilespmem:$0x8700];
	_ =	sdelay $0x4  }
0x91: {  	[tilespmem:$0x1EA10] =	vst v60;
	v60 =	vld [tilespmem:$0x8710];
	_ =	sdelay $0x4  }
0x92: {  	[tilespmem:$0x1EA30] =	vst v60;
	v60 =	vld [tilespmem:$0x8720];
	_ =	sdelay $0x4  }
0x93: {  	[tilespmem:$0x1EA20] =	vst v60;
	v60 =	vld [tilespmem:$0x8730];
	_ =	sdelay $0x4  }
0x94: {  	[tilespmem:$0x1EA40] =	vst v60;
	v60 =	vld [tilespmem:$0x8740];
	_ =	sdelay $0x4  }
0x95: {  	[tilespmem:$0x1EA50] =	vst v60;
	v60 =	vld [tilespmem:$0x8750];
	_ =	sdelay $0x4  }
0x96: {  	[tilespmem:$0x1EA70] =	vst v60;
	v60 =	vld [tilespmem:$0x8760];
	_ =	sdelay $0x4  }
0x97: {  	[tilespmem:$0x1EA60] =	vst v60;
	v60 =	vld [tilespmem:$0x8770];
	_ =	sdelay $0x4  }
0x98: {  	[tilespmem:$0x1EA80] =	vst v60;
	v60 =	vld [tilespmem:$0x8780];
	_ =	sdelay $0x4  }
0x99: {  	[tilespmem:$0x1EA90] =	vst v60;
	v60 =	vld [tilespmem:$0x8790];
	_ =	sdelay $0x4  }
0x9a: {  	[tilespmem:$0x1EAB0] =	vst v60;
	v60 =	vld [tilespmem:$0x87A0];
	_ =	sdelay $0x4  }
0x9b: {  	[tilespmem:$0x1EAA0] =	vst v60;
	v60 =	vld [tilespmem:$0x87B0];
	_ =	sdelay $0x4  }
0x9c: {  	[tilespmem:$0x1EAC0] =	vst v60;
	v60 =	vld [tilespmem:$0x87C0];
	_ =	sdelay $0x4  }
0x9d: {  	[tilespmem:$0x1EAD0] =	vst v60;
	v60 =	vld [tilespmem:$0x87D0];
	_ =	sdelay $0x4  }
0x9e: {  	[tilespmem:$0x1EAF0] =	vst v60;
	v60 =	vld [tilespmem:$0x87E0];
	_ =	sdelay $0x4  }
0x9f: {  	[tilespmem:$0x1EAE0] =	vst v60;
	v60 =	vld [tilespmem:$0x87F0];
	_ =	sdelay $0x4  }
0xa0: {  	[tilespmem:$0x1EB00] =	vst v60;
	v60 =	vld [tilespmem:$0x8800];
	_ =	sdelay $0x4  }
0xa1: {  	[tilespmem:$0x1EB10] =	vst v60;
	v60 =	vld [tilespmem:$0x8810];
	_ =	sdelay $0x4  }
0xa2: {  	[tilespmem:$0x1EB30] =	vst v60;
	v60 =	vld [tilespmem:$0x8820];
	_ =	sdelay $0x4  }
0xa3: {  	[tilespmem:$0x1EB20] =	vst v60;
	v60 =	vld [tilespmem:$0x8830];
	_ =	sdelay $0x4  }
0xa4: {  	[tilespmem:$0x1EB40] =	vst v60;
	v60 =	vld [tilespmem:$0x8840];
	_ =	sdelay $0x4  }
0xa5: {  	[tilespmem:$0x1EB50] =	vst v60;
	v60 =	vld [tilespmem:$0x8850];
	_ =	sdelay $0x4  }
0xa6: {  	[tilespmem:$0x1EB70] =	vst v60;
	v60 =	vld [tilespmem:$0x8860];
	_ =	sdelay $0x4  }
0xa7: {  	[tilespmem:$0x1EB60] =	vst v60;
	v60 =	vld [tilespmem:$0x8870];
	_ =	sdelay $0x4  }
0xa8: {  	[tilespmem:$0x1EB80] =	vst v60;
	v60 =	vld [tilespmem:$0x8880];
	_ =	sdelay $0x4  }
0xa9: {  	[tilespmem:$0x1EB90] =	vst v60;
	v60 =	vld [tilespmem:$0x8890];
	_ =	sdelay $0x4  }
0xaa: {  	[tilespmem:$0x1EBB0] =	vst v60;
	v60 =	vld [tilespmem:$0x88A0];
	_ =	sdelay $0x4  }
0xab: {  	[tilespmem:$0x1EBA0] =	vst v60;
	v60 =	vld [tilespmem:$0x88B0];
	_ =	sdelay $0x4  }
0xac: {  	[tilespmem:$0x1EBC0] =	vst v60;
	v60 =	vld [tilespmem:$0x88C0];
	_ =	sdelay $0x4  }
0xad: {  	[tilespmem:$0x1EBD0] =	vst v60;
	v60 =	vld [tilespmem:$0x88D0];
	_ =	sdelay $0x4  }
0xae: {  	[tilespmem:$0x1EBF0] =	vst v60;
	v60 =	vld [tilespmem:$0x88E0];
	_ =	sdelay $0x4  }
0xaf: {  	[tilespmem:$0x1EBE0] =	vst v60;
	v60 =	vld [tilespmem:$0x88F0];
	_ =	sdelay $0x4  }
0xb0: {  	[tilespmem:$0x1EC00] =	vst v60;
	v60 =	vld [tilespmem:$0x8900];
	_ =	sdelay $0x4  }
0xb1: {  	[tilespmem:$0x1EC10] =	vst v60;
	v60 =	vld [tilespmem:$0x8910];
	_ =	sdelay $0x4  }
0xb2: {  	[tilespmem:$0x1EC30] =	vst v60;
	v60 =	vld [tilespmem:$0x8920];
	_ =	sdelay $0x4  }
0xb3: {  	[tilespmem:$0x1EC20] =	vst v60;
	v60 =	vld [tilespmem:$0x8930];
	_ =	sdelay $0x4  }
0xb4: {  	[tilespmem:$0x1EC40] =	vst v60;
	v60 =	vld [tilespmem:$0x8940];
	_ =	sdelay $0x4  }
0xb5: {  	[tilespmem:$0x1EC50] =	vst v60;
	v60 =	vld [tilespmem:$0x8950];
	_ =	sdelay $0x4  }
0xb6: {  	[tilespmem:$0x1EC70] =	vst v60;
	v60 =	vld [tilespmem:$0x8960];
	_ =	sdelay $0x4  }
0xb7: {  	[tilespmem:$0x1EC60] =	vst v60;
	v60 =	vld [tilespmem:$0x8970];
	_ =	sdelay $0x4  }
0xb8: {  	[tilespmem:$0x1EC80] =	vst v60;
	v60 =	vld [tilespmem:$0x8980];
	_ =	sdelay $0x4  }
0xb9: {  	[tilespmem:$0x1EC90] =	vst v60;
	v60 =	vld [tilespmem:$0x8990];
	_ =	sdelay $0x4  }
0xba: {  	[tilespmem:$0x1ECB0] =	vst v60;
	v60 =	vld [tilespmem:$0x89A0];
	_ =	sdelay $0x4  }
0xbb: {  	[tilespmem:$0x1ECA0] =	vst v60;
	v60 =	vld [tilespmem:$0x89B0];
	_ =	sdelay $0x4  }
0xbc: {  	[tilespmem:$0x1ECC0] =	vst v60;
	v60 =	vld [tilespmem:$0x89C0];
	_ =	sdelay $0x4  }
0xbd: {  	[tilespmem:$0x1ECD0] =	vst v60;
	v60 =	vld [tilespmem:$0x89D0];
	_ =	sdelay $0x4  }
0xbe: {  	[tilespmem:$0x1ECF0] =	vst v60;
	v60 =	vld [tilespmem:$0x89E0];
	_ =	sdelay $0x4  }
0xbf: {  	[tilespmem:$0x1ECE0] =	vst v60;
	v60 =	vld [tilespmem:$0x89F0];
	_ =	sdelay $0x4  }
0xc0: {  	[tilespmem:$0x1ED00] =	vst v60;
	v60 =	vld [tilespmem:$0x8A00];
	_ =	sdelay $0x4  }
0xc1: {  	[tilespmem:$0x1ED10] =	vst v60;
	v60 =	vld [tilespmem:$0x8A10];
	_ =	sdelay $0x4  }
0xc2: {  	[tilespmem:$0x1ED30] =	vst v60;
	v60 =	vld [tilespmem:$0x8A20];
	_ =	sdelay $0x4  }
0xc3: {  	[tilespmem:$0x1ED20] =	vst v60;
	v60 =	vld [tilespmem:$0x8A30];
	_ =	sdelay $0x4  }
0xc4: {  	[tilespmem:$0x1ED40] =	vst v60;
	v60 =	vld [tilespmem:$0x8A40];
	_ =	sdelay $0x4  }
0xc5: {  	[tilespmem:$0x1ED50] =	vst v60;
	v60 =	vld [tilespmem:$0x8A50];
	_ =	sdelay $0x4  }
0xc6: {  	[tilespmem:$0x1ED70] =	vst v60;
	v60 =	vld [tilespmem:$0x8A60];
	_ =	sdelay $0x4  }
0xc7: {  	[tilespmem:$0x1ED60] =	vst v60;
	v60 =	vld [tilespmem:$0x8A70];
	_ =	sdelay $0x4  }
0xc8: {  	[tilespmem:$0x1ED80] =	vst v60;
	v60 =	vld [tilespmem:$0x8A80];
	_ =	sdelay $0x4  }
0xc9: {  	[tilespmem:$0x1ED90] =	vst v60;
	v60 =	vld [tilespmem:$0x8A90];
	_ =	sdelay $0x4  }
0xca: {  	[tilespmem:$0x1EDB0] =	vst v60;
	v60 =	vld [tilespmem:$0x8AA0];
	_ =	sdelay $0x4  }
0xcb: {  	[tilespmem:$0x1EDA0] =	vst v60;
	v60 =	vld [tilespmem:$0x8AB0];
	_ =	sdelay $0x4  }
0xcc: {  	[tilespmem:$0x1EDC0] =	vst v60;
	v60 =	vld [tilespmem:$0x8AC0];
	_ =	sdelay $0x4  }
0xcd: {  	[tilespmem:$0x1EDD0] =	vst v60;
	v60 =	vld [tilespmem:$0x8AD0];
	_ =	sdelay $0x4  }
0xce: {  	[tilespmem:$0x1EDF0] =	vst v60;
	v60 =	vld [tilespmem:$0x8AE0];
	_ =	sdelay $0x4  }
0xcf: {  	[tilespmem:$0x1EDE0] =	vst v60;
	v60 =	vld [tilespmem:$0x8AF0];
	_ =	sdelay $0x4  }
0xd0: {  	[tilespmem:$0x1EE00] =	vst v60;
	v60 =	vld [tilespmem:$0x8B00];
	_ =	sdelay $0x4  }
0xd1: {  	[tilespmem:$0x1EE10] =	vst v60;
	v60 =	vld [tilespmem:$0x8B10];
	_ =	sdelay $0x4  }
0xd2: {  	[tilespmem:$0x1EE30] =	vst v60;
	v60 =	vld [tilespmem:$0x8B20];
	_ =	sdelay $0x4  }
0xd3: {  	[tilespmem:$0x1EE20] =	vst v60;
	v60 =	vld [tilespmem:$0x8B30];
	_ =	sdelay $0x4  }
0xd4: {  	[tilespmem:$0x1EE40] =	vst v60;
	v60 =	vld [tilespmem:$0x8B40];
	_ =	sdelay $0x4  }
0xd5: {  	[tilespmem:$0x1EE50] =	vst v60;
	v60 =	vld [tilespmem:$0x8B50];
	_ =	sdelay $0x4  }
0xd6: {  	[tilespmem:$0x1EE70] =	vst v60;
	v60 =	vld [tilespmem:$0x8B60];
	_ =	sdelay $0x4  }
0xd7: {  	[tilespmem:$0x1EE60] =	vst v60;
	v60 =	vld [tilespmem:$0x8B70];
	_ =	sdelay $0x4  }
0xd8: {  	[tilespmem:$0x1EE80] =	vst v60;
	v60 =	vld [tilespmem:$0x8B80];
	_ =	sdelay $0x4  }
0xd9: {  	[tilespmem:$0x1EE90] =	vst v60;
	v60 =	vld [tilespmem:$0x8B90];
	_ =	sdelay $0x4  }
0xda: {  	[tilespmem:$0x1EEB0] =	vst v60;
	v60 =	vld [tilespmem:$0x8BA0];
	_ =	sdelay $0x4  }
0xdb: {  	[tilespmem:$0x1EEA0] =	vst v60;
	v60 =	vld [tilespmem:$0x8BB0];
	_ =	sdelay $0x4  }
0xdc: {  	[tilespmem:$0x1EEC0] =	vst v60;
	v60 =	vld [tilespmem:$0x8BC0];
	_ =	sdelay $0x4  }
0xdd: {  	[tilespmem:$0x1EED0] =	vst v60;
	v60 =	vld [tilespmem:$0x8BD0];
	_ =	sdelay $0x4  }
0xde: {  	[tilespmem:$0x1EEF0] =	vst v60;
	v60 =	vld [tilespmem:$0x8BE0];
	_ =	sdelay $0x4  }
0xdf: {  	[tilespmem:$0x1EEE0] =	vst v60;
	v60 =	vld [tilespmem:$0x8BF0];
	_ =	sdelay $0x4  }
0xe0: {  	[tilespmem:$0x1EF00] =	vst v60;
	v60 =	vld [tilespmem:$0x8C00];
	_ =	sdelay $0x1  }
0xe1: {  	v1 =	vadd.f32 $0.0e+00, v1  }
0xe2: {  	v0 =	vadd.f32 $0.0e+00, v0  }
0xe3: {  	v2 =	vadd.f32 $0.0e+00, v2;
	v1 =	vadd.f32 v5, v1;
	v5 =	vld [tilespmem:$0x8CF0]  }
0xe4: {  	v0 =	vadd.f32 v3, v0;
	[tilespmem:$0x1EF10] =	vst v60;
	v60 =	vld [tilespmem:$0x8C10]  }
0xe5: {  	v2 =	vadd.f32 v6, v2;
	v6 =	vld [tilespmem:$0x8D00]  }
0xe6: {  	v1 =	vadd.f32 v9, v1;
	v0 =	vadd.f32 v7, v0;
	v7 =	vld [tilespmem:$0x8D10]  }
0xe7: {  	v9 =	vld [tilespmem:$0x8D30]  }
0xe8: {  	v2 =	vadd.f32 v10, v2;
	v1 =	vadd.f32 v13, v1;
	v10 =	vld [tilespmem:$0x8D40]  }
0xe9: {  	[tilespmem:$0x1EF30] =	vst v60;
	v60 =	vld [tilespmem:$0x8C20]  }
0xea: {  	v0 =	vadd.f32 v11, v0;
	v1 =	vadd.f32 v17, v1;
	v11 =	vld [tilespmem:$0x8D50]  }
0xeb: {  	v13 =	vld [tilespmem:$0x8D70]  }
0xec: {  	v2 =	vadd.f32 v14, v2;
	v1 =	vadd.f32 v21, v1;
	v14 =	vld [tilespmem:$0x8D80]  }
0xed: {  	v0 =	vadd.f32 v15, v0;
	v15 =	vld [tilespmem:$0x8D90]  }
0xee: {  	v1 =	vadd.f32 v25, v1;
	[tilespmem:$0x1EF20] =	vst v60;
	v60 =	vld [tilespmem:$0x8C30]  }
0xef: {  	v17 =	vld [tilespmem:$0x8DB0]  }
0xf0: {  	v2 =	vadd.f32 v18, v2;
	v1 =	vadd.f32 v29, v1;
	v18 =	vld [tilespmem:$0x8DC0]  }
0xf1: {  	v0 =	vadd.f32 v19, v0;
	v19 =	vld [tilespmem:$0x8DD0]  }
0xf2: {  	v1 =	vadd.f32 v33, v1;
	v21 =	vld [tilespmem:$0x8DF0]  }
0xf3: {  	[tilespmem:$0x1EF40] =	vst v60;
	v60 =	vld [tilespmem:$0x8C40]  }
0xf4: {  	v2 =	vadd.f32 v22, v2;
	v1 =	vadd.f32 v37, v1;
	v22 =	vld [tilespmem:$0x8E00]  }
0xf5: {  	v0 =	vadd.f32 v23, v0;
	v23 =	vld [tilespmem:$0x8E10]  }
0xf6: {  	v1 =	vadd.f32 v41, v1;
	v25 =	vld [tilespmem:$0x8E30]  }
0xf7: {  	v2 =	vadd.f32 v26, v2;
	v26 =	vld [tilespmem:$0x8E40]  }
0xf8: {  	v1 =	vadd.f32 v45, v1;
	[tilespmem:$0x1EF50] =	vst v60;
	v60 =	vld [tilespmem:$0x8C50]  }
0xf9: {  	v0 =	vadd.f32 v27, v0;
	v27 =	vld [tilespmem:$0x8E50]  }
0xfa: {  	v1 =	vadd.f32 v49, v1;
	v29 =	vld [tilespmem:$0x8E70]  }
0xfb: {  	v2 =	vadd.f32 v30, v2;
	v30 =	vld [tilespmem:$0x8E80]  }
0xfc: {  	v0 =	vadd.f32 v31, v0;
	v1 =	vadd.f32 v53, v1;
	v31 =	vld [tilespmem:$0x8EA0]  }
0xfd: {  	[tilespmem:$0x1EF70] =	vst v60;
	v60 =	vld [tilespmem:$0x8C60]  }
0xfe: {  	v1 =	vadd.f32 v63, v1;
	v63 =	vld [tilespmem:$0x1E700]  }
0xff: {  	v33 =	vld [tilespmem:$0x8EC0]  }
0x100: {  	v2 =	vadd.f32 v34, v2;
	v34 =	vld [tilespmem:$0x1E720]  }
0x101: {  	v0 =	vadd.f32 v35, v0;
	v35 =	vld [tilespmem:$0x8ED0]  }
0x102: {  	[tilespmem:$0x1EF60] =	vst v60;
	v60 =	vld [tilespmem:$0x8C70]  }
0x103: {  	v37 =	vld [tilespmem:$0x1E740]  }
0x104: {  	v2 =	vadd.f32 v38, v2;
	v38 =	vld [tilespmem:$0x8EE0]  }
0x105: {  	v0 =	vadd.f32 v39, v0;
	v39 =	vld [tilespmem:$0x1E750]  }
0x106: {  	v41 =	vld [tilespmem:$0x8EF0]  }
0x107: {  	[tilespmem:$0x1EF80] =	vst v60;
	v60 =	vld [tilespmem:$0x8C80]  }
0x108: {  	v2 =	vadd.f32 v42, v2;
	v42 =	vld [tilespmem:$0x1E770]  }
0x109: {  	v0 =	vadd.f32 v43, v0;
	v43 =	vld [tilespmem:$0x1E780]  }
0x10a: {  	v45 =	vld [tilespmem:$0x1E790]  }
0x10b: {  	v2 =	vadd.f32 v46, v2;
	v46 =	vld [tilespmem:$0x1E7A0]  }
0x10c: {  	[tilespmem:$0x1EF90] =	vst v60;
	v60 =	vld [tilespmem:$0x8C90]  }
0x10d: {  	v0 =	vadd.f32 v47, v0;
	v47 =	vld [tilespmem:$0x8F10]  }
0x10e: {  	v49 =	vld [tilespmem:$0x1E7C0]  }
0x10f: {  	v2 =	vadd.f32 v50, v2;
	v50 =	vld [tilespmem:$0x8F20]  }
0x110: {  	v0 =	vadd.f32 v51, v0;
	v51 =	vld [tilespmem:$0x1E7D0]  }
0x111: {  	[tilespmem:$0x1EFB0] =	vst v60;
	v60 =	vld [tilespmem:$0x8CA0]  }
0x112: {  	v53 =	vld [tilespmem:$0x8F30]  }
0x113: {  	v2 =	vadd.f32 v54, v2;
	v54 =	vld [tilespmem:$0x1E7F0]  }
0x114: {  	v0 =	vadd.f32 v55, v0;
	v55 =	vld [tilespmem:$0x1E800]  }
0x115: {  	v2 =	vadd.f32 v56, v2;
	v56 =	vld [tilespmem:$0x8F40]  }
0x116: {  	[tilespmem:$0x1EFA0] =	vst v60;
	v60 =	vld [tilespmem:$0x8CB0]  }
0x117: {  	v0 =	vadd.f32 v57, v0;
	v57 =	vld [tilespmem:$0x1E810]  }
0x118: {  	v1 =	vadd.f32 v59, v1;
	v59 =	vld [tilespmem:$0x8F50]  }
0x119: {  	v0 =	vadd.f32 v61, v0;
	v61 =	vld [tilespmem:$0x1E840]  }
0x11a: {  	[tilespmem:$0x1F020] =	vst v33;
	v1 =	vadd.f32 v34, v1;
	v33 =	vld [tilespmem:$0x8F70]  }
0x11b: {  	[tilespmem:$0x1EFC0] =	vst v60;
	v60 =	vld [tilespmem:$0x8CC0]  }
0x11c: {  	v34 =	vld [tilespmem:$0x1E870];
	v1 =	vadd.f32 v39, v1  }
0x11d: {  	[tilespmem:$0x1F040] =	vst v35;
	v35 =	vld [tilespmem:$0x1E880]  }
0x11e: {  	v39 =	vld [tilespmem:$0x8F90];
	v1 =	vadd.f32 v45, v1  }
0x11f: {  	v45 =	vld [tilespmem:$0x8FB0]  }
0x120: {  	v1 =	vadd.f32 v51, v1;
	[tilespmem:$0x1EFD0] =	vst v60;
	v60 =	vld [tilespmem:$0x8CD0]  }
0x121: {  	v51 =	vld [tilespmem:$0x8FD0]  }
0x122: {  	[tilespmem:$0x1F030] =	vst v38;
	v1 =	vadd.f32 v57, v1;
	v57 =	vld [tilespmem:$0x8FF0]  }
0x123: {  	[tilespmem:$0x1F050] =	vst v41;
	v38 =	vld [tilespmem:$0x1E8A0]  }
0x124: {  	[tilespmem:$0x1F080] =	vst v47;
	v41 =	vld [tilespmem:$0x1E8C0]  }
0x125: {  	[tilespmem:$0x1EFF0] =	vst v60;
	v60 =	vld [tilespmem:$0x8CE0]  }
0x126: {  	[tilespmem:$0x1F070] =	vst v50;
	v47 =	vld [tilespmem:$0x1E900]  }
0x127: {  	[tilespmem:$0x1F090] =	vst v53;
	v50 =	vld [tilespmem:$0x1E920]  }
0x128: {  	v4 =	vadd.f32 $0.0e+00, v4;
	[tilespmem:$0x1F0A0] =	vst v56;
	v53 =	vld [tilespmem:$0x1E940]  }
0x129: {  	[tilespmem:$0x1F0C0] =	vst v59;
	v56 =	vld [tilespmem:$0x1E960]  }
0x12a: {  	v59 =	vld [tilespmem:$0x1E980];
	[tilespmem:$0x1EFE0] =	vst v60;
	v60 =	vadd.f32 v8, v4  }
0x12b: {  	[tilespmem:$0x1F0D0] =	vst v33;
	v33 =	vld [tilespmem:$0x1E9C0]  }
0x12c: {  	[tilespmem:$0x1F100] =	vst v39;
	v39 =	vld [tilespmem:$0x1EA00];
	v3 =	vadd.f32 v12, v60  }
0x12d: {  	[tilespmem:$0x1F110] =	vst v45;
	v45 =	vld [tilespmem:$0x1EA40]  }
0x12e: {  	[tilespmem:$0x1F140] =	vst v51;
	v51 =	vld [tilespmem:$0x1EA80];
	v3 =	vadd.f32 v16, v3  }
0x12f: {  	[tilespmem:$0x1F150] =	vst v57;
	v57 =	vld [tilespmem:$0x1EAC0]  }
0x130: {  	v60 =	vld [tilespmem:$0x8E90];
	v3 =	vadd.f32 v20, v3  }
0x131: {  	v8 =	vld [tilespmem:$0x8D20]  }
0x132: {  	v12 =	vld [tilespmem:$0x8D60];
	v3 =	vadd.f32 v24, v3  }
0x133: {  	v16 =	vld [tilespmem:$0x8DA0]  }
0x134: {  	v20 =	vld [tilespmem:$0x8DE0];
	v3 =	vadd.f32 v28, v3  }
0x135: {  	[tilespmem:$0x1F000] =	vst v60;
	v60 =	vld [tilespmem:$0x1E830]  }
0x136: {  	v3 =	vadd.f32 v32, v3;
	v32 =	vld [tilespmem:$0x1E710]  }
0x137: {  	v24 =	vld [tilespmem:$0x8E20]  }
0x138: {  	v28 =	vld [tilespmem:$0x8E60];
	v3 =	vadd.f32 v36, v3  }
0x139: {  	v36 =	vld [tilespmem:$0x1E730]  }
0x13a: {  	v3 =	vadd.f32 v40, v3;
	v40 =	vld [tilespmem:$0x1E760]  }
0x13b: {  	v2 =	vadd.f32 v32, v2;
	v32 =	vld [tilespmem:$0x1E860]  }
0x13c: {  	v3 =	vadd.f32 v44, v3;
	v44 =	vld [tilespmem:$0x8F00]  }
0x13d: {  	v2 =	vadd.f32 v37, v2;
	v37 =	vld [tilespmem:$0x1E890]  }
0x13e: {  	v3 =	vadd.f32 v48, v3;
	v48 =	vld [tilespmem:$0x1E7B0]  }
0x13f: {  	v0 =	vadd.f32 v40, v0;
	v40 =	vld [tilespmem:$0x1E8B0]  }
0x140: {  	v2 =	vadd.f32 v43, v2;
	v43 =	vld [tilespmem:$0x1E8D0]  }
0x141: {  	v3 =	vadd.f32 v52, v3;
	v52 =	vld [tilespmem:$0x1E7E0]  }
0x142: {  	[tilespmem:$0x1F060] =	vst v44;
	v44 =	vld [tilespmem:$0x1E8E0]  }
0x143: {  	v0 =	vadd.f32 v46, v0;
	v46 =	vld [tilespmem:$0x1E8F0]  }
0x144: {  	v2 =	vadd.f32 v49, v2;
	v49 =	vld [tilespmem:$0x1E910]  }
0x145: {  	v3 =	vadd.f32 v62, v3;
	v62 =	vld [tilespmem:$0x8EB0]  }
0x146: {  	v2 =	vadd.f32 v55, v2;
	v55 =	vld [tilespmem:$0x1E950]  }
0x147: {  	v3 =	vadd.f32 v58, v3;
	v58 =	vld [tilespmem:$0x1E820]  }
0x148: {  	v0 =	vadd.f32 v52, v0;
	v52 =	vld [tilespmem:$0x1E930]  }
0x149: {  	v2 =	vadd.f32 v61, v2;
	v61 =	vld [tilespmem:$0x1E990]  }
0x14a: {  	v3 =	vadd.f32 v63, v3;
	v63 =	vld [tilespmem:$0x1E850]  }
0x14b: {  	[tilespmem:$0x1F010] =	vst v62;
	v62 =	vld [tilespmem:$0x8F60]  }
0x14c: {  	v2 =	vadd.f32 v35, v2;
	v35 =	vld [tilespmem:$0x1E9D0]  }
0x14d: {  	v3 =	vadd.f32 v36, v3;
	v36 =	vld [tilespmem:$0x8F80]  }
0x14e: {  	v0 =	vadd.f32 v58, v0;
	v58 =	vld [tilespmem:$0x1E970]  }
0x14f: {  	v2 =	vadd.f32 v41, v2;
	v41 =	vld [tilespmem:$0x1EA10]  }
0x150: {  	v3 =	vadd.f32 v42, v3;
	v42 =	vld [tilespmem:$0x8FA0]  }
0x151: {  	v1 =	vadd.f32 v63, v1;
	v63 =	vld [tilespmem:$0x9010]  }
0x152: {  	v0 =	vadd.f32 v32, v0;
	v32 =	vld [tilespmem:$0x1E9B0]  }
0x153: {  	v2 =	vadd.f32 v47, v2;
	v47 =	vld [tilespmem:$0x1EA50]  }
0x154: {  	v3 =	vadd.f32 v48, v3;
	v48 =	vld [tilespmem:$0x8FC0]  }
0x155: {  	[tilespmem:$0x1F0B0] =	vst v62;
	v62 =	vld [tilespmem:$0x1E9A0]  }
0x156: {  	[tilespmem:$0x1F0E0] =	vst v36;
	v36 =	vld [tilespmem:$0x1E9E0]  }
0x157: {  	v1 =	vadd.f32 v37, v1;
	v37 =	vld [tilespmem:$0x9030]  }
0x158: {  	v0 =	vadd.f32 v38, v0;
	v38 =	vld [tilespmem:$0x1E9F0]  }
0x159: {  	v2 =	vadd.f32 v53, v2;
	v53 =	vld [tilespmem:$0x1EA90]  }
0x15a: {  	v3 =	vadd.f32 v54, v3;
	v54 =	vld [tilespmem:$0x8FE0]  }
0x15b: {  	[tilespmem:$0x1F0F0] =	vst v42;
	v42 =	vld [tilespmem:$0x1EA20]  }
0x15c: {  	v1 =	vadd.f32 v43, v1;
	v43 =	vld [tilespmem:$0x9050]  }
0x15d: {  	v0 =	vadd.f32 v44, v0;
	v44 =	vld [tilespmem:$0x1EA30]  }
0x15e: {  	v2 =	vadd.f32 v59, v2;
	v59 =	vld [tilespmem:$0x1EAD0]  }
0x15f: {  	v3 =	vadd.f32 v60, v3;
	v60 =	vld [tilespmem:$0x9000]  }
0x160: {  	[tilespmem:$0x1F180] =	vst v63;
	v63 =	vld [tilespmem:$0x1EB00]  }
0x161: {  	[tilespmem:$0x1F120] =	vst v48;
	v48 =	vld [tilespmem:$0x1EA60]  }
0x162: {  	v1 =	vadd.f32 v49, v1;
	v49 =	vld [tilespmem:$0x9070]  }
0x163: {  	v0 =	vadd.f32 v50, v0;
	v50 =	vld [tilespmem:$0x1EA70]  }
0x164: {  	v2 =	vadd.f32 v33, v2;
	v33 =	vld [tilespmem:$0x1EB10]  }
0x165: {  	v3 =	vadd.f32 v34, v3;
	v34 =	vld [tilespmem:$0x9020]  }
0x166: {  	[tilespmem:$0x1F190] =	vst v37;
	v37 =	vld [tilespmem:$0x1EB40]  }
0x167: {  	[tilespmem:$0x1F130] =	vst v54;
	v54 =	vld [tilespmem:$0x1EAA0]  }
0x168: {  	v1 =	vadd.f32 v55, v1;
	v55 =	vld [tilespmem:$0x9090]  }
0x169: {  	v0 =	vadd.f32 v56, v0;
	v56 =	vld [tilespmem:$0x1EAB0]  }
0x16a: {  	v2 =	vadd.f32 v39, v2;
	v39 =	vld [tilespmem:$0x1EB50]  }
0x16b: {  	v3 =	vadd.f32 v40, v3;
	v40 =	vld [tilespmem:$0x9040]  }
0x16c: {  	[tilespmem:$0x1F1C0] =	vst v43;
	v43 =	vld [tilespmem:$0x1EB80]  }
0x16d: {  	[tilespmem:$0x1F160] =	vst v60;
	v60 =	vld [tilespmem:$0x1EAE0]  }
0x16e: {  	v1 =	vadd.f32 v61, v1;
	v61 =	vld [tilespmem:$0x90B0]  }
0x16f: {  	v0 =	vadd.f32 v62, v0;
	v62 =	vld [tilespmem:$0x1EAF0]  }
0x170: {  	v2 =	vadd.f32 v45, v2;
	v45 =	vld [tilespmem:$0x1EB90]  }
0x171: {  	v3 =	vadd.f32 v46, v3;
	v46 =	vld [tilespmem:$0x9060]  }
0x172: {  	[tilespmem:$0x1F1D0] =	vst v49;
	v49 =	vld [tilespmem:$0x1EBC0]  }
0x173: {  	[tilespmem:$0x1F170] =	vst v34;
	v34 =	vld [tilespmem:$0x1EB20]  }
0x174: {  	v1 =	vadd.f32 v35, v1;
	v35 =	vld [tilespmem:$0x90D0]  }
0x175: {  	v0 =	vadd.f32 v36, v0;
	v36 =	vld [tilespmem:$0x1EB30]  }
0x176: {  	v2 =	vadd.f32 v51, v2;
	v51 =	vld [tilespmem:$0x1EBD0]  }
0x177: {  	v3 =	vadd.f32 v52, v3;
	v52 =	vld [tilespmem:$0x9080]  }
0x178: {  	[tilespmem:$0x1F200] =	vst v55;
	v55 =	vld [tilespmem:$0x1EC00]  }
0x179: {  	[tilespmem:$0x1F1A0] =	vst v40;
	v40 =	vld [tilespmem:$0x1EB60]  }
0x17a: {  	v1 =	vadd.f32 v41, v1;
	v41 =	vld [tilespmem:$0x90F0]  }
0x17b: {  	v0 =	vadd.f32 v42, v0;
	v42 =	vld [tilespmem:$0x1EB70]  }
0x17c: {  	v2 =	vadd.f32 v57, v2;
	v57 =	vld [tilespmem:$0x1EC10]  }
0x17d: {  	v3 =	vadd.f32 v58, v3;
	v58 =	vld [tilespmem:$0x90A0]  }
0x17e: {  	[tilespmem:$0x1F210] =	vst v61;
	v61 =	vld [tilespmem:$0x1EC40]  }
0x17f: {  	[tilespmem:$0x1F1B0] =	vst v46;
	v46 =	vld [tilespmem:$0x1EBA0]  }
0x180: {  	v1 =	vadd.f32 v47, v1;
	v47 =	vld [tilespmem:$0x9110]  }
0x181: {  	v0 =	vadd.f32 v48, v0;
	v48 =	vld [tilespmem:$0x1EBB0]  }
0x182: {  	v2 =	vadd.f32 v63, v2;
	v63 =	vld [tilespmem:$0x1EC50]  }
0x183: {  	v3 =	vadd.f32 v32, v3;
	v32 =	vld [tilespmem:$0x90C0]  }
0x184: {  	[tilespmem:$0x1F240] =	vst v35;
	v35 =	vld [tilespmem:$0x1EC80]  }
0x185: {  	[tilespmem:$0x1F1E0] =	vst v52;
	v52 =	vld [tilespmem:$0x1EBE0]  }
0x186: {  	v1 =	vadd.f32 v53, v1;
	v53 =	vld [tilespmem:$0x9130]  }
0x187: {  	v0 =	vadd.f32 v54, v0;
	v54 =	vld [tilespmem:$0x1EBF0]  }
0x188: {  	v2 =	vadd.f32 v37, v2;
	v37 =	vld [tilespmem:$0x1EC90]  }
0x189: {  	v3 =	vadd.f32 v38, v3;
	v38 =	vld [tilespmem:$0x90E0]  }
0x18a: {  	[tilespmem:$0x1F250] =	vst v41;
	v41 =	vld [tilespmem:$0x1ECC0]  }
0x18b: {  	[tilespmem:$0x1F1F0] =	vst v58;
	v58 =	vld [tilespmem:$0x1EC20]  }
0x18c: {  	v1 =	vadd.f32 v59, v1;
	v59 =	vld [tilespmem:$0x9150]  }
0x18d: {  	v0 =	vadd.f32 v60, v0;
	v60 =	vld [tilespmem:$0x1EC30]  }
0x18e: {  	v2 =	vadd.f32 v43, v2;
	v43 =	vld [tilespmem:$0x1ECD0]  }
0x18f: {  	v3 =	vadd.f32 v44, v3;
	v44 =	vld [tilespmem:$0x9100]  }
0x190: {  	[tilespmem:$0x1F280] =	vst v47;
	v47 =	vld [tilespmem:$0x1ED00]  }
0x191: {  	[tilespmem:$0x1F220] =	vst v32;
	v32 =	vld [tilespmem:$0x1EC60]  }
0x192: {  	v1 =	vadd.f32 v33, v1;
	v33 =	vld [tilespmem:$0x9170]  }
0x193: {  	v0 =	vadd.f32 v34, v0;
	v34 =	vld [tilespmem:$0x1EC70]  }
0x194: {  	v2 =	vadd.f32 v49, v2;
	v49 =	vld [tilespmem:$0x1ED10]  }
0x195: {  	v3 =	vadd.f32 v50, v3;
	v50 =	vld [tilespmem:$0x9120]  }
0x196: {  	[tilespmem:$0x1F290] =	vst v53;
	v53 =	vld [tilespmem:$0x1ED40]  }
0x197: {  	[tilespmem:$0x1F230] =	vst v38;
	v38 =	vld [tilespmem:$0x1ECA0]  }
0x198: {  	v1 =	vadd.f32 v39, v1;
	v39 =	vld [tilespmem:$0x9190]  }
0x199: {  	v0 =	vadd.f32 v40, v0;
	v40 =	vld [tilespmem:$0x1ECB0]  }
0x19a: {  	v2 =	vadd.f32 v55, v2;
	v55 =	vld [tilespmem:$0x1ED50]  }
0x19b: {  	v3 =	vadd.f32 v56, v3;
	v56 =	vld [tilespmem:$0x9140]  }
0x19c: {  	[tilespmem:$0x1F2C0] =	vst v59;
	v59 =	vld [tilespmem:$0x1ED80]  }
0x19d: {  	[tilespmem:$0x1F260] =	vst v44;
	v44 =	vld [tilespmem:$0x1ECE0]  }
0x19e: {  	v1 =	vadd.f32 v45, v1;
	v45 =	vld [tilespmem:$0x91B0]  }
0x19f: {  	v0 =	vadd.f32 v46, v0;
	v46 =	vld [tilespmem:$0x1ECF0]  }
0x1a0: {  	v2 =	vadd.f32 v61, v2;
	v61 =	vld [tilespmem:$0x1ED90]  }
0x1a1: {  	v3 =	vadd.f32 v62, v3;
	v62 =	vld [tilespmem:$0x9160]  }
0x1a2: {  	[tilespmem:$0x1F2D0] =	vst v33;
	v33 =	vld [tilespmem:$0x1EDC0]  }
0x1a3: {  	[tilespmem:$0x1F270] =	vst v50;
	v50 =	vld [tilespmem:$0x1ED20]  }
0x1a4: {  	v1 =	vadd.f32 v51, v1;
	v51 =	vld [tilespmem:$0x91D0]  }
0x1a5: {  	v0 =	vadd.f32 v52, v0;
	v52 =	vld [tilespmem:$0x1ED30]  }
0x1a6: {  	v2 =	vadd.f32 v35, v2;
	v35 =	vld [tilespmem:$0x1EDE0]  }
0x1a7: {  	v3 =	vadd.f32 v36, v3;
	v36 =	vld [tilespmem:$0x9180]  }
0x1a8: {  	[tilespmem:$0x1F300] =	vst v39;
	v39 =	vld [tilespmem:$0x1EE20]  }
0x1a9: {  	[tilespmem:$0x1F2A0] =	vst v56;
	v56 =	vld [tilespmem:$0x1ED60]  }
0x1aa: {  	v1 =	vadd.f32 v57, v1;
	v57 =	vld [tilespmem:$0x91F0]  }
0x1ab: {  	v0 =	vadd.f32 v58, v0;
	v58 =	vld [tilespmem:$0x1ED70]  }
0x1ac: {  	v2 =	vadd.f32 v41, v2;
	v41 =	vld [tilespmem:$0x1EE40]  }
0x1ad: {  	v3 =	vadd.f32 v42, v3;
	v42 =	vld [tilespmem:$0x91A0]  }
0x1ae: {  	[tilespmem:$0x1F2B0] =	vst v62;
	v62 =	vld [tilespmem:$0x1EDA0]  }
0x1af: {  	v1 =	vadd.f32 v63, v1;
	v63 =	vld [tilespmem:$0x9210];
	v3 =	vadd.f32 v48, v3  }
0x1b0: {  	v0 =	vadd.f32 v32, v0;
	v32 =	vld [tilespmem:$0x1EDB0]  }
0x1b1: {  	v48 =	vld [tilespmem:$0x91C0];
	v3 =	vadd.f32 v54, v3  }
0x1b2: {  	[tilespmem:$0x1F2E0] =	vst v36;
	v1 =	vadd.f32 v37, v1;
	v36 =	vld [tilespmem:$0x1EDF0]  }
0x1b3: {  	v0 =	vadd.f32 v38, v0;
	v37 =	vld [tilespmem:$0x1EE00];
	v3 =	vadd.f32 v60, v3  }
0x1b4: {  	v2 =	vadd.f32 v47, v2;
	v38 =	vld [tilespmem:$0x1EE10]  }
0x1b5: {  	v54 =	vld [tilespmem:$0x91E0];
	v0 =	vadd.f32 v44, v0;
	v3 =	vadd.f32 v34, v3  }
0x1b6: {  	v2 =	vadd.f32 v53, v2;
	[tilespmem:$0x1F350] =	vst v57;
	v57 =	vld [tilespmem:$0x9230]  }
0x1b7: {  	[tilespmem:$0x1F310] =	vst v45;
	v60 =	vld [tilespmem:$0x9200];
	v0 =	vadd.f32 v50, v0;
	v3 =	vadd.f32 v40, v3  }
0x1b8: {  	[tilespmem:$0x1F340] =	vst v51;
	v2 =	vadd.f32 v59, v2;
	v59 =	vld [tilespmem:$0x9250]  }
0x1b9: {  	[tilespmem:$0x1F2F0] =	vst v42;
	v34 =	vld [tilespmem:$0x1EDD0];
	v0 =	vadd.f32 v56, v0;
	v3 =	vadd.f32 v46, v3  }
0x1ba: {  	v1 =	vadd.f32 v43, v1;
	[tilespmem:$0x1F370] =	vst v63;
	v40 =	vld [tilespmem:$0x1EE30]  }
0x1bb: {  	[tilespmem:$0x1F320] =	vst v48;
	v0 =	vadd.f32 v62, v0;
	v62 =	vld [tilespmem:$0x9220];
	v3 =	vadd.f32 v52, v3  }
0x1bc: {  	v1 =	vadd.f32 v49, v1;
	[tilespmem:$0x1F360] =	vst v60;
	v60 =	vld [tilespmem:$0x9260]  }
0x1bd: {  	[tilespmem:$0x1F330] =	vst v54;
	v3 =	vadd.f32 v58, v3;
	v58 =	vld [tilespmem:$0x9240]  }
0x1be: {  	v1 =	vadd.f32 v55, v1;
	v42 =	vld [tilespmem:$0x1EE50]  }
0x1bf: {  	v43 =	vld [tilespmem:$0x1EE60]  }
0x1c0: {  	v1 =	vadd.f32 v61, v1;
	v61 =	vld [tilespmem:$0x9270]  }
0x1c1: {  	v44 =	vld [tilespmem:$0x1EE70]  }
0x1c2: {  	v45 =	vld [tilespmem:$0x1EE80]  }
0x1c3: {  	v56 =	vld [tilespmem:$0x9280]  }
0x1c4: {  	v46 =	vld [tilespmem:$0x1EE90]  }
0x1c5: {  	v47 =	vld [tilespmem:$0x1EEA0]  }
0x1c6: {  	v55 =	vld [tilespmem:$0x9290]  }
0x1c7: {  	v48 =	vld [tilespmem:$0x1EEB0]  }
0x1c8: {  	v49 =	vld [tilespmem:$0x1EEC0]  }
0x1c9: {  	v54 =	vld [tilespmem:$0x92A0]  }
0x1ca: {  	v50 =	vld [tilespmem:$0x1EED0]  }
0x1cb: {  	v51 =	vld [tilespmem:$0x1EEE0]  }
0x1cc: {  	v53 =	vld [tilespmem:$0x92B0]  }
0x1cd: {  	v52 =	vld [tilespmem:$0x1EEF0]  }
0x1ce: {  	v63 =	vld [tilespmem:$0x1EF00]  }
0x1cf: {  	v2 =	vadd.f32 v33, v2;
	v33 =	vld [tilespmem:$0x1EF20]  }
0x1d0: {  	v1 =	vadd.f32 v34, v1;
	v34 =	vld [tilespmem:$0x1EF30]  }
0x1d1: {  	v0 =	vadd.f32 v35, v0;
	v35 =	vld [tilespmem:$0x1EF40]  }
0x1d2: {  	v2 =	vadd.f32 v37, v2;
	v37 =	vld [tilespmem:$0x1EF60]  }
0x1d3: {  	v1 =	vadd.f32 v38, v1;
	v38 =	vld [tilespmem:$0x1EF70]  }
0x1d4: {  	v0 =	vadd.f32 v39, v0;
	v39 =	vld [tilespmem:$0x1EF80]  }
0x1d5: {  	v2 =	vadd.f32 v41, v2;
	v41 =	vld [tilespmem:$0x1EFA0]  }
0x1d6: {  	v4 =	vld [tilespmem:$0x95C0];
	v3 =	vadd.f32 v32, v3  }
0x1d7: {  	v32 =	vld [tilespmem:$0x1EF10]  }
0x1d8: {  	v3 =	vadd.f32 v36, v3;
	v36 =	vld [tilespmem:$0x1EF50]  }
0x1d9: {  	v1 =	vadd.f32 v42, v1;
	v0 =	vadd.f32 v43, v0;
	v42 =	vld [tilespmem:$0x1EFB0]  }
0x1da: {  	v2 =	vadd.f32 v45, v2;
	v43 =	vld [tilespmem:$0x1EFC0]  }
0x1db: {  	v45 =	vld [tilespmem:$0x1EFE0];
	v3 =	vadd.f32 v40, v3;
	v0 =	vadd.f32 v47, v0  }
0x1dc: {  	v40 =	vld [tilespmem:$0x1EF90];
	v1 =	vadd.f32 v46, v1;
	v2 =	vadd.f32 v49, v2  }
0x1dd: {  	v49 =	vld [tilespmem:$0x92F0];
	v3 =	vadd.f32 v44, v3;
	v0 =	vadd.f32 v51, v0  }
0x1de: {  	v47 =	vld [tilespmem:$0x9310];
	v1 =	vadd.f32 v50, v1;
	v2 =	vadd.f32 v63, v2  }
0x1df: {  	v46 =	vld [tilespmem:$0x9320];
	v3 =	vadd.f32 v48, v3;
	v0 =	vadd.f32 v33, v0  }
0x1e0: {  	v44 =	vld [tilespmem:$0x1EFD0];
	v1 =	vadd.f32 v32, v1;
	v2 =	vadd.f32 v35, v2  }
0x1e1: {  	v51 =	vld [tilespmem:$0x92D0];
	v3 =	vadd.f32 v52, v3;
	v0 =	vadd.f32 v37, v0  }
0x1e2: {  	v50 =	vld [tilespmem:$0x92E0];
	v1 =	vadd.f32 v36, v1;
	v2 =	vadd.f32 v39, v2  }
0x1e3: {  	v63 =	vld [tilespmem:$0x1EFF0];
	v3 =	vadd.f32 v34, v3;
	v0 =	vadd.f32 v41, v0  }
0x1e4: {  	v48 =	vld [tilespmem:$0x9300];
	v1 =	vadd.f32 v40, v1;
	v2 =	vadd.f32 v43, v2  }
0x1e5: {  	v35 =	vld [tilespmem:$0x93D0];
	v3 =	vadd.f32 v38, v3;
	v0 =	vadd.f32 v45, v0  }
0x1e6: {  	v33 =	vld [tilespmem:$0x93E0];
	v1 =	vadd.f32 v44, v1;
	v2 =	vadd.f32 v5, v2  }
0x1e7: {  	v3 =	vadd.f32 v42, v3;
	v0 =	vadd.f32 v8, v0;
	v8 =	vld [tilespmem:$0x1F090]  }
0x1e8: {  	v1 =	vadd.f32 v6, v1;
	v2 =	vadd.f32 v9, v2;
	v9 =	vld [tilespmem:$0x1F0A0]  }
0x1e9: {  	v3 =	vadd.f32 v63, v3;
	v63 =	vld [tilespmem:$0x1F080]  }
0x1ea: {  	v1 =	vadd.f32 v10, v1;
	v10 =	vld [tilespmem:$0x1F0B0]  }
0x1eb: {  	v0 =	vadd.f32 v12, v0;
	v12 =	vld [tilespmem:$0x1F0D0]  }
0x1ec: {  	v2 =	vadd.f32 v13, v2;
	v13 =	vld [tilespmem:$0x1F0E0];
	v3 =	vadd.f32 v7, v3  }
0x1ed: {  	v1 =	vadd.f32 v14, v1;
	v14 =	vld [tilespmem:$0x1F0F0]  }
0x1ee: {  	v0 =	vadd.f32 v16, v0;
	v16 =	vld [tilespmem:$0x1F110];
	v3 =	vadd.f32 v11, v3  }
0x1ef: {  	v2 =	vadd.f32 v17, v2;
	v17 =	vld [tilespmem:$0x1F120];
	v1 =	vadd.f32 v18, v1  }
0x1f0: {  	v0 =	vadd.f32 v20, v0;
	v20 =	vld [tilespmem:$0x1F000];
	v3 =	vadd.f32 v15, v3  }
0x1f1: {  	v2 =	vadd.f32 v21, v2;
	v21 =	vld [tilespmem:$0x1F010]  }
0x1f2: {  	v1 =	vadd.f32 v22, v1;
	v22 =	vld [tilespmem:$0x1F020];
	v3 =	vadd.f32 v19, v3  }
0x1f3: {  	v0 =	vadd.f32 v24, v0;
	v24 =	vld [tilespmem:$0x1F040]  }
0x1f4: {  	v1 =	vadd.f32 v26, v1;
	v3 =	vadd.f32 v23, v3;
	v23 =	vld [tilespmem:$0x1F030]  }
0x1f5: {  	v2 =	vadd.f32 v25, v2;
	v0 =	vadd.f32 v28, v0;
	v26 =	vld [tilespmem:$0x1F060]  }
0x1f6: {  	v1 =	vadd.f32 v30, v1;
	v3 =	vadd.f32 v27, v3;
	v27 =	vld [tilespmem:$0x1F070]  }
0x1f7: {  	v25 =	vld [tilespmem:$0x1F050];
	v0 =	vadd.f32 v31, v0  }
0x1f8: {  	v11 =	vld [tilespmem:$0x1F0C0];
	v2 =	vadd.f32 v29, v2;
	v1 =	vadd.f32 v22, v1  }
0x1f9: {  	v18 =	vld [tilespmem:$0x1F130];
	v3 =	vadd.f32 v20, v3;
	v0 =	vadd.f32 v23, v0  }
0x1fa: {  	v15 =	vld [tilespmem:$0x1F100];
	v2 =	vadd.f32 v21, v2;
	v1 =	vadd.f32 v26, v1  }
0x1fb: {  	v19 =	vld [tilespmem:$0x1F140];
	v3 =	vadd.f32 v24, v3;
	v0 =	vadd.f32 v27, v0  }
0x1fc: {  	v2 =	vadd.f32 v25, v2;
	v20 =	vld [tilespmem:$0x1F150];
	v1 =	vadd.f32 v9, v1  }
0x1fd: {  	v3 =	vadd.f32 v63, v3;
	v63 =	vld [tilespmem:$0x1F160];
	v0 =	vadd.f32 v10, v0  }
0x1fe: {  	v2 =	vadd.f32 v8, v2;
	v8 =	vld [tilespmem:$0x1F170];
	v1 =	vadd.f32 v13, v1  }
0x1ff: {  	v9 =	vld [tilespmem:$0x1F180];
	v3 =	vadd.f32 v11, v3;
	v0 =	vadd.f32 v14, v0  }
0x200: {  	v2 =	vadd.f32 v12, v2;
	v12 =	vld [tilespmem:$0x1F1B0];
	v1 =	vadd.f32 v17, v1  }
0x201: {  	v10 =	vld [tilespmem:$0x1F190];
	v3 =	vadd.f32 v15, v3;
	v0 =	vadd.f32 v18, v0  }
0x202: {  	v2 =	vadd.f32 v16, v2;
	v1 =	vadd.f32 v63, v1;
	v63 =	vld [tilespmem:$0x1F1F0]  }
0x203: {  	v14 =	vld [tilespmem:$0x1F1D0];
	v3 =	vadd.f32 v19, v3;
	v0 =	vadd.f32 v8, v0  }
0x204: {  	v11 =	vld [tilespmem:$0x1F1A0];
	v2 =	vadd.f32 v20, v2  }
0x205: {  	v3 =	vadd.f32 v9, v3;
	v9 =	vld [tilespmem:$0x1F210];
	v0 =	vadd.f32 v12, v0  }
0x206: {  	v15 =	vld [tilespmem:$0x1F1E0];
	v2 =	vadd.f32 v10, v2  }
0x207: {  	v0 =	vadd.f32 v63, v0;
	v63 =	vld [tilespmem:$0x1F250]  }
0x208: {  	v13 =	vld [tilespmem:$0x1F1C0];
	v2 =	vadd.f32 v14, v2  }
0x209: {  	v10 =	vld [tilespmem:$0x1F220]  }
0x20a: {  	v1 =	vadd.f32 v11, v1;
	v8 =	vld [tilespmem:$0x1F200];
	v2 =	vadd.f32 v9, v2  }
0x20b: {  	v32 =	vld [tilespmem:$0x9400]  }
0x20c: {  	v1 =	vadd.f32 v15, v1;
	v2 =	vadd.f32 v63, v2;
	v63 =	vld [tilespmem:$0x1F290]  }
0x20d: {  	v12 =	vld [tilespmem:$0x1F240];
	v3 =	vadd.f32 v13, v3  }
0x20e: {  	v1 =	vadd.f32 v10, v1;
	v10 =	vld [tilespmem:$0x1F280]  }
0x20f: {  	v3 =	vadd.f32 v8, v3;
	v8 =	vld [tilespmem:$0x1F260]  }
0x210: {  	v52 =	vld [tilespmem:$0x92C0]  }
0x211: {  	v2 =	vadd.f32 v63, v2;
	v63 =	vld [tilespmem:$0x1F2C0]  }
0x212: {  	v11 =	vld [tilespmem:$0x1F230];
	v3 =	vadd.f32 v12, v3  }
0x213: {  	v9 =	vld [tilespmem:$0x1F270]  }
0x214: {  	v3 =	vadd.f32 v10, v3;
	v1 =	vadd.f32 v8, v1;
	v8 =	vld [tilespmem:$0x1F2A0]  }
0x215: {  	v39 =	vld [tilespmem:$0x9390]  }
0x216: {  	v3 =	vadd.f32 v63, v3;
	v63 =	vld [tilespmem:$0x1F2E0]  }
0x217: {  	v37 =	vld [tilespmem:$0x93B0];
	v0 =	vadd.f32 v11, v0  }
0x218: {  	v36 =	vld [tilespmem:$0x93C0]  }
0x219: {  	v0 =	vadd.f32 v9, v0;
	v9 =	vld [tilespmem:$0x1F2B0];
	v1 =	vadd.f32 v8, v1  }
0x21a: {  	v34 =	vld [tilespmem:$0x93F0]  }
0x21b: {  	v1 =	vadd.f32 v63, v1;
	v63 =	vld [tilespmem:$0x1F2F0]  }
0x21c: {  	v43 =	vld [tilespmem:$0x9350]  }
0x21d: {  	v41 =	vld [tilespmem:$0x9370]  }
0x21e: {  	v40 =	vld [tilespmem:$0x9380];
	v0 =	vadd.f32 v9, v0  }
0x21f: {  	v38 =	vld [tilespmem:$0x93A0]  }
0x220: {  	v0 =	vadd.f32 v63, v0;
	v63 =	vld [tilespmem:$0x1F300]  }
0x221: {  	v45 =	vld [tilespmem:$0x9330]  }
0x222: {  	v44 =	vld [tilespmem:$0x9340]  }
0x223: {  	v8 =	vld [tilespmem:$0x1F2D0]  }
0x224: {  	v5 =	vld [tilespmem:$0x95B0]  }
0x225: {  	v3 =	vadd.f32 v63, v3;
	v63 =	vld [tilespmem:$0x1F310]  }
0x226: {  	v42 =	vld [tilespmem:$0x9360]  }
0x227: {  	v6 =	vld [tilespmem:$0x95A0]  }
0x228: {  	v7 =	vld [tilespmem:$0x9590];
	v2 =	vadd.f32 v8, v2  }
0x229: {  	v29 =	vld [tilespmem:$0x9430]  }
0x22a: {  	v2 =	vadd.f32 v63, v2;
	v63 =	vld [tilespmem:$0x1F320]  }
0x22b: {  	v28 =	vld [tilespmem:$0x9440]  }
0x22c: {  	v31 =	vld [tilespmem:$0x9410]  }
0x22d: {  	v30 =	vld [tilespmem:$0x9420]  }
0x22e: {  	v21 =	vld [tilespmem:$0x94B0]  }
0x22f: {  	v1 =	vadd.f32 v63, v1;
	v63 =	vld [tilespmem:$0x1F330]  }
0x230: {  	v25 =	vld [tilespmem:$0x9470]  }
0x231: {  	v22 =	vld [tilespmem:$0x94A0]  }
0x232: {  	v26 =	vld [tilespmem:$0x9460]  }
0x233: {  	v23 =	vld [tilespmem:$0x9490]  }
0x234: {  	v0 =	vadd.f32 v63, v0;
	v63 =	vld [tilespmem:$0x1F340]  }
0x235: {  	v24 =	vld [tilespmem:$0x9480]  }
0x236: {  	v27 =	vld [tilespmem:$0x9450]  }
0x237: {  	v16 =	vld [tilespmem:$0x9500]  }
0x238: {  	v20 =	vld [tilespmem:$0x94C0]  }
0x239: {  	v3 =	vadd.f32 v63, v3;
	v63 =	vld [tilespmem:$0x1F350]  }
0x23a: {  	v17 =	vld [tilespmem:$0x94F0]  }
0x23b: {  	v18 =	vld [tilespmem:$0x94E0]  }
0x23c: {  	v19 =	vld [tilespmem:$0x94D0]  }
0x23d: {  	v14 =	vld [tilespmem:$0x9520]  }
0x23e: {  	v2 =	vadd.f32 v63, v2;
	v63 =	vld [tilespmem:$0x1F360]  }
0x23f: {  	v15 =	vld [tilespmem:$0x9510]  }
0x240: {  	v13 =	vld [tilespmem:$0x9530]  }
0x241: {  	v11 =	vld [tilespmem:$0x9550];
	v0 =	vadd.f32 v62, v0  }
0x242: {  	v12 =	vld [tilespmem:$0x9540]  }
0x243: {  	v0 =	vadd.f32 v60, v0;
	v1 =	vadd.f32 v63, v1;
	v63 =	vld [tilespmem:$0x1F370]  }
0x244: {  	v10 =	vld [tilespmem:$0x9560]  }
0x245: {  	v9 =	vld [tilespmem:$0x9570];
	v0 =	vadd.f32 v54, v0  }
0x246: {  	v8 =	vld [tilespmem:$0x9580]  }
0x247: {  	v62 =	vld [tilespmem:$0x95D0];
	v0 =	vadd.f32 v50, v0  }
0x248: {  	v60 =	vld [tilespmem:$0x9730];
	v2 =	vadd.f32 v57, v2;
	v3 =	vadd.f32 v63, v3  }
0x249: {  	v54 =	vld [tilespmem:$0x9610];
	v0 =	vadd.f32 v46, v0;
	v1 =	vadd.f32 v58, v1  }
0x24a: {  	v50 =	vld [tilespmem:$0x9630];
	v2 =	vadd.f32 v61, v2;
	v3 =	vadd.f32 v59, v3  }
0x24b: {  	v46 =	vld [tilespmem:$0x9650];
	v0 =	vadd.f32 v42, v0;
	v1 =	vadd.f32 v56, v1  }
0x24c: {  	v57 =	vld [tilespmem:$0x95E0];
	v2 =	vadd.f32 v53, v2;
	v3 =	vadd.f32 v55, v3  }
0x24d: {  	v42 =	vld [tilespmem:$0x9670];
	v0 =	vadd.f32 v38, v0;
	v1 =	vadd.f32 v52, v1  }
0x24e: {  	v38 =	vld [tilespmem:$0x9690];
	v2 =	vadd.f32 v49, v2;
	v3 =	vadd.f32 v51, v3  }
0x24f: {  	v61 =	vld [tilespmem:$0x9740];
	v1 =	vadd.f32 v48, v1  }
0x250: {  	v53 =	vld [tilespmem:$0x9620];
	v2 =	vadd.f32 v45, v2;
	v3 =	vadd.f32 v47, v3  }
0x251: {  	v0 =	vadd.f32 v33, v0;
	v33 =	vld [tilespmem:$0x96B0];
	v1 =	vadd.f32 v44, v1  }
0x252: {  	v58 =	vld [tilespmem:$0x95F0];
	v2 =	vadd.f32 v41, v2;
	v3 =	vadd.f32 v43, v3  }
0x253: {  	v49 =	vld [tilespmem:$0x9640];
	v0 =	vadd.f32 v30, v0;
	v1 =	vadd.f32 v40, v1  }
0x254: {  	v30 =	vld [tilespmem:$0x96D0];
	v2 =	vadd.f32 v37, v2;
	v3 =	vadd.f32 v39, v3  }
0x255: {  	v56 =	vld [tilespmem:$0x9720];
	v1 =	vadd.f32 v36, v1  }
0x256: {  	v45 =	vld [tilespmem:$0x9660];
	v2 =	vadd.f32 v34, v2;
	v3 =	vadd.f32 v35, v3  }
0x257: {  	v63 =	vld [tilespmem:$0x9750];
	v1 =	vadd.f32 v32, v1  }
0x258: {  	v52 =	vld [tilespmem:$0x9700];
	v2 =	vadd.f32 v29, v2;
	v3 =	vadd.f32 v31, v3  }
0x259: {  	v0 =	vadd.f32 v26, v0;
	v59 =	vld [tilespmem:$0x9600];
	v1 =	vadd.f32 v28, v1  }
0x25a: {  	v41 =	vld [tilespmem:$0x9680];
	v2 =	vadd.f32 v25, v2;
	v3 =	vadd.f32 v27, v3  }
0x25b: {  	v0 =	vadd.f32 v22, v0;
	v48 =	vld [tilespmem:$0x96E0];
	v1 =	vadd.f32 v24, v1  }
0x25c: {  	v37 =	vld [tilespmem:$0x96A0];
	v2 =	vadd.f32 v21, v2;
	v3 =	vadd.f32 v23, v3  }
0x25d: {  	v55 =	vld [tilespmem:$0x9710];
	v0 =	vadd.f32 v18, v0;
	v1 =	vadd.f32 v20, v1  }
0x25e: {  	v44 =	vld [tilespmem:$0x9800];
	v2 =	vadd.f32 v17, v2;
	v3 =	vadd.f32 v19, v3  }
0x25f: {  	v51 =	vld [tilespmem:$0x96F0];
	v0 =	vadd.f32 v14, v0;
	v1 =	vadd.f32 v16, v1  }
0x260: {  	v40 =	vld [tilespmem:$0x97E0];
	v2 =	vadd.f32 v13, v2;
	v3 =	vadd.f32 v15, v3  }
0x261: {  	v47 =	vld [tilespmem:$0x96C0];
	v0 =	vadd.f32 v10, v0;
	v1 =	vadd.f32 v12, v1  }
0x262: {  	v36 =	vld [tilespmem:$0x97C0];
	v2 =	vadd.f32 v9, v2;
	v3 =	vadd.f32 v11, v3  }
0x263: {  	v0 =	vadd.f32 v6, v0;
	v43 =	vld [tilespmem:$0x97F0];
	v1 =	vadd.f32 v8, v1  }
0x264: {  	v32 =	vld [tilespmem:$0x97A0];
	v2 =	vadd.f32 v5, v2;
	v3 =	vadd.f32 v7, v3  }
0x265: {  	v0 =	vadd.f32 v57, v0;
	v39 =	vld [tilespmem:$0x97D0];
	v1 =	vadd.f32 v4, v1  }
0x266: {  	v57 =	vld [tilespmem:$0x98D0];
	v2 =	vadd.f32 v58, v2;
	v3 =	vadd.f32 v62, v3  }
0x267: {  	v28 =	vld [tilespmem:$0x9780];
	v0 =	vadd.f32 v53, v0;
	v1 =	vadd.f32 v59, v1  }
0x268: {  	v35 =	vld [tilespmem:$0x97B0];
	v2 =	vadd.f32 v50, v2;
	v3 =	vadd.f32 v54, v3  }
0x269: {  	v53 =	vld [tilespmem:$0x9890];
	v0 =	vadd.f32 v45, v0;
	v1 =	vadd.f32 v49, v1  }
0x26a: {  	v24 =	vld [tilespmem:$0x9760];
	v2 =	vadd.f32 v42, v2;
	v3 =	vadd.f32 v46, v3  }
0x26b: {  	v31 =	vld [tilespmem:$0x9790];
	v0 =	vadd.f32 v37, v0;
	v1 =	vadd.f32 v41, v1  }
0x26c: {  	v45 =	vld [tilespmem:$0x9810];
	v2 =	vadd.f32 v33, v2;
	v3 =	vadd.f32 v38, v3  }
0x26d: {  	v27 =	vld [tilespmem:$0x9770];
	v0 =	vadd.f32 v48, v0;
	v1 =	vadd.f32 v47, v1  }
0x26e: {  	v48 =	vld [tilespmem:$0x9840];
	v2 =	vadd.f32 v51, v2;
	v3 =	vadd.f32 v30, v3  }
0x26f: {  	v0 =	vadd.f32 v56, v0;
	v56 =	vld [tilespmem:$0x98C0];
	v1 =	vadd.f32 v52, v1  }
0x270: {  	v50 =	vld [tilespmem:$0x9860];
	v2 =	vadd.f32 v60, v2;
	v3 =	vadd.f32 v55, v3  }
0x271: {  	v0 =	vadd.f32 v24, v0;
	v49 =	vld [tilespmem:$0x9850];
	v1 =	vadd.f32 v61, v1  }
0x272: {  	v46 =	vld [tilespmem:$0x9820];
	v2 =	vadd.f32 v27, v2;
	v3 =	vadd.f32 v63, v3  }
0x273: {  	v0 =	vadd.f32 v32, v0;
	v47 =	vld [tilespmem:$0x9830];
	v1 =	vadd.f32 v28, v1  }
0x274: {  	v51 =	vld [tilespmem:$0x9870];
	v2 =	vadd.f32 v35, v2;
	v3 =	vadd.f32 v31, v3  }
0x275: {  	v0 =	vadd.f32 v40, v0;
	v54 =	vld [tilespmem:$0x98A0];
	v1 =	vadd.f32 v36, v1  }
0x276: {  	v52 =	vld [tilespmem:$0x9880];
	v2 =	vadd.f32 v43, v2;
	v3 =	vadd.f32 v39, v3  }
0x277: {  	v0 =	vadd.f32 v46, v0;
	v55 =	vld [tilespmem:$0x98B0];
	v1 =	vadd.f32 v44, v1  }
0x278: {  	v58 =	vld [tilespmem:$0x98E0];
	v2 =	vadd.f32 v47, v2;
	v3 =	vadd.f32 v45, v3  }
0x279: {  	v59 =	vld [tilespmem:$0x98F0];
	v0 =	vadd.f32 v50, v0;
	v1 =	vadd.f32 v48, v1  }
0x27a: {  	v2 =	vadd.f32 v51, v2;
	v3 =	vadd.f32 v49, v3  }
0x27b: {  	v0 =	vadd.f32 v54, v0;
	v1 =	vadd.f32 v52, v1  }
0x27c: {  	v2 =	vadd.f32 v55, v2;
	v3 =	vadd.f32 v53, v3  }
0x27d: {  	s24 =	smin.u32 s23, $0x7D;
	v0 =	vadd.f32 v58, v0;
	v1 =	vadd.f32 v56, v1  }
0x27e: {  	s24 =	sadd.s32 $0x2, s24;
	v2 =	vadd.f32 v59, v2;
	v3 =	vadd.f32 v57, v3  }
0x27f: {  	s25 =	sshrl.u32 s24, $0x3;
	v0 =	vadd.f32 v0, v1  }
0x280: {  	s24 =	sshll.u32 s24, $0x7;
	s26 =	sshll.u32 s25, $0xA;
	v60 =	vadd.f32 v2, v3  }
0x281: {  	s25 =	sshll.u32 s25, $0xB;
	s24 =	ssub.s32 s24, s26;
	[tilespmem:s22+$0xFFFFFFE0] =	vst v0  }
0x282: {  	s24 =	sadd.s32 s24, s25;
	[tilespmem:s22+$0xFFFFFFF0] =	vst v60  }
0x283: {  	[tilespmem:s9], [sflag:$0x1] =	stream.indirect.gather [hbm4b:s3+s8], $0x20, s24, s8, $0xb8;
	[tilespmem:$0xC200] =	vst v63  }
0x284: {  	s24 =	sadd.s32 $0x400, s24  }
0x285: {  	[tilespmem:s12], [sflag:$0x2] =	stream.indirect.gather [hbm4b:s3+s10], $0x20, s24, s10, $0xb8;
	[tilespmem:$0xC200] =	vst v63  }
0x286: {  	_ =	swait.ge [sflag:s18], $0x1000  }
0x287: {  	[sflag:s18] =	ssyncset.done $0x0  }
0x288: {  	[sflag:s18] =	ssyncadd.s32 $0xFFFFF000  }
0x289: {  	_ =	swait.ge [sflag:s19], $0x900  }
0x28a: {  	[sflag:s19] =	ssyncset.done $0x0  }
0x28b: {  	[sflag:s19] =	ssyncadd.s32 $0xFFFFF700  }
0x28c: {  	v60 =	vld [tilespmem:$0x9CF0];
	_ =	sdelay $0x4  }
0x28d: {  	[tilespmem:$0x1F390] =	vst v60;
	v60 =	vld [tilespmem:$0x9D00];
	_ =	sdelay $0x4  }
0x28e: {  	[tilespmem:$0x1F3A0] =	vst v60;
	v60 =	vld [tilespmem:$0x9D10];
	_ =	sdelay $0x4  }
0x28f: {  	[tilespmem:$0x1F3B0] =	vst v60;
	v60 =	vld [tilespmem:$0x9D30];
	_ =	sdelay $0x4  }
0x290: {  	[tilespmem:$0x1F3C0] =	vst v60;
	v60 =	vld [tilespmem:$0x9D40];
	_ =	sdelay $0x4  }
0x291: {  	[tilespmem:$0x1F3D0] =	vst v60;
	v60 =	vld [tilespmem:$0x9D50];
	_ =	sdelay $0x4  }
0x292: {  	[tilespmem:$0x1F3F0] =	vst v60;
	v60 =	vld [tilespmem:$0x9D60];
	_ =	sdelay $0x4  }
0x293: {  	[tilespmem:$0x1F3E0] =	vst v60;
	v60 =	vld [tilespmem:$0x9D70];
	_ =	sdelay $0x4  }
0x294: {  	[tilespmem:$0x1F400] =	vst v60;
	v60 =	vld [tilespmem:$0x9D80];
	_ =	sdelay $0x4  }
0x295: {  	[tilespmem:$0x1F410] =	vst v60;
	v60 =	vld [tilespmem:$0x9D90];
	_ =	sdelay $0x4  }
0x296: {  	[tilespmem:$0x1F430] =	vst v60;
	v60 =	vld [tilespmem:$0x9DA0];
	_ =	sdelay $0x4  }
0x297: {  	[tilespmem:$0x1F420] =	vst v60;
	v60 =	vld [tilespmem:$0x9DB0];
	_ =	sdelay $0x4  }
0x298: {  	[tilespmem:$0x1F440] =	vst v60;
	v60 =	vld [tilespmem:$0x9DC0];
	_ =	sdelay $0x4  }
0x299: {  	[tilespmem:$0x1F450] =	vst v60;
	v60 =	vld [tilespmem:$0x9DD0];
	_ =	sdelay $0x4  }
0x29a: {  	[tilespmem:$0x1F470] =	vst v60;
	v60 =	vld [tilespmem:$0x9DE0];
	_ =	sdelay $0x4  }
0x29b: {  	[tilespmem:$0x1F460] =	vst v60;
	v60 =	vld [tilespmem:$0x9DF0];
	_ =	sdelay $0x4  }
0x29c: {  	[tilespmem:$0x1F480] =	vst v60;
	v60 =	vld [tilespmem:$0x9E00];
	_ =	sdelay $0x4  }
0x29d: {  	[tilespmem:$0x1F490] =	vst v60;
	v60 =	vld [tilespmem:$0x9E10];
	_ =	sdelay $0x4  }
0x29e: {  	[tilespmem:$0x1F4B0] =	vst v60;
	v60 =	vld [tilespmem:$0x9E20];
	_ =	sdelay $0x4  }
0x29f: {  	[tilespmem:$0x1F4A0] =	vst v60;
	v60 =	vld [tilespmem:$0x9E30];
	_ =	sdelay $0x4  }
0x2a0: {  	[tilespmem:$0x1F4C0] =	vst v60;
	v60 =	vld [tilespmem:$0x9E40];
	_ =	sdelay $0x4  }
0x2a1: {  	[tilespmem:$0x1F4D0] =	vst v60;
	v60 =	vld [tilespmem:$0x9E50];
	_ =	sdelay $0x4  }
0x2a2: {  	[tilespmem:$0x1F4F0] =	vst v60;
	v60 =	vld [tilespmem:$0x9E60];
	_ =	sdelay $0x4  }
0x2a3: {  	[tilespmem:$0x1F4E0] =	vst v60;
	v60 =	vld [tilespmem:$0x9E70];
	_ =	sdelay $0x4  }
0x2a4: {  	[tilespmem:$0x1F500] =	vst v60;
	v60 =	vld [tilespmem:$0x9E80];
	_ =	sdelay $0x4  }
0x2a5: {  	[tilespmem:$0x1F510] =	vst v60;
	v60 =	vld [tilespmem:$0x9E90];
	_ =	sdelay $0x4  }
0x2a6: {  	[tilespmem:$0x1F530] =	vst v60;
	v60 =	vld [tilespmem:$0x9EA0];
	_ =	sdelay $0x4  }
0x2a7: {  	[tilespmem:$0x1F520] =	vst v60;
	v60 =	vld [tilespmem:$0x9EB0];
	_ =	sdelay $0x4  }
0x2a8: {  	[tilespmem:$0x1F540] =	vst v60;
	v60 =	vld [tilespmem:$0x9EC0];
	_ =	sdelay $0x4  }
0x2a9: {  	[tilespmem:$0x1F550] =	vst v60;
	v60 =	vld [tilespmem:$0x9ED0];
	_ =	sdelay $0x4  }
0x2aa: {  	[tilespmem:$0x1F570] =	vst v60;
	v60 =	vld [tilespmem:$0x9EE0];
	_ =	sdelay $0x4  }
0x2ab: {  	[tilespmem:$0x1F560] =	vst v60;
	v60 =	vld [tilespmem:$0x9EF0];
	_ =	sdelay $0x4  }
0x2ac: {  	[tilespmem:$0x1F580] =	vst v60;
	v60 =	vld [tilespmem:$0x9F00];
	_ =	sdelay $0x4  }
0x2ad: {  	[tilespmem:$0x1F590] =	vst v60;
	v60 =	vld [tilespmem:$0x9F10];
	_ =	sdelay $0x4  }
0x2ae: {  	[tilespmem:$0x1F5B0] =	vst v60;
	v60 =	vld [tilespmem:$0x9F20];
	_ =	sdelay $0x4  }
0x2af: {  	[tilespmem:$0x1F5A0] =	vst v60;
	v60 =	vld [tilespmem:$0x9F30];
	_ =	sdelay $0x4  }
0x2b0: {  	[tilespmem:$0x1F5C0] =	vst v60;
	v60 =	vld [tilespmem:$0x9F40];
	_ =	sdelay $0x4  }
0x2b1: {  	[tilespmem:$0x1F5D0] =	vst v60;
	v60 =	vld [tilespmem:$0x9F50];
	_ =	sdelay $0x4  }
0x2b2: {  	[tilespmem:$0x1F5F0] =	vst v60;
	v60 =	vld [tilespmem:$0x9F60];
	_ =	sdelay $0x4  }
0x2b3: {  	[tilespmem:$0x1F5E0] =	vst v60;
	v60 =	vld [tilespmem:$0x9F70];
	_ =	sdelay $0x4  }
0x2b4: {  	[tilespmem:$0x1F600] =	vst v60;
	v60 =	vld [tilespmem:$0x9F80];
	_ =	sdelay $0x4  }
0x2b5: {  	[tilespmem:$0x1F610] =	vst v60;
	v60 =	vld [tilespmem:$0x9F90];
	_ =	sdelay $0x4  }
0x2b6: {  	[tilespmem:$0x1F630] =	vst v60;
	v60 =	vld [tilespmem:$0x9FA0];
	_ =	sdelay $0x4  }
0x2b7: {  	[tilespmem:$0x1F620] =	vst v60;
	v60 =	vld [tilespmem:$0x9FB0];
	_ =	sdelay $0x4  }
0x2b8: {  	[tilespmem:$0x1F640] =	vst v60;
	v60 =	vld [tilespmem:$0x9FC0];
	_ =	sdelay $0x4  }
0x2b9: {  	[tilespmem:$0x1F650] =	vst v60;
	v60 =	vld [tilespmem:$0x9FD0];
	_ =	sdelay $0x4  }
0x2ba: {  	[tilespmem:$0x1F670] =	vst v60;
	v60 =	vld [tilespmem:$0x9FE0];
	_ =	sdelay $0x4  }
0x2bb: {  	[tilespmem:$0x1F660] =	vst v60;
	v60 =	vld [tilespmem:$0x9FF0];
	_ =	sdelay $0x4  }
0x2bc: {  	[tilespmem:$0x1F680] =	vst v60;
	v60 =	vld [tilespmem:$0xA000];
	_ =	sdelay $0x4  }
0x2bd: {  	[tilespmem:$0x1F690] =	vst v60;
	v60 =	vld [tilespmem:$0xA010];
	_ =	sdelay $0x4  }
0x2be: {  	[tilespmem:$0x1F6B0] =	vst v60;
	v60 =	vld [tilespmem:$0xA020];
	_ =	sdelay $0x4  }
0x2bf: {  	[tilespmem:$0x1F6A0] =	vst v60;
	v60 =	vld [tilespmem:$0xA030];
	_ =	sdelay $0x4  }
0x2c0: {  	[tilespmem:$0x1F6C0] =	vst v60;
	v60 =	vld [tilespmem:$0xA040];
	_ =	sdelay $0x4  }
0x2c1: {  	[tilespmem:$0x1F6D0] =	vst v60;
	v60 =	vld [tilespmem:$0xA050];
	_ =	sdelay $0x4  }
0x2c2: {  	[tilespmem:$0x1F6F0] =	vst v60;
	v60 =	vld [tilespmem:$0xA060];
	_ =	sdelay $0x4  }
0x2c3: {  	[tilespmem:$0x1F6E0] =	vst v60;
	v60 =	vld [tilespmem:$0xA070];
	_ =	sdelay $0x4  }
0x2c4: {  	[tilespmem:$0x1F700] =	vst v60;
	v60 =	vld [tilespmem:$0xA080];
	_ =	sdelay $0x4  }
0x2c5: {  	[tilespmem:$0x1F710] =	vst v60;
	v60 =	vld [tilespmem:$0xA090];
	_ =	sdelay $0x4  }
0x2c6: {  	[tilespmem:$0x1F730] =	vst v60;
	v60 =	vld [tilespmem:$0xA0A0];
	_ =	sdelay $0x4  }
0x2c7: {  	[tilespmem:$0x1F720] =	vst v60;
	v60 =	vld [tilespmem:$0xA0B0];
	_ =	sdelay $0x4  }
0x2c8: {  	[tilespmem:$0x1F740] =	vst v60;
	v60 =	vld [tilespmem:$0xA0C0];
	_ =	sdelay $0x4  }
0x2c9: {  	[tilespmem:$0x1F750] =	vst v60;
	v60 =	vld [tilespmem:$0xA0D0];
	_ =	sdelay $0x4  }
0x2ca: {  	[tilespmem:$0x1F770] =	vst v60;
	v60 =	vld [tilespmem:$0xA0E0];
	_ =	sdelay $0x4  }
0x2cb: {  	[tilespmem:$0x1F760] =	vst v60;
	v60 =	vld [tilespmem:$0xA0F0];
	_ =	sdelay $0x4  }
0x2cc: {  	[tilespmem:$0x1F780] =	vst v60;
	v60 =	vld [tilespmem:$0xA100];
	_ =	sdelay $0x4  }
0x2cd: {  	[tilespmem:$0x1F790] =	vst v60;
	v60 =	vld [tilespmem:$0xA110];
	_ =	sdelay $0x4  }
0x2ce: {  	[tilespmem:$0x1F7B0] =	vst v60;
	v60 =	vld [tilespmem:$0xA120];
	_ =	sdelay $0x4  }
0x2cf: {  	[tilespmem:$0x1F7A0] =	vst v60;
	v60 =	vld [tilespmem:$0xA130];
	_ =	sdelay $0x4  }
0x2d0: {  	[tilespmem:$0x1F7C0] =	vst v60;
	v60 =	vld [tilespmem:$0xA140];
	_ =	sdelay $0x4  }
0x2d1: {  	[tilespmem:$0x1F7D0] =	vst v60;
	v60 =	vld [tilespmem:$0xA150];
	_ =	sdelay $0x4  }
0x2d2: {  	[tilespmem:$0x1F7F0] =	vst v60;
	v60 =	vld [tilespmem:$0xA160];
	_ =	sdelay $0x4  }
0x2d3: {  	[tilespmem:$0x1F7E0] =	vst v60;
	v60 =	vld [tilespmem:$0xA170];
	_ =	sdelay $0x4  }
0x2d4: {  	[tilespmem:$0x1F800] =	vst v60;
	v60 =	vld [tilespmem:$0xA180];
	_ =	sdelay $0x4  }
0x2d5: {  	[tilespmem:$0x1F810] =	vst v60;
	v60 =	vld [tilespmem:$0xA190];
	_ =	sdelay $0x4  }
0x2d6: {  	[tilespmem:$0x1F830] =	vst v60;
	v60 =	vld [tilespmem:$0xA1A0];
	_ =	sdelay $0x4  }
0x2d7: {  	[tilespmem:$0x1F820] =	vst v60;
	v60 =	vld [tilespmem:$0xA1B0];
	_ =	sdelay $0x4  }
0x2d8: {  	[tilespmem:$0x1F840] =	vst v60;
	v60 =	vld [tilespmem:$0xA1C0];
	_ =	sdelay $0x4  }
0x2d9: {  	[tilespmem:$0x1F850] =	vst v60;
	v60 =	vld [tilespmem:$0xA1D0];
	_ =	sdelay $0x4  }
0x2da: {  	[tilespmem:$0x1F870] =	vst v60;
	v60 =	vld [tilespmem:$0xA1E0];
	_ =	sdelay $0x4  }
0x2db: {  	[tilespmem:$0x1F860] =	vst v60;
	v60 =	vld [tilespmem:$0xA1F0];
	_ =	sdelay $0x4  }
0x2dc: {  	[tilespmem:$0x1F880] =	vst v60;
	v60 =	vld [tilespmem:$0xA200];
	_ =	sdelay $0x4  }
0x2dd: {  	[tilespmem:$0x1F890] =	vst v60;
	v60 =	vld [tilespmem:$0xA210];
	_ =	sdelay $0x4  }
0x2de: {  	[tilespmem:$0x1F8B0] =	vst v60;
	v60 =	vld [tilespmem:$0xA220];
	_ =	sdelay $0x4  }
0x2df: {  	[tilespmem:$0x1F8A0] =	vst v60;
	v60 =	vld [tilespmem:$0xA230];
	_ =	sdelay $0x4  }
0x2e0: {  	[tilespmem:$0x1F8C0] =	vst v60;
	v60 =	vld [tilespmem:$0xA240];
	_ =	sdelay $0x4  }
0x2e1: {  	[tilespmem:$0x1F8D0] =	vst v60;
	v60 =	vld [tilespmem:$0xA250];
	_ =	sdelay $0x4  }
0x2e2: {  	[tilespmem:$0x1F8F0] =	vst v60;
	v60 =	vld [tilespmem:$0xA260];
	_ =	sdelay $0x4  }
0x2e3: {  	[tilespmem:$0x1F8E0] =	vst v60;
	v60 =	vld [tilespmem:$0xA270];
	_ =	sdelay $0x4  }
0x2e4: {  	[tilespmem:$0x1F900] =	vst v60;
	v60 =	vld [tilespmem:$0xA280];
	_ =	sdelay $0x4  }
0x2e5: {  	[tilespmem:$0x1F910] =	vst v60;
	v60 =	vld [tilespmem:$0xA290];
	_ =	sdelay $0x4  }
0x2e6: {  	[tilespmem:$0x1F930] =	vst v60;
	v60 =	vld [tilespmem:$0xA2A0];
	_ =	sdelay $0x4  }
0x2e7: {  	[tilespmem:$0x1F920] =	vst v60;
	v60 =	vld [tilespmem:$0xA2B0];
	_ =	sdelay $0x4  }
0x2e8: {  	[tilespmem:$0x1F940] =	vst v60;
	v60 =	vld [tilespmem:$0xA2C0];
	_ =	sdelay $0x4  }
0x2e9: {  	[tilespmem:$0x1F950] =	vst v60;
	v60 =	vld [tilespmem:$0xA2D0];
	_ =	sdelay $0x4  }
0x2ea: {  	[tilespmem:$0x1F970] =	vst v60;
	v60 =	vld [tilespmem:$0xA2E0];
	_ =	sdelay $0x4  }
0x2eb: {  	[tilespmem:$0x1F960] =	vst v60;
	v60 =	vld [tilespmem:$0xA2F0];
	_ =	sdelay $0x4  }
0x2ec: {  	[tilespmem:$0x1F980] =	vst v60;
	v60 =	vld [tilespmem:$0xA300];
	_ =	sdelay $0x4  }
0x2ed: {  	[tilespmem:$0x1F990] =	vst v60;
	v60 =	vld [tilespmem:$0xA310];
	_ =	sdelay $0x4  }
0x2ee: {  	[tilespmem:$0x1F9B0] =	vst v60;
	v60 =	vld [tilespmem:$0xA320];
	_ =	sdelay $0x4  }
0x2ef: {  	[tilespmem:$0x1F9A0] =	vst v60;
	v60 =	vld [tilespmem:$0xA330];
	_ =	sdelay $0x4  }
0x2f0: {  	[tilespmem:$0x1F9C0] =	vst v60;
	v60 =	vld [tilespmem:$0xA340];
	_ =	sdelay $0x4  }
0x2f1: {  	[tilespmem:$0x1F9D0] =	vst v60;
	v60 =	vld [tilespmem:$0xA350];
	_ =	sdelay $0x4  }
0x2f2: {  	[tilespmem:$0x1F9F0] =	vst v60;
	v60 =	vld [tilespmem:$0xA360];
	_ =	sdelay $0x4  }
0x2f3: {  	[tilespmem:$0x1F9E0] =	vst v60;
	v60 =	vld [tilespmem:$0xA370];
	_ =	sdelay $0x4  }
0x2f4: {  	[tilespmem:$0x1FA00] =	vst v60;
	v60 =	vld [tilespmem:$0xA380];
	_ =	sdelay $0x1  }
0x2f5: {  	v1 =	vld [tilespmem:$0x9900]  }
0x2f6: {  	v4 =	vld [tilespmem:$0x9910]  }
0x2f7: {  	v0 =	vld [tilespmem:$0x9920]  }
0x2f8: {  	[tilespmem:$0x1FA10] =	vst v60;
	v60 =	vld [tilespmem:$0xA390]  }
0x2f9: {  	v2 =	vld [tilespmem:$0x9930]  }
0x2fa: {  	v5 =	vld [tilespmem:$0x9940]  }
0x2fb: {  	v8 =	vld [tilespmem:$0x9950]  }
0x2fc: {  	v3 =	vld [tilespmem:$0x9960]  }
0x2fd: {  	[tilespmem:$0x1FA30] =	vst v60;
	v60 =	vld [tilespmem:$0xA3A0]  }
0x2fe: {  	v6 =	vld [tilespmem:$0x9970]  }
0x2ff: {  	v9 =	vld [tilespmem:$0x9980]  }
0x300: {  	v12 =	vld [tilespmem:$0x9990]  }
0x301: {  	v7 =	vld [tilespmem:$0x99A0]  }
0x302: {  	[tilespmem:$0x1FA20] =	vst v60;
	v60 =	vld [tilespmem:$0xA3B0]  }
0x303: {  	v10 =	vld [tilespmem:$0x99B0]  }
0x304: {  	v13 =	vld [tilespmem:$0x99C0]  }
0x305: {  	v16 =	vld [tilespmem:$0x99D0]  }
0x306: {  	v11 =	vld [tilespmem:$0x99E0]  }
0x307: {  	[tilespmem:$0x1FA40] =	vst v60;
	v60 =	vld [tilespmem:$0xA3C0]  }
0x308: {  	v14 =	vld [tilespmem:$0x99F0]  }
0x309: {  	v17 =	vld [tilespmem:$0x9A00]  }
0x30a: {  	v20 =	vld [tilespmem:$0x9A10]  }
0x30b: {  	v15 =	vld [tilespmem:$0x9A20]  }
0x30c: {  	[tilespmem:$0x1FA50] =	vst v60;
	v60 =	vld [tilespmem:$0xA3D0]  }
0x30d: {  	v18 =	vld [tilespmem:$0x9A30]  }
0x30e: {  	v21 =	vld [tilespmem:$0x9A40]  }
0x30f: {  	v24 =	vld [tilespmem:$0x9A50]  }
0x310: {  	v19 =	vld [tilespmem:$0x9A60]  }
0x311: {  	[tilespmem:$0x1FA70] =	vst v60;
	v60 =	vld [tilespmem:$0xA3E0]  }
0x312: {  	v22 =	vld [tilespmem:$0x9A70]  }
0x313: {  	v25 =	vld [tilespmem:$0x9A80]  }
0x314: {  	v28 =	vld [tilespmem:$0x9A90]  }
0x315: {  	v23 =	vld [tilespmem:$0x9AA0]  }
0x316: {  	[tilespmem:$0x1FA60] =	vst v60;
	v60 =	vld [tilespmem:$0xA3F0]  }
0x317: {  	v26 =	vld [tilespmem:$0x9AB0]  }
0x318: {  	v29 =	vld [tilespmem:$0x9AC0]  }
0x319: {  	v32 =	vld [tilespmem:$0x9AD0]  }
0x31a: {  	v27 =	vld [tilespmem:$0x9AE0]  }
0x31b: {  	[tilespmem:$0x1FA80] =	vst v60;
	v60 =	vld [tilespmem:$0xA400]  }
0x31c: {  	v30 =	vld [tilespmem:$0x9AF0]  }
0x31d: {  	v33 =	vld [tilespmem:$0x9B00]  }
0x31e: {  	v36 =	vld [tilespmem:$0x9B10]  }
0x31f: {  	v31 =	vld [tilespmem:$0x9B20]  }
0x320: {  	[tilespmem:$0x1FA90] =	vst v60;
	v60 =	vld [tilespmem:$0xA410]  }
0x321: {  	v34 =	vld [tilespmem:$0x9B30]  }
0x322: {  	v37 =	vld [tilespmem:$0x9B40]  }
0x323: {  	v40 =	vld [tilespmem:$0x9B50]  }
0x324: {  	v35 =	vld [tilespmem:$0x9B60]  }
0x325: {  	[tilespmem:$0x1FAB0] =	vst v60;
	v60 =	vld [tilespmem:$0xA420]  }
0x326: {  	v38 =	vld [tilespmem:$0x9B70]  }
0x327: {  	v41 =	vld [tilespmem:$0x9B80]  }
0x328: {  	v44 =	vld [tilespmem:$0x9B90]  }
0x329: {  	v39 =	vld [tilespmem:$0x9BA0]  }
0x32a: {  	[tilespmem:$0x1FAA0] =	vst v60;
	v60 =	vld [tilespmem:$0xA430]  }
0x32b: {  	v42 =	vld [tilespmem:$0x9BB0]  }
0x32c: {  	v45 =	vld [tilespmem:$0x9BC0]  }
0x32d: {  	v48 =	vld [tilespmem:$0x9BD0]  }
0x32e: {  	v43 =	vld [tilespmem:$0x9BE0]  }
0x32f: {  	[tilespmem:$0x1FAC0] =	vst v60;
	v60 =	vld [tilespmem:$0xA440]  }
0x330: {  	v46 =	vld [tilespmem:$0x9BF0]  }
0x331: {  	v49 =	vld [tilespmem:$0x9C00]  }
0x332: {  	v52 =	vld [tilespmem:$0x9C10]  }
0x333: {  	v47 =	vld [tilespmem:$0x9C20]  }
0x334: {  	[tilespmem:$0x1FAD0] =	vst v60;
	v60 =	vld [tilespmem:$0xA450]  }
0x335: {  	v50 =	vld [tilespmem:$0x9C30]  }
0x336: {  	v53 =	vld [tilespmem:$0x9C40]  }
0x337: {  	v62 =	vld [tilespmem:$0x9C50]  }
0x338: {  	v51 =	vld [tilespmem:$0x9C60]  }
0x339: {  	[tilespmem:$0x1FAF0] =	vst v60;
	v60 =	vld [tilespmem:$0xA460]  }
0x33a: {  	v54 =	vld [tilespmem:$0x9C70]  }
0x33b: {  	v63 =	vld [tilespmem:$0x9C80]  }
0x33c: {  	v58 =	vld [tilespmem:$0x9C90]  }
0x33d: {  	v61 =	vld [tilespmem:$0x9CD0]  }
0x33e: {  	[tilespmem:$0x1FAE0] =	vst v60;
	v60 =	vld [tilespmem:$0xA470]  }
0x33f: {  	v55 =	vld [tilespmem:$0x9CA0]  }
0x340: {  	v56 =	vld [tilespmem:$0x9CB0]  }
0x341: {  	v59 =	vld [tilespmem:$0x9CC0]  }
0x342: {  	v57 =	vld [tilespmem:$0x9CE0];
	[tilespmem:$0x1F380] =	vst v61  }
0x343: {  	v61 =	vld [tilespmem:$0x9D20];
	[tilespmem:$0x1FB00] =	vst v60  }
0x344: {  	v60 =	vld [tilespmem:$0xA480];
	_ =	sdelay $0x4  }
0x345: {  	[tilespmem:$0x1FB10] =	vst v60;
	v60 =	vld [tilespmem:$0xA490];
	_ =	sdelay $0x4  }
0x346: {  	[tilespmem:$0x1FB30] =	vst v60;
	v60 =	vld [tilespmem:$0xA4A0];
	_ =	sdelay $0x4  }
0x347: {  	[tilespmem:$0x1FB20] =	vst v60;
	v60 =	vld [tilespmem:$0xA4B0];
	_ =	sdelay $0x4  }
0x348: {  	[tilespmem:$0x1FB40] =	vst v60;
	v60 =	vld [tilespmem:$0xA4C0];
	_ =	sdelay $0x4  }
0x349: {  	[tilespmem:$0x1FB50] =	vst v60;
	v60 =	vld [tilespmem:$0xA4D0];
	_ =	sdelay $0x4  }
0x34a: {  	[tilespmem:$0x1FB70] =	vst v60;
	v60 =	vld [tilespmem:$0xA4E0];
	_ =	sdelay $0x4  }
0x34b: {  	[tilespmem:$0x1FB60] =	vst v60;
	v60 =	vld [tilespmem:$0xA4F0];
	_ =	sdelay $0x4  }
0x34c: {  	[tilespmem:$0x1FB80] =	vst v60;
	v60 =	vld [tilespmem:$0xA500]  }
0x34d: {  	v1 =	vadd.f32 $0.0e+00, v1  }
0x34e: {  	v0 =	vadd.f32 $0.0e+00, v0;
	v2 =	vadd.f32 $0.0e+00, v2  }
0x34f: {  	v1 =	vadd.f32 v5, v1;
	v5 =	vld [tilespmem:$0xA5F0]  }
0x350: {  	v0 =	vadd.f32 v3, v0;
	v2 =	vadd.f32 v6, v2;
	v6 =	vld [tilespmem:$0xA600]  }
0x351: {  	v1 =	vadd.f32 v9, v1;
	[tilespmem:$0x1FB90] =	vst v60;
	v60 =	vld [tilespmem:$0xA510]  }
0x352: {  	v0 =	vadd.f32 v7, v0;
	v7 =	vld [tilespmem:$0xA610]  }
0x353: {  	v1 =	vadd.f32 v13, v1;
	v9 =	vld [tilespmem:$0xA630]  }
0x354: {  	v2 =	vadd.f32 v10, v2;
	v10 =	vld [tilespmem:$0xA640]  }
0x355: {  	v0 =	vadd.f32 v11, v0;
	v1 =	vadd.f32 v17, v1;
	v11 =	vld [tilespmem:$0xA650]  }
0x356: {  	[tilespmem:$0x1FBB0] =	vst v60;
	v60 =	vld [tilespmem:$0xA520]  }
0x357: {  	v1 =	vadd.f32 v21, v1;
	v13 =	vld [tilespmem:$0xA670]  }
0x358: {  	v2 =	vadd.f32 v14, v2;
	v14 =	vld [tilespmem:$0xA680]  }
0x359: {  	v0 =	vadd.f32 v15, v0;
	v1 =	vadd.f32 v25, v1;
	v15 =	vld [tilespmem:$0xA690]  }
0x35a: {  	v17 =	vld [tilespmem:$0xA6B0]  }
0x35b: {  	v1 =	vadd.f32 v29, v1;
	[tilespmem:$0x1FBA0] =	vst v60;
	v60 =	vld [tilespmem:$0xA530]  }
0x35c: {  	v2 =	vadd.f32 v18, v2;
	v18 =	vld [tilespmem:$0xA6C0]  }
0x35d: {  	v0 =	vadd.f32 v19, v0;
	v1 =	vadd.f32 v33, v1;
	v19 =	vld [tilespmem:$0xA6D0]  }
0x35e: {  	v21 =	vld [tilespmem:$0xA6F0]  }
0x35f: {  	v2 =	vadd.f32 v22, v2;
	v1 =	vadd.f32 v37, v1;
	v22 =	vld [tilespmem:$0xA700]  }
0x360: {  	[tilespmem:$0x1FBC0] =	vst v60;
	v60 =	vld [tilespmem:$0xA540]  }
0x361: {  	v0 =	vadd.f32 v23, v0;
	v1 =	vadd.f32 v41, v1;
	v23 =	vld [tilespmem:$0xA710]  }
0x362: {  	v25 =	vld [tilespmem:$0xA730]  }
0x363: {  	v2 =	vadd.f32 v26, v2;
	v1 =	vadd.f32 v45, v1;
	v26 =	vld [tilespmem:$0xA740]  }
0x364: {  	v0 =	vadd.f32 v27, v0;
	v27 =	vld [tilespmem:$0xA750]  }
0x365: {  	v1 =	vadd.f32 v49, v1;
	[tilespmem:$0x1FBD0] =	vst v60;
	v60 =	vld [tilespmem:$0xA550]  }
0x366: {  	v29 =	vld [tilespmem:$0xA770]  }
0x367: {  	v2 =	vadd.f32 v30, v2;
	v1 =	vadd.f32 v53, v1;
	v30 =	vld [tilespmem:$0xA780]  }
0x368: {  	v0 =	vadd.f32 v31, v0;
	v31 =	vld [tilespmem:$0xA7A0]  }
0x369: {  	v1 =	vadd.f32 v63, v1;
	v63 =	vld [tilespmem:$0x1F380]  }
0x36a: {  	[tilespmem:$0x1FBF0] =	vst v60;
	v60 =	vld [tilespmem:$0xA560]  }
0x36b: {  	v33 =	vld [tilespmem:$0xA7C0]  }
0x36c: {  	v2 =	vadd.f32 v34, v2;
	v34 =	vld [tilespmem:$0x1F3A0]  }
0x36d: {  	v0 =	vadd.f32 v35, v0;
	v35 =	vld [tilespmem:$0xA7D0]  }
0x36e: {  	v37 =	vld [tilespmem:$0x1F3C0]  }
0x36f: {  	[tilespmem:$0x1FBE0] =	vst v60;
	v60 =	vld [tilespmem:$0xA570]  }
0x370: {  	v2 =	vadd.f32 v38, v2;
	v38 =	vld [tilespmem:$0xA7E0]  }
0x371: {  	v0 =	vadd.f32 v39, v0;
	v39 =	vld [tilespmem:$0x1F3D0]  }
0x372: {  	v41 =	vld [tilespmem:$0xA7F0]  }
0x373: {  	v2 =	vadd.f32 v42, v2;
	v42 =	vld [tilespmem:$0x1F3F0]  }
0x374: {  	[tilespmem:$0x1FC00] =	vst v60;
	v60 =	vld [tilespmem:$0xA580]  }
0x375: {  	v0 =	vadd.f32 v43, v0;
	v43 =	vld [tilespmem:$0x1F400]  }
0x376: {  	v45 =	vld [tilespmem:$0x1F410]  }
0x377: {  	v2 =	vadd.f32 v46, v2;
	v46 =	vld [tilespmem:$0x1F420]  }
0x378: {  	v0 =	vadd.f32 v47, v0;
	v47 =	vld [tilespmem:$0xA810]  }
0x379: {  	[tilespmem:$0x1FC10] =	vst v60;
	v60 =	vld [tilespmem:$0xA590]  }
0x37a: {  	v49 =	vld [tilespmem:$0x1F440]  }
0x37b: {  	v2 =	vadd.f32 v50, v2;
	v50 =	vld [tilespmem:$0xA820]  }
0x37c: {  	v0 =	vadd.f32 v51, v0;
	v51 =	vld [tilespmem:$0x1F450]  }
0x37d: {  	v53 =	vld [tilespmem:$0xA830]  }
0x37e: {  	[tilespmem:$0x1FC30] =	vst v60;
	v60 =	vld [tilespmem:$0xA5A0]  }
0x37f: {  	v2 =	vadd.f32 v54, v2;
	v54 =	vld [tilespmem:$0x1F470]  }
0x380: {  	v0 =	vadd.f32 v55, v0;
	v55 =	vld [tilespmem:$0x1F480]  }
0x381: {  	v2 =	vadd.f32 v56, v2;
	v56 =	vld [tilespmem:$0xA840]  }
0x382: {  	v0 =	vadd.f32 v57, v0;
	v57 =	vld [tilespmem:$0x1F490]  }
0x383: {  	[tilespmem:$0x1FC20] =	vst v60;
	v60 =	vld [tilespmem:$0xA5B0]  }
0x384: {  	v1 =	vadd.f32 v59, v1;
	v59 =	vld [tilespmem:$0xA850]  }
0x385: {  	v0 =	vadd.f32 v61, v0;
	v61 =	vld [tilespmem:$0x1F4C0]  }
0x386: {  	[tilespmem:$0x1FCA0] =	vst v33;
	v33 =	vld [tilespmem:$0xA870]  }
0x387: {  	v1 =	vadd.f32 v34, v1;
	v34 =	vld [tilespmem:$0x1F4F0]  }
0x388: {  	[tilespmem:$0x1FC40] =	vst v60;
	v60 =	vld [tilespmem:$0xA5C0]  }
0x389: {  	[tilespmem:$0x1FCC0] =	vst v35;
	v35 =	vld [tilespmem:$0x1F500]  }
0x38a: {  	[tilespmem:$0x1FCB0] =	vst v38;
	v38 =	vld [tilespmem:$0x1F520]  }
0x38b: {  	[tilespmem:$0x1FCD0] =	vst v41;
	v41 =	vld [tilespmem:$0x1F540]  }
0x38c: {  	[tilespmem:$0x1FD00] =	vst v47;
	v47 =	vld [tilespmem:$0x1F580]  }
0x38d: {  	[tilespmem:$0x1FC50] =	vst v60;
	v60 =	vld [tilespmem:$0xA5D0]  }
0x38e: {  	[tilespmem:$0x1FCF0] =	vst v50;
	v50 =	vld [tilespmem:$0x1F5A0]  }
0x38f: {  	[tilespmem:$0x1FD10] =	vst v53;
	v53 =	vld [tilespmem:$0x1F5C0]  }
0x390: {  	[tilespmem:$0x1FD20] =	vst v56;
	v56 =	vld [tilespmem:$0x1F5E0];
	v1 =	vadd.f32 v39, v1  }
0x391: {  	[tilespmem:$0x1FD40] =	vst v59;
	v59 =	vld [tilespmem:$0x1F600]  }
0x392: {  	v1 =	vadd.f32 v45, v1;
	[tilespmem:$0x1FC70] =	vst v60;
	v60 =	vld [tilespmem:$0xA5E0]  }
0x393: {  	v39 =	vld [tilespmem:$0xA890]  }
0x394: {  	v45 =	vld [tilespmem:$0xA8B0];
	v1 =	vadd.f32 v51, v1  }
0x395: {  	v4 =	vadd.f32 $0.0e+00, v4;
	v51 =	vld [tilespmem:$0xA8D0]  }
0x396: {  	[tilespmem:$0x1FD50] =	vst v33;
	v1 =	vadd.f32 v57, v1;
	v57 =	vld [tilespmem:$0xA8F0]  }
0x397: {  	v33 =	vld [tilespmem:$0x1F640];
	[tilespmem:$0x1FC60] =	vst v60;
	v60 =	vadd.f32 v8, v4  }
0x398: {  	[tilespmem:$0x1FD80] =	vst v39;
	v39 =	vld [tilespmem:$0x1F680]  }
0x399: {  	[tilespmem:$0x1FD90] =	vst v45;
	v45 =	vld [tilespmem:$0x1F6C0];
	v3 =	vadd.f32 v12, v60  }
0x39a: {  	[tilespmem:$0x1FDC0] =	vst v51;
	v51 =	vld [tilespmem:$0x1F700]  }
0x39b: {  	[tilespmem:$0x1FDD0] =	vst v57;
	v57 =	vld [tilespmem:$0x1F740];
	v3 =	vadd.f32 v16, v3  }
0x39c: {  	v8 =	vld [tilespmem:$0xA620]  }
0x39d: {  	v60 =	vld [tilespmem:$0xA790];
	v3 =	vadd.f32 v20, v3  }
0x39e: {  	v4 =	vld [tilespmem:$0xAEC0]  }
0x39f: {  	v12 =	vld [tilespmem:$0xA660];
	v3 =	vadd.f32 v24, v3  }
0x3a0: {  	v16 =	vld [tilespmem:$0xA6A0]  }
0x3a1: {  	v20 =	vld [tilespmem:$0xA6E0];
	v3 =	vadd.f32 v28, v3  }
0x3a2: {  	[tilespmem:$0x1FC80] =	vst v60;
	v60 =	vld [tilespmem:$0x1F4B0]  }
0x3a3: {  	v3 =	vadd.f32 v32, v3;
	v32 =	vld [tilespmem:$0x1F390]  }
0x3a4: {  	v24 =	vld [tilespmem:$0xA720]  }
0x3a5: {  	v28 =	vld [tilespmem:$0xA760];
	v3 =	vadd.f32 v36, v3  }
0x3a6: {  	v36 =	vld [tilespmem:$0x1F3B0]  }
0x3a7: {  	v3 =	vadd.f32 v40, v3;
	v40 =	vld [tilespmem:$0x1F3E0]  }
0x3a8: {  	v2 =	vadd.f32 v32, v2;
	v32 =	vld [tilespmem:$0x1F4E0]  }
0x3a9: {  	v3 =	vadd.f32 v44, v3;
	v44 =	vld [tilespmem:$0xA800]  }
0x3aa: {  	v2 =	vadd.f32 v37, v2;
	v37 =	vld [tilespmem:$0x1F510]  }
0x3ab: {  	v3 =	vadd.f32 v48, v3;
	v48 =	vld [tilespmem:$0x1F430]  }
0x3ac: {  	v0 =	vadd.f32 v40, v0;
	v40 =	vld [tilespmem:$0x1F530]  }
0x3ad: {  	v2 =	vadd.f32 v43, v2;
	v43 =	vld [tilespmem:$0x1F550]  }
0x3ae: {  	v3 =	vadd.f32 v52, v3;
	v52 =	vld [tilespmem:$0x1F460]  }
0x3af: {  	[tilespmem:$0x1FCE0] =	vst v44;
	v44 =	vld [tilespmem:$0x1F560]  }
0x3b0: {  	v0 =	vadd.f32 v46, v0;
	v46 =	vld [tilespmem:$0x1F570]  }
0x3b1: {  	v2 =	vadd.f32 v49, v2;
	v49 =	vld [tilespmem:$0x1F590]  }
0x3b2: {  	v3 =	vadd.f32 v62, v3;
	v62 =	vld [tilespmem:$0xA7B0]  }
0x3b3: {  	v2 =	vadd.f32 v55, v2;
	v55 =	vld [tilespmem:$0x1F5D0]  }
0x3b4: {  	v3 =	vadd.f32 v58, v3;
	v58 =	vld [tilespmem:$0x1F4A0]  }
0x3b5: {  	v0 =	vadd.f32 v52, v0;
	v52 =	vld [tilespmem:$0x1F5B0]  }
0x3b6: {  	v2 =	vadd.f32 v61, v2;
	v61 =	vld [tilespmem:$0x1F610]  }
0x3b7: {  	v3 =	vadd.f32 v63, v3;
	v63 =	vld [tilespmem:$0x1F4D0]  }
0x3b8: {  	[tilespmem:$0x1FC90] =	vst v62;
	v62 =	vld [tilespmem:$0xA860]  }
0x3b9: {  	v2 =	vadd.f32 v35, v2;
	v35 =	vld [tilespmem:$0x1F650]  }
0x3ba: {  	v3 =	vadd.f32 v36, v3;
	v36 =	vld [tilespmem:$0xA880]  }
0x3bb: {  	v0 =	vadd.f32 v58, v0;
	v58 =	vld [tilespmem:$0x1F5F0]  }
0x3bc: {  	v2 =	vadd.f32 v41, v2;
	v41 =	vld [tilespmem:$0x1F690]  }
0x3bd: {  	v3 =	vadd.f32 v42, v3;
	v42 =	vld [tilespmem:$0xA8A0]  }
0x3be: {  	v1 =	vadd.f32 v63, v1;
	v63 =	vld [tilespmem:$0xA910]  }
0x3bf: {  	v0 =	vadd.f32 v32, v0;
	v32 =	vld [tilespmem:$0x1F630]  }
0x3c0: {  	v2 =	vadd.f32 v47, v2;
	v47 =	vld [tilespmem:$0x1F6D0]  }
0x3c1: {  	v3 =	vadd.f32 v48, v3;
	v48 =	vld [tilespmem:$0xA8C0]  }
0x3c2: {  	[tilespmem:$0x1FD30] =	vst v62;
	v62 =	vld [tilespmem:$0x1F620]  }
0x3c3: {  	[tilespmem:$0x1FD60] =	vst v36;
	v36 =	vld [tilespmem:$0x1F660]  }
0x3c4: {  	v1 =	vadd.f32 v37, v1;
	v37 =	vld [tilespmem:$0xA930]  }
0x3c5: {  	v0 =	vadd.f32 v38, v0;
	v38 =	vld [tilespmem:$0x1F670]  }
0x3c6: {  	v2 =	vadd.f32 v53, v2;
	v53 =	vld [tilespmem:$0x1F710]  }
0x3c7: {  	v3 =	vadd.f32 v54, v3;
	v54 =	vld [tilespmem:$0xA8E0]  }
0x3c8: {  	[tilespmem:$0x1FD70] =	vst v42;
	v42 =	vld [tilespmem:$0x1F6A0]  }
0x3c9: {  	v1 =	vadd.f32 v43, v1;
	v43 =	vld [tilespmem:$0xA950]  }
0x3ca: {  	v0 =	vadd.f32 v44, v0;
	v44 =	vld [tilespmem:$0x1F6B0]  }
0x3cb: {  	v2 =	vadd.f32 v59, v2;
	v59 =	vld [tilespmem:$0x1F750]  }
0x3cc: {  	v3 =	vadd.f32 v60, v3;
	v60 =	vld [tilespmem:$0xA900]  }
0x3cd: {  	[tilespmem:$0x1FE00] =	vst v63;
	v63 =	vld [tilespmem:$0x1F780]  }
0x3ce: {  	[tilespmem:$0x1FDA0] =	vst v48;
	v48 =	vld [tilespmem:$0x1F6E0]  }
0x3cf: {  	v1 =	vadd.f32 v49, v1;
	v49 =	vld [tilespmem:$0xA970]  }
0x3d0: {  	v0 =	vadd.f32 v50, v0;
	v50 =	vld [tilespmem:$0x1F6F0]  }
0x3d1: {  	v2 =	vadd.f32 v33, v2;
	v33 =	vld [tilespmem:$0x1F790]  }
0x3d2: {  	v3 =	vadd.f32 v34, v3;
	v34 =	vld [tilespmem:$0xA920]  }
0x3d3: {  	[tilespmem:$0x1FE10] =	vst v37;
	v37 =	vld [tilespmem:$0x1F7C0]  }
0x3d4: {  	[tilespmem:$0x1FDB0] =	vst v54;
	v54 =	vld [tilespmem:$0x1F720]  }
0x3d5: {  	v1 =	vadd.f32 v55, v1;
	v55 =	vld [tilespmem:$0xA990]  }
0x3d6: {  	v0 =	vadd.f32 v56, v0;
	v56 =	vld [tilespmem:$0x1F730]  }
0x3d7: {  	v2 =	vadd.f32 v39, v2;
	v39 =	vld [tilespmem:$0x1F7D0]  }
0x3d8: {  	v3 =	vadd.f32 v40, v3;
	v40 =	vld [tilespmem:$0xA940]  }
0x3d9: {  	[tilespmem:$0x1FE40] =	vst v43;
	v43 =	vld [tilespmem:$0x1F800]  }
0x3da: {  	[tilespmem:$0x1FDE0] =	vst v60;
	v60 =	vld [tilespmem:$0x1F760]  }
0x3db: {  	v1 =	vadd.f32 v61, v1;
	v61 =	vld [tilespmem:$0xA9B0]  }
0x3dc: {  	v0 =	vadd.f32 v62, v0;
	v62 =	vld [tilespmem:$0x1F770]  }
0x3dd: {  	v2 =	vadd.f32 v45, v2;
	v45 =	vld [tilespmem:$0x1F810]  }
0x3de: {  	v3 =	vadd.f32 v46, v3;
	v46 =	vld [tilespmem:$0xA960]  }
0x3df: {  	[tilespmem:$0x1FE50] =	vst v49;
	v49 =	vld [tilespmem:$0x1F840]  }
0x3e0: {  	[tilespmem:$0x1FDF0] =	vst v34;
	v34 =	vld [tilespmem:$0x1F7A0]  }
0x3e1: {  	v1 =	vadd.f32 v35, v1;
	v35 =	vld [tilespmem:$0xA9D0]  }
0x3e2: {  	v0 =	vadd.f32 v36, v0;
	v36 =	vld [tilespmem:$0x1F7B0]  }
0x3e3: {  	v2 =	vadd.f32 v51, v2;
	v51 =	vld [tilespmem:$0x1F850]  }
0x3e4: {  	v3 =	vadd.f32 v52, v3;
	v52 =	vld [tilespmem:$0xA980]  }
0x3e5: {  	[tilespmem:$0x1FE80] =	vst v55;
	v55 =	vld [tilespmem:$0x1F880]  }
0x3e6: {  	[tilespmem:$0x1FE20] =	vst v40;
	v40 =	vld [tilespmem:$0x1F7E0]  }
0x3e7: {  	v1 =	vadd.f32 v41, v1;
	v41 =	vld [tilespmem:$0xA9F0]  }
0x3e8: {  	v0 =	vadd.f32 v42, v0;
	v42 =	vld [tilespmem:$0x1F7F0]  }
0x3e9: {  	v2 =	vadd.f32 v57, v2;
	v57 =	vld [tilespmem:$0x1F890]  }
0x3ea: {  	v3 =	vadd.f32 v58, v3;
	v58 =	vld [tilespmem:$0xA9A0]  }
0x3eb: {  	[tilespmem:$0x1FE90] =	vst v61;
	v61 =	vld [tilespmem:$0x1F8C0]  }
0x3ec: {  	[tilespmem:$0x1FE30] =	vst v46;
	v46 =	vld [tilespmem:$0x1F820]  }
0x3ed: {  	v1 =	vadd.f32 v47, v1;
	v47 =	vld [tilespmem:$0xAA10]  }
0x3ee: {  	v0 =	vadd.f32 v48, v0;
	v48 =	vld [tilespmem:$0x1F830]  }
0x3ef: {  	v2 =	vadd.f32 v63, v2;
	v63 =	vld [tilespmem:$0x1F8D0]  }
0x3f0: {  	v3 =	vadd.f32 v32, v3;
	v32 =	vld [tilespmem:$0xA9C0]  }
0x3f1: {  	[tilespmem:$0x1FEC0] =	vst v35;
	v35 =	vld [tilespmem:$0x1F900]  }
0x3f2: {  	[tilespmem:$0x1FE60] =	vst v52;
	v52 =	vld [tilespmem:$0x1F860]  }
0x3f3: {  	v1 =	vadd.f32 v53, v1;
	v53 =	vld [tilespmem:$0xAA30]  }
0x3f4: {  	v0 =	vadd.f32 v54, v0;
	v54 =	vld [tilespmem:$0x1F870]  }
0x3f5: {  	v2 =	vadd.f32 v37, v2;
	v37 =	vld [tilespmem:$0x1F910]  }
0x3f6: {  	v3 =	vadd.f32 v38, v3;
	v38 =	vld [tilespmem:$0xA9E0]  }
0x3f7: {  	[tilespmem:$0x1FED0] =	vst v41;
	v41 =	vld [tilespmem:$0x1F940]  }
0x3f8: {  	[tilespmem:$0x1FE70] =	vst v58;
	v58 =	vld [tilespmem:$0x1F8A0]  }
0x3f9: {  	v1 =	vadd.f32 v59, v1;
	v59 =	vld [tilespmem:$0xAA50]  }
0x3fa: {  	v0 =	vadd.f32 v60, v0;
	v60 =	vld [tilespmem:$0x1F8B0]  }
0x3fb: {  	v2 =	vadd.f32 v43, v2;
	v43 =	vld [tilespmem:$0x1F950]  }
0x3fc: {  	v3 =	vadd.f32 v44, v3;
	v44 =	vld [tilespmem:$0xAA00]  }
0x3fd: {  	[tilespmem:$0x1FF00] =	vst v47;
	v47 =	vld [tilespmem:$0x1F980]  }
0x3fe: {  	[tilespmem:$0x1FEA0] =	vst v32;
	v32 =	vld [tilespmem:$0x1F8E0]  }
0x3ff: {  	v1 =	vadd.f32 v33, v1;
	v33 =	vld [tilespmem:$0xAA70]  }
0x400: {  	v0 =	vadd.f32 v34, v0;
	v34 =	vld [tilespmem:$0x1F8F0]  }
0x401: {  	v2 =	vadd.f32 v49, v2;
	v49 =	vld [tilespmem:$0x1F990]  }
0x402: {  	v3 =	vadd.f32 v50, v3;
	v50 =	vld [tilespmem:$0xAA20]  }
0x403: {  	[tilespmem:$0x1FF10] =	vst v53;
	v53 =	vld [tilespmem:$0x1F9C0]  }
0x404: {  	[tilespmem:$0x1FEB0] =	vst v38;
	v38 =	vld [tilespmem:$0x1F920]  }
0x405: {  	v1 =	vadd.f32 v39, v1;
	v39 =	vld [tilespmem:$0xAA90]  }
0x406: {  	v0 =	vadd.f32 v40, v0;
	v40 =	vld [tilespmem:$0x1F930]  }
0x407: {  	v2 =	vadd.f32 v55, v2;
	v55 =	vld [tilespmem:$0x1F9D0]  }
0x408: {  	v3 =	vadd.f32 v56, v3;
	v56 =	vld [tilespmem:$0xAA40]  }
0x409: {  	[tilespmem:$0x1FF40] =	vst v59;
	v59 =	vld [tilespmem:$0x1FA00]  }
0x40a: {  	[tilespmem:$0x1FEE0] =	vst v44;
	v44 =	vld [tilespmem:$0x1F960]  }
0x40b: {  	v1 =	vadd.f32 v45, v1;
	v45 =	vld [tilespmem:$0xAAB0]  }
0x40c: {  	v0 =	vadd.f32 v46, v0;
	v46 =	vld [tilespmem:$0x1F970]  }
0x40d: {  	v2 =	vadd.f32 v61, v2;
	v61 =	vld [tilespmem:$0x1FA10]  }
0x40e: {  	v3 =	vadd.f32 v62, v3;
	v62 =	vld [tilespmem:$0xAA60]  }
0x40f: {  	[tilespmem:$0x1FF50] =	vst v33;
	v33 =	vld [tilespmem:$0x1FA40]  }
0x410: {  	[tilespmem:$0x1FEF0] =	vst v50;
	v50 =	vld [tilespmem:$0x1F9A0]  }
0x411: {  	v1 =	vadd.f32 v51, v1;
	v51 =	vld [tilespmem:$0xAAD0]  }
0x412: {  	v0 =	vadd.f32 v52, v0;
	v52 =	vld [tilespmem:$0x1F9B0]  }
0x413: {  	v2 =	vadd.f32 v35, v2;
	v35 =	vld [tilespmem:$0x1FA60]  }
0x414: {  	v3 =	vadd.f32 v36, v3;
	v36 =	vld [tilespmem:$0xAA80]  }
0x415: {  	[tilespmem:$0x1FF80] =	vst v39;
	v39 =	vld [tilespmem:$0x1FAA0]  }
0x416: {  	[tilespmem:$0x1FF20] =	vst v56;
	v56 =	vld [tilespmem:$0x1F9E0]  }
0x417: {  	v1 =	vadd.f32 v57, v1;
	v57 =	vld [tilespmem:$0xAAF0]  }
0x418: {  	v0 =	vadd.f32 v58, v0;
	v58 =	vld [tilespmem:$0x1F9F0]  }
0x419: {  	v2 =	vadd.f32 v41, v2;
	v41 =	vld [tilespmem:$0x1FAC0]  }
0x41a: {  	v3 =	vadd.f32 v42, v3;
	v42 =	vld [tilespmem:$0xAAA0]  }
0x41b: {  	[tilespmem:$0x1FF90] =	vst v45;
	v45 =	vld [tilespmem:$0x1FB00]  }
0x41c: {  	[tilespmem:$0x1FF30] =	vst v62;
	v62 =	vld [tilespmem:$0x1FA20]  }
0x41d: {  	v1 =	vadd.f32 v63, v1;
	v63 =	vld [tilespmem:$0xAB10]  }
0x41e: {  	v0 =	vadd.f32 v32, v0;
	v32 =	vld [tilespmem:$0x1FA30]  }
0x41f: {  	v2 =	vadd.f32 v47, v2;
	v47 =	vld [tilespmem:$0x1FB20]  }
0x420: {  	v3 =	vadd.f32 v48, v3;
	v48 =	vld [tilespmem:$0xAAC0]  }
0x421: {  	[tilespmem:$0x1FFC0] =	vst v51;
	v51 =	vld [tilespmem:$0x1FB60]  }
0x422: {  	[tilespmem:$0x1FF60] =	vst v36;
	v36 =	vld [tilespmem:$0x1FA70]  }
0x423: {  	v1 =	vadd.f32 v37, v1;
	v37 =	vld [tilespmem:$0x1FA80]  }
0x424: {  	v0 =	vadd.f32 v38, v0;
	v38 =	vld [tilespmem:$0x1FA90]  }
0x425: {  	v2 =	vadd.f32 v53, v2;
	v53 =	vld [tilespmem:$0xABB0]  }
0x426: {  	v3 =	vadd.f32 v54, v3;
	v54 =	vld [tilespmem:$0xAAE0]  }
0x427: {  	[tilespmem:$0x1FFD0] =	vst v57;
	v57 =	vld [tilespmem:$0xAB30]  }
0x428: {  	v2 =	vadd.f32 v59, v2;
	v59 =	vld [tilespmem:$0xAB50]  }
0x429: {  	[tilespmem:$0x1FF70] =	vst v42;
	v42 =	vld [tilespmem:$0x1FAD0]  }
0x42a: {  	v1 =	vadd.f32 v43, v1;
	v43 =	vld [tilespmem:$0x1FAE0]  }
0x42b: {  	v0 =	vadd.f32 v44, v0;
	v44 =	vld [tilespmem:$0x1FAF0]  }
0x42c: {  	v3 =	vadd.f32 v60, v3;
	v60 =	vld [tilespmem:$0xAB00]  }
0x42d: {  	[tilespmem:$0x1FFF0] =	vst v63;
	v63 =	vld [tilespmem:$0x1FB80]  }
0x42e: {  	[tilespmem:$0x1FFA0] =	vst v48;
	v48 =	vld [tilespmem:$0x1FB30]  }
0x42f: {  	v1 =	vadd.f32 v49, v1;
	v49 =	vld [tilespmem:$0x1FB40]  }
0x430: {  	v0 =	vadd.f32 v50, v0;
	v50 =	vld [tilespmem:$0x1FB50]  }
0x431: {  	v2 =	vadd.f32 v33, v2;
	v33 =	vld [tilespmem:$0x1FBA0]  }
0x432: {  	v3 =	vadd.f32 v34, v3;
	v34 =	vld [tilespmem:$0x1FA50]  }
0x433: {  	v0 =	vadd.f32 v56, v0;
	v56 =	vld [tilespmem:$0xAB80]  }
0x434: {  	v1 =	vadd.f32 v55, v1;
	v55 =	vld [tilespmem:$0xAB90]  }
0x435: {  	[tilespmem:$0x1FFB0] =	vst v54;
	v54 =	vld [tilespmem:$0xABA0]  }
0x436: {  	v2 =	vadd.f32 v37, v2;
	v37 =	vld [tilespmem:$0x1FBE0]  }
0x437: {  	v3 =	vadd.f32 v40, v3;
	v40 =	vld [tilespmem:$0x1FAB0]  }
0x438: {  	v0 =	vadd.f32 v62, v0;
	v62 =	vld [tilespmem:$0xAB20]  }
0x439: {  	[tilespmem:$0x1FFE0] =	vst v60;
	v60 =	vld [tilespmem:$0xAB60]  }
0x43a: {  	v1 =	vadd.f32 v61, v1;
	v61 =	vld [tilespmem:$0xAB70]  }
0x43b: {  	v2 =	vadd.f32 v41, v2;
	v41 =	vld [tilespmem:$0x1FC20]  }
0x43c: {  	v3 =	vadd.f32 v46, v3;
	v46 =	vld [tilespmem:$0x1FB10]  }
0x43d: {  	v1 =	vadd.f32 v34, v1;
	v34 =	vld [tilespmem:$0x1FBB0]  }
0x43e: {  	v0 =	vadd.f32 v35, v0;
	v35 =	vld [tilespmem:$0x1FBC0]  }
0x43f: {  	v2 =	vadd.f32 v45, v2;
	v45 =	vld [tilespmem:$0x1FC60]  }
0x440: {  	v3 =	vadd.f32 v52, v3;
	v52 =	vld [tilespmem:$0x1FB70]  }
0x441: {  	v2 =	vadd.f32 v49, v2;
	v49 =	vld [tilespmem:$0xABF0]  }
0x442: {  	v1 =	vadd.f32 v38, v1;
	v38 =	vld [tilespmem:$0x1FBF0];
	v3 =	vadd.f32 v58, v3  }
0x443: {  	v0 =	vadd.f32 v39, v0;
	v39 =	vld [tilespmem:$0x1FC00]  }
0x444: {  	v58 =	vld [tilespmem:$0xAB40];
	v3 =	vadd.f32 v32, v3  }
0x445: {  	v1 =	vadd.f32 v42, v1;
	v42 =	vld [tilespmem:$0x1FC30]  }
0x446: {  	v0 =	vadd.f32 v43, v0;
	v43 =	vld [tilespmem:$0x1FC40];
	v3 =	vadd.f32 v36, v3  }
0x447: {  	v2 =	vadd.f32 v63, v2;
	v32 =	vld [tilespmem:$0x1FB90]  }
0x448: {  	v63 =	vld [tilespmem:$0x1FC70];
	v1 =	vadd.f32 v46, v1;
	v3 =	vadd.f32 v40, v3  }
0x449: {  	v0 =	vadd.f32 v47, v0;
	v2 =	vadd.f32 v35, v2;
	v36 =	vld [tilespmem:$0x1FBD0]  }
0x44a: {  	v47 =	vld [tilespmem:$0xAC10];
	v1 =	vadd.f32 v50, v1;
	v3 =	vadd.f32 v44, v3  }
0x44b: {  	v0 =	vadd.f32 v51, v0;
	v2 =	vadd.f32 v39, v2;
	v40 =	vld [tilespmem:$0x1FC10]  }
0x44c: {  	v46 =	vld [tilespmem:$0xAC20];
	v1 =	vadd.f32 v32, v1;
	v3 =	vadd.f32 v48, v3  }
0x44d: {  	v0 =	vadd.f32 v33, v0;
	v2 =	vadd.f32 v43, v2;
	v44 =	vld [tilespmem:$0x1FC50]  }
0x44e: {  	v35 =	vld [tilespmem:$0xACD0];
	v1 =	vadd.f32 v36, v1;
	v3 =	vadd.f32 v52, v3  }
0x44f: {  	v51 =	vld [tilespmem:$0xABD0];
	v0 =	vadd.f32 v37, v0;
	v2 =	vadd.f32 v5, v2  }
0x450: {  	v50 =	vld [tilespmem:$0xABE0];
	v1 =	vadd.f32 v40, v1;
	v3 =	vadd.f32 v34, v3  }
0x451: {  	v39 =	vld [tilespmem:$0xAC90];
	v0 =	vadd.f32 v41, v0;
	v2 =	vadd.f32 v9, v2  }
0x452: {  	v43 =	vld [tilespmem:$0xAC50];
	v1 =	vadd.f32 v44, v1;
	v3 =	vadd.f32 v38, v3  }
0x453: {  	v9 =	vld [tilespmem:$0x1FD20];
	v0 =	vadd.f32 v45, v0;
	v2 =	vadd.f32 v13, v2  }
0x454: {  	v13 =	vld [tilespmem:$0x1FD60];
	v1 =	vadd.f32 v6, v1;
	v3 =	vadd.f32 v42, v3  }
0x455: {  	v0 =	vadd.f32 v8, v0;
	v2 =	vadd.f32 v17, v2;
	v8 =	vld [tilespmem:$0x1FD10]  }
0x456: {  	v17 =	vld [tilespmem:$0x1FDA0];
	v3 =	vadd.f32 v63, v3  }
0x457: {  	v1 =	vadd.f32 v10, v1;
	v2 =	vadd.f32 v21, v2;
	v21 =	vld [tilespmem:$0x1FC90]  }
0x458: {  	v10 =	vld [tilespmem:$0x1FD30];
	v3 =	vadd.f32 v7, v3  }
0x459: {  	v0 =	vadd.f32 v12, v0;
	v12 =	vld [tilespmem:$0x1FD50];
	v1 =	vadd.f32 v14, v1  }
0x45a: {  	v2 =	vadd.f32 v25, v2;
	v25 =	vld [tilespmem:$0x1FCD0];
	v3 =	vadd.f32 v11, v3  }
0x45b: {  	v0 =	vadd.f32 v16, v0;
	v14 =	vld [tilespmem:$0x1FD70]  }
0x45c: {  	v16 =	vld [tilespmem:$0x1FD90];
	v1 =	vadd.f32 v18, v1;
	v3 =	vadd.f32 v15, v3  }
0x45d: {  	v0 =	vadd.f32 v20, v0;
	v20 =	vld [tilespmem:$0x1FC80]  }
0x45e: {  	v1 =	vadd.f32 v22, v1;
	v22 =	vld [tilespmem:$0x1FCA0];
	v3 =	vadd.f32 v19, v3  }
0x45f: {  	v2 =	vadd.f32 v29, v2;
	v0 =	vadd.f32 v24, v0;
	v24 =	vld [tilespmem:$0x1FCC0]  }
0x460: {  	v1 =	vadd.f32 v26, v1;
	v3 =	vadd.f32 v23, v3;
	v23 =	vld [tilespmem:$0x1FCB0]  }
0x461: {  	v2 =	vadd.f32 v21, v2;
	v0 =	vadd.f32 v28, v0;
	v26 =	vld [tilespmem:$0x1FCE0]  }
0x462: {  	v1 =	vadd.f32 v30, v1;
	v3 =	vadd.f32 v27, v3;
	v27 =	vld [tilespmem:$0x1FCF0]  }
0x463: {  	v63 =	vld [tilespmem:$0x1FD00];
	v0 =	vadd.f32 v31, v0  }
0x464: {  	v18 =	vld [tilespmem:$0x1FDB0];
	v2 =	vadd.f32 v25, v2;
	v1 =	vadd.f32 v22, v1  }
0x465: {  	v11 =	vld [tilespmem:$0x1FD40];
	v3 =	vadd.f32 v20, v3;
	v0 =	vadd.f32 v23, v0  }
0x466: {  	v15 =	vld [tilespmem:$0x1FD80];
	v2 =	vadd.f32 v8, v2;
	v1 =	vadd.f32 v26, v1  }
0x467: {  	v8 =	vld [tilespmem:$0x1FDF0];
	v3 =	vadd.f32 v24, v3;
	v0 =	vadd.f32 v27, v0  }
0x468: {  	v19 =	vld [tilespmem:$0x1FDC0];
	v1 =	vadd.f32 v9, v1  }
0x469: {  	v3 =	vadd.f32 v63, v3;
	v63 =	vld [tilespmem:$0x1FDE0];
	v0 =	vadd.f32 v10, v0  }
0x46a: {  	v2 =	vadd.f32 v12, v2;
	v12 =	vld [tilespmem:$0x1FE30];
	v1 =	vadd.f32 v13, v1  }
0x46b: {  	v20 =	vld [tilespmem:$0x1FDD0];
	v3 =	vadd.f32 v11, v3;
	v0 =	vadd.f32 v14, v0  }
0x46c: {  	v9 =	vld [tilespmem:$0x1FE00];
	v1 =	vadd.f32 v17, v1  }
0x46d: {  	v10 =	vld [tilespmem:$0x1FE10];
	v3 =	vadd.f32 v15, v3;
	v0 =	vadd.f32 v18, v0  }
0x46e: {  	v2 =	vadd.f32 v16, v2;
	v1 =	vadd.f32 v63, v1;
	v63 =	vld [tilespmem:$0x1FE70]  }
0x46f: {  	v14 =	vld [tilespmem:$0x1FE50];
	v3 =	vadd.f32 v19, v3;
	v0 =	vadd.f32 v8, v0  }
0x470: {  	v2 =	vadd.f32 v20, v2;
	v11 =	vld [tilespmem:$0x1FE20]  }
0x471: {  	v3 =	vadd.f32 v9, v3;
	v9 =	vld [tilespmem:$0x1FE90];
	v0 =	vadd.f32 v12, v0  }
0x472: {  	v15 =	vld [tilespmem:$0x1FE60];
	v2 =	vadd.f32 v10, v2  }
0x473: {  	v0 =	vadd.f32 v63, v0;
	v63 =	vld [tilespmem:$0x1FED0]  }
0x474: {  	v13 =	vld [tilespmem:$0x1FE40];
	v2 =	vadd.f32 v14, v2  }
0x475: {  	v10 =	vld [tilespmem:$0x1FEA0]  }
0x476: {  	v1 =	vadd.f32 v11, v1;
	v8 =	vld [tilespmem:$0x1FE80];
	v2 =	vadd.f32 v9, v2  }
0x477: {  	v33 =	vld [tilespmem:$0xACE0]  }
0x478: {  	v1 =	vadd.f32 v15, v1;
	v2 =	vadd.f32 v63, v2;
	v63 =	vld [tilespmem:$0x1FF10]  }
0x479: {  	v12 =	vld [tilespmem:$0x1FEC0];
	v3 =	vadd.f32 v13, v3  }
0x47a: {  	v1 =	vadd.f32 v10, v1;
	v10 =	vld [tilespmem:$0x1FF00]  }
0x47b: {  	v3 =	vadd.f32 v8, v3;
	v8 =	vld [tilespmem:$0x1FEE0]  }
0x47c: {  	v32 =	vld [tilespmem:$0xAD00]  }
0x47d: {  	v2 =	vadd.f32 v63, v2;
	v63 =	vld [tilespmem:$0x1FF40]  }
0x47e: {  	v11 =	vld [tilespmem:$0x1FEB0];
	v3 =	vadd.f32 v12, v3  }
0x47f: {  	v9 =	vld [tilespmem:$0x1FEF0]  }
0x480: {  	v3 =	vadd.f32 v10, v3;
	v1 =	vadd.f32 v8, v1;
	v8 =	vld [tilespmem:$0x1FF20]  }
0x481: {  	v37 =	vld [tilespmem:$0xACB0]  }
0x482: {  	v3 =	vadd.f32 v63, v3;
	v63 =	vld [tilespmem:$0x1FF60]  }
0x483: {  	v36 =	vld [tilespmem:$0xACC0];
	v0 =	vadd.f32 v11, v0  }
0x484: {  	v5 =	vld [tilespmem:$0xAEB0]  }
0x485: {  	v0 =	vadd.f32 v9, v0;
	v9 =	vld [tilespmem:$0x1FF30];
	v1 =	vadd.f32 v8, v1  }
0x486: {  	v48 =	vld [tilespmem:$0xAC00]  }
0x487: {  	v1 =	vadd.f32 v63, v1;
	v63 =	vld [tilespmem:$0x1FF70]  }
0x488: {  	v41 =	vld [tilespmem:$0xAC70]  }
0x489: {  	v40 =	vld [tilespmem:$0xAC80]  }
0x48a: {  	v52 =	vld [tilespmem:$0xABC0];
	v0 =	vadd.f32 v9, v0  }
0x48b: {  	v45 =	vld [tilespmem:$0xAC30]  }
0x48c: {  	v0 =	vadd.f32 v63, v0;
	v63 =	vld [tilespmem:$0x1FF80]  }
0x48d: {  	v44 =	vld [tilespmem:$0xAC40]  }
0x48e: {  	v34 =	vld [tilespmem:$0xACF0]  }
0x48f: {  	v8 =	vld [tilespmem:$0x1FF50]  }
0x490: {  	v6 =	vld [tilespmem:$0xAEA0]  }
0x491: {  	v3 =	vadd.f32 v63, v3;
	v63 =	vld [tilespmem:$0x1FF90]  }
0x492: {  	v38 =	vld [tilespmem:$0xACA0]  }
0x493: {  	v42 =	vld [tilespmem:$0xAC60]  }
0x494: {  	v29 =	vld [tilespmem:$0xAD30];
	v2 =	vadd.f32 v8, v2  }
0x495: {  	v7 =	vld [tilespmem:$0xAE90]  }
0x496: {  	v2 =	vadd.f32 v63, v2;
	v63 =	vld [tilespmem:$0x1FFA0]  }
0x497: {  	v21 =	vld [tilespmem:$0xADB0]  }
0x498: {  	v28 =	vld [tilespmem:$0xAD40]  }
0x499: {  	v25 =	vld [tilespmem:$0xAD70]  }
0x49a: {  	v31 =	vld [tilespmem:$0xAD10]  }
0x49b: {  	v1 =	vadd.f32 v63, v1;
	v63 =	vld [tilespmem:$0x1FFB0]  }
0x49c: {  	v30 =	vld [tilespmem:$0xAD20]  }
0x49d: {  	v22 =	vld [tilespmem:$0xADA0]  }
0x49e: {  	v26 =	vld [tilespmem:$0xAD60]  }
0x49f: {  	v16 =	vld [tilespmem:$0xAE00]  }
0x4a0: {  	v0 =	vadd.f32 v63, v0;
	v63 =	vld [tilespmem:$0x1FFC0]  }
0x4a1: {  	v23 =	vld [tilespmem:$0xAD90]  }
0x4a2: {  	v24 =	vld [tilespmem:$0xAD80]  }
0x4a3: {  	v27 =	vld [tilespmem:$0xAD50]  }
0x4a4: {  	v17 =	vld [tilespmem:$0xADF0]  }
0x4a5: {  	v3 =	vadd.f32 v63, v3;
	v63 =	vld [tilespmem:$0x1FFD0]  }
0x4a6: {  	v20 =	vld [tilespmem:$0xADC0]  }
0x4a7: {  	v18 =	vld [tilespmem:$0xADE0]  }
0x4a8: {  	v19 =	vld [tilespmem:$0xADD0]  }
0x4a9: {  	v14 =	vld [tilespmem:$0xAE20]  }
0x4aa: {  	v2 =	vadd.f32 v63, v2;
	v63 =	vld [tilespmem:$0x1FFE0]  }
0x4ab: {  	v15 =	vld [tilespmem:$0xAE10]  }
0x4ac: {  	v13 =	vld [tilespmem:$0xAE30]  }
0x4ad: {  	v11 =	vld [tilespmem:$0xAE50];
	v0 =	vadd.f32 v62, v0  }
0x4ae: {  	v12 =	vld [tilespmem:$0xAE40]  }
0x4af: {  	v0 =	vadd.f32 v60, v0;
	v1 =	vadd.f32 v63, v1;
	v63 =	vld [tilespmem:$0x1FFF0]  }
0x4b0: {  	v10 =	vld [tilespmem:$0xAE60]  }
0x4b1: {  	v9 =	vld [tilespmem:$0xAE70];
	v0 =	vadd.f32 v54, v0  }
0x4b2: {  	v8 =	vld [tilespmem:$0xAE80]  }
0x4b3: {  	v62 =	vld [tilespmem:$0xAED0];
	v0 =	vadd.f32 v50, v0  }
0x4b4: {  	v60 =	vld [tilespmem:$0xB010];
	v2 =	vadd.f32 v57, v2;
	v3 =	vadd.f32 v63, v3  }
0x4b5: {  	v54 =	vld [tilespmem:$0xAF10];
	v0 =	vadd.f32 v46, v0;
	v1 =	vadd.f32 v58, v1  }
0x4b6: {  	v50 =	vld [tilespmem:$0xAF30];
	v2 =	vadd.f32 v61, v2;
	v3 =	vadd.f32 v59, v3  }
0x4b7: {  	v46 =	vld [tilespmem:$0xAF50];
	v0 =	vadd.f32 v42, v0;
	v1 =	vadd.f32 v56, v1  }
0x4b8: {  	v57 =	vld [tilespmem:$0xAEE0];
	v2 =	vadd.f32 v53, v2;
	v3 =	vadd.f32 v55, v3  }
0x4b9: {  	v0 =	vadd.f32 v38, v0;
	v38 =	vld [tilespmem:$0xAF90];
	v1 =	vadd.f32 v52, v1  }
0x4ba: {  	v61 =	vld [tilespmem:$0xB020];
	v2 =	vadd.f32 v49, v2;
	v3 =	vadd.f32 v51, v3  }
0x4bb: {  	v53 =	vld [tilespmem:$0xAF20];
	v0 =	vadd.f32 v33, v0;
	v1 =	vadd.f32 v48, v1  }
0x4bc: {  	v33 =	vld [tilespmem:$0xAFB0];
	v2 =	vadd.f32 v45, v2;
	v3 =	vadd.f32 v47, v3  }
0x4bd: {  	v58 =	vld [tilespmem:$0xAEF0];
	v1 =	vadd.f32 v44, v1  }
0x4be: {  	v49 =	vld [tilespmem:$0xAF40];
	v2 =	vadd.f32 v41, v2;
	v3 =	vadd.f32 v43, v3  }
0x4bf: {  	v56 =	vld [tilespmem:$0xB000];
	v1 =	vadd.f32 v40, v1  }
0x4c0: {  	v45 =	vld [tilespmem:$0xAF60];
	v2 =	vadd.f32 v37, v2;
	v3 =	vadd.f32 v39, v3  }
0x4c1: {  	v0 =	vadd.f32 v30, v0;
	v63 =	vld [tilespmem:$0xB030];
	v1 =	vadd.f32 v36, v1  }
0x4c2: {  	v52 =	vld [tilespmem:$0xAFE0];
	v2 =	vadd.f32 v34, v2;
	v3 =	vadd.f32 v35, v3  }
0x4c3: {  	v0 =	vadd.f32 v26, v0;
	v59 =	vld [tilespmem:$0xAF00];
	v1 =	vadd.f32 v32, v1  }
0x4c4: {  	v41 =	vld [tilespmem:$0xAF80];
	v2 =	vadd.f32 v29, v2;
	v3 =	vadd.f32 v31, v3  }
0x4c5: {  	v0 =	vadd.f32 v22, v0;
	v48 =	vld [tilespmem:$0xAFA0];
	v1 =	vadd.f32 v28, v1  }
0x4c6: {  	v55 =	vld [tilespmem:$0xAFF0];
	v2 =	vadd.f32 v25, v2;
	v3 =	vadd.f32 v27, v3  }
0x4c7: {  	v0 =	vadd.f32 v18, v0;
	v44 =	vld [tilespmem:$0xB0E0];
	v1 =	vadd.f32 v24, v1  }
0x4c8: {  	v34 =	vld [tilespmem:$0xAFC0];
	v2 =	vadd.f32 v21, v2;
	v3 =	vadd.f32 v23, v3  }
0x4c9: {  	v51 =	vld [tilespmem:$0xAFD0];
	v0 =	vadd.f32 v14, v0;
	v1 =	vadd.f32 v20, v1  }
0x4ca: {  	v40 =	vld [tilespmem:$0xB0C0];
	v2 =	vadd.f32 v17, v2;
	v3 =	vadd.f32 v19, v3  }
0x4cb: {  	v47 =	vld [tilespmem:$0xAF70];
	v0 =	vadd.f32 v10, v0;
	v1 =	vadd.f32 v16, v1  }
0x4cc: {  	v36 =	vld [tilespmem:$0xB0A0];
	v2 =	vadd.f32 v13, v2;
	v3 =	vadd.f32 v15, v3  }
0x4cd: {  	v0 =	vadd.f32 v6, v0;
	v43 =	vld [tilespmem:$0xB0D0];
	v1 =	vadd.f32 v12, v1  }
0x4ce: {  	v32 =	vld [tilespmem:$0xB080];
	v2 =	vadd.f32 v9, v2;
	v3 =	vadd.f32 v11, v3  }
0x4cf: {  	v0 =	vadd.f32 v57, v0;
	v39 =	vld [tilespmem:$0xB0B0];
	v1 =	vadd.f32 v8, v1  }
0x4d0: {  	v57 =	vld [tilespmem:$0xB1A0];
	v2 =	vadd.f32 v5, v2;
	v3 =	vadd.f32 v7, v3  }
0x4d1: {  	v28 =	vld [tilespmem:$0xB060];
	v1 =	vadd.f32 v4, v1  }
0x4d2: {  	v35 =	vld [tilespmem:$0xB090];
	v2 =	vadd.f32 v58, v2;
	v3 =	vadd.f32 v62, v3  }
0x4d3: {  	v0 =	vadd.f32 v53, v0;
	v53 =	vld [tilespmem:$0xB160];
	v1 =	vadd.f32 v59, v1  }
0x4d4: {  	v24 =	vld [tilespmem:$0xB040];
	v2 =	vadd.f32 v50, v2;
	v3 =	vadd.f32 v54, v3  }
0x4d5: {  	v31 =	vld [tilespmem:$0xB070];
	v0 =	vadd.f32 v45, v0;
	v1 =	vadd.f32 v49, v1  }
0x4d6: {  	v45 =	vld [tilespmem:$0xB0F0];
	v2 =	vadd.f32 v47, v2;
	v3 =	vadd.f32 v46, v3  }
0x4d7: {  	v27 =	vld [tilespmem:$0xB050];
	v0 =	vadd.f32 v48, v0;
	v1 =	vadd.f32 v41, v1  }
0x4d8: {  	v48 =	vld [tilespmem:$0xB110];
	v2 =	vadd.f32 v33, v2;
	v3 =	vadd.f32 v38, v3  }
0x4d9: {  	v0 =	vadd.f32 v52, v0;
	v52 =	vld [tilespmem:$0xB150];
	v1 =	vadd.f32 v34, v1  }
0x4da: {  	v58 =	vld [tilespmem:$0xB1B0];
	v2 =	vadd.f32 v55, v2;
	v3 =	vadd.f32 v51, v3  }
0x4db: {  	v0 =	vadd.f32 v61, v0;
	v61 =	vld [tilespmem:$0xB1E0];
	v1 =	vadd.f32 v56, v1  }
0x4dc: {  	v50 =	vld [tilespmem:$0xB130];
	v2 =	vadd.f32 v63, v2;
	v3 =	vadd.f32 v60, v3  }
0x4dd: {  	v0 =	vadd.f32 v28, v0;
	v47 =	vld [tilespmem:$0xB100];
	v1 =	vadd.f32 v24, v1  }
0x4de: {  	v49 =	vld [tilespmem:$0xB120];
	v2 =	vadd.f32 v31, v2;
	v3 =	vadd.f32 v27, v3  }
0x4df: {  	v0 =	vadd.f32 v36, v0;
	v59 =	vld [tilespmem:$0xB1C0];
	v1 =	vadd.f32 v32, v1  }
0x4e0: {  	v2 =	vadd.f32 v39, v2;
	v51 =	vld [tilespmem:$0xB140];
	v3 =	vadd.f32 v35, v3  }
0x4e1: {  	v0 =	vadd.f32 v44, v0;
	v54 =	vld [tilespmem:$0xB170];
	v1 =	vadd.f32 v40, v1  }
0x4e2: {  	v55 =	vld [tilespmem:$0xB180];
	v2 =	vadd.f32 v45, v2;
	v3 =	vadd.f32 v43, v3  }
0x4e3: {  	v0 =	vadd.f32 v49, v0;
	v56 =	vld [tilespmem:$0xB190];
	v1 =	vadd.f32 v47, v1  }
0x4e4: {  	v62 =	vld [tilespmem:$0xB1F0];
	v2 =	vadd.f32 v50, v2;
	v3 =	vadd.f32 v48, v3  }
0x4e5: {  	v0 =	vadd.f32 v53, v0;
	v60 =	vld [tilespmem:$0xB1D0];
	v1 =	vadd.f32 v51, v1  }
0x4e6: {  	v2 =	vadd.f32 v54, v2;
	v3 =	vadd.f32 v52, v3  }
0x4e7: {  	v0 =	vadd.f32 v57, v0;
	v1 =	vadd.f32 v55, v1  }
0x4e8: {  	v2 =	vadd.f32 v58, v2;
	v3 =	vadd.f32 v56, v3  }
0x4e9: {  	s29 =	smin.u32 s23, $0x7C;
	v0 =	vadd.f32 v61, v0;
	v1 =	vadd.f32 v59, v1  }
0x4ea: {  	s24 =	sadd.s32 $0x3, s29;
	v2 =	vadd.f32 v62, v2;
	v3 =	vadd.f32 v60, v3  }
0x4eb: {  	s30 =	sshrl.u32 s24, $0x3;
	v0 =	vadd.f32 v0, v1  }
0x4ec: {  	p0 =	sne.s32 s23, $0x7E;
	s24 =	sshll.u32 s24, $0x7;
	s31 =	sshll.u32 s30, $0xA;
	v63 =	vadd.f32 v2, v3  }
.Ltmp0:
0x4ed: {  	s25 =	sshll.u32 s30, $0xB;
	s24 =	ssub.s32 s24, s31;
	[tilespmem:s22+$0x0] =	vst v0;
	(pc) =	sbr.rel @p0 .LBB2_2-.Ltmp0, $4  }
0x4ee: {  	s24 =	sadd.s32 s24, s25;
	[tilespmem:s22+$0x10] =	vst v63  }
0x4ef: {  	[tilespmem:s13], [sflag:$0x3] =	stream.indirect.gather [hbm4b:s3+s8], $0x20, s24, s8, $0xb8;
	[tilespmem:$0xC200] =	vst v63  }
0x4f0: {  	s23 =	sadd.s32 $0x2, s23;
	s22 =	sadd.s32 $0x40, s22;
	s24 =	sadd.s32 $0x400, s24  }
0x4f1: {  	[tilespmem:s15], [sflag:$0x4] =	stream.indirect.gather [hbm4b:s3+s10], $0x20, s24, s10, $0xb8;
	[tilespmem:$0xC200] =	vst v63  }
0x4f2: {  	_ =	swait.ge [sflag:s16], $0x1000  }
0x4f3: {  	[sflag:s16] =	ssyncset.done $0x0  }
0x4f4: {  	[sflag:s16] =	ssyncadd.s32 $0xFFFFF000  }
0x4f5: {  	_ =	swait.ge [sflag:s17], $0x900  }
0x4f6: {  	[sflag:s17] =	ssyncset.done $0x0  }
0x4f7: {  	[sflag:s17] =	ssyncadd.s32 $0xFFFFF700  }
0x4f8: {  	_ =	swait.ge [sflag:s18], $0x1000  }
0x4f9: {  	[sflag:s18] =	ssyncset.done $0x0  }
0x4fa: {  	[sflag:s18] =	ssyncadd.s32 $0xFFFFF000  }
0x4fb: {  	s21 =	sadd.s32 $0x1, s21;
	_ =	swait.ge [sflag:s19], $0x900  }
0x4fc: {  	p0 =	sne.s32 s21, s6;
	[sflag:s19] =	ssyncset.done $0x0  }
.Ltmp1:
0x4fd: {  	[sflag:s19] =	ssyncadd.s32 $0xFFFFF700;
	(pc) =	sbr.rel @p0 .LBB2_1-.Ltmp1, $4  }
0x4fe: {  	[hbm4b:s5+s2] =	stream.linear.scatter [tilespmem:s20], [sflag:$0x5], $0x1000, $0x38;
	[tilespmem:$0xC200] =	vst v63  }
0x4ff: {  	_ =	swait.ge [sflag:s7], $0x1000  }
0x500: {  	[sflag:s7] =	ssyncset.done $0x0  }
0x501: {  	[sflag:s7] =	ssyncadd.s32 $0xFFFFF000  }
0x502: {  	_ =	sfence.sel $0x180000  }
0x503: {  	[bflag:$0x0] =	sbarrier.arrive $0xFFFF  }
0x504: {  	p0 =	sne.s32 s1, $0x0;
	_ =	strace $0x90000047  }
0x505: {  	s0 =	sadd.s32 @!p0 $0x100000, s0;
	[bflag:$0x2] =	sbarrier.arrive $0xFFFF  }
0x506: {  	[sflag:s0] =	ssyncadd.tile.s32 @!p0 $0x1;
	_ =	shalt  }
.Lfunc_end2:
_tile_overlayer_lowered:
.L_overlay_start_2:
0x507: {  	(tag) =	ssettag $0x2  }
0x508: {  	s0 =	rddreg [dreg:$0x0];
	s2 =	stileid.u32  }
0x509: {  	s1 =	rddreg [dreg:$0x1];
	p0 =	sne.s32 s2, $0x0  }
0x50a: {  	s3 =	rddreg [dreg:$0x2];
	[bflag:$0x3] =	sbarrier.arrive $0xFFFF;
	s2 =	simm.s32 @!p0 $0x1C05  }
0x50b: {  	[timem:s3], [sflag:s2] =	dma.local @!p0 [hbm:s0], s1  }
0x50c: {  	s0 =	simm.s32 @!p0 $0x5  }
0x50d: {  	_ =	swait.ge @!p0 [sflag:s0], s1  }
0x50e: {  	s1 =	ssub.s32 @!p0 $0x0, s1;
	[sflag:s0] =	ssyncset.done @!p0 $0x0  }
0x50f: {  	[sflag:s0] =	ssyncadd.s32 @!p0 s1  }
0x510: {  	[bflag:$0x3] =	sbarrier.arrive $0xFFFF  }
0x511: {  	_ =	shalt  }

</sc_bundles>
